<compile_context>
chip_gen: v7x
topology: tpu7x:2x2x1
jax: 0.10.2.dev20260603
libtpu: 0.0.44.dev20260713+nightly
codegen_flags: <defaults>
</compile_context>

<pallas_src>
import jax
import jax.numpy as jnp
from jax import lax
from jax.experimental import pallas as pl
from jax.experimental.pallas import tpu as pltpu
from jax.experimental.pallas import tpu_sc as plsc

_N = 2048
_NNZ = 32768
_LAYERS = 2

_NS = 16
_EPT = _NNZ // _NS
_NBLK = _EPT // 128
_BAND_ROWS = 512
_BAND_W = _BAND_ROWS * _N
_STRIDE_W = _BAND_W + 128
_SLICE_W = _BAND_W // _NS
_ZERO_W = 8192
_RING = 8


def _densify_body(rows_hbm, cols_hbm, va_hbm, vw_hbm, outa_hbm, outw_hbm,
                  rows_v, cols_v, va_v, vw_v, off2d, val2d, zero_v, sem,
                  band_sp):
    c = lax.axis_index("c")
    s = lax.axis_index("s")
    lanes = lax.iota(jnp.int32, 16)
    dump_lane = _BAND_W + s * 8 + lanes
    base = s * _EPT
    pltpu.sync_copy(rows_hbm.at[pl.ds(base, _EPT)], rows_v)
    pltpu.sync_copy(cols_hbm.at[pl.ds(base, _EPT)], cols_v)
    pltpu.sync_copy(va_hbm.at[pl.ds(base, _EPT)], va_v)
    pltpu.sync_copy(vw_hbm.at[pl.ds(base, _EPT)], vw_v)

    def zfill(i, _):
        zero_v[pl.ds(i * 16, 16)] = jnp.zeros((16,), jnp.float32)
        return 0
    lax.fori_loop(0, _ZERO_W // 16, zfill, 0)

    for vals_v, out_hbm in ((va_v, outa_hbm), (vw_v, outw_hbm)):
        for b_i in range(2):
            band = c * 2 + b_i

            zdescs = [
                pltpu.async_copy(
                    zero_v,
                    band_sp.at[pl.ds(s * _SLICE_W + z * _ZERO_W, _ZERO_W)],
                    sem)
                for z in range(_SLICE_W // _ZERO_W)]
            for d in zdescs:
                d.wait()

            def scan(g, _):
                gg = g * 16
                r = rows_v[pl.ds(gg, 16)]
                cc = cols_v[pl.ds(gg, 16)]
                v = vals_v[pl.ds(gg, 16)]
                m = lax.shift_right_logical(r, 9) == band
                off = lax.shift_left(jnp.bitwise_and(r, 511), 11) + cc
                off = jnp.where(m, off, dump_lane)
                vv = jnp.where(m, v, jnp.float32(0.0))
                row = lax.shift_right_logical(g, 3)
                col = jnp.bitwise_and(g, 7) * 16
                off2d[row, pl.ds(col, 16)] = off
                val2d[row, pl.ds(col, 16)] = vv
                return 0
            lax.fori_loop(0, _EPT // 16, scan, 0)

            plsc.subcore_barrier()

            def round_body(q, _):
                @pl.when(s == q)
                def _mine():
                    descs = []
                    for j in range(_NBLK):
                        descs.append(pltpu.async_copy(
                            val2d.at[j], band_sp.at[off2d.at[j]], sem,
                            add=True))
                        if j >= _RING:
                            descs[j - _RING].wait()
                    for d in descs[_NBLK - _RING:]:
                        d.wait()
                plsc.subcore_barrier()
                return 0
            lax.fori_loop(0, _NS, round_body, 0)

            pltpu.sync_copy(
                band_sp.at[pl.ds(s * _SLICE_W, _SLICE_W)],
                out_hbm.at[pl.ds(band * _BAND_W + s * _SLICE_W, _SLICE_W)])

            plsc.subcore_barrier()


_densify = pl.kernel(
    _densify_body,
    out_type=[jax.ShapeDtypeStruct((_N * _N,), jnp.float32),
              jax.ShapeDtypeStruct((_N * _N,), jnp.float32)],
    mesh=plsc.VectorSubcoreMesh(core_axis_name="c", subcore_axis_name="s"),
    scratch_types=[
        pltpu.VMEM((_EPT,), jnp.int32),
        pltpu.VMEM((_EPT,), jnp.int32),
        pltpu.VMEM((_EPT,), jnp.float32),
        pltpu.VMEM((_EPT,), jnp.float32),
        pltpu.VMEM((_NBLK, 128), jnp.int32),
        pltpu.VMEM((_NBLK, 128), jnp.float32),
        pltpu.VMEM((_ZERO_W,), jnp.float32),
        pltpu.SemaphoreType.DMA,
        pltpu.VMEM_SHARED((_STRIDE_W,), jnp.float32),
    ],
)


_BM = 256
_BN = 2048


def _mm_body(a_ref, b_ref, bias_ref, o_ref):
    o_ref[...] = jnp.dot(a_ref[...], b_ref[...],
                         preferred_element_type=jnp.float32) + bias_ref[...]


def _mm(a, b, bias_row):
    grid = (_N // _BM, _N // _BN)
    return pl.pallas_call(
        _mm_body,
        grid=grid,
        in_specs=[
            pl.BlockSpec((_BM, _N), lambda i, j: (i, 0)),
            pl.BlockSpec((_N, _BN), lambda i, j: (0, j)),
            pl.BlockSpec((1, _BN), lambda i, j: (0, j)),
        ],
        out_specs=pl.BlockSpec((_BM, _BN), lambda i, j: (i, j)),
        out_shape=jax.ShapeDtypeStruct((_N, _N), jnp.float32),
    )(a, b, bias_row)


def kernel(x, rows, cols, adj_vals, W_vals, bias):
    ad_flat, wd_flat = _densify(rows, cols, adj_vals, W_vals)
    a_d = ad_flat.reshape(_N, _N)
    w_d = wd_flat.reshape(_N, _N)
    zero_row = jnp.zeros((1, _N), jnp.float32)
    bias_row = bias.reshape(1, _N)
    m = _mm(a_d, w_d, zero_row)
    h = x
    for _ in range(_LAYERS):
        h = _mm(m, h, bias_row)
    return h

# --- scband reference (transcript-rebuilt; emitter-appended) ---
"""Pipeline reference for scband-adult-connectome-network-14139032338614 (READ-ONLY COPY).

The authoritative reference and input builder live on the scoring server;
editing this copy changes nothing except your own understanding.
"""

import jax, jax.numpy as jnp
import numpy as np

N = 2048          # neuron_count
NNZ = 32768       # avg_degree ~16 random connectome
LAYERS = 2        # CONNECTOME_LAYER_NUMBER


def _spmm(rows, cols, vals, dense):
    # sparse [N, N] (COO rows/cols/vals) @ dense [N, D] -> dense [N, D]
    gathered = vals[:, None] * jnp.take(dense, cols, axis=0)  # [nnz, D]
    return jax.ops.segment_sum(gathered, rows, num_segments=N)


def setup_inputs(seed: int = 0) -> dict:
    key = jax.random.key(seed)
    k1, k2, k3, k4, k5 = jax.random.split(key, 5)
    rows = jax.random.randint(k1, (NNZ,), 0, N, dtype=jnp.int32)
    cols = jax.random.randint(k2, (NNZ,), 0, N, dtype=jnp.int32)
    # adjacency data (fixed buffer, from scipy csr .data) and learned sparse weights
    adj_vals = jax.random.uniform(k3, (NNZ,), dtype=jnp.float32)
    W_vals = jax.random.uniform(k4, (NNZ,), dtype=jnp.float32)  # torch.rand init
    bias = jnp.ones((N,), dtype=jnp.float32)  # torch.ones init
    # NOTE: forward does x_new = (A @ W) @ x + bias[None, :]; the bias broadcast
    # [N, D] + [1, N] forces D == N, so x must be [N, N].
    x = jax.random.normal(k5, (N, N), dtype=jnp.float32)
    return {"x": x, "rows": rows, "cols": cols, "adj_vals": adj_vals, "W_vals": W_vals, "bias": bias}


def reference(x, rows, cols, adj_vals, W_vals, bias):
    # masked_weights = torch.sparse.mm(A, W); x = torch.sparse.mm(masked_weights, x) + bias
    # By associativity (A @ W) @ x == A @ (W @ x); both A and W share the same COO pattern.
    h = x
    for _ in range(LAYERS):
        y = _spmm(rows, cols, W_vals, h)      # W @ h
        h = _spmm(rows, cols, adj_vals, y)    # A @ (W @ h)
        h = h + bias[None, :]
    return h

if __name__ == "__main__":
    import jax
    _d = setup_inputs()
    print(jax.jit(kernel)(*tuple(_d.values())))

</pallas_src>

<mosaic_0001>
#map = affine_map<(d0, d1) -> (0)>
module attributes {stable_mosaic.version = 14 : i64} {
  func.func @_densify_body(%arg0: i32, %arg1: i32, %arg2: memref<32768xi32, #tpu.memory_space<hbm>>, %arg3: memref<32768xi32, #tpu.memory_space<hbm>>, %arg4: memref<32768xf32, #tpu.memory_space<hbm>>, %arg5: memref<32768xf32, #tpu.memory_space<hbm>>, %arg6: memref<4194304xf32, #tpu.memory_space<hbm>>, %arg7: memref<4194304xf32, #tpu.memory_space<hbm>>, %arg8: memref<2048xi32, #tpu.memory_space<vmem>>, %arg9: memref<2048xi32, #tpu.memory_space<vmem>>, %arg10: memref<2048xf32, #tpu.memory_space<vmem>>, %arg11: memref<2048xf32, #tpu.memory_space<vmem>>, %arg12: memref<16x128xi32, #tpu.memory_space<vmem>>, %arg13: memref<16x128xf32, #tpu.memory_space<vmem>>, %arg14: memref<8192xf32, #tpu.memory_space<vmem>>, %arg15: memref<!tpu.dma_semaphore, #tpu.memory_space<semaphore_mem>>, %arg16: memref<1048704xf32, #tpu.memory_space<vmem_shared>>) attributes {dimension_semantics = [#tpu.dimension_semantics<core_parallel>, #tpu.dimension_semantics<subcore_parallel>], iteration_bounds = array<i64: 2, 16>, scalar_prefetch = 0 : i64, scratch_operands = 9 : i64, tpu.core_type = #tpu.core_type<sc_vector_subcore>, window_params = [{transform_indices = #map}, {transform_indices = #map}, {transform_indices = #map}, {transform_indices = #map}, {transform_indices = #map}, {transform_indices = #map}]} {
    %iota3A = tpu.iota {dimensions = array<i32: 0>} : vector<16xi32>
    %mul3A = arith.constant 8 : i32
    %mul3A_0 = arith.muli %arg1, %mul3A : i32
    %add3A = arith.constant 1048576 : i32
    %add3A_1 = arith.addi %add3A, %mul3A_0 : i32
    %add3A_2 = vector.broadcast %add3A_1 : i32 to vector<16xi32>
    %add3A_3 = arith.addi %add3A_2, %iota3A : vector<16xi32>
    %mul3A_4 = arith.constant 2048 : i32
    %mul3A_5 = arith.muli %arg1, %mul3A_4 : i32
    "tpu.region"() ({
      %run_scoped3A = tpu.sem_alloc : memref<!tpu.dma_semaphore, #tpu.memory_space<semaphore_mem>>
      %dma_start3A_373 = tpu.memref_slice %arg2[%mul3A_5] : memref<32768xi32, #tpu.memory_space<hbm>> -> memref<2048xi32, #tpu.memory_space<hbm>>
      %dma_start3A_374 = tpu.memref_slice %arg2[%mul3A_5] : memref<32768xi32, #tpu.memory_space<hbm>> -> memref<2048xi32, #tpu.memory_space<hbm>>
      tpu.enqueue_dma source(%dma_start3A_374 : memref<2048xi32, #tpu.memory_space<hbm>>) target(%arg8 : memref<2048xi32, #tpu.memory_space<vmem>>) target_semaphore(%run_scoped3A : memref<!tpu.dma_semaphore, #tpu.memory_space<semaphore_mem>>)
      %dma_wait3A_375 = tpu.memref_slice %arg2[%mul3A_5] : memref<32768xi32, #tpu.memory_space<hbm>> -> memref<2048xi32, #tpu.memory_space<hbm>>
      %dma_wait3A_376 = tpu.memref_slice %arg2[%mul3A_5] : memref<32768xi32, #tpu.memory_space<hbm>> -> memref<2048xi32, #tpu.memory_space<hbm>>
      tpu.wait_dma2 semaphore(%run_scoped3A : memref<!tpu.dma_semaphore, #tpu.memory_space<semaphore_mem>>) src(%dma_wait3A_376 : memref<2048xi32, #tpu.memory_space<hbm>>) dst(%arg8 : memref<2048xi32, #tpu.memory_space<vmem>>)
      tpu.yield
    }) : () -> ()
    "tpu.region"() ({
      %run_scoped3A = tpu.sem_alloc : memref<!tpu.dma_semaphore, #tpu.memory_space<semaphore_mem>>
      %dma_start3A_373 = tpu.memref_slice %arg3[%mul3A_5] : memref<32768xi32, #tpu.memory_space<hbm>> -> memref<2048xi32, #tpu.memory_space<hbm>>
      %dma_start3A_374 = tpu.memref_slice %arg3[%mul3A_5] : memref<32768xi32, #tpu.memory_space<hbm>> -> memref<2048xi32, #tpu.memory_space<hbm>>
      tpu.enqueue_dma source(%dma_start3A_374 : memref<2048xi32, #tpu.memory_space<hbm>>) target(%arg9 : memref<2048xi32, #tpu.memory_space<vmem>>) target_semaphore(%run_scoped3A : memref<!tpu.dma_semaphore, #tpu.memory_space<semaphore_mem>>)
      %dma_wait3A_375 = tpu.memref_slice %arg3[%mul3A_5] : memref<32768xi32, #tpu.memory_space<hbm>> -> memref<2048xi32, #tpu.memory_space<hbm>>
      %dma_wait3A_376 = tpu.memref_slice %arg3[%mul3A_5] : memref<32768xi32, #tpu.memory_space<hbm>> -> memref<2048xi32, #tpu.memory_space<hbm>>
      tpu.wait_dma2 semaphore(%run_scoped3A : memref<!tpu.dma_semaphore, #tpu.memory_space<semaphore_mem>>) src(%dma_wait3A_376 : memref<2048xi32, #tpu.memory_space<hbm>>) dst(%arg9 : memref<2048xi32, #tpu.memory_space<vmem>>)
      tpu.yield
    }) : () -> ()
    "tpu.region"() ({
      %run_scoped3A = tpu.sem_alloc : memref<!tpu.dma_semaphore, #tpu.memory_space<semaphore_mem>>
      %dma_start3A_373 = tpu.memref_slice %arg4[%mul3A_5] : memref<32768xf32, #tpu.memory_space<hbm>> -> memref<2048xf32, #tpu.memory_space<hbm>>
      %dma_start3A_374 = tpu.memref_slice %arg4[%mul3A_5] : memref<32768xf32, #tpu.memory_space<hbm>> -> memref<2048xf32, #tpu.memory_space<hbm>>
      tpu.enqueue_dma source(%dma_start3A_374 : memref<2048xf32, #tpu.memory_space<hbm>>) target(%arg10 : memref<2048xf32, #tpu.memory_space<vmem>>) target_semaphore(%run_scoped3A : memref<!tpu.dma_semaphore, #tpu.memory_space<semaphore_mem>>)
      %dma_wait3A_375 = tpu.memref_slice %arg4[%mul3A_5] : memref<32768xf32, #tpu.memory_space<hbm>> -> memref<2048xf32, #tpu.memory_space<hbm>>
      %dma_wait3A_376 = tpu.memref_slice %arg4[%mul3A_5] : memref<32768xf32, #tpu.memory_space<hbm>> -> memref<2048xf32, #tpu.memory_space<hbm>>
      tpu.wait_dma2 semaphore(%run_scoped3A : memref<!tpu.dma_semaphore, #tpu.memory_space<semaphore_mem>>) src(%dma_wait3A_376 : memref<2048xf32, #tpu.memory_space<hbm>>) dst(%arg10 : memref<2048xf32, #tpu.memory_space<vmem>>)
      tpu.yield
    }) : () -> ()
    "tpu.region"() ({
      %run_scoped3A = tpu.sem_alloc : memref<!tpu.dma_semaphore, #tpu.memory_space<semaphore_mem>>
      %dma_start3A_373 = tpu.memref_slice %arg5[%mul3A_5] : memref<32768xf32, #tpu.memory_space<hbm>> -> memref<2048xf32, #tpu.memory_space<hbm>>
      %dma_start3A_374 = tpu.memref_slice %arg5[%mul3A_5] : memref<32768xf32, #tpu.memory_space<hbm>> -> memref<2048xf32, #tpu.memory_space<hbm>>
      tpu.enqueue_dma source(%dma_start3A_374 : memref<2048xf32, #tpu.memory_space<hbm>>) target(%arg11 : memref<2048xf32, #tpu.memory_space<vmem>>) target_semaphore(%run_scoped3A : memref<!tpu.dma_semaphore, #tpu.memory_space<semaphore_mem>>)
      %dma_wait3A_375 = tpu.memref_slice %arg5[%mul3A_5] : memref<32768xf32, #tpu.memory_space<hbm>> -> memref<2048xf32, #tpu.memory_space<hbm>>
      %dma_wait3A_376 = tpu.memref_slice %arg5[%mul3A_5] : memref<32768xf32, #tpu.memory_space<hbm>> -> memref<2048xf32, #tpu.memory_space<hbm>>
      tpu.wait_dma2 semaphore(%run_scoped3A : memref<!tpu.dma_semaphore, #tpu.memory_space<semaphore_mem>>) src(%dma_wait3A_376 : memref<2048xf32, #tpu.memory_space<hbm>>) dst(%arg11 : memref<2048xf32, #tpu.memory_space<vmem>>)
      tpu.yield
    }) : () -> ()
    %scan3A = arith.constant 0 : i32
    %scan3A_6 = arith.constant 0 : i32
    %scan3A_7 = arith.constant 512 : i32
    %scan3A_8 = arith.addi %scan3A_6, %scan3A_7 : i32
    %scan3A_9 = arith.constant 1 : i32
    %scan3A_10 = scf.for %scan3A_373 = %scan3A_6 to %scan3A_8 step %scan3A_9 iter_args(%scan3A_374 = %scan3A) -> (i32)  : i32 {
      %broadcast_in_dim3A = arith.constant 0.000000e+00 : f32
      %broadcast_in_dim3A_375 = vector.broadcast %broadcast_in_dim3A : f32 to vector<16xf32>
      %mul3A_376 = arith.constant 16 : i32
      %mul3A_377 = arith.muli %scan3A_373, %mul3A_376 : i32
      %swap3A = arith.index_cast %mul3A_377 : i32 to index
      %swap3A_378 = tpu.vector_load %arg14[%swap3A] {strides = array<i32>} : memref<8192xf32, #tpu.memory_space<vmem>>, vector<16xf32>,
      %swap3A_379 = vector.shape_cast %swap3A_378 : vector<16xf32> to vector<16xf32>
      %swap3A_380 = vector.shape_cast %broadcast_in_dim3A_375 : vector<16xf32> to vector<16xf32>
      tpu.vector_store %arg14[%swap3A], %swap3A_380 {strides = array<i32>} : memref<8192xf32, #tpu.memory_space<vmem>>, vector<16xf32>,
      %scan3A_381 = arith.constant 0 : i32
      scf.yield %scan3A_381 : i32
    }
    %scan3A_11 = arith.constant 512 : i32
    %mul3A_12 = arith.constant 2 : i32
    %mul3A_13 = arith.muli %arg0, %mul3A_12 : i32
    %add3A_14 = arith.constant 0 : i32
    %add3A_15 = arith.addi %mul3A_13, %add3A_14 : i32
    %mul3A_16 = arith.constant 65536 : i32
    %mul3A_17 = arith.muli %arg1, %mul3A_16 : i32
    %add3A_18 = arith.constant 0 : i32
    %add3A_19 = arith.addi %mul3A_17, %add3A_18 : i32
    %dma_start3A = tpu.memref_slice %arg16[%add3A_19] : memref<1048704xf32, #tpu.memory_space<vmem_shared>> -> memref<8192xf32, #tpu.memory_space<vmem_shared>>
    %dma_start3A_20 = tpu.memref_slice %arg16[%add3A_19] : memref<1048704xf32, #tpu.memory_space<vmem_shared>> -> memref<8192xf32, #tpu.memory_space<vmem_shared>>
    tpu.enqueue_dma source(%arg14 : memref<8192xf32, #tpu.memory_space<vmem>>) target(%dma_start3A_20 : memref<8192xf32, #tpu.memory_space<vmem_shared>>) target_semaphore(%arg15 : memref<!tpu.dma_semaphore, #tpu.memory_space<semaphore_mem>>)
    %mul3A_21 = arith.constant 65536 : i32
    %mul3A_22 = arith.muli %arg1, %mul3A_21 : i32
    %add3A_23 = arith.constant 8192 : i32
    %add3A_24 = arith.addi %mul3A_22, %add3A_23 : i32
    %dma_start3A_25 = tpu.memref_slice %arg16[%add3A_24] : memref<1048704xf32, #tpu.memory_space<vmem_shared>> -> memref<8192xf32, #tpu.memory_space<vmem_shared>>
    %dma_start3A_26 = tpu.memref_slice %arg16[%add3A_24] : memref<1048704xf32, #tpu.memory_space<vmem_shared>> -> memref<8192xf32, #tpu.memory_space<vmem_shared>>
    tpu.enqueue_dma source(%arg14 : memref<8192xf32, #tpu.memory_space<vmem>>) target(%dma_start3A_26 : memref<8192xf32, #tpu.memory_space<vmem_shared>>) target_semaphore(%arg15 : memref<!tpu.dma_semaphore, #tpu.memory_space<semaphore_mem>>)
    %mul3A_27 = arith.constant 65536 : i32
    %mul3A_28 = arith.muli %arg1, %mul3A_27 : i32
    %add3A_29 = arith.constant 16384 : i32
    %add3A_30 = arith.addi %mul3A_28, %add3A_29 : i32
    %dma_start3A_31 = tpu.memref_slice %arg16[%add3A_30] : memref<1048704xf32, #tpu.memory_space<vmem_shared>> -> memref<8192xf32, #tpu.memory_space<vmem_shared>>
    %dma_start3A_32 = tpu.memref_slice %arg16[%add3A_30] : memref<1048704xf32, #tpu.memory_space<vmem_shared>> -> memref<8192xf32, #tpu.memory_space<vmem_shared>>
    tpu.enqueue_dma source(%arg14 : memref<8192xf32, #tpu.memory_space<vmem>>) target(%dma_start3A_32 : memref<8192xf32, #tpu.memory_space<vmem_shared>>) target_semaphore(%arg15 : memref<!tpu.dma_semaphore, #tpu.memory_space<semaphore_mem>>)
    %mul3A_33 = arith.constant 65536 : i32
    %mul3A_34 = arith.muli %arg1, %mul3A_33 : i32
    %add3A_35 = arith.constant 24576 : i32
    %add3A_36 = arith.addi %mul3A_34, %add3A_35 : i32
    %dma_start3A_37 = tpu.memref_slice %arg16[%add3A_36] : memref<1048704xf32, #tpu.memory_space<vmem_shared>> -> memref<8192xf32, #tpu.memory_space<vmem_shared>>
    %dma_start3A_38 = tpu.memref_slice %arg16[%add3A_36] : memref<1048704xf32, #tpu.memory_space<vmem_shared>> -> memref<8192xf32, #tpu.memory_space<vmem_shared>>
    tpu.enqueue_dma source(%arg14 : memref<8192xf32, #tpu.memory_space<vmem>>) target(%dma_start3A_38 : memref<8192xf32, #tpu.memory_space<vmem_shared>>) target_semaphore(%arg15 : memref<!tpu.dma_semaphore, #tpu.memory_space<semaphore_mem>>)
    %mul3A_39 = arith.constant 65536 : i32
    %mul3A_40 = arith.muli %arg1, %mul3A_39 : i32
    %add3A_41 = arith.constant 32768 : i32
    %add3A_42 = arith.addi %mul3A_40, %add3A_41 : i32
    %dma_start3A_43 = tpu.memref_slice %arg16[%add3A_42] : memref<1048704xf32, #tpu.memory_space<vmem_shared>> -> memref<8192xf32, #tpu.memory_space<vmem_shared>>
    %dma_start3A_44 = tpu.memref_slice %arg16[%add3A_42] : memref<1048704xf32, #tpu.memory_space<vmem_shared>> -> memref<8192xf32, #tpu.memory_space<vmem_shared>>
    tpu.enqueue_dma source(%arg14 : memref<8192xf32, #tpu.memory_space<vmem>>) target(%dma_start3A_44 : memref<8192xf32, #tpu.memory_space<vmem_shared>>) target_semaphore(%arg15 : memref<!tpu.dma_semaphore, #tpu.memory_space<semaphore_mem>>)
    %mul3A_45 = arith.constant 65536 : i32
    %mul3A_46 = arith.muli %arg1, %mul3A_45 : i32
    %add3A_47 = arith.constant 40960 : i32
    %add3A_48 = arith.addi %mul3A_46, %add3A_47 : i32
    %dma_start3A_49 = tpu.memref_slice %arg16[%add3A_48] : memref<1048704xf32, #tpu.memory_space<vmem_shared>> -> memref<8192xf32, #tpu.memory_space<vmem_shared>>
    %dma_start3A_50 = tpu.memref_slice %arg16[%add3A_48] : memref<1048704xf32, #tpu.memory_space<vmem_shared>> -> memref<8192xf32, #tpu.memory_space<vmem_shared>>
    tpu.enqueue_dma source(%arg14 : memref<8192xf32, #tpu.memory_space<vmem>>) target(%dma_start3A_50 : memref<8192xf32, #tpu.memory_space<vmem_shared>>) target_semaphore(%arg15 : memref<!tpu.dma_semaphore, #tpu.memory_space<semaphore_mem>>)
    %mul3A_51 = arith.constant 65536 : i32
    %mul3A_52 = arith.muli %arg1, %mul3A_51 : i32
    %add3A_53 = arith.constant 49152 : i32
    %add3A_54 = arith.addi %mul3A_52, %add3A_53 : i32
    %dma_start3A_55 = tpu.memref_slice %arg16[%add3A_54] : memref<1048704xf32, #tpu.memory_space<vmem_shared>> -> memref<8192xf32, #tpu.memory_space<vmem_shared>>
    %dma_start3A_56 = tpu.memref_slice %arg16[%add3A_54] : memref<1048704xf32, #tpu.memory_space<vmem_shared>> -> memref<8192xf32, #tpu.memory_space<vmem_shared>>
    tpu.enqueue_dma source(%arg14 : memref<8192xf32, #tpu.memory_space<vmem>>) target(%dma_start3A_56 : memref<8192xf32, #tpu.memory_space<vmem_shared>>) target_semaphore(%arg15 : memref<!tpu.dma_semaphore, #tpu.memory_space<semaphore_mem>>)
    %mul3A_57 = arith.constant 65536 : i32
    %mul3A_58 = arith.muli %arg1, %mul3A_57 : i32
    %add3A_59 = arith.constant 57344 : i32
    %add3A_60 = arith.addi %mul3A_58, %add3A_59 : i32
    %dma_start3A_61 = tpu.memref_slice %arg16[%add3A_60] : memref<1048704xf32, #tpu.memory_space<vmem_shared>> -> memref<8192xf32, #tpu.memory_space<vmem_shared>>
    %dma_start3A_62 = tpu.memref_slice %arg16[%add3A_60] : memref<1048704xf32, #tpu.memory_space<vmem_shared>> -> memref<8192xf32, #tpu.memory_space<vmem_shared>>
    tpu.enqueue_dma source(%arg14 : memref<8192xf32, #tpu.memory_space<vmem>>) target(%dma_start3A_62 : memref<8192xf32, #tpu.memory_space<vmem_shared>>) target_semaphore(%arg15 : memref<!tpu.dma_semaphore, #tpu.memory_space<semaphore_mem>>)
    %dma_wait3A = tpu.memref_slice %arg16[%add3A_19] : memref<1048704xf32, #tpu.memory_space<vmem_shared>> -> memref<8192xf32, #tpu.memory_space<vmem_shared>>
    %dma_wait3A_63 = tpu.memref_slice %arg16[%add3A_19] : memref<1048704xf32, #tpu.memory_space<vmem_shared>> -> memref<8192xf32, #tpu.memory_space<vmem_shared>>
    tpu.wait_dma2 semaphore(%arg15 : memref<!tpu.dma_semaphore, #tpu.memory_space<semaphore_mem>>) src(%arg14 : memref<8192xf32, #tpu.memory_space<vmem>>) dst(%dma_wait3A_63 : memref<8192xf32, #tpu.memory_space<vmem_shared>>)
    %dma_wait3A_64 = tpu.memref_slice %arg16[%add3A_24] : memref<1048704xf32, #tpu.memory_space<vmem_shared>> -> memref<8192xf32, #tpu.memory_space<vmem_shared>>
    %dma_wait3A_65 = tpu.memref_slice %arg16[%add3A_24] : memref<1048704xf32, #tpu.memory_space<vmem_shared>> -> memref<8192xf32, #tpu.memory_space<vmem_shared>>
    tpu.wait_dma2 semaphore(%arg15 : memref<!tpu.dma_semaphore, #tpu.memory_space<semaphore_mem>>) src(%arg14 : memref<8192xf32, #tpu.memory_space<vmem>>) dst(%dma_wait3A_65 : memref<8192xf32, #tpu.memory_space<vmem_shared>>)
    %dma_wait3A_66 = tpu.memref_slice %arg16[%add3A_30] : memref<1048704xf32, #tpu.memory_space<vmem_shared>> -> memref<8192xf32, #tpu.memory_space<vmem_shared>>
    %dma_wait3A_67 = tpu.memref_slice %arg16[%add3A_30] : memref<1048704xf32, #tpu.memory_space<vmem_shared>> -> memref<8192xf32, #tpu.memory_space<vmem_shared>>
    tpu.wait_dma2 semaphore(%arg15 : memref<!tpu.dma_semaphore, #tpu.memory_space<semaphore_mem>>) src(%arg14 : memref<8192xf32, #tpu.memory_space<vmem>>) dst(%dma_wait3A_67 : memref<8192xf32, #tpu.memory_space<vmem_shared>>)
    %dma_wait3A_68 = tpu.memref_slice %arg16[%add3A_36] : memref<1048704xf32, #tpu.memory_space<vmem_shared>> -> memref<8192xf32, #tpu.memory_space<vmem_shared>>
    %dma_wait3A_69 = tpu.memref_slice %arg16[%add3A_36] : memref<1048704xf32, #tpu.memory_space<vmem_shared>> -> memref<8192xf32, #tpu.memory_space<vmem_shared>>
    tpu.wait_dma2 semaphore(%arg15 : memref<!tpu.dma_semaphore, #tpu.memory_space<semaphore_mem>>) src(%arg14 : memref<8192xf32, #tpu.memory_space<vmem>>) dst(%dma_wait3A_69 : memref<8192xf32, #tpu.memory_space<vmem_shared>>)
    %dma_wait3A_70 = tpu.memref_slice %arg16[%add3A_42] : memref<1048704xf32, #tpu.memory_space<vmem_shared>> -> memref<8192xf32, #tpu.memory_space<vmem_shared>>
    %dma_wait3A_71 = tpu.memref_slice %arg16[%add3A_42] : memref<1048704xf32, #tpu.memory_space<vmem_shared>> -> memref<8192xf32, #tpu.memory_space<vmem_shared>>
    tpu.wait_dma2 semaphore(%arg15 : memref<!tpu.dma_semaphore, #tpu.memory_space<semaphore_mem>>) src(%arg14 : memref<8192xf32, #tpu.memory_space<vmem>>) dst(%dma_wait3A_71 : memref<8192xf32, #tpu.memory_space<vmem_shared>>)
    %dma_wait3A_72 = tpu.memref_slice %arg16[%add3A_48] : memref<1048704xf32, #tpu.memory_space<vmem_shared>> -> memref<8192xf32, #tpu.memory_space<vmem_shared>>
    %dma_wait3A_73 = tpu.memref_slice %arg16[%add3A_48] : memref<1048704xf32, #tpu.memory_space<vmem_shared>> -> memref<8192xf32, #tpu.memory_space<vmem_shared>>
    tpu.wait_dma2 semaphore(%arg15 : memref<!tpu.dma_semaphore, #tpu.memory_space<semaphore_mem>>) src(%arg14 : memref<8192xf32, #tpu.memory_space<vmem>>) dst(%dma_wait3A_73 : memref<8192xf32, #tpu.memory_space<vmem_shared>>)
    %dma_wait3A_74 = tpu.memref_slice %arg16[%add3A_54] : memref<1048704xf32, #tpu.memory_space<vmem_shared>> -> memref<8192xf32, #tpu.memory_space<vmem_shared>>
    %dma_wait3A_75 = tpu.memref_slice %arg16[%add3A_54] : memref<1048704xf32, #tpu.memory_space<vmem_shared>> -> memref<8192xf32, #tpu.memory_space<vmem_shared>>
    tpu.wait_dma2 semaphore(%arg15 : memref<!tpu.dma_semaphore, #tpu.memory_space<semaphore_mem>>) src(%arg14 : memref<8192xf32, #tpu.memory_space<vmem>>) dst(%dma_wait3A_75 : memref<8192xf32, #tpu.memory_space<vmem_shared>>)
    %dma_wait3A_76 = tpu.memref_slice %arg16[%add3A_60] : memref<1048704xf32, #tpu.memory_space<vmem_shared>> -> memref<8192xf32, #tpu.memory_space<vmem_shared>>
    %dma_wait3A_77 = tpu.memref_slice %arg16[%add3A_60] : memref<1048704xf32, #tpu.memory_space<vmem_shared>> -> memref<8192xf32, #tpu.memory_space<vmem_shared>>
    tpu.wait_dma2 semaphore(%arg15 : memref<!tpu.dma_semaphore, #tpu.memory_space<semaphore_mem>>) src(%arg14 : memref<8192xf32, #tpu.memory_space<vmem>>) dst(%dma_wait3A_77 : memref<8192xf32, #tpu.memory_space<vmem_shared>>)
    %scan3A_78 = arith.constant 0 : i32
    %scan3A_79 = arith.constant 0 : i32
    %scan3A_80 = arith.constant 128 : i32
    %scan3A_81 = arith.addi %scan3A_79, %scan3A_80 : i32
    %scan3A_82 = arith.constant 1 : i32
    %scan3A_83 = scf.for %scan3A_373 = %scan3A_79 to %scan3A_81 step %scan3A_82 iter_args(%scan3A_374 = %scan3A_78) -> (i32)  : i32 {
      %mul3A_375 = arith.constant 16 : i32
      %mul3A_376 = arith.muli %scan3A_373, %mul3A_375 : i32
      %get3A = arith.index_cast %mul3A_376 : i32 to index
      %get3A_377 = tpu.vector_load %arg8[%get3A] {strides = array<i32>} : memref<2048xi32, #tpu.memory_space<vmem>>, vector<16xi32>,
      %get3A_378 = vector.shape_cast %get3A_377 : vector<16xi32> to vector<16xi32>
      %get3A_379 = arith.index_cast %mul3A_376 : i32 to index
      %get3A_380 = tpu.vector_load %arg9[%get3A_379] {strides = array<i32>} : memref<2048xi32, #tpu.memory_space<vmem>>, vector<16xi32>,
      %get3A_381 = vector.shape_cast %get3A_380 : vector<16xi32> to vector<16xi32>
      %get3A_382 = arith.index_cast %mul3A_376 : i32 to index
      %get3A_383 = tpu.vector_load %arg10[%get3A_382] {strides = array<i32>} : memref<2048xf32, #tpu.memory_space<vmem>>, vector<16xf32>,
      %get3A_384 = vector.shape_cast %get3A_383 : vector<16xf32> to vector<16xf32>
      %shift_right_logical3A = arith.constant 9 : i32
      %shift_right_logical3A_385 = vector.broadcast %shift_right_logical3A : i32 to vector<16xi32>
      %shift_right_logical3A_386 = arith.shrui %get3A_378, %shift_right_logical3A_385 : vector<16xi32>
      %eq3A = vector.broadcast %add3A_15 : i32 to vector<16xi32>
      %eq3A_387 = arith.cmpi eq, %shift_right_logical3A_386, %eq3A : vector<16xi32>
      %and3A = arith.constant 511 : i32
      %and3A_388 = vector.broadcast %and3A : i32 to vector<16xi32>
      %and3A_389 = arith.andi %get3A_378, %and3A_388 : vector<16xi32>
      %shift_left3A = arith.constant 11 : i32
      %shift_left3A_390 = vector.broadcast %shift_left3A : i32 to vector<16xi32>
      %shift_left3A_391 = arith.shli %and3A_389, %shift_left3A_390 : vector<16xi32>
      %add3A_392 = arith.addi %shift_left3A_391, %get3A_381 : vector<16xi32>
      %select_n3A = arith.select %eq3A_387, %add3A_392, %add3A_3 : vector<16xi1>, vector<16xi32>
      %jit3A = arith.constant 0.000000e+00 : f32
      %broadcast_in_dim3A = vector.broadcast %jit3A : f32 to vector<16xf32>
      %select_n3A_393 = arith.select %eq3A_387, %get3A_384, %broadcast_in_dim3A : vector<16xi1>, vector<16xf32>
      %shift_right_logical3A_394 = arith.constant 3 : i32
      %shift_right_logical3A_395 = arith.shrui %scan3A_373, %shift_right_logical3A_394 : i32
      %and3A_396 = arith.constant 7 : i32
      %and3A_397 = arith.andi %scan3A_373, %and3A_396 : i32
      %mul3A_398 = arith.constant 16 : i32
      %mul3A_399 = arith.muli %and3A_397, %mul3A_398 : i32
      %swap3A = arith.index_cast %shift_right_logical3A_395 : i32 to index
      %swap3A_400 = arith.index_cast %mul3A_399 : i32 to index
      %swap3A_401 = tpu.vector_load %arg12[%swap3A, %swap3A_400] {strides = array<i32>} : memref<16x128xi32, #tpu.memory_space<vmem>>, vector<1x16xi32>,
      %swap3A_402 = vector.shape_cast %swap3A_401 : vector<1x16xi32> to vector<16xi32>
      %swap3A_403 = vector.shape_cast %select_n3A : vector<16xi32> to vector<1x16xi32>
      tpu.vector_store %arg12[%swap3A, %swap3A_400], %swap3A_403 {strides = array<i32>} : memref<16x128xi32, #tpu.memory_space<vmem>>, vector<1x16xi32>,
      %swap3A_404 = arith.index_cast %shift_right_logical3A_395 : i32 to index
      %swap3A_405 = arith.index_cast %mul3A_399 : i32 to index
      %swap3A_406 = tpu.vector_load %arg13[%swap3A_404, %swap3A_405] {strides = array<i32>} : memref<16x128xf32, #tpu.memory_space<vmem>>, vector<1x16xf32>,
      %swap3A_407 = vector.shape_cast %swap3A_406 : vector<1x16xf32> to vector<16xf32>
      %swap3A_408 = vector.shape_cast %select_n3A_393 : vector<16xf32> to vector<1x16xf32>
      tpu.vector_store %arg13[%swap3A_404, %swap3A_405], %swap3A_408 {strides = array<i32>} : memref<16x128xf32, #tpu.memory_space<vmem>>, vector<1x16xf32>,
      %scan3A_409 = arith.constant 0 : i32
      scf.yield %scan3A_409 : i32
    }
    %scan3A_84 = arith.constant 128 : i32
    %barrier3A = arith.constant 0 : index
    tpu.barrier barrier_id(%barrier3A)
    %scan3A_85 = arith.constant 0 : i32
    %scan3A_86 = arith.constant 0 : i32
    %scan3A_87 = arith.constant 16 : i32
    %scan3A_88 = arith.addi %scan3A_86, %scan3A_87 : i32
    %scan3A_89 = arith.constant 1 : i32
    %scan3A_90 = scf.for %scan3A_373 = %scan3A_86 to %scan3A_88 step %scan3A_89 iter_args(%scan3A_374 = %scan3A_85) -> (i32)  : i32 {
      %eq3A = arith.cmpi eq, %arg1, %scan3A_373 : i32
      %convert_element_type3A = arith.extui %eq3A : i1 to i32
      %cond3A = arith.constant 0 : i32
      %cond3A_375 = arith.cmpi ne, %convert_element_type3A, %cond3A : i32
      scf.if %cond3A_375 {
        %dma_start3A_378 = arith.constant 0 : i32
        %dma_start3A_379 = arith.constant 0 : i32
        %dma_start3A_380 = arith.constant 0 : i32
        %dma_start3A_381 = tpu.memref_slice %arg13[%dma_start3A_378, %dma_start3A_380] : memref<16x128xf32, #tpu.memory_space<vmem>> -> memref<1x128xf32, #tpu.memory_space<vmem>>
        %dma_start3A_382 = tpu.memref_squeeze %dma_start3A_381 : memref<1x128xf32, #tpu.memory_space<vmem>> -> memref<128xf32, #tpu.memory_space<vmem>>
        %dma_start3A_383 = arith.constant 0 : i32
        %dma_start3A_384 = tpu.memref_slice %arg12[%dma_start3A_379, %dma_start3A_383] : memref<16x128xi32, #tpu.memory_space<vmem>> -> memref<1x128xi32, #tpu.memory_space<vmem>>
        %dma_start3A_385 = tpu.memref_squeeze %dma_start3A_384 : memref<1x128xi32, #tpu.memory_space<vmem>> -> memref<128xi32, #tpu.memory_space<vmem>>
        %dma_start3A_386 = arith.constant 0 : i32
        %dma_start3A_387 = tpu.memref_slice %arg16[%dma_start3A_386] : memref<1048704xf32, #tpu.memory_space<vmem_shared>> -> memref<1048704xf32, #tpu.memory_space<vmem_shared>>
        tpu.enqueue_indirect_dma source(%dma_start3A_382 : memref<128xf32, #tpu.memory_space<vmem>>) target(%dma_start3A_387 : memref<1048704xf32, #tpu.memory_space<vmem_shared>>) offsets(%dma_start3A_385 : memref<128xi32, #tpu.memory_space<vmem>>) semaphore(%arg15 : memref<!tpu.dma_semaphore, #tpu.memory_space<semaphore_mem>>) {add = true}
        %dma_start3A_388 = arith.constant 1 : i32
        %dma_start3A_389 = arith.constant 1 : i32
        %dma_start3A_390 = arith.constant 0 : i32
        %dma_start3A_391 = tpu.memref_slice %arg13[%dma_start3A_388, %dma_start3A_390] : memref<16x128xf32, #tpu.memory_space<vmem>> -> memref<1x128xf32, #tpu.memory_space<vmem>>
        %dma_start3A_392 = tpu.memref_squeeze %dma_start3A_391 : memref<1x128xf32, #tpu.memory_space<vmem>> -> memref<128xf32, #tpu.memory_space<vmem>>
        %dma_start3A_393 = arith.constant 0 : i32
        %dma_start3A_394 = tpu.memref_slice %arg12[%dma_start3A_389, %dma_start3A_393] : memref<16x128xi32, #tpu.memory_space<vmem>> -> memref<1x128xi32, #tpu.memory_space<vmem>>
        %dma_start3A_395 = tpu.memref_squeeze %dma_start3A_394 : memref<1x128xi32, #tpu.memory_space<vmem>> -> memref<128xi32, #tpu.memory_space<vmem>>
        %dma_start3A_396 = arith.constant 0 : i32
        %dma_start3A_397 = tpu.memref_slice %arg16[%dma_start3A_396] : memref<1048704xf32, #tpu.memory_space<vmem_shared>> -> memref<1048704xf32, #tpu.memory_space<vmem_shared>>
        tpu.enqueue_indirect_dma source(%dma_start3A_392 : memref<128xf32, #tpu.memory_space<vmem>>) target(%dma_start3A_397 : memref<1048704xf32, #tpu.memory_space<vmem_shared>>) offsets(%dma_start3A_395 : memref<128xi32, #tpu.memory_space<vmem>>) semaphore(%arg15 : memref<!tpu.dma_semaphore, #tpu.memory_space<semaphore_mem>>) {add = true}
        %dma_start3A_398 = arith.constant 2 : i32
        %dma_start3A_399 = arith.constant 2 : i32
        %dma_start3A_400 = arith.constant 0 : i32
        %dma_start3A_401 = tpu.memref_slice %arg13[%dma_start3A_398, %dma_start3A_400] : memref<16x128xf32, #tpu.memory_space<vmem>> -> memref<1x128xf32, #tpu.memory_space<vmem>>
        %dma_start3A_402 = tpu.memref_squeeze %dma_start3A_401 : memref<1x128xf32, #tpu.memory_space<vmem>> -> memref<128xf32, #tpu.memory_space<vmem>>
        %dma_start3A_403 = arith.constant 0 : i32
        %dma_start3A_404 = tpu.memref_slice %arg12[%dma_start3A_399, %dma_start3A_403] : memref<16x128xi32, #tpu.memory_space<vmem>> -> memref<1x128xi32, #tpu.memory_space<vmem>>
        %dma_start3A_405 = tpu.memref_squeeze %dma_start3A_404 : memref<1x128xi32, #tpu.memory_space<vmem>> -> memref<128xi32, #tpu.memory_space<vmem>>
        %dma_start3A_406 = arith.constant 0 : i32
        %dma_start3A_407 = tpu.memref_slice %arg16[%dma_start3A_406] : memref<1048704xf32, #tpu.memory_space<vmem_shared>> -> memref<1048704xf32, #tpu.memory_space<vmem_shared>>
        tpu.enqueue_indirect_dma source(%dma_start3A_402 : memref<128xf32, #tpu.memory_space<vmem>>) target(%dma_start3A_407 : memref<1048704xf32, #tpu.memory_space<vmem_shared>>) offsets(%dma_start3A_405 : memref<128xi32, #tpu.memory_space<vmem>>) semaphore(%arg15 : memref<!tpu.dma_semaphore, #tpu.memory_space<semaphore_mem>>) {add = true}
        %dma_start3A_408 = arith.constant 3 : i32
        %dma_start3A_409 = arith.constant 3 : i32
        %dma_start3A_410 = arith.constant 0 : i32
        %dma_start3A_411 = tpu.memref_slice %arg13[%dma_start3A_408, %dma_start3A_410] : memref<16x128xf32, #tpu.memory_space<vmem>> -> memref<1x128xf32, #tpu.memory_space<vmem>>
        %dma_start3A_412 = tpu.memref_squeeze %dma_start3A_411 : memref<1x128xf32, #tpu.memory_space<vmem>> -> memref<128xf32, #tpu.memory_space<vmem>>
        %dma_start3A_413 = arith.constant 0 : i32
        %dma_start3A_414 = tpu.memref_slice %arg12[%dma_start3A_409, %dma_start3A_413] : memref<16x128xi32, #tpu.memory_space<vmem>> -> memref<1x128xi32, #tpu.memory_space<vmem>>
        %dma_start3A_415 = tpu.memref_squeeze %dma_start3A_414 : memref<1x128xi32, #tpu.memory_space<vmem>> -> memref<128xi32, #tpu.memory_space<vmem>>
        %dma_start3A_416 = arith.constant 0 : i32
        %dma_start3A_417 = tpu.memref_slice %arg16[%dma_start3A_416] : memref<1048704xf32, #tpu.memory_space<vmem_shared>> -> memref<1048704xf32, #tpu.memory_space<vmem_shared>>
        tpu.enqueue_indirect_dma source(%dma_start3A_412 : memref<128xf32, #tpu.memory_space<vmem>>) target(%dma_start3A_417 : memref<1048704xf32, #tpu.memory_space<vmem_shared>>) offsets(%dma_start3A_415 : memref<128xi32, #tpu.memory_space<vmem>>) semaphore(%arg15 : memref<!tpu.dma_semaphore, #tpu.memory_space<semaphore_mem>>) {add = true}
        %dma_start3A_418 = arith.constant 4 : i32
        %dma_start3A_419 = arith.constant 4 : i32
        %dma_start3A_420 = arith.constant 0 : i32
        %dma_start3A_421 = tpu.memref_slice %arg13[%dma_start3A_418, %dma_start3A_420] : memref<16x128xf32, #tpu.memory_space<vmem>> -> memref<1x128xf32, #tpu.memory_space<vmem>>
        %dma_start3A_422 = tpu.memref_squeeze %dma_start3A_421 : memref<1x128xf32, #tpu.memory_space<vmem>> -> memref<128xf32, #tpu.memory_space<vmem>>
        %dma_start3A_423 = arith.constant 0 : i32
        %dma_start3A_424 = tpu.memref_slice %arg12[%dma_start3A_419, %dma_start3A_423] : memref<16x128xi32, #tpu.memory_space<vmem>> -> memref<1x128xi32, #tpu.memory_space<vmem>>
        %dma_start3A_425 = tpu.memref_squeeze %dma_start3A_424 : memref<1x128xi32, #tpu.memory_space<vmem>> -> memref<128xi32, #tpu.memory_space<vmem>>
        %dma_start3A_426 = arith.constant 0 : i32
        %dma_start3A_427 = tpu.memref_slice %arg16[%dma_start3A_426] : memref<1048704xf32, #tpu.memory_space<vmem_shared>> -> memref<1048704xf32, #tpu.memory_space<vmem_shared>>
        tpu.enqueue_indirect_dma source(%dma_start3A_422 : memref<128xf32, #tpu.memory_space<vmem>>) target(%dma_start3A_427 : memref<1048704xf32, #tpu.memory_space<vmem_shared>>) offsets(%dma_start3A_425 : memref<128xi32, #tpu.memory_space<vmem>>) semaphore(%arg15 : memref<!tpu.dma_semaphore, #tpu.memory_space<semaphore_mem>>) {add = true}
        %dma_start3A_428 = arith.constant 5 : i32
        %dma_start3A_429 = arith.constant 5 : i32
        %dma_start3A_430 = arith.constant 0 : i32
        %dma_start3A_431 = tpu.memref_slice %arg13[%dma_start3A_428, %dma_start3A_430] : memref<16x128xf32, #tpu.memory_space<vmem>> -> memref<1x128xf32, #tpu.memory_space<vmem>>
        %dma_start3A_432 = tpu.memref_squeeze %dma_start3A_431 : memref<1x128xf32, #tpu.memory_space<vmem>> -> memref<128xf32, #tpu.memory_space<vmem>>
        %dma_start3A_433 = arith.constant 0 : i32
        %dma_start3A_434 = tpu.memref_slice %arg12[%dma_start3A_429, %dma_start3A_433] : memref<16x128xi32, #tpu.memory_space<vmem>> -> memref<1x128xi32, #tpu.memory_space<vmem>>
        %dma_start3A_435 = tpu.memref_squeeze %dma_start3A_434 : memref<1x128xi32, #tpu.memory_space<vmem>> -> memref<128xi32, #tpu.memory_space<vmem>>
        %dma_start3A_436 = arith.constant 0 : i32
        %dma_start3A_437 = tpu.memref_slice %arg16[%dma_start3A_436] : memref<1048704xf32, #tpu.memory_space<vmem_shared>> -> memref<1048704xf32, #tpu.memory_space<vmem_shared>>
        tpu.enqueue_indirect_dma source(%dma_start3A_432 : memref<128xf32, #tpu.memory_space<vmem>>) target(%dma_start3A_437 : memref<1048704xf32, #tpu.memory_space<vmem_shared>>) offsets(%dma_start3A_435 : memref<128xi32, #tpu.memory_space<vmem>>) semaphore(%arg15 : memref<!tpu.dma_semaphore, #tpu.memory_space<semaphore_mem>>) {add = true}
        %dma_start3A_438 = arith.constant 6 : i32
        %dma_start3A_439 = arith.constant 6 : i32
        %dma_start3A_440 = arith.constant 0 : i32
        %dma_start3A_441 = tpu.memref_slice %arg13[%dma_start3A_438, %dma_start3A_440] : memref<16x128xf32, #tpu.memory_space<vmem>> -> memref<1x128xf32, #tpu.memory_space<vmem>>
        %dma_start3A_442 = tpu.memref_squeeze %dma_start3A_441 : memref<1x128xf32, #tpu.memory_space<vmem>> -> memref<128xf32, #tpu.memory_space<vmem>>
        %dma_start3A_443 = arith.constant 0 : i32
        %dma_start3A_444 = tpu.memref_slice %arg12[%dma_start3A_439, %dma_start3A_443] : memref<16x128xi32, #tpu.memory_space<vmem>> -> memref<1x128xi32, #tpu.memory_space<vmem>>
        %dma_start3A_445 = tpu.memref_squeeze %dma_start3A_444 : memref<1x128xi32, #tpu.memory_space<vmem>> -> memref<128xi32, #tpu.memory_space<vmem>>
        %dma_start3A_446 = arith.constant 0 : i32
        %dma_start3A_447 = tpu.memref_slice %arg16[%dma_start3A_446] : memref<1048704xf32, #tpu.memory_space<vmem_shared>> -> memref<1048704xf32, #tpu.memory_space<vmem_shared>>
        tpu.enqueue_indirect_dma source(%dma_start3A_442 : memref<128xf32, #tpu.memory_space<vmem>>) target(%dma_start3A_447 : memref<1048704xf32, #tpu.memory_space<vmem_shared>>) offsets(%dma_start3A_445 : memref<128xi32, #tpu.memory_space<vmem>>) semaphore(%arg15 : memref<!tpu.dma_semaphore, #tpu.memory_space<semaphore_mem>>) {add = true}
        %dma_start3A_448 = arith.constant 7 : i32
        %dma_start3A_449 = arith.constant 7 : i32
        %dma_start3A_450 = arith.constant 0 : i32
        %dma_start3A_451 = tpu.memref_slice %arg13[%dma_start3A_448, %dma_start3A_450] : memref<16x128xf32, #tpu.memory_space<vmem>> -> memref<1x128xf32, #tpu.memory_space<vmem>>
        %dma_start3A_452 = tpu.memref_squeeze %dma_start3A_451 : memref<1x128xf32, #tpu.memory_space<vmem>> -> memref<128xf32, #tpu.memory_space<vmem>>
        %dma_start3A_453 = arith.constant 0 : i32
        %dma_start3A_454 = tpu.memref_slice %arg12[%dma_start3A_449, %dma_start3A_453] : memref<16x128xi32, #tpu.memory_space<vmem>> -> memref<1x128xi32, #tpu.memory_space<vmem>>
        %dma_start3A_455 = tpu.memref_squeeze %dma_start3A_454 : memref<1x128xi32, #tpu.memory_space<vmem>> -> memref<128xi32, #tpu.memory_space<vmem>>
        %dma_start3A_456 = arith.constant 0 : i32
        %dma_start3A_457 = tpu.memref_slice %arg16[%dma_start3A_456] : memref<1048704xf32, #tpu.memory_space<vmem_shared>> -> memref<1048704xf32, #tpu.memory_space<vmem_shared>>
        tpu.enqueue_indirect_dma source(%dma_start3A_452 : memref<128xf32, #tpu.memory_space<vmem>>) target(%dma_start3A_457 : memref<1048704xf32, #tpu.memory_space<vmem_shared>>) offsets(%dma_start3A_455 : memref<128xi32, #tpu.memory_space<vmem>>) semaphore(%arg15 : memref<!tpu.dma_semaphore, #tpu.memory_space<semaphore_mem>>) {add = true}
        %dma_start3A_458 = arith.constant 8 : i32
        %dma_start3A_459 = arith.constant 8 : i32
        %dma_start3A_460 = arith.constant 0 : i32
        %dma_start3A_461 = tpu.memref_slice %arg13[%dma_start3A_458, %dma_start3A_460] : memref<16x128xf32, #tpu.memory_space<vmem>> -> memref<1x128xf32, #tpu.memory_space<vmem>>
        %dma_start3A_462 = tpu.memref_squeeze %dma_start3A_461 : memref<1x128xf32, #tpu.memory_space<vmem>> -> memref<128xf32, #tpu.memory_space<vmem>>
        %dma_start3A_463 = arith.constant 0 : i32
        %dma_start3A_464 = tpu.memref_slice %arg12[%dma_start3A_459, %dma_start3A_463] : memref<16x128xi32, #tpu.memory_space<vmem>> -> memref<1x128xi32, #tpu.memory_space<vmem>>
        %dma_start3A_465 = tpu.memref_squeeze %dma_start3A_464 : memref<1x128xi32, #tpu.memory_space<vmem>> -> memref<128xi32, #tpu.memory_space<vmem>>
        %dma_start3A_466 = arith.constant 0 : i32
        %dma_start3A_467 = tpu.memref_slice %arg16[%dma_start3A_466] : memref<1048704xf32, #tpu.memory_space<vmem_shared>> -> memref<1048704xf32, #tpu.memory_space<vmem_shared>>
        tpu.enqueue_indirect_dma source(%dma_start3A_462 : memref<128xf32, #tpu.memory_space<vmem>>) target(%dma_start3A_467 : memref<1048704xf32, #tpu.memory_space<vmem_shared>>) offsets(%dma_start3A_465 : memref<128xi32, #tpu.memory_space<vmem>>) semaphore(%arg15 : memref<!tpu.dma_semaphore, #tpu.memory_space<semaphore_mem>>) {add = true}
        %dma_wait3A_468 = arith.constant 0 : i32
        %dma_wait3A_469 = arith.constant 0 : i32
        %dma_wait3A_470 = arith.constant 0 : i32
        %dma_wait3A_471 = tpu.memref_slice %arg13[%dma_wait3A_468, %dma_wait3A_470] : memref<16x128xf32, #tpu.memory_space<vmem>> -> memref<1x128xf32, #tpu.memory_space<vmem>>
        %dma_wait3A_472 = tpu.memref_squeeze %dma_wait3A_471 : memref<1x128xf32, #tpu.memory_space<vmem>> -> memref<128xf32, #tpu.memory_space<vmem>>
        %dma_wait3A_473 = arith.constant 0 : i32
        %dma_wait3A_474 = tpu.memref_slice %arg12[%dma_wait3A_469, %dma_wait3A_473] : memref<16x128xi32, #tpu.memory_space<vmem>> -> memref<1x128xi32, #tpu.memory_space<vmem>>
        %dma_wait3A_475 = tpu.memref_squeeze %dma_wait3A_474 : memref<1x128xi32, #tpu.memory_space<vmem>> -> memref<128xi32, #tpu.memory_space<vmem>>
        %dma_wait3A_476 = arith.constant 0 : i32
        %dma_wait3A_477 = tpu.memref_slice %arg16[%dma_wait3A_476] : memref<1048704xf32, #tpu.memory_space<vmem_shared>> -> memref<1048704xf32, #tpu.memory_space<vmem_shared>>
        tpu.wait_indirect_dma semaphore(%arg15 : memref<!tpu.dma_semaphore, #tpu.memory_space<semaphore_mem>>) src(%dma_wait3A_472 : memref<128xf32, #tpu.memory_space<vmem>>) dst(%dma_wait3A_477 : memref<1048704xf32, #tpu.memory_space<vmem_shared>>)
        %dma_start3A_478 = arith.constant 9 : i32
        %dma_start3A_479 = arith.constant 9 : i32
        %dma_start3A_480 = arith.constant 0 : i32
        %dma_start3A_481 = tpu.memref_slice %arg13[%dma_start3A_478, %dma_start3A_480] : memref<16x128xf32, #tpu.memory_space<vmem>> -> memref<1x128xf32, #tpu.memory_space<vmem>>
        %dma_start3A_482 = tpu.memref_squeeze %dma_start3A_481 : memref<1x128xf32, #tpu.memory_space<vmem>> -> memref<128xf32, #tpu.memory_space<vmem>>
        %dma_start3A_483 = arith.constant 0 : i32
        %dma_start3A_484 = tpu.memref_slice %arg12[%dma_start3A_479, %dma_start3A_483] : memref<16x128xi32, #tpu.memory_space<vmem>> -> memref<1x128xi32, #tpu.memory_space<vmem>>
        %dma_start3A_485 = tpu.memref_squeeze %dma_start3A_484 : memref<1x128xi32, #tpu.memory_space<vmem>> -> memref<128xi32, #tpu.memory_space<vmem>>
        %dma_start3A_486 = arith.constant 0 : i32
        %dma_start3A_487 = tpu.memref_slice %arg16[%dma_start3A_486] : memref<1048704xf32, #tpu.memory_space<vmem_shared>> -> memref<1048704xf32, #tpu.memory_space<vmem_shared>>
        tpu.enqueue_indirect_dma source(%dma_start3A_482 : memref<128xf32, #tpu.memory_space<vmem>>) target(%dma_start3A_487 : memref<1048704xf32, #tpu.memory_space<vmem_shared>>) offsets(%dma_start3A_485 : memref<128xi32, #tpu.memory_space<vmem>>) semaphore(%arg15 : memref<!tpu.dma_semaphore, #tpu.memory_space<semaphore_mem>>) {add = true}
        %dma_wait3A_488 = arith.constant 1 : i32
        %dma_wait3A_489 = arith.constant 1 : i32
        %dma_wait3A_490 = arith.constant 0 : i32
        %dma_wait3A_491 = tpu.memref_slice %arg13[%dma_wait3A_488, %dma_wait3A_490] : memref<16x128xf32, #tpu.memory_space<vmem>> -> memref<1x128xf32, #tpu.memory_space<vmem>>
        %dma_wait3A_492 = tpu.memref_squeeze %dma_wait3A_491 : memref<1x128xf32, #tpu.memory_space<vmem>> -> memref<128xf32, #tpu.memory_space<vmem>>
        %dma_wait3A_493 = arith.constant 0 : i32
        %dma_wait3A_494 = tpu.memref_slice %arg12[%dma_wait3A_489, %dma_wait3A_493] : memref<16x128xi32, #tpu.memory_space<vmem>> -> memref<1x128xi32, #tpu.memory_space<vmem>>
        %dma_wait3A_495 = tpu.memref_squeeze %dma_wait3A_494 : memref<1x128xi32, #tpu.memory_space<vmem>> -> memref<128xi32, #tpu.memory_space<vmem>>
        %dma_wait3A_496 = arith.constant 0 : i32
        %dma_wait3A_497 = tpu.memref_slice %arg16[%dma_wait3A_496] : memref<1048704xf32, #tpu.memory_space<vmem_shared>> -> memref<1048704xf32, #tpu.memory_space<vmem_shared>>
        tpu.wait_indirect_dma semaphore(%arg15 : memref<!tpu.dma_semaphore, #tpu.memory_space<semaphore_mem>>) src(%dma_wait3A_492 : memref<128xf32, #tpu.memory_space<vmem>>) dst(%dma_wait3A_497 : memref<1048704xf32, #tpu.memory_space<vmem_shared>>)
        %dma_start3A_498 = arith.constant 10 : i32
        %dma_start3A_499 = arith.constant 10 : i32
        %dma_start3A_500 = arith.constant 0 : i32
        %dma_start3A_501 = tpu.memref_slice %arg13[%dma_start3A_498, %dma_start3A_500] : memref<16x128xf32, #tpu.memory_space<vmem>> -> memref<1x128xf32, #tpu.memory_space<vmem>>
        %dma_start3A_502 = tpu.memref_squeeze %dma_start3A_501 : memref<1x128xf32, #tpu.memory_space<vmem>> -> memref<128xf32, #tpu.memory_space<vmem>>
        %dma_start3A_503 = arith.constant 0 : i32
        %dma_start3A_504 = tpu.memref_slice %arg12[%dma_start3A_499, %dma_start3A_503] : memref<16x128xi32, #tpu.memory_space<vmem>> -> memref<1x128xi32, #tpu.memory_space<vmem>>
        %dma_start3A_505 = tpu.memref_squeeze %dma_start3A_504 : memref<1x128xi32, #tpu.memory_space<vmem>> -> memref<128xi32, #tpu.memory_space<vmem>>
        %dma_start3A_506 = arith.constant 0 : i32
        %dma_start3A_507 = tpu.memref_slice %arg16[%dma_start3A_506] : memref<1048704xf32, #tpu.memory_space<vmem_shared>> -> memref<1048704xf32, #tpu.memory_space<vmem_shared>>
        tpu.enqueue_indirect_dma source(%dma_start3A_502 : memref<128xf32, #tpu.memory_space<vmem>>) target(%dma_start3A_507 : memref<1048704xf32, #tpu.memory_space<vmem_shared>>) offsets(%dma_start3A_505 : memref<128xi32, #tpu.memory_space<vmem>>) semaphore(%arg15 : memref<!tpu.dma_semaphore, #tpu.memory_space<semaphore_mem>>) {add = true}
        %dma_wait3A_508 = arith.constant 2 : i32
        %dma_wait3A_509 = arith.constant 2 : i32
        %dma_wait3A_510 = arith.constant 0 : i32
        %dma_wait3A_511 = tpu.memref_slice %arg13[%dma_wait3A_508, %dma_wait3A_510] : memref<16x128xf32, #tpu.memory_space<vmem>> -> memref<1x128xf32, #tpu.memory_space<vmem>>
        %dma_wait3A_512 = tpu.memref_squeeze %dma_wait3A_511 : memref<1x128xf32, #tpu.memory_space<vmem>> -> memref<128xf32, #tpu.memory_space<vmem>>
        %dma_wait3A_513 = arith.constant 0 : i32
        %dma_wait3A_514 = tpu.memref_slice %arg12[%dma_wait3A_509, %dma_wait3A_513] : memref<16x128xi32, #tpu.memory_space<vmem>> -> memref<1x128xi32, #tpu.memory_space<vmem>>
        %dma_wait3A_515 = tpu.memref_squeeze %dma_wait3A_514 : memref<1x128xi32, #tpu.memory_space<vmem>> -> memref<128xi32, #tpu.memory_space<vmem>>
        %dma_wait3A_516 = arith.constant 0 : i32
        %dma_wait3A_517 = tpu.memref_slice %arg16[%dma_wait3A_516] : memref<1048704xf32, #tpu.memory_space<vmem_shared>> -> memref<1048704xf32, #tpu.memory_space<vmem_shared>>
        tpu.wait_indirect_dma semaphore(%arg15 : memref<!tpu.dma_semaphore, #tpu.memory_space<semaphore_mem>>) src(%dma_wait3A_512 : memref<128xf32, #tpu.memory_space<vmem>>) dst(%dma_wait3A_517 : memref<1048704xf32, #tpu.memory_space<vmem_shared>>)
        %dma_start3A_518 = arith.constant 11 : i32
        %dma_start3A_519 = arith.constant 11 : i32
        %dma_start3A_520 = arith.constant 0 : i32
        %dma_start3A_521 = tpu.memref_slice %arg13[%dma_start3A_518, %dma_start3A_520] : memref<16x128xf32, #tpu.memory_space<vmem>> -> memref<1x128xf32, #tpu.memory_space<vmem>>
        %dma_start3A_522 = tpu.memref_squeeze %dma_start3A_521 : memref<1x128xf32, #tpu.memory_space<vmem>> -> memref<128xf32, #tpu.memory_space<vmem>>
        %dma_start3A_523 = arith.constant 0 : i32
        %dma_start3A_524 = tpu.memref_slice %arg12[%dma_start3A_519, %dma_start3A_523] : memref<16x128xi32, #tpu.memory_space<vmem>> -> memref<1x128xi32, #tpu.memory_space<vmem>>
        %dma_start3A_525 = tpu.memref_squeeze %dma_start3A_524 : memref<1x128xi32, #tpu.memory_space<vmem>> -> memref<128xi32, #tpu.memory_space<vmem>>
        %dma_start3A_526 = arith.constant 0 : i32
        %dma_start3A_527 = tpu.memref_slice %arg16[%dma_start3A_526] : memref<1048704xf32, #tpu.memory_space<vmem_shared>> -> memref<1048704xf32, #tpu.memory_space<vmem_shared>>
        tpu.enqueue_indirect_dma source(%dma_start3A_522 : memref<128xf32, #tpu.memory_space<vmem>>) target(%dma_start3A_527 : memref<1048704xf32, #tpu.memory_space<vmem_shared>>) offsets(%dma_start3A_525 : memref<128xi32, #tpu.memory_space<vmem>>) semaphore(%arg15 : memref<!tpu.dma_semaphore, #tpu.memory_space<semaphore_mem>>) {add = true}
        %dma_wait3A_528 = arith.constant 3 : i32
        %dma_wait3A_529 = arith.constant 3 : i32
        %dma_wait3A_530 = arith.constant 0 : i32
        %dma_wait3A_531 = tpu.memref_slice %arg13[%dma_wait3A_528, %dma_wait3A_530] : memref<16x128xf32, #tpu.memory_space<vmem>> -> memref<1x128xf32, #tpu.memory_space<vmem>>
        %dma_wait3A_532 = tpu.memref_squeeze %dma_wait3A_531 : memref<1x128xf32, #tpu.memory_space<vmem>> -> memref<128xf32, #tpu.memory_space<vmem>>
        %dma_wait3A_533 = arith.constant 0 : i32
        %dma_wait3A_534 = tpu.memref_slice %arg12[%dma_wait3A_529, %dma_wait3A_533] : memref<16x128xi32, #tpu.memory_space<vmem>> -> memref<1x128xi32, #tpu.memory_space<vmem>>
        %dma_wait3A_535 = tpu.memref_squeeze %dma_wait3A_534 : memref<1x128xi32, #tpu.memory_space<vmem>> -> memref<128xi32, #tpu.memory_space<vmem>>
        %dma_wait3A_536 = arith.constant 0 : i32
        %dma_wait3A_537 = tpu.memref_slice %arg16[%dma_wait3A_536] : memref<1048704xf32, #tpu.memory_space<vmem_shared>> -> memref<1048704xf32, #tpu.memory_space<vmem_shared>>
        tpu.wait_indirect_dma semaphore(%arg15 : memref<!tpu.dma_semaphore, #tpu.memory_space<semaphore_mem>>) src(%dma_wait3A_532 : memref<128xf32, #tpu.memory_space<vmem>>) dst(%dma_wait3A_537 : memref<1048704xf32, #tpu.memory_space<vmem_shared>>)
        %dma_start3A_538 = arith.constant 12 : i32
        %dma_start3A_539 = arith.constant 12 : i32
        %dma_start3A_540 = arith.constant 0 : i32
        %dma_start3A_541 = tpu.memref_slice %arg13[%dma_start3A_538, %dma_start3A_540] : memref<16x128xf32, #tpu.memory_space<vmem>> -> memref<1x128xf32, #tpu.memory_space<vmem>>
        %dma_start3A_542 = tpu.memref_squeeze %dma_start3A_541 : memref<1x128xf32, #tpu.memory_space<vmem>> -> memref<128xf32, #tpu.memory_space<vmem>>
        %dma_start3A_543 = arith.constant 0 : i32
        %dma_start3A_544 = tpu.memref_slice %arg12[%dma_start3A_539, %dma_start3A_543] : memref<16x128xi32, #tpu.memory_space<vmem>> -> memref<1x128xi32, #tpu.memory_space<vmem>>
        %dma_start3A_545 = tpu.memref_squeeze %dma_start3A_544 : memref<1x128xi32, #tpu.memory_space<vmem>> -> memref<128xi32, #tpu.memory_space<vmem>>
        %dma_start3A_546 = arith.constant 0 : i32
        %dma_start3A_547 = tpu.memref_slice %arg16[%dma_start3A_546] : memref<1048704xf32, #tpu.memory_space<vmem_shared>> -> memref<1048704xf32, #tpu.memory_space<vmem_shared>>
        tpu.enqueue_indirect_dma source(%dma_start3A_542 : memref<128xf32, #tpu.memory_space<vmem>>) target(%dma_start3A_547 : memref<1048704xf32, #tpu.memory_space<vmem_shared>>) offsets(%dma_start3A_545 : memref<128xi32, #tpu.memory_space<vmem>>) semaphore(%arg15 : memref<!tpu.dma_semaphore, #tpu.memory_space<semaphore_mem>>) {add = true}
        %dma_wait3A_548 = arith.constant 4 : i32
        %dma_wait3A_549 = arith.constant 4 : i32
        %dma_wait3A_550 = arith.constant 0 : i32
        %dma_wait3A_551 = tpu.memref_slice %arg13[%dma_wait3A_548, %dma_wait3A_550] : memref<16x128xf32, #tpu.memory_space<vmem>> -> memref<1x128xf32, #tpu.memory_space<vmem>>
        %dma_wait3A_552 = tpu.memref_squeeze %dma_wait3A_551 : memref<1x128xf32, #tpu.memory_space<vmem>> -> memref<128xf32, #tpu.memory_space<vmem>>
        %dma_wait3A_553 = arith.constant 0 : i32
        %dma_wait3A_554 = tpu.memref_slice %arg12[%dma_wait3A_549, %dma_wait3A_553] : memref<16x128xi32, #tpu.memory_space<vmem>> -> memref<1x128xi32, #tpu.memory_space<vmem>>
        %dma_wait3A_555 = tpu.memref_squeeze %dma_wait3A_554 : memref<1x128xi32, #tpu.memory_space<vmem>> -> memref<128xi32, #tpu.memory_space<vmem>>
        %dma_wait3A_556 = arith.constant 0 : i32
        %dma_wait3A_557 = tpu.memref_slice %arg16[%dma_wait3A_556] : memref<1048704xf32, #tpu.memory_space<vmem_shared>> -> memref<1048704xf32, #tpu.memory_space<vmem_shared>>
        tpu.wait_indirect_dma semaphore(%arg15 : memref<!tpu.dma_semaphore, #tpu.memory_space<semaphore_mem>>) src(%dma_wait3A_552 : memref<128xf32, #tpu.memory_space<vmem>>) dst(%dma_wait3A_557 : memref<1048704xf32, #tpu.memory_space<vmem_shared>>)
        %dma_start3A_558 = arith.constant 13 : i32
        %dma_start3A_559 = arith.constant 13 : i32
        %dma_start3A_560 = arith.constant 0 : i32
        %dma_start3A_561 = tpu.memref_slice %arg13[%dma_start3A_558, %dma_start3A_560] : memref<16x128xf32, #tpu.memory_space<vmem>> -> memref<1x128xf32, #tpu.memory_space<vmem>>
        %dma_start3A_562 = tpu.memref_squeeze %dma_start3A_561 : memref<1x128xf32, #tpu.memory_space<vmem>> -> memref<128xf32, #tpu.memory_space<vmem>>
        %dma_start3A_563 = arith.constant 0 : i32
        %dma_start3A_564 = tpu.memref_slice %arg12[%dma_start3A_559, %dma_start3A_563] : memref<16x128xi32, #tpu.memory_space<vmem>> -> memref<1x128xi32, #tpu.memory_space<vmem>>
        %dma_start3A_565 = tpu.memref_squeeze %dma_start3A_564 : memref<1x128xi32, #tpu.memory_space<vmem>> -> memref<128xi32, #tpu.memory_space<vmem>>
        %dma_start3A_566 = arith.constant 0 : i32
        %dma_start3A_567 = tpu.memref_slice %arg16[%dma_start3A_566] : memref<1048704xf32, #tpu.memory_space<vmem_shared>> -> memref<1048704xf32, #tpu.memory_space<vmem_shared>>
        tpu.enqueue_indirect_dma source(%dma_start3A_562 : memref<128xf32, #tpu.memory_space<vmem>>) target(%dma_start3A_567 : memref<1048704xf32, #tpu.memory_space<vmem_shared>>) offsets(%dma_start3A_565 : memref<128xi32, #tpu.memory_space<vmem>>) semaphore(%arg15 : memref<!tpu.dma_semaphore, #tpu.memory_space<semaphore_mem>>) {add = true}
        %dma_wait3A_568 = arith.constant 5 : i32
        %dma_wait3A_569 = arith.constant 5 : i32
        %dma_wait3A_570 = arith.constant 0 : i32
        %dma_wait3A_571 = tpu.memref_slice %arg13[%dma_wait3A_568, %dma_wait3A_570] : memref<16x128xf32, #tpu.memory_space<vmem>> -> memref<1x128xf32, #tpu.memory_space<vmem>>
        %dma_wait3A_572 = tpu.memref_squeeze %dma_wait3A_571 : memref<1x128xf32, #tpu.memory_space<vmem>> -> memref<128xf32, #tpu.memory_space<vmem>>
        %dma_wait3A_573 = arith.constant 0 : i32
        %dma_wait3A_574 = tpu.memref_slice %arg12[%dma_wait3A_569, %dma_wait3A_573] : memref<16x128xi32, #tpu.memory_space<vmem>> -> memref<1x128xi32, #tpu.memory_space<vmem>>
        %dma_wait3A_575 = tpu.memref_squeeze %dma_wait3A_574 : memref<1x128xi32, #tpu.memory_space<vmem>> -> memref<128xi32, #tpu.memory_space<vmem>>
        %dma_wait3A_576 = arith.constant 0 : i32
        %dma_wait3A_577 = tpu.memref_slice %arg16[%dma_wait3A_576] : memref<1048704xf32, #tpu.memory_space<vmem_shared>> -> memref<1048704xf32, #tpu.memory_space<vmem_shared>>
        tpu.wait_indirect_dma semaphore(%arg15 : memref<!tpu.dma_semaphore, #tpu.memory_space<semaphore_mem>>) src(%dma_wait3A_572 : memref<128xf32, #tpu.memory_space<vmem>>) dst(%dma_wait3A_577 : memref<1048704xf32, #tpu.memory_space<vmem_shared>>)
        %dma_start3A_578 = arith.constant 14 : i32
        %dma_start3A_579 = arith.constant 14 : i32
        %dma_start3A_580 = arith.constant 0 : i32
        %dma_start3A_581 = tpu.memref_slice %arg13[%dma_start3A_578, %dma_start3A_580] : memref<16x128xf32, #tpu.memory_space<vmem>> -> memref<1x128xf32, #tpu.memory_space<vmem>>
        %dma_start3A_582 = tpu.memref_squeeze %dma_start3A_581 : memref<1x128xf32, #tpu.memory_space<vmem>> -> memref<128xf32, #tpu.memory_space<vmem>>
        %dma_start3A_583 = arith.constant 0 : i32
        %dma_start3A_584 = tpu.memref_slice %arg12[%dma_start3A_579, %dma_start3A_583] : memref<16x128xi32, #tpu.memory_space<vmem>> -> memref<1x128xi32, #tpu.memory_space<vmem>>
        %dma_start3A_585 = tpu.memref_squeeze %dma_start3A_584 : memref<1x128xi32, #tpu.memory_space<vmem>> -> memref<128xi32, #tpu.memory_space<vmem>>
        %dma_start3A_586 = arith.constant 0 : i32
        %dma_start3A_587 = tpu.memref_slice %arg16[%dma_start3A_586] : memref<1048704xf32, #tpu.memory_space<vmem_shared>> -> memref<1048704xf32, #tpu.memory_space<vmem_shared>>
        tpu.enqueue_indirect_dma source(%dma_start3A_582 : memref<128xf32, #tpu.memory_space<vmem>>) target(%dma_start3A_587 : memref<1048704xf32, #tpu.memory_space<vmem_shared>>) offsets(%dma_start3A_585 : memref<128xi32, #tpu.memory_space<vmem>>) semaphore(%arg15 : memref<!tpu.dma_semaphore, #tpu.memory_space<semaphore_mem>>) {add = true}
        %dma_wait3A_588 = arith.constant 6 : i32
        %dma_wait3A_589 = arith.constant 6 : i32
        %dma_wait3A_590 = arith.constant 0 : i32
        %dma_wait3A_591 = tpu.memref_slice %arg13[%dma_wait3A_588, %dma_wait3A_590] : memref<16x128xf32, #tpu.memory_space<vmem>> -> memref<1x128xf32, #tpu.memory_space<vmem>>
        %dma_wait3A_592 = tpu.memref_squeeze %dma_wait3A_591 : memref<1x128xf32, #tpu.memory_space<vmem>> -> memref<128xf32, #tpu.memory_space<vmem>>
        %dma_wait3A_593 = arith.constant 0 : i32
        %dma_wait3A_594 = tpu.memref_slice %arg12[%dma_wait3A_589, %dma_wait3A_593] : memref<16x128xi32, #tpu.memory_space<vmem>> -> memref<1x128xi32, #tpu.memory_space<vmem>>
        %dma_wait3A_595 = tpu.memref_squeeze %dma_wait3A_594 : memref<1x128xi32, #tpu.memory_space<vmem>> -> memref<128xi32, #tpu.memory_space<vmem>>
        %dma_wait3A_596 = arith.constant 0 : i32
        %dma_wait3A_597 = tpu.memref_slice %arg16[%dma_wait3A_596] : memref<1048704xf32, #tpu.memory_space<vmem_shared>> -> memref<1048704xf32, #tpu.memory_space<vmem_shared>>
        tpu.wait_indirect_dma semaphore(%arg15 : memref<!tpu.dma_semaphore, #tpu.memory_space<semaphore_mem>>) src(%dma_wait3A_592 : memref<128xf32, #tpu.memory_space<vmem>>) dst(%dma_wait3A_597 : memref<1048704xf32, #tpu.memory_space<vmem_shared>>)
        %dma_start3A_598 = arith.constant 15 : i32
        %dma_start3A_599 = arith.constant 15 : i32
        %dma_start3A_600 = arith.constant 0 : i32
        %dma_start3A_601 = tpu.memref_slice %arg13[%dma_start3A_598, %dma_start3A_600] : memref<16x128xf32, #tpu.memory_space<vmem>> -> memref<1x128xf32, #tpu.memory_space<vmem>>
        %dma_start3A_602 = tpu.memref_squeeze %dma_start3A_601 : memref<1x128xf32, #tpu.memory_space<vmem>> -> memref<128xf32, #tpu.memory_space<vmem>>
        %dma_start3A_603 = arith.constant 0 : i32
        %dma_start3A_604 = tpu.memref_slice %arg12[%dma_start3A_599, %dma_start3A_603] : memref<16x128xi32, #tpu.memory_space<vmem>> -> memref<1x128xi32, #tpu.memory_space<vmem>>
        %dma_start3A_605 = tpu.memref_squeeze %dma_start3A_604 : memref<1x128xi32, #tpu.memory_space<vmem>> -> memref<128xi32, #tpu.memory_space<vmem>>
        %dma_start3A_606 = arith.constant 0 : i32
        %dma_start3A_607 = tpu.memref_slice %arg16[%dma_start3A_606] : memref<1048704xf32, #tpu.memory_space<vmem_shared>> -> memref<1048704xf32, #tpu.memory_space<vmem_shared>>
        tpu.enqueue_indirect_dma source(%dma_start3A_602 : memref<128xf32, #tpu.memory_space<vmem>>) target(%dma_start3A_607 : memref<1048704xf32, #tpu.memory_space<vmem_shared>>) offsets(%dma_start3A_605 : memref<128xi32, #tpu.memory_space<vmem>>) semaphore(%arg15 : memref<!tpu.dma_semaphore, #tpu.memory_space<semaphore_mem>>) {add = true}
        %dma_wait3A_608 = arith.constant 7 : i32
        %dma_wait3A_609 = arith.constant 7 : i32
        %dma_wait3A_610 = arith.constant 0 : i32
        %dma_wait3A_611 = tpu.memref_slice %arg13[%dma_wait3A_608, %dma_wait3A_610] : memref<16x128xf32, #tpu.memory_space<vmem>> -> memref<1x128xf32, #tpu.memory_space<vmem>>
        %dma_wait3A_612 = tpu.memref_squeeze %dma_wait3A_611 : memref<1x128xf32, #tpu.memory_space<vmem>> -> memref<128xf32, #tpu.memory_space<vmem>>
        %dma_wait3A_613 = arith.constant 0 : i32
        %dma_wait3A_614 = tpu.memref_slice %arg12[%dma_wait3A_609, %dma_wait3A_613] : memref<16x128xi32, #tpu.memory_space<vmem>> -> memref<1x128xi32, #tpu.memory_space<vmem>>
        %dma_wait3A_615 = tpu.memref_squeeze %dma_wait3A_614 : memref<1x128xi32, #tpu.memory_space<vmem>> -> memref<128xi32, #tpu.memory_space<vmem>>
        %dma_wait3A_616 = arith.constant 0 : i32
        %dma_wait3A_617 = tpu.memref_slice %arg16[%dma_wait3A_616] : memref<1048704xf32, #tpu.memory_space<vmem_shared>> -> memref<1048704xf32, #tpu.memory_space<vmem_shared>>
        tpu.wait_indirect_dma semaphore(%arg15 : memref<!tpu.dma_semaphore, #tpu.memory_space<semaphore_mem>>) src(%dma_wait3A_612 : memref<128xf32, #tpu.memory_space<vmem>>) dst(%dma_wait3A_617 : memref<1048704xf32, #tpu.memory_space<vmem_shared>>)
        %dma_wait3A_618 = arith.constant 8 : i32
        %dma_wait3A_619 = arith.constant 8 : i32
        %dma_wait3A_620 = arith.constant 0 : i32
        %dma_wait3A_621 = tpu.memref_slice %arg13[%dma_wait3A_618, %dma_wait3A_620] : memref<16x128xf32, #tpu.memory_space<vmem>> -> memref<1x128xf32, #tpu.memory_space<vmem>>
        %dma_wait3A_622 = tpu.memref_squeeze %dma_wait3A_621 : memref<1x128xf32, #tpu.memory_space<vmem>> -> memref<128xf32, #tpu.memory_space<vmem>>
        %dma_wait3A_623 = arith.constant 0 : i32
        %dma_wait3A_624 = tpu.memref_slice %arg12[%dma_wait3A_619, %dma_wait3A_623] : memref<16x128xi32, #tpu.memory_space<vmem>> -> memref<1x128xi32, #tpu.memory_space<vmem>>
        %dma_wait3A_625 = tpu.memref_squeeze %dma_wait3A_624 : memref<1x128xi32, #tpu.memory_space<vmem>> -> memref<128xi32, #tpu.memory_space<vmem>>
        %dma_wait3A_626 = arith.constant 0 : i32
        %dma_wait3A_627 = tpu.memref_slice %arg16[%dma_wait3A_626] : memref<1048704xf32, #tpu.memory_space<vmem_shared>> -> memref<1048704xf32, #tpu.memory_space<vmem_shared>>
        tpu.wait_indirect_dma semaphore(%arg15 : memref<!tpu.dma_semaphore, #tpu.memory_space<semaphore_mem>>) src(%dma_wait3A_622 : memref<128xf32, #tpu.memory_space<vmem>>) dst(%dma_wait3A_627 : memref<1048704xf32, #tpu.memory_space<vmem_shared>>)
        %dma_wait3A_628 = arith.constant 9 : i32
        %dma_wait3A_629 = arith.constant 9 : i32
        %dma_wait3A_630 = arith.constant 0 : i32
        %dma_wait3A_631 = tpu.memref_slice %arg13[%dma_wait3A_628, %dma_wait3A_630] : memref<16x128xf32, #tpu.memory_space<vmem>> -> memref<1x128xf32, #tpu.memory_space<vmem>>
        %dma_wait3A_632 = tpu.memref_squeeze %dma_wait3A_631 : memref<1x128xf32, #tpu.memory_space<vmem>> -> memref<128xf32, #tpu.memory_space<vmem>>
        %dma_wait3A_633 = arith.constant 0 : i32
        %dma_wait3A_634 = tpu.memref_slice %arg12[%dma_wait3A_629, %dma_wait3A_633] : memref<16x128xi32, #tpu.memory_space<vmem>> -> memref<1x128xi32, #tpu.memory_space<vmem>>
        %dma_wait3A_635 = tpu.memref_squeeze %dma_wait3A_634 : memref<1x128xi32, #tpu.memory_space<vmem>> -> memref<128xi32, #tpu.memory_space<vmem>>
        %dma_wait3A_636 = arith.constant 0 : i32
        %dma_wait3A_637 = tpu.memref_slice %arg16[%dma_wait3A_636] : memref<1048704xf32, #tpu.memory_space<vmem_shared>> -> memref<1048704xf32, #tpu.memory_space<vmem_shared>>
        tpu.wait_indirect_dma semaphore(%arg15 : memref<!tpu.dma_semaphore, #tpu.memory_space<semaphore_mem>>) src(%dma_wait3A_632 : memref<128xf32, #tpu.memory_space<vmem>>) dst(%dma_wait3A_637 : memref<1048704xf32, #tpu.memory_space<vmem_shared>>)
        %dma_wait3A_638 = arith.constant 10 : i32
        %dma_wait3A_639 = arith.constant 10 : i32
        %dma_wait3A_640 = arith.constant 0 : i32
        %dma_wait3A_641 = tpu.memref_slice %arg13[%dma_wait3A_638, %dma_wait3A_640] : memref<16x128xf32, #tpu.memory_space<vmem>> -> memref<1x128xf32, #tpu.memory_space<vmem>>
        %dma_wait3A_642 = tpu.memref_squeeze %dma_wait3A_641 : memref<1x128xf32, #tpu.memory_space<vmem>> -> memref<128xf32, #tpu.memory_space<vmem>>
        %dma_wait3A_643 = arith.constant 0 : i32
        %dma_wait3A_644 = tpu.memref_slice %arg12[%dma_wait3A_639, %dma_wait3A_643] : memref<16x128xi32, #tpu.memory_space<vmem>> -> memref<1x128xi32, #tpu.memory_space<vmem>>
        %dma_wait3A_645 = tpu.memref_squeeze %dma_wait3A_644 : memref<1x128xi32, #tpu.memory_space<vmem>> -> memref<128xi32, #tpu.memory_space<vmem>>
        %dma_wait3A_646 = arith.constant 0 : i32
        %dma_wait3A_647 = tpu.memref_slice %arg16[%dma_wait3A_646] : memref<1048704xf32, #tpu.memory_space<vmem_shared>> -> memref<1048704xf32, #tpu.memory_space<vmem_shared>>
        tpu.wait_indirect_dma semaphore(%arg15 : memref<!tpu.dma_semaphore, #tpu.memory_space<semaphore_mem>>) src(%dma_wait3A_642 : memref<128xf32, #tpu.memory_space<vmem>>) dst(%dma_wait3A_647 : memref<1048704xf32, #tpu.memory_space<vmem_shared>>)
        %dma_wait3A_648 = arith.constant 11 : i32
        %dma_wait3A_649 = arith.constant 11 : i32
        %dma_wait3A_650 = arith.constant 0 : i32
        %dma_wait3A_651 = tpu.memref_slice %arg13[%dma_wait3A_648, %dma_wait3A_650] : memref<16x128xf32, #tpu.memory_space<vmem>> -> memref<1x128xf32, #tpu.memory_space<vmem>>
        %dma_wait3A_652 = tpu.memref_squeeze %dma_wait3A_651 : memref<1x128xf32, #tpu.memory_space<vmem>> -> memref<128xf32, #tpu.memory_space<vmem>>
        %dma_wait3A_653 = arith.constant 0 : i32
        %dma_wait3A_654 = tpu.memref_slice %arg12[%dma_wait3A_649, %dma_wait3A_653] : memref<16x128xi32, #tpu.memory_space<vmem>> -> memref<1x128xi32, #tpu.memory_space<vmem>>
        %dma_wait3A_655 = tpu.memref_squeeze %dma_wait3A_654 : memref<1x128xi32, #tpu.memory_space<vmem>> -> memref<128xi32, #tpu.memory_space<vmem>>
        %dma_wait3A_656 = arith.constant 0 : i32
        %dma_wait3A_657 = tpu.memref_slice %arg16[%dma_wait3A_656] : memref<1048704xf32, #tpu.memory_space<vmem_shared>> -> memref<1048704xf32, #tpu.memory_space<vmem_shared>>
        tpu.wait_indirect_dma semaphore(%arg15 : memref<!tpu.dma_semaphore, #tpu.memory_space<semaphore_mem>>) src(%dma_wait3A_652 : memref<128xf32, #tpu.memory_space<vmem>>) dst(%dma_wait3A_657 : memref<1048704xf32, #tpu.memory_space<vmem_shared>>)
        %dma_wait3A_658 = arith.constant 12 : i32
        %dma_wait3A_659 = arith.constant 12 : i32
        %dma_wait3A_660 = arith.constant 0 : i32
        %dma_wait3A_661 = tpu.memref_slice %arg13[%dma_wait3A_658, %dma_wait3A_660] : memref<16x128xf32, #tpu.memory_space<vmem>> -> memref<1x128xf32, #tpu.memory_space<vmem>>
        %dma_wait3A_662 = tpu.memref_squeeze %dma_wait3A_661 : memref<1x128xf32, #tpu.memory_space<vmem>> -> memref<128xf32, #tpu.memory_space<vmem>>
        %dma_wait3A_663 = arith.constant 0 : i32
        %dma_wait3A_664 = tpu.memref_slice %arg12[%dma_wait3A_659, %dma_wait3A_663] : memref<16x128xi32, #tpu.memory_space<vmem>> -> memref<1x128xi32, #tpu.memory_space<vmem>>
        %dma_wait3A_665 = tpu.memref_squeeze %dma_wait3A_664 : memref<1x128xi32, #tpu.memory_space<vmem>> -> memref<128xi32, #tpu.memory_space<vmem>>
        %dma_wait3A_666 = arith.constant 0 : i32
        %dma_wait3A_667 = tpu.memref_slice %arg16[%dma_wait3A_666] : memref<1048704xf32, #tpu.memory_space<vmem_shared>> -> memref<1048704xf32, #tpu.memory_space<vmem_shared>>
        tpu.wait_indirect_dma semaphore(%arg15 : memref<!tpu.dma_semaphore, #tpu.memory_space<semaphore_mem>>) src(%dma_wait3A_662 : memref<128xf32, #tpu.memory_space<vmem>>) dst(%dma_wait3A_667 : memref<1048704xf32, #tpu.memory_space<vmem_shared>>)
        %dma_wait3A_668 = arith.constant 13 : i32
        %dma_wait3A_669 = arith.constant 13 : i32
        %dma_wait3A_670 = arith.constant 0 : i32
        %dma_wait3A_671 = tpu.memref_slice %arg13[%dma_wait3A_668, %dma_wait3A_670] : memref<16x128xf32, #tpu.memory_space<vmem>> -> memref<1x128xf32, #tpu.memory_space<vmem>>
        %dma_wait3A_672 = tpu.memref_squeeze %dma_wait3A_671 : memref<1x128xf32, #tpu.memory_space<vmem>> -> memref<128xf32, #tpu.memory_space<vmem>>
        %dma_wait3A_673 = arith.constant 0 : i32
        %dma_wait3A_674 = tpu.memref_slice %arg12[%dma_wait3A_669, %dma_wait3A_673] : memref<16x128xi32, #tpu.memory_space<vmem>> -> memref<1x128xi32, #tpu.memory_space<vmem>>
        %dma_wait3A_675 = tpu.memref_squeeze %dma_wait3A_674 : memref<1x128xi32, #tpu.memory_space<vmem>> -> memref<128xi32, #tpu.memory_space<vmem>>
        %dma_wait3A_676 = arith.constant 0 : i32
        %dma_wait3A_677 = tpu.memref_slice %arg16[%dma_wait3A_676] : memref<1048704xf32, #tpu.memory_space<vmem_shared>> -> memref<1048704xf32, #tpu.memory_space<vmem_shared>>
        tpu.wait_indirect_dma semaphore(%arg15 : memref<!tpu.dma_semaphore, #tpu.memory_space<semaphore_mem>>) src(%dma_wait3A_672 : memref<128xf32, #tpu.memory_space<vmem>>) dst(%dma_wait3A_677 : memref<1048704xf32, #tpu.memory_space<vmem_shared>>)
        %dma_wait3A_678 = arith.constant 14 : i32
        %dma_wait3A_679 = arith.constant 14 : i32
        %dma_wait3A_680 = arith.constant 0 : i32
        %dma_wait3A_681 = tpu.memref_slice %arg13[%dma_wait3A_678, %dma_wait3A_680] : memref<16x128xf32, #tpu.memory_space<vmem>> -> memref<1x128xf32, #tpu.memory_space<vmem>>
        %dma_wait3A_682 = tpu.memref_squeeze %dma_wait3A_681 : memref<1x128xf32, #tpu.memory_space<vmem>> -> memref<128xf32, #tpu.memory_space<vmem>>
        %dma_wait3A_683 = arith.constant 0 : i32
        %dma_wait3A_684 = tpu.memref_slice %arg12[%dma_wait3A_679, %dma_wait3A_683] : memref<16x128xi32, #tpu.memory_space<vmem>> -> memref<1x128xi32, #tpu.memory_space<vmem>>
        %dma_wait3A_685 = tpu.memref_squeeze %dma_wait3A_684 : memref<1x128xi32, #tpu.memory_space<vmem>> -> memref<128xi32, #tpu.memory_space<vmem>>
        %dma_wait3A_686 = arith.constant 0 : i32
        %dma_wait3A_687 = tpu.memref_slice %arg16[%dma_wait3A_686] : memref<1048704xf32, #tpu.memory_space<vmem_shared>> -> memref<1048704xf32, #tpu.memory_space<vmem_shared>>
        tpu.wait_indirect_dma semaphore(%arg15 : memref<!tpu.dma_semaphore, #tpu.memory_space<semaphore_mem>>) src(%dma_wait3A_682 : memref<128xf32, #tpu.memory_space<vmem>>) dst(%dma_wait3A_687 : memref<1048704xf32, #tpu.memory_space<vmem_shared>>)
        %dma_wait3A_688 = arith.constant 15 : i32
        %dma_wait3A_689 = arith.constant 15 : i32
        %dma_wait3A_690 = arith.constant 0 : i32
        %dma_wait3A_691 = tpu.memref_slice %arg13[%dma_wait3A_688, %dma_wait3A_690] : memref<16x128xf32, #tpu.memory_space<vmem>> -> memref<1x128xf32, #tpu.memory_space<vmem>>
        %dma_wait3A_692 = tpu.memref_squeeze %dma_wait3A_691 : memref<1x128xf32, #tpu.memory_space<vmem>> -> memref<128xf32, #tpu.memory_space<vmem>>
        %dma_wait3A_693 = arith.constant 0 : i32
        %dma_wait3A_694 = tpu.memref_slice %arg12[%dma_wait3A_689, %dma_wait3A_693] : memref<16x128xi32, #tpu.memory_space<vmem>> -> memref<1x128xi32, #tpu.memory_space<vmem>>
        %dma_wait3A_695 = tpu.memref_squeeze %dma_wait3A_694 : memref<1x128xi32, #tpu.memory_space<vmem>> -> memref<128xi32, #tpu.memory_space<vmem>>
        %dma_wait3A_696 = arith.constant 0 : i32
        %dma_wait3A_697 = tpu.memref_slice %arg16[%dma_wait3A_696] : memref<1048704xf32, #tpu.memory_space<vmem_shared>> -> memref<1048704xf32, #tpu.memory_space<vmem_shared>>
        tpu.wait_indirect_dma semaphore(%arg15 : memref<!tpu.dma_semaphore, #tpu.memory_space<semaphore_mem>>) src(%dma_wait3A_692 : memref<128xf32, #tpu.memory_space<vmem>>) dst(%dma_wait3A_697 : memref<1048704xf32, #tpu.memory_space<vmem_shared>>)
      } else {
      }
      %barrier3A_376 = arith.constant 0 : index
      tpu.barrier barrier_id(%barrier3A_376)
      %scan3A_377 = arith.constant 0 : i32
      scf.yield %scan3A_377 : i32
    }
    %scan3A_91 = arith.constant 16 : i32
    %mul3A_92 = arith.constant 65536 : i32
    %mul3A_93 = arith.muli %arg1, %mul3A_92 : i32
    %mul3A_94 = arith.constant 1048576 : i32
    %mul3A_95 = arith.muli %add3A_15, %mul3A_94 : i32
    %mul3A_96 = arith.constant 65536 : i32
    %mul3A_97 = arith.muli %arg1, %mul3A_96 : i32
    %add3A_98 = arith.addi %mul3A_95, %mul3A_97 : i32
    "tpu.region"() ({
      %run_scoped3A = tpu.sem_alloc : memref<!tpu.dma_semaphore, #tpu.memory_space<semaphore_mem>>
      %dma_start3A_373 = tpu.memref_slice %arg6[%add3A_98] : memref<4194304xf32, #tpu.memory_space<hbm>> -> memref<65536xf32, #tpu.memory_space<hbm>>
      %dma_start3A_374 = tpu.memref_slice %arg16[%mul3A_93] : memref<1048704xf32, #tpu.memory_space<vmem_shared>> -> memref<65536xf32, #tpu.memory_space<vmem_shared>>
      tpu.enqueue_dma source(%dma_start3A_374 : memref<65536xf32, #tpu.memory_space<vmem_shared>>) target(%dma_start3A_373 : memref<65536xf32, #tpu.memory_space<hbm>>) target_semaphore(%run_scoped3A : memref<!tpu.dma_semaphore, #tpu.memory_space<semaphore_mem>>)
      %dma_wait3A_375 = tpu.memref_slice %arg6[%add3A_98] : memref<4194304xf32, #tpu.memory_space<hbm>> -> memref<65536xf32, #tpu.memory_space<hbm>>
      %dma_wait3A_376 = tpu.memref_slice %arg16[%mul3A_93] : memref<1048704xf32, #tpu.memory_space<vmem_shared>> -> memref<65536xf32, #tpu.memory_space<vmem_shared>>
      tpu.wait_dma2 semaphore(%run_scoped3A : memref<!tpu.dma_semaphore, #tpu.memory_space<semaphore_mem>>) src(%dma_wait3A_376 : memref<65536xf32, #tpu.memory_space<vmem_shared>>) dst(%dma_wait3A_375 : memref<65536xf32, #tpu.memory_space<hbm>>)
      tpu.yield
    }) : () -> ()
    %barrier3A_99 = arith.constant 0 : index
    tpu.barrier barrier_id(%barrier3A_99)
    %mul3A_100 = arith.constant 2 : i32
    %mul3A_101 = arith.muli %arg0, %mul3A_100 : i32
    %add3A_102 = arith.constant 1 : i32
    %add3A_103 = arith.addi %mul3A_101, %add3A_102 : i32
    %mul3A_104 = arith.constant 65536 : i32
    %mul3A_105 = arith.muli %arg1, %mul3A_104 : i32
    %add3A_106 = arith.constant 0 : i32
    %add3A_107 = arith.addi %mul3A_105, %add3A_106 : i32
    %dma_start3A_108 = tpu.memref_slice %arg16[%add3A_107] : memref<1048704xf32, #tpu.memory_space<vmem_shared>> -> memref<8192xf32, #tpu.memory_space<vmem_shared>>
    %dma_start3A_109 = tpu.memref_slice %arg16[%add3A_107] : memref<1048704xf32, #tpu.memory_space<vmem_shared>> -> memref<8192xf32, #tpu.memory_space<vmem_shared>>
    tpu.enqueue_dma source(%arg14 : memref<8192xf32, #tpu.memory_space<vmem>>) target(%dma_start3A_109 : memref<8192xf32, #tpu.memory_space<vmem_shared>>) target_semaphore(%arg15 : memref<!tpu.dma_semaphore, #tpu.memory_space<semaphore_mem>>)
    %mul3A_110 = arith.constant 65536 : i32
    %mul3A_111 = arith.muli %arg1, %mul3A_110 : i32
    %add3A_112 = arith.constant 8192 : i32
    %add3A_113 = arith.addi %mul3A_111, %add3A_112 : i32
    %dma_start3A_114 = tpu.memref_slice %arg16[%add3A_113] : memref<1048704xf32, #tpu.memory_space<vmem_shared>> -> memref<8192xf32, #tpu.memory_space<vmem_shared>>
    %dma_start3A_115 = tpu.memref_slice %arg16[%add3A_113] : memref<1048704xf32, #tpu.memory_space<vmem_shared>> -> memref<8192xf32, #tpu.memory_space<vmem_shared>>
    tpu.enqueue_dma source(%arg14 : memref<8192xf32, #tpu.memory_space<vmem>>) target(%dma_start3A_115 : memref<8192xf32, #tpu.memory_space<vmem_shared>>) target_semaphore(%arg15 : memref<!tpu.dma_semaphore, #tpu.memory_space<semaphore_mem>>)
    %mul3A_116 = arith.constant 65536 : i32
    %mul3A_117 = arith.muli %arg1, %mul3A_116 : i32
    %add3A_118 = arith.constant 16384 : i32
    %add3A_119 = arith.addi %mul3A_117, %add3A_118 : i32
    %dma_start3A_120 = tpu.memref_slice %arg16[%add3A_119] : memref<1048704xf32, #tpu.memory_space<vmem_shared>> -> memref<8192xf32, #tpu.memory_space<vmem_shared>>
    %dma_start3A_121 = tpu.memref_slice %arg16[%add3A_119] : memref<1048704xf32, #tpu.memory_space<vmem_shared>> -> memref<8192xf32, #tpu.memory_space<vmem_shared>>
    tpu.enqueue_dma source(%arg14 : memref<8192xf32, #tpu.memory_space<vmem>>) target(%dma_start3A_121 : memref<8192xf32, #tpu.memory_space<vmem_shared>>) target_semaphore(%arg15 : memref<!tpu.dma_semaphore, #tpu.memory_space<semaphore_mem>>)
    %mul3A_122 = arith.constant 65536 : i32
    %mul3A_123 = arith.muli %arg1, %mul3A_122 : i32
    %add3A_124 = arith.constant 24576 : i32
    %add3A_125 = arith.addi %mul3A_123, %add3A_124 : i32
    %dma_start3A_126 = tpu.memref_slice %arg16[%add3A_125] : memref<1048704xf32, #tpu.memory_space<vmem_shared>> -> memref<8192xf32, #tpu.memory_space<vmem_shared>>
    %dma_start3A_127 = tpu.memref_slice %arg16[%add3A_125] : memref<1048704xf32, #tpu.memory_space<vmem_shared>> -> memref<8192xf32, #tpu.memory_space<vmem_shared>>
    tpu.enqueue_dma source(%arg14 : memref<8192xf32, #tpu.memory_space<vmem>>) target(%dma_start3A_127 : memref<8192xf32, #tpu.memory_space<vmem_shared>>) target_semaphore(%arg15 : memref<!tpu.dma_semaphore, #tpu.memory_space<semaphore_mem>>)
    %mul3A_128 = arith.constant 65536 : i32
    %mul3A_129 = arith.muli %arg1, %mul3A_128 : i32
    %add3A_130 = arith.constant 32768 : i32
    %add3A_131 = arith.addi %mul3A_129, %add3A_130 : i32
    %dma_start3A_132 = tpu.memref_slice %arg16[%add3A_131] : memref<1048704xf32, #tpu.memory_space<vmem_shared>> -> memref<8192xf32, #tpu.memory_space<vmem_shared>>
    %dma_start3A_133 = tpu.memref_slice %arg16[%add3A_131] : memref<1048704xf32, #tpu.memory_space<vmem_shared>> -> memref<8192xf32, #tpu.memory_space<vmem_shared>>
    tpu.enqueue_dma source(%arg14 : memref<8192xf32, #tpu.memory_space<vmem>>) target(%dma_start3A_133 : memref<8192xf32, #tpu.memory_space<vmem_shared>>) target_semaphore(%arg15 : memref<!tpu.dma_semaphore, #tpu.memory_space<semaphore_mem>>)
    %mul3A_134 = arith.constant 65536 : i32
    %mul3A_135 = arith.muli %arg1, %mul3A_134 : i32
    %add3A_136 = arith.constant 40960 : i32
    %add3A_137 = arith.addi %mul3A_135, %add3A_136 : i32
    %dma_start3A_138 = tpu.memref_slice %arg16[%add3A_137] : memref<1048704xf32, #tpu.memory_space<vmem_shared>> -> memref<8192xf32, #tpu.memory_space<vmem_shared>>
    %dma_start3A_139 = tpu.memref_slice %arg16[%add3A_137] : memref<1048704xf32, #tpu.memory_space<vmem_shared>> -> memref<8192xf32, #tpu.memory_space<vmem_shared>>
    tpu.enqueue_dma source(%arg14 : memref<8192xf32, #tpu.memory_space<vmem>>) target(%dma_start3A_139 : memref<8192xf32, #tpu.memory_space<vmem_shared>>) target_semaphore(%arg15 : memref<!tpu.dma_semaphore, #tpu.memory_space<semaphore_mem>>)
    %mul3A_140 = arith.constant 65536 : i32
    %mul3A_141 = arith.muli %arg1, %mul3A_140 : i32
    %add3A_142 = arith.constant 49152 : i32
    %add3A_143 = arith.addi %mul3A_141, %add3A_142 : i32
    %dma_start3A_144 = tpu.memref_slice %arg16[%add3A_143] : memref<1048704xf32, #tpu.memory_space<vmem_shared>> -> memref<8192xf32, #tpu.memory_space<vmem_shared>>
    %dma_start3A_145 = tpu.memref_slice %arg16[%add3A_143] : memref<1048704xf32, #tpu.memory_space<vmem_shared>> -> memref<8192xf32, #tpu.memory_space<vmem_shared>>
    tpu.enqueue_dma source(%arg14 : memref<8192xf32, #tpu.memory_space<vmem>>) target(%dma_start3A_145 : memref<8192xf32, #tpu.memory_space<vmem_shared>>) target_semaphore(%arg15 : memref<!tpu.dma_semaphore, #tpu.memory_space<semaphore_mem>>)
    %mul3A_146 = arith.constant 65536 : i32
    %mul3A_147 = arith.muli %arg1, %mul3A_146 : i32
    %add3A_148 = arith.constant 57344 : i32
    %add3A_149 = arith.addi %mul3A_147, %add3A_148 : i32
    %dma_start3A_150 = tpu.memref_slice %arg16[%add3A_149] : memref<1048704xf32, #tpu.memory_space<vmem_shared>> -> memref<8192xf32, #tpu.memory_space<vmem_shared>>
    %dma_start3A_151 = tpu.memref_slice %arg16[%add3A_149] : memref<1048704xf32, #tpu.memory_space<vmem_shared>> -> memref<8192xf32, #tpu.memory_space<vmem_shared>>
    tpu.enqueue_dma source(%arg14 : memref<8192xf32, #tpu.memory_space<vmem>>) target(%dma_start3A_151 : memref<8192xf32, #tpu.memory_space<vmem_shared>>) target_semaphore(%arg15 : memref<!tpu.dma_semaphore, #tpu.memory_space<semaphore_mem>>)
    %dma_wait3A_152 = tpu.memref_slice %arg16[%add3A_107] : memref<1048704xf32, #tpu.memory_space<vmem_shared>> -> memref<8192xf32, #tpu.memory_space<vmem_shared>>
    %dma_wait3A_153 = tpu.memref_slice %arg16[%add3A_107] : memref<1048704xf32, #tpu.memory_space<vmem_shared>> -> memref<8192xf32, #tpu.memory_space<vmem_shared>>
    tpu.wait_dma2 semaphore(%arg15 : memref<!tpu.dma_semaphore, #tpu.memory_space<semaphore_mem>>) src(%arg14 : memref<8192xf32, #tpu.memory_space<vmem>>) dst(%dma_wait3A_153 : memref<8192xf32, #tpu.memory_space<vmem_shared>>)
    %dma_wait3A_154 = tpu.memref_slice %arg16[%add3A_113] : memref<1048704xf32, #tpu.memory_space<vmem_shared>> -> memref<8192xf32, #tpu.memory_space<vmem_shared>>
    %dma_wait3A_155 = tpu.memref_slice %arg16[%add3A_113] : memref<1048704xf32, #tpu.memory_space<vmem_shared>> -> memref<8192xf32, #tpu.memory_space<vmem_shared>>
    tpu.wait_dma2 semaphore(%arg15 : memref<!tpu.dma_semaphore, #tpu.memory_space<semaphore_mem>>) src(%arg14 : memref<8192xf32, #tpu.memory_space<vmem>>) dst(%dma_wait3A_155 : memref<8192xf32, #tpu.memory_space<vmem_shared>>)
    %dma_wait3A_156 = tpu.memref_slice %arg16[%add3A_119] : memref<1048704xf32, #tpu.memory_space<vmem_shared>> -> memref<8192xf32, #tpu.memory_space<vmem_shared>>
    %dma_wait3A_157 = tpu.memref_slice %arg16[%add3A_119] : memref<1048704xf32, #tpu.memory_space<vmem_shared>> -> memref<8192xf32, #tpu.memory_space<vmem_shared>>
    tpu.wait_dma2 semaphore(%arg15 : memref<!tpu.dma_semaphore, #tpu.memory_space<semaphore_mem>>) src(%arg14 : memref<8192xf32, #tpu.memory_space<vmem>>) dst(%dma_wait3A_157 : memref<8192xf32, #tpu.memory_space<vmem_shared>>)
    %dma_wait3A_158 = tpu.memref_slice %arg16[%add3A_125] : memref<1048704xf32, #tpu.memory_space<vmem_shared>> -> memref<8192xf32, #tpu.memory_space<vmem_shared>>
    %dma_wait3A_159 = tpu.memref_slice %arg16[%add3A_125] : memref<1048704xf32, #tpu.memory_space<vmem_shared>> -> memref<8192xf32, #tpu.memory_space<vmem_shared>>
    tpu.wait_dma2 semaphore(%arg15 : memref<!tpu.dma_semaphore, #tpu.memory_space<semaphore_mem>>) src(%arg14 : memref<8192xf32, #tpu.memory_space<vmem>>) dst(%dma_wait3A_159 : memref<8192xf32, #tpu.memory_space<vmem_shared>>)
    %dma_wait3A_160 = tpu.memref_slice %arg16[%add3A_131] : memref<1048704xf32, #tpu.memory_space<vmem_shared>> -> memref<8192xf32, #tpu.memory_space<vmem_shared>>
    %dma_wait3A_161 = tpu.memref_slice %arg16[%add3A_131] : memref<1048704xf32, #tpu.memory_space<vmem_shared>> -> memref<8192xf32, #tpu.memory_space<vmem_shared>>
    tpu.wait_dma2 semaphore(%arg15 : memref<!tpu.dma_semaphore, #tpu.memory_space<semaphore_mem>>) src(%arg14 : memref<8192xf32, #tpu.memory_space<vmem>>) dst(%dma_wait3A_161 : memref<8192xf32, #tpu.memory_space<vmem_shared>>)
    %dma_wait3A_162 = tpu.memref_slice %arg16[%add3A_137] : memref<1048704xf32, #tpu.memory_space<vmem_shared>> -> memref<8192xf32, #tpu.memory_space<vmem_shared>>
    %dma_wait3A_163 = tpu.memref_slice %arg16[%add3A_137] : memref<1048704xf32, #tpu.memory_space<vmem_shared>> -> memref<8192xf32, #tpu.memory_space<vmem_shared>>
    tpu.wait_dma2 semaphore(%arg15 : memref<!tpu.dma_semaphore, #tpu.memory_space<semaphore_mem>>) src(%arg14 : memref<8192xf32, #tpu.memory_space<vmem>>) dst(%dma_wait3A_163 : memref<8192xf32, #tpu.memory_space<vmem_shared>>)
    %dma_wait3A_164 = tpu.memref_slice %arg16[%add3A_143] : memref<1048704xf32, #tpu.memory_space<vmem_shared>> -> memref<8192xf32, #tpu.memory_space<vmem_shared>>
    %dma_wait3A_165 = tpu.memref_slice %arg16[%add3A_143] : memref<1048704xf32, #tpu.memory_space<vmem_shared>> -> memref<8192xf32, #tpu.memory_space<vmem_shared>>
    tpu.wait_dma2 semaphore(%arg15 : memref<!tpu.dma_semaphore, #tpu.memory_space<semaphore_mem>>) src(%arg14 : memref<8192xf32, #tpu.memory_space<vmem>>) dst(%dma_wait3A_165 : memref<8192xf32, #tpu.memory_space<vmem_shared>>)
    %dma_wait3A_166 = tpu.memref_slice %arg16[%add3A_149] : memref<1048704xf32, #tpu.memory_space<vmem_shared>> -> memref<8192xf32, #tpu.memory_space<vmem_shared>>
    %dma_wait3A_167 = tpu.memref_slice %arg16[%add3A_149] : memref<1048704xf32, #tpu.memory_space<vmem_shared>> -> memref<8192xf32, #tpu.memory_space<vmem_shared>>
    tpu.wait_dma2 semaphore(%arg15 : memref<!tpu.dma_semaphore, #tpu.memory_space<semaphore_mem>>) src(%arg14 : memref<8192xf32, #tpu.memory_space<vmem>>) dst(%dma_wait3A_167 : memref<8192xf32, #tpu.memory_space<vmem_shared>>)
    %scan3A_168 = arith.constant 0 : i32
    %scan3A_169 = arith.constant 0 : i32
    %scan3A_170 = arith.constant 128 : i32
    %scan3A_171 = arith.addi %scan3A_169, %scan3A_170 : i32
    %scan3A_172 = arith.constant 1 : i32
    %scan3A_173 = scf.for %scan3A_373 = %scan3A_169 to %scan3A_171 step %scan3A_172 iter_args(%scan3A_374 = %scan3A_168) -> (i32)  : i32 {
      %mul3A_375 = arith.constant 16 : i32
      %mul3A_376 = arith.muli %scan3A_373, %mul3A_375 : i32
      %get3A = arith.index_cast %mul3A_376 : i32 to index
      %get3A_377 = tpu.vector_load %arg8[%get3A] {strides = array<i32>} : memref<2048xi32, #tpu.memory_space<vmem>>, vector<16xi32>,
      %get3A_378 = vector.shape_cast %get3A_377 : vector<16xi32> to vector<16xi32>
      %get3A_379 = arith.index_cast %mul3A_376 : i32 to index
      %get3A_380 = tpu.vector_load %arg9[%get3A_379] {strides = array<i32>} : memref<2048xi32, #tpu.memory_space<vmem>>, vector<16xi32>,
      %get3A_381 = vector.shape_cast %get3A_380 : vector<16xi32> to vector<16xi32>
      %get3A_382 = arith.index_cast %mul3A_376 : i32 to index
      %get3A_383 = tpu.vector_load %arg10[%get3A_382] {strides = array<i32>} : memref<2048xf32, #tpu.memory_space<vmem>>, vector<16xf32>,
      %get3A_384 = vector.shape_cast %get3A_383 : vector<16xf32> to vector<16xf32>
      %shift_right_logical3A = arith.constant 9 : i32
      %shift_right_logical3A_385 = vector.broadcast %shift_right_logical3A : i32 to vector<16xi32>
      %shift_right_logical3A_386 = arith.shrui %get3A_378, %shift_right_logical3A_385 : vector<16xi32>
      %eq3A = vector.broadcast %add3A_103 : i32 to vector<16xi32>
      %eq3A_387 = arith.cmpi eq, %shift_right_logical3A_386, %eq3A : vector<16xi32>
      %and3A = arith.constant 511 : i32
      %and3A_388 = vector.broadcast %and3A : i32 to vector<16xi32>
      %and3A_389 = arith.andi %get3A_378, %and3A_388 : vector<16xi32>
      %shift_left3A = arith.constant 11 : i32
      %shift_left3A_390 = vector.broadcast %shift_left3A : i32 to vector<16xi32>
      %shift_left3A_391 = arith.shli %and3A_389, %shift_left3A_390 : vector<16xi32>
      %add3A_392 = arith.addi %shift_left3A_391, %get3A_381 : vector<16xi32>
      %select_n3A = arith.select %eq3A_387, %add3A_392, %add3A_3 : vector<16xi1>, vector<16xi32>
      %jit3A = arith.constant 0.000000e+00 : f32
      %broadcast_in_dim3A = vector.broadcast %jit3A : f32 to vector<16xf32>
      %select_n3A_393 = arith.select %eq3A_387, %get3A_384, %broadcast_in_dim3A : vector<16xi1>, vector<16xf32>
      %shift_right_logical3A_394 = arith.constant 3 : i32
      %shift_right_logical3A_395 = arith.shrui %scan3A_373, %shift_right_logical3A_394 : i32
      %and3A_396 = arith.constant 7 : i32
      %and3A_397 = arith.andi %scan3A_373, %and3A_396 : i32
      %mul3A_398 = arith.constant 16 : i32
      %mul3A_399 = arith.muli %and3A_397, %mul3A_398 : i32
      %swap3A = arith.index_cast %shift_right_logical3A_395 : i32 to index
      %swap3A_400 = arith.index_cast %mul3A_399 : i32 to index
      %swap3A_401 = tpu.vector_load %arg12[%swap3A, %swap3A_400] {strides = array<i32>} : memref<16x128xi32, #tpu.memory_space<vmem>>, vector<1x16xi32>,
      %swap3A_402 = vector.shape_cast %swap3A_401 : vector<1x16xi32> to vector<16xi32>
      %swap3A_403 = vector.shape_cast %select_n3A : vector<16xi32> to vector<1x16xi32>
      tpu.vector_store %arg12[%swap3A, %swap3A_400], %swap3A_403 {strides = array<i32>} : memref<16x128xi32, #tpu.memory_space<vmem>>, vector<1x16xi32>,
      %swap3A_404 = arith.index_cast %shift_right_logical3A_395 : i32 to index
      %swap3A_405 = arith.index_cast %mul3A_399 : i32 to index
      %swap3A_406 = tpu.vector_load %arg13[%swap3A_404, %swap3A_405] {strides = array<i32>} : memref<16x128xf32, #tpu.memory_space<vmem>>, vector<1x16xf32>,
      %swap3A_407 = vector.shape_cast %swap3A_406 : vector<1x16xf32> to vector<16xf32>
      %swap3A_408 = vector.shape_cast %select_n3A_393 : vector<16xf32> to vector<1x16xf32>
      tpu.vector_store %arg13[%swap3A_404, %swap3A_405], %swap3A_408 {strides = array<i32>} : memref<16x128xf32, #tpu.memory_space<vmem>>, vector<1x16xf32>,
      %scan3A_409 = arith.constant 0 : i32
      scf.yield %scan3A_409 : i32
    }
    %scan3A_174 = arith.constant 128 : i32
    %barrier3A_175 = arith.constant 0 : index
    tpu.barrier barrier_id(%barrier3A_175)
    %scan3A_176 = arith.constant 0 : i32
    %scan3A_177 = arith.constant 0 : i32
    %scan3A_178 = arith.constant 16 : i32
    %scan3A_179 = arith.addi %scan3A_177, %scan3A_178 : i32
    %scan3A_180 = arith.constant 1 : i32
    %scan3A_181 = scf.for %scan3A_373 = %scan3A_177 to %scan3A_179 step %scan3A_180 iter_args(%scan3A_374 = %scan3A_176) -> (i32)  : i32 {
      %eq3A = arith.cmpi eq, %arg1, %scan3A_373 : i32
      %convert_element_type3A = arith.extui %eq3A : i1 to i32
      %cond3A = arith.constant 0 : i32
      %cond3A_375 = arith.cmpi ne, %convert_element_type3A, %cond3A : i32
      scf.if %cond3A_375 {
        %dma_start3A_378 = arith.constant 0 : i32
        %dma_start3A_379 = arith.constant 0 : i32
        %dma_start3A_380 = arith.constant 0 : i32
        %dma_start3A_381 = tpu.memref_slice %arg13[%dma_start3A_378, %dma_start3A_380] : memref<16x128xf32, #tpu.memory_space<vmem>> -> memref<1x128xf32, #tpu.memory_space<vmem>>
        %dma_start3A_382 = tpu.memref_squeeze %dma_start3A_381 : memref<1x128xf32, #tpu.memory_space<vmem>> -> memref<128xf32, #tpu.memory_space<vmem>>
        %dma_start3A_383 = arith.constant 0 : i32
        %dma_start3A_384 = tpu.memref_slice %arg12[%dma_start3A_379, %dma_start3A_383] : memref<16x128xi32, #tpu.memory_space<vmem>> -> memref<1x128xi32, #tpu.memory_space<vmem>>
        %dma_start3A_385 = tpu.memref_squeeze %dma_start3A_384 : memref<1x128xi32, #tpu.memory_space<vmem>> -> memref<128xi32, #tpu.memory_space<vmem>>
        %dma_start3A_386 = arith.constant 0 : i32
        %dma_start3A_387 = tpu.memref_slice %arg16[%dma_start3A_386] : memref<1048704xf32, #tpu.memory_space<vmem_shared>> -> memref<1048704xf32, #tpu.memory_space<vmem_shared>>
        tpu.enqueue_indirect_dma source(%dma_start3A_382 : memref<128xf32, #tpu.memory_space<vmem>>) target(%dma_start3A_387 : memref<1048704xf32, #tpu.memory_space<vmem_shared>>) offsets(%dma_start3A_385 : memref<128xi32, #tpu.memory_space<vmem>>) semaphore(%arg15 : memref<!tpu.dma_semaphore, #tpu.memory_space<semaphore_mem>>) {add = true}
        %dma_start3A_388 = arith.constant 1 : i32
        %dma_start3A_389 = arith.constant 1 : i32
        %dma_start3A_390 = arith.constant 0 : i32
        %dma_start3A_391 = tpu.memref_slice %arg13[%dma_start3A_388, %dma_start3A_390] : memref<16x128xf32, #tpu.memory_space<vmem>> -> memref<1x128xf32, #tpu.memory_space<vmem>>
        %dma_start3A_392 = tpu.memref_squeeze %dma_start3A_391 : memref<1x128xf32, #tpu.memory_space<vmem>> -> memref<128xf32, #tpu.memory_space<vmem>>
        %dma_start3A_393 = arith.constant 0 : i32
        %dma_start3A_394 = tpu.memref_slice %arg12[%dma_start3A_389, %dma_start3A_393] : memref<16x128xi32, #tpu.memory_space<vmem>> -> memref<1x128xi32, #tpu.memory_space<vmem>>
        %dma_start3A_395 = tpu.memref_squeeze %dma_start3A_394 : memref<1x128xi32, #tpu.memory_space<vmem>> -> memref<128xi32, #tpu.memory_space<vmem>>
        %dma_start3A_396 = arith.constant 0 : i32
        %dma_start3A_397 = tpu.memref_slice %arg16[%dma_start3A_396] : memref<1048704xf32, #tpu.memory_space<vmem_shared>> -> memref<1048704xf32, #tpu.memory_space<vmem_shared>>
        tpu.enqueue_indirect_dma source(%dma_start3A_392 : memref<128xf32, #tpu.memory_space<vmem>>) target(%dma_start3A_397 : memref<1048704xf32, #tpu.memory_space<vmem_shared>>) offsets(%dma_start3A_395 : memref<128xi32, #tpu.memory_space<vmem>>) semaphore(%arg15 : memref<!tpu.dma_semaphore, #tpu.memory_space<semaphore_mem>>) {add = true}
        %dma_start3A_398 = arith.constant 2 : i32
        %dma_start3A_399 = arith.constant 2 : i32
        %dma_start3A_400 = arith.constant 0 : i32
        %dma_start3A_401 = tpu.memref_slice %arg13[%dma_start3A_398, %dma_start3A_400] : memref<16x128xf32, #tpu.memory_space<vmem>> -> memref<1x128xf32, #tpu.memory_space<vmem>>
        %dma_start3A_402 = tpu.memref_squeeze %dma_start3A_401 : memref<1x128xf32, #tpu.memory_space<vmem>> -> memref<128xf32, #tpu.memory_space<vmem>>
        %dma_start3A_403 = arith.constant 0 : i32
        %dma_start3A_404 = tpu.memref_slice %arg12[%dma_start3A_399, %dma_start3A_403] : memref<16x128xi32, #tpu.memory_space<vmem>> -> memref<1x128xi32, #tpu.memory_space<vmem>>
        %dma_start3A_405 = tpu.memref_squeeze %dma_start3A_404 : memref<1x128xi32, #tpu.memory_space<vmem>> -> memref<128xi32, #tpu.memory_space<vmem>>
        %dma_start3A_406 = arith.constant 0 : i32
        %dma_start3A_407 = tpu.memref_slice %arg16[%dma_start3A_406] : memref<1048704xf32, #tpu.memory_space<vmem_shared>> -> memref<1048704xf32, #tpu.memory_space<vmem_shared>>
        tpu.enqueue_indirect_dma source(%dma_start3A_402 : memref<128xf32, #tpu.memory_space<vmem>>) target(%dma_start3A_407 : memref<1048704xf32, #tpu.memory_space<vmem_shared>>) offsets(%dma_start3A_405 : memref<128xi32, #tpu.memory_space<vmem>>) semaphore(%arg15 : memref<!tpu.dma_semaphore, #tpu.memory_space<semaphore_mem>>) {add = true}
        %dma_start3A_408 = arith.constant 3 : i32
        %dma_start3A_409 = arith.constant 3 : i32
        %dma_start3A_410 = arith.constant 0 : i32
        %dma_start3A_411 = tpu.memref_slice %arg13[%dma_start3A_408, %dma_start3A_410] : memref<16x128xf32, #tpu.memory_space<vmem>> -> memref<1x128xf32, #tpu.memory_space<vmem>>
        %dma_start3A_412 = tpu.memref_squeeze %dma_start3A_411 : memref<1x128xf32, #tpu.memory_space<vmem>> -> memref<128xf32, #tpu.memory_space<vmem>>
        %dma_start3A_413 = arith.constant 0 : i32
        %dma_start3A_414 = tpu.memref_slice %arg12[%dma_start3A_409, %dma_start3A_413] : memref<16x128xi32, #tpu.memory_space<vmem>> -> memref<1x128xi32, #tpu.memory_space<vmem>>
        %dma_start3A_415 = tpu.memref_squeeze %dma_start3A_414 : memref<1x128xi32, #tpu.memory_space<vmem>> -> memref<128xi32, #tpu.memory_space<vmem>>
        %dma_start3A_416 = arith.constant 0 : i32
        %dma_start3A_417 = tpu.memref_slice %arg16[%dma_start3A_416] : memref<1048704xf32, #tpu.memory_space<vmem_shared>> -> memref<1048704xf32, #tpu.memory_space<vmem_shared>>
        tpu.enqueue_indirect_dma source(%dma_start3A_412 : memref<128xf32, #tpu.memory_space<vmem>>) target(%dma_start3A_417 : memref<1048704xf32, #tpu.memory_space<vmem_shared>>) offsets(%dma_start3A_415 : memref<128xi32, #tpu.memory_space<vmem>>) semaphore(%arg15 : memref<!tpu.dma_semaphore, #tpu.memory_space<semaphore_mem>>) {add = true}
        %dma_start3A_418 = arith.constant 4 : i32
        %dma_start3A_419 = arith.constant 4 : i32
        %dma_start3A_420 = arith.constant 0 : i32
        %dma_start3A_421 = tpu.memref_slice %arg13[%dma_start3A_418, %dma_start3A_420] : memref<16x128xf32, #tpu.memory_space<vmem>> -> memref<1x128xf32, #tpu.memory_space<vmem>>
        %dma_start3A_422 = tpu.memref_squeeze %dma_start3A_421 : memref<1x128xf32, #tpu.memory_space<vmem>> -> memref<128xf32, #tpu.memory_space<vmem>>
        %dma_start3A_423 = arith.constant 0 : i32
        %dma_start3A_424 = tpu.memref_slice %arg12[%dma_start3A_419, %dma_start3A_423] : memref<16x128xi32, #tpu.memory_space<vmem>> -> memref<1x128xi32, #tpu.memory_space<vmem>>
        %dma_start3A_425 = tpu.memref_squeeze %dma_start3A_424 : memref<1x128xi32, #tpu.memory_space<vmem>> -> memref<128xi32, #tpu.memory_space<vmem>>
        %dma_start3A_426 = arith.constant 0 : i32
        %dma_start3A_427 = tpu.memref_slice %arg16[%dma_start3A_426] : memref<1048704xf32, #tpu.memory_space<vmem_shared>> -> memref<1048704xf32, #tpu.memory_space<vmem_shared>>
        tpu.enqueue_indirect_dma source(%dma_start3A_422 : memref<128xf32, #tpu.memory_space<vmem>>) target(%dma_start3A_427 : memref<1048704xf32, #tpu.memory_space<vmem_shared>>) offsets(%dma_start3A_425 : memref<128xi32, #tpu.memory_space<vmem>>) semaphore(%arg15 : memref<!tpu.dma_semaphore, #tpu.memory_space<semaphore_mem>>) {add = true}
        %dma_start3A_428 = arith.constant 5 : i32
        %dma_start3A_429 = arith.constant 5 : i32
        %dma_start3A_430 = arith.constant 0 : i32
        %dma_start3A_431 = tpu.memref_slice %arg13[%dma_start3A_428, %dma_start3A_430] : memref<16x128xf32, #tpu.memory_space<vmem>> -> memref<1x128xf32, #tpu.memory_space<vmem>>
        %dma_start3A_432 = tpu.memref_squeeze %dma_start3A_431 : memref<1x128xf32, #tpu.memory_space<vmem>> -> memref<128xf32, #tpu.memory_space<vmem>>
        %dma_start3A_433 = arith.constant 0 : i32
        %dma_start3A_434 = tpu.memref_slice %arg12[%dma_start3A_429, %dma_start3A_433] : memref<16x128xi32, #tpu.memory_space<vmem>> -> memref<1x128xi32, #tpu.memory_space<vmem>>
        %dma_start3A_435 = tpu.memref_squeeze %dma_start3A_434 : memref<1x128xi32, #tpu.memory_space<vmem>> -> memref<128xi32, #tpu.memory_space<vmem>>
        %dma_start3A_436 = arith.constant 0 : i32
        %dma_start3A_437 = tpu.memref_slice %arg16[%dma_start3A_436] : memref<1048704xf32, #tpu.memory_space<vmem_shared>> -> memref<1048704xf32, #tpu.memory_space<vmem_shared>>
        tpu.enqueue_indirect_dma source(%dma_start3A_432 : memref<128xf32, #tpu.memory_space<vmem>>) target(%dma_start3A_437 : memref<1048704xf32, #tpu.memory_space<vmem_shared>>) offsets(%dma_start3A_435 : memref<128xi32, #tpu.memory_space<vmem>>) semaphore(%arg15 : memref<!tpu.dma_semaphore, #tpu.memory_space<semaphore_mem>>) {add = true}
        %dma_start3A_438 = arith.constant 6 : i32
        %dma_start3A_439 = arith.constant 6 : i32
        %dma_start3A_440 = arith.constant 0 : i32
        %dma_start3A_441 = tpu.memref_slice %arg13[%dma_start3A_438, %dma_start3A_440] : memref<16x128xf32, #tpu.memory_space<vmem>> -> memref<1x128xf32, #tpu.memory_space<vmem>>
        %dma_start3A_442 = tpu.memref_squeeze %dma_start3A_441 : memref<1x128xf32, #tpu.memory_space<vmem>> -> memref<128xf32, #tpu.memory_space<vmem>>
        %dma_start3A_443 = arith.constant 0 : i32
        %dma_start3A_444 = tpu.memref_slice %arg12[%dma_start3A_439, %dma_start3A_443] : memref<16x128xi32, #tpu.memory_space<vmem>> -> memref<1x128xi32, #tpu.memory_space<vmem>>
        %dma_start3A_445 = tpu.memref_squeeze %dma_start3A_444 : memref<1x128xi32, #tpu.memory_space<vmem>> -> memref<128xi32, #tpu.memory_space<vmem>>
        %dma_start3A_446 = arith.constant 0 : i32
        %dma_start3A_447 = tpu.memref_slice %arg16[%dma_start3A_446] : memref<1048704xf32, #tpu.memory_space<vmem_shared>> -> memref<1048704xf32, #tpu.memory_space<vmem_shared>>
        tpu.enqueue_indirect_dma source(%dma_start3A_442 : memref<128xf32, #tpu.memory_space<vmem>>) target(%dma_start3A_447 : memref<1048704xf32, #tpu.memory_space<vmem_shared>>) offsets(%dma_start3A_445 : memref<128xi32, #tpu.memory_space<vmem>>) semaphore(%arg15 : memref<!tpu.dma_semaphore, #tpu.memory_space<semaphore_mem>>) {add = true}
        %dma_start3A_448 = arith.constant 7 : i32
        %dma_start3A_449 = arith.constant 7 : i32
        %dma_start3A_450 = arith.constant 0 : i32
        %dma_start3A_451 = tpu.memref_slice %arg13[%dma_start3A_448, %dma_start3A_450] : memref<16x128xf32, #tpu.memory_space<vmem>> -> memref<1x128xf32, #tpu.memory_space<vmem>>
        %dma_start3A_452 = tpu.memref_squeeze %dma_start3A_451 : memref<1x128xf32, #tpu.memory_space<vmem>> -> memref<128xf32, #tpu.memory_space<vmem>>
        %dma_start3A_453 = arith.constant 0 : i32
        %dma_start3A_454 = tpu.memref_slice %arg12[%dma_start3A_449, %dma_start3A_453] : memref<16x128xi32, #tpu.memory_space<vmem>> -> memref<1x128xi32, #tpu.memory_space<vmem>>
        %dma_start3A_455 = tpu.memref_squeeze %dma_start3A_454 : memref<1x128xi32, #tpu.memory_space<vmem>> -> memref<128xi32, #tpu.memory_space<vmem>>
        %dma_start3A_456 = arith.constant 0 : i32
        %dma_start3A_457 = tpu.memref_slice %arg16[%dma_start3A_456] : memref<1048704xf32, #tpu.memory_space<vmem_shared>> -> memref<1048704xf32, #tpu.memory_space<vmem_shared>>
        tpu.enqueue_indirect_dma source(%dma_start3A_452 : memref<128xf32, #tpu.memory_space<vmem>>) target(%dma_start3A_457 : memref<1048704xf32, #tpu.memory_space<vmem_shared>>) offsets(%dma_start3A_455 : memref<128xi32, #tpu.memory_space<vmem>>) semaphore(%arg15 : memref<!tpu.dma_semaphore, #tpu.memory_space<semaphore_mem>>) {add = true}
        %dma_start3A_458 = arith.constant 8 : i32
        %dma_start3A_459 = arith.constant 8 : i32
        %dma_start3A_460 = arith.constant 0 : i32
        %dma_start3A_461 = tpu.memref_slice %arg13[%dma_start3A_458, %dma_start3A_460] : memref<16x128xf32, #tpu.memory_space<vmem>> -> memref<1x128xf32, #tpu.memory_space<vmem>>
        %dma_start3A_462 = tpu.memref_squeeze %dma_start3A_461 : memref<1x128xf32, #tpu.memory_space<vmem>> -> memref<128xf32, #tpu.memory_space<vmem>>
        %dma_start3A_463 = arith.constant 0 : i32
        %dma_start3A_464 = tpu.memref_slice %arg12[%dma_start3A_459, %dma_start3A_463] : memref<16x128xi32, #tpu.memory_space<vmem>> -> memref<1x128xi32, #tpu.memory_space<vmem>>
        %dma_start3A_465 = tpu.memref_squeeze %dma_start3A_464 : memref<1x128xi32, #tpu.memory_space<vmem>> -> memref<128xi32, #tpu.memory_space<vmem>>
        %dma_start3A_466 = arith.constant 0 : i32
        %dma_start3A_467 = tpu.memref_slice %arg16[%dma_start3A_466] : memref<1048704xf32, #tpu.memory_space<vmem_shared>> -> memref<1048704xf32, #tpu.memory_space<vmem_shared>>
        tpu.enqueue_indirect_dma source(%dma_start3A_462 : memref<128xf32, #tpu.memory_space<vmem>>) target(%dma_start3A_467 : memref<1048704xf32, #tpu.memory_space<vmem_shared>>) offsets(%dma_start3A_465 : memref<128xi32, #tpu.memory_space<vmem>>) semaphore(%arg15 : memref<!tpu.dma_semaphore, #tpu.memory_space<semaphore_mem>>) {add = true}
        %dma_wait3A_468 = arith.constant 0 : i32
        %dma_wait3A_469 = arith.constant 0 : i32
        %dma_wait3A_470 = arith.constant 0 : i32
        %dma_wait3A_471 = tpu.memref_slice %arg13[%dma_wait3A_468, %dma_wait3A_470] : memref<16x128xf32, #tpu.memory_space<vmem>> -> memref<1x128xf32, #tpu.memory_space<vmem>>
        %dma_wait3A_472 = tpu.memref_squeeze %dma_wait3A_471 : memref<1x128xf32, #tpu.memory_space<vmem>> -> memref<128xf32, #tpu.memory_space<vmem>>
        %dma_wait3A_473 = arith.constant 0 : i32
        %dma_wait3A_474 = tpu.memref_slice %arg12[%dma_wait3A_469, %dma_wait3A_473] : memref<16x128xi32, #tpu.memory_space<vmem>> -> memref<1x128xi32, #tpu.memory_space<vmem>>
        %dma_wait3A_475 = tpu.memref_squeeze %dma_wait3A_474 : memref<1x128xi32, #tpu.memory_space<vmem>> -> memref<128xi32, #tpu.memory_space<vmem>>
        %dma_wait3A_476 = arith.constant 0 : i32
        %dma_wait3A_477 = tpu.memref_slice %arg16[%dma_wait3A_476] : memref<1048704xf32, #tpu.memory_space<vmem_shared>> -> memref<1048704xf32, #tpu.memory_space<vmem_shared>>
        tpu.wait_indirect_dma semaphore(%arg15 : memref<!tpu.dma_semaphore, #tpu.memory_space<semaphore_mem>>) src(%dma_wait3A_472 : memref<128xf32, #tpu.memory_space<vmem>>) dst(%dma_wait3A_477 : memref<1048704xf32, #tpu.memory_space<vmem_shared>>)
        %dma_start3A_478 = arith.constant 9 : i32
        %dma_start3A_479 = arith.constant 9 : i32
        %dma_start3A_480 = arith.constant 0 : i32
        %dma_start3A_481 = tpu.memref_slice %arg13[%dma_start3A_478, %dma_start3A_480] : memref<16x128xf32, #tpu.memory_space<vmem>> -> memref<1x128xf32, #tpu.memory_space<vmem>>
        %dma_start3A_482 = tpu.memref_squeeze %dma_start3A_481 : memref<1x128xf32, #tpu.memory_space<vmem>> -> memref<128xf32, #tpu.memory_space<vmem>>
        %dma_start3A_483 = arith.constant 0 : i32
        %dma_start3A_484 = tpu.memref_slice %arg12[%dma_start3A_479, %dma_start3A_483] : memref<16x128xi32, #tpu.memory_space<vmem>> -> memref<1x128xi32, #tpu.memory_space<vmem>>
        %dma_start3A_485 = tpu.memref_squeeze %dma_start3A_484 : memref<1x128xi32, #tpu.memory_space<vmem>> -> memref<128xi32, #tpu.memory_space<vmem>>
        %dma_start3A_486 = arith.constant 0 : i32
        %dma_start3A_487 = tpu.memref_slice %arg16[%dma_start3A_486] : memref<1048704xf32, #tpu.memory_space<vmem_shared>> -> memref<1048704xf32, #tpu.memory_space<vmem_shared>>
        tpu.enqueue_indirect_dma source(%dma_start3A_482 : memref<128xf32, #tpu.memory_space<vmem>>) target(%dma_start3A_487 : memref<1048704xf32, #tpu.memory_space<vmem_shared>>) offsets(%dma_start3A_485 : memref<128xi32, #tpu.memory_space<vmem>>) semaphore(%arg15 : memref<!tpu.dma_semaphore, #tpu.memory_space<semaphore_mem>>) {add = true}
        %dma_wait3A_488 = arith.constant 1 : i32
        %dma_wait3A_489 = arith.constant 1 : i32
        %dma_wait3A_490 = arith.constant 0 : i32
        %dma_wait3A_491 = tpu.memref_slice %arg13[%dma_wait3A_488, %dma_wait3A_490] : memref<16x128xf32, #tpu.memory_space<vmem>> -> memref<1x128xf32, #tpu.memory_space<vmem>>
        %dma_wait3A_492 = tpu.memref_squeeze %dma_wait3A_491 : memref<1x128xf32, #tpu.memory_space<vmem>> -> memref<128xf32, #tpu.memory_space<vmem>>
        %dma_wait3A_493 = arith.constant 0 : i32
        %dma_wait3A_494 = tpu.memref_slice %arg12[%dma_wait3A_489, %dma_wait3A_493] : memref<16x128xi32, #tpu.memory_space<vmem>> -> memref<1x128xi32, #tpu.memory_space<vmem>>
        %dma_wait3A_495 = tpu.memref_squeeze %dma_wait3A_494 : memref<1x128xi32, #tpu.memory_space<vmem>> -> memref<128xi32, #tpu.memory_space<vmem>>
        %dma_wait3A_496 = arith.constant 0 : i32
        %dma_wait3A_497 = tpu.memref_slice %arg16[%dma_wait3A_496] : memref<1048704xf32, #tpu.memory_space<vmem_shared>> -> memref<1048704xf32, #tpu.memory_space<vmem_shared>>
        tpu.wait_indirect_dma semaphore(%arg15 : memref<!tpu.dma_semaphore, #tpu.memory_space<semaphore_mem>>) src(%dma_wait3A_492 : memref<128xf32, #tpu.memory_space<vmem>>) dst(%dma_wait3A_497 : memref<1048704xf32, #tpu.memory_space<vmem_shared>>)
        %dma_start3A_498 = arith.constant 10 : i32
        %dma_start3A_499 = arith.constant 10 : i32
        %dma_start3A_500 = arith.constant 0 : i32
        %dma_start3A_501 = tpu.memref_slice %arg13[%dma_start3A_498, %dma_start3A_500] : memref<16x128xf32, #tpu.memory_space<vmem>> -> memref<1x128xf32, #tpu.memory_space<vmem>>
        %dma_start3A_502 = tpu.memref_squeeze %dma_start3A_501 : memref<1x128xf32, #tpu.memory_space<vmem>> -> memref<128xf32, #tpu.memory_space<vmem>>
        %dma_start3A_503 = arith.constant 0 : i32
        %dma_start3A_504 = tpu.memref_slice %arg12[%dma_start3A_499, %dma_start3A_503] : memref<16x128xi32, #tpu.memory_space<vmem>> -> memref<1x128xi32, #tpu.memory_space<vmem>>
        %dma_start3A_505 = tpu.memref_squeeze %dma_start3A_504 : memref<1x128xi32, #tpu.memory_space<vmem>> -> memref<128xi32, #tpu.memory_space<vmem>>
        %dma_start3A_506 = arith.constant 0 : i32
        %dma_start3A_507 = tpu.memref_slice %arg16[%dma_start3A_506] : memref<1048704xf32, #tpu.memory_space<vmem_shared>> -> memref<1048704xf32, #tpu.memory_space<vmem_shared>>
        tpu.enqueue_indirect_dma source(%dma_start3A_502 : memref<128xf32, #tpu.memory_space<vmem>>) target(%dma_start3A_507 : memref<1048704xf32, #tpu.memory_space<vmem_shared>>) offsets(%dma_start3A_505 : memref<128xi32, #tpu.memory_space<vmem>>) semaphore(%arg15 : memref<!tpu.dma_semaphore, #tpu.memory_space<semaphore_mem>>) {add = true}
        %dma_wait3A_508 = arith.constant 2 : i32
        %dma_wait3A_509 = arith.constant 2 : i32
        %dma_wait3A_510 = arith.constant 0 : i32
        %dma_wait3A_511 = tpu.memref_slice %arg13[%dma_wait3A_508, %dma_wait3A_510] : memref<16x128xf32, #tpu.memory_space<vmem>> -> memref<1x128xf32, #tpu.memory_space<vmem>>
        %dma_wait3A_512 = tpu.memref_squeeze %dma_wait3A_511 : memref<1x128xf32, #tpu.memory_space<vmem>> -> memref<128xf32, #tpu.memory_space<vmem>>
        %dma_wait3A_513 = arith.constant 0 : i32
        %dma_wait3A_514 = tpu.memref_slice %arg12[%dma_wait3A_509, %dma_wait3A_513] : memref<16x128xi32, #tpu.memory_space<vmem>> -> memref<1x128xi32, #tpu.memory_space<vmem>>
        %dma_wait3A_515 = tpu.memref_squeeze %dma_wait3A_514 : memref<1x128xi32, #tpu.memory_space<vmem>> -> memref<128xi32, #tpu.memory_space<vmem>>
        %dma_wait3A_516 = arith.constant 0 : i32
        %dma_wait3A_517 = tpu.memref_slice %arg16[%dma_wait3A_516] : memref<1048704xf32, #tpu.memory_space<vmem_shared>> -> memref<1048704xf32, #tpu.memory_space<vmem_shared>>
        tpu.wait_indirect_dma semaphore(%arg15 : memref<!tpu.dma_semaphore, #tpu.memory_space<semaphore_mem>>) src(%dma_wait3A_512 : memref<128xf32, #tpu.memory_space<vmem>>) dst(%dma_wait3A_517 : memref<1048704xf32, #tpu.memory_space<vmem_shared>>)
        %dma_start3A_518 = arith.constant 11 : i32
        %dma_start3A_519 = arith.constant 11 : i32
        %dma_start3A_520 = arith.constant 0 : i32
        %dma_start3A_521 = tpu.memref_slice %arg13[%dma_start3A_518, %dma_start3A_520] : memref<16x128xf32, #tpu.memory_space<vmem>> -> memref<1x128xf32, #tpu.memory_space<vmem>>
        %dma_start3A_522 = tpu.memref_squeeze %dma_start3A_521 : memref<1x128xf32, #tpu.memory_space<vmem>> -> memref<128xf32, #tpu.memory_space<vmem>>
        %dma_start3A_523 = arith.constant 0 : i32
        %dma_start3A_524 = tpu.memref_slice %arg12[%dma_start3A_519, %dma_start3A_523] : memref<16x128xi32, #tpu.memory_space<vmem>> -> memref<1x128xi32, #tpu.memory_space<vmem>>
        %dma_start3A_525 = tpu.memref_squeeze %dma_start3A_524 : memref<1x128xi32, #tpu.memory_space<vmem>> -> memref<128xi32, #tpu.memory_space<vmem>>
        %dma_start3A_526 = arith.constant 0 : i32
        %dma_start3A_527 = tpu.memref_slice %arg16[%dma_start3A_526] : memref<1048704xf32, #tpu.memory_space<vmem_shared>> -> memref<1048704xf32, #tpu.memory_space<vmem_shared>>
        tpu.enqueue_indirect_dma source(%dma_start3A_522 : memref<128xf32, #tpu.memory_space<vmem>>) target(%dma_start3A_527 : memref<1048704xf32, #tpu.memory_space<vmem_shared>>) offsets(%dma_start3A_525 : memref<128xi32, #tpu.memory_space<vmem>>) semaphore(%arg15 : memref<!tpu.dma_semaphore, #tpu.memory_space<semaphore_mem>>) {add = true}
        %dma_wait3A_528 = arith.constant 3 : i32
        %dma_wait3A_529 = arith.constant 3 : i32
        %dma_wait3A_530 = arith.constant 0 : i32
        %dma_wait3A_531 = tpu.memref_slice %arg13[%dma_wait3A_528, %dma_wait3A_530] : memref<16x128xf32, #tpu.memory_space<vmem>> -> memref<1x128xf32, #tpu.memory_space<vmem>>
        %dma_wait3A_532 = tpu.memref_squeeze %dma_wait3A_531 : memref<1x128xf32, #tpu.memory_space<vmem>> -> memref<128xf32, #tpu.memory_space<vmem>>
        %dma_wait3A_533 = arith.constant 0 : i32
        %dma_wait3A_534 = tpu.memref_slice %arg12[%dma_wait3A_529, %dma_wait3A_533] : memref<16x128xi32, #tpu.memory_space<vmem>> -> memref<1x128xi32, #tpu.memory_space<vmem>>
        %dma_wait3A_535 = tpu.memref_squeeze %dma_wait3A_534 : memref<1x128xi32, #tpu.memory_space<vmem>> -> memref<128xi32, #tpu.memory_space<vmem>>
        %dma_wait3A_536 = arith.constant 0 : i32
        %dma_wait3A_537 = tpu.memref_slice %arg16[%dma_wait3A_536] : memref<1048704xf32, #tpu.memory_space<vmem_shared>> -> memref<1048704xf32, #tpu.memory_space<vmem_shared>>
        tpu.wait_indirect_dma semaphore(%arg15 : memref<!tpu.dma_semaphore, #tpu.memory_space<semaphore_mem>>) src(%dma_wait3A_532 : memref<128xf32, #tpu.memory_space<vmem>>) dst(%dma_wait3A_537 : memref<1048704xf32, #tpu.memory_space<vmem_shared>>)
        %dma_start3A_538 = arith.constant 12 : i32
        %dma_start3A_539 = arith.constant 12 : i32
        %dma_start3A_540 = arith.constant 0 : i32
        %dma_start3A_541 = tpu.memref_slice %arg13[%dma_start3A_538, %dma_start3A_540] : memref<16x128xf32, #tpu.memory_space<vmem>> -> memref<1x128xf32, #tpu.memory_space<vmem>>
        %dma_start3A_542 = tpu.memref_squeeze %dma_start3A_541 : memref<1x128xf32, #tpu.memory_space<vmem>> -> memref<128xf32, #tpu.memory_space<vmem>>
        %dma_start3A_543 = arith.constant 0 : i32
        %dma_start3A_544 = tpu.memref_slice %arg12[%dma_start3A_539, %dma_start3A_543] : memref<16x128xi32, #tpu.memory_space<vmem>> -> memref<1x128xi32, #tpu.memory_space<vmem>>
        %dma_start3A_545 = tpu.memref_squeeze %dma_start3A_544 : memref<1x128xi32, #tpu.memory_space<vmem>> -> memref<128xi32, #tpu.memory_space<vmem>>
        %dma_start3A_546 = arith.constant 0 : i32
        %dma_start3A_547 = tpu.memref_slice %arg16[%dma_start3A_546] : memref<1048704xf32, #tpu.memory_space<vmem_shared>> -> memref<1048704xf32, #tpu.memory_space<vmem_shared>>
        tpu.enqueue_indirect_dma source(%dma_start3A_542 : memref<128xf32, #tpu.memory_space<vmem>>) target(%dma_start3A_547 : memref<1048704xf32, #tpu.memory_space<vmem_shared>>) offsets(%dma_start3A_545 : memref<128xi32, #tpu.memory_space<vmem>>) semaphore(%arg15 : memref<!tpu.dma_semaphore, #tpu.memory_space<semaphore_mem>>) {add = true}
        %dma_wait3A_548 = arith.constant 4 : i32
        %dma_wait3A_549 = arith.constant 4 : i32
        %dma_wait3A_550 = arith.constant 0 : i32
        %dma_wait3A_551 = tpu.memref_slice %arg13[%dma_wait3A_548, %dma_wait3A_550] : memref<16x128xf32, #tpu.memory_space<vmem>> -> memref<1x128xf32, #tpu.memory_space<vmem>>
        %dma_wait3A_552 = tpu.memref_squeeze %dma_wait3A_551 : memref<1x128xf32, #tpu.memory_space<vmem>> -> memref<128xf32, #tpu.memory_space<vmem>>
        %dma_wait3A_553 = arith.constant 0 : i32
        %dma_wait3A_554 = tpu.memref_slice %arg12[%dma_wait3A_549, %dma_wait3A_553] : memref<16x128xi32, #tpu.memory_space<vmem>> -> memref<1x128xi32, #tpu.memory_space<vmem>>
        %dma_wait3A_555 = tpu.memref_squeeze %dma_wait3A_554 : memref<1x128xi32, #tpu.memory_space<vmem>> -> memref<128xi32, #tpu.memory_space<vmem>>
        %dma_wait3A_556 = arith.constant 0 : i32
        %dma_wait3A_557 = tpu.memref_slice %arg16[%dma_wait3A_556] : memref<1048704xf32, #tpu.memory_space<vmem_shared>> -> memref<1048704xf32, #tpu.memory_space<vmem_shared>>
        tpu.wait_indirect_dma semaphore(%arg15 : memref<!tpu.dma_semaphore, #tpu.memory_space<semaphore_mem>>) src(%dma_wait3A_552 : memref<128xf32, #tpu.memory_space<vmem>>) dst(%dma_wait3A_557 : memref<1048704xf32, #tpu.memory_space<vmem_shared>>)
        %dma_start3A_558 = arith.constant 13 : i32
        %dma_start3A_559 = arith.constant 13 : i32
        %dma_start3A_560 = arith.constant 0 : i32
        %dma_start3A_561 = tpu.memref_slice %arg13[%dma_start3A_558, %dma_start3A_560] : memref<16x128xf32, #tpu.memory_space<vmem>> -> memref<1x128xf32, #tpu.memory_space<vmem>>
        %dma_start3A_562 = tpu.memref_squeeze %dma_start3A_561 : memref<1x128xf32, #tpu.memory_space<vmem>> -> memref<128xf32, #tpu.memory_space<vmem>>
        %dma_start3A_563 = arith.constant 0 : i32
        %dma_start3A_564 = tpu.memref_slice %arg12[%dma_start3A_559, %dma_start3A_563] : memref<16x128xi32, #tpu.memory_space<vmem>> -> memref<1x128xi32, #tpu.memory_space<vmem>>
        %dma_start3A_565 = tpu.memref_squeeze %dma_start3A_564 : memref<1x128xi32, #tpu.memory_space<vmem>> -> memref<128xi32, #tpu.memory_space<vmem>>
        %dma_start3A_566 = arith.constant 0 : i32
        %dma_start3A_567 = tpu.memref_slice %arg16[%dma_start3A_566] : memref<1048704xf32, #tpu.memory_space<vmem_shared>> -> memref<1048704xf32, #tpu.memory_space<vmem_shared>>
        tpu.enqueue_indirect_dma source(%dma_start3A_562 : memref<128xf32, #tpu.memory_space<vmem>>) target(%dma_start3A_567 : memref<1048704xf32, #tpu.memory_space<vmem_shared>>) offsets(%dma_start3A_565 : memref<128xi32, #tpu.memory_space<vmem>>) semaphore(%arg15 : memref<!tpu.dma_semaphore, #tpu.memory_space<semaphore_mem>>) {add = true}
        %dma_wait3A_568 = arith.constant 5 : i32
        %dma_wait3A_569 = arith.constant 5 : i32
        %dma_wait3A_570 = arith.constant 0 : i32
        %dma_wait3A_571 = tpu.memref_slice %arg13[%dma_wait3A_568, %dma_wait3A_570] : memref<16x128xf32, #tpu.memory_space<vmem>> -> memref<1x128xf32, #tpu.memory_space<vmem>>
        %dma_wait3A_572 = tpu.memref_squeeze %dma_wait3A_571 : memref<1x128xf32, #tpu.memory_space<vmem>> -> memref<128xf32, #tpu.memory_space<vmem>>
        %dma_wait3A_573 = arith.constant 0 : i32
        %dma_wait3A_574 = tpu.memref_slice %arg12[%dma_wait3A_569, %dma_wait3A_573] : memref<16x128xi32, #tpu.memory_space<vmem>> -> memref<1x128xi32, #tpu.memory_space<vmem>>
        %dma_wait3A_575 = tpu.memref_squeeze %dma_wait3A_574 : memref<1x128xi32, #tpu.memory_space<vmem>> -> memref<128xi32, #tpu.memory_space<vmem>>
        %dma_wait3A_576 = arith.constant 0 : i32
        %dma_wait3A_577 = tpu.memref_slice %arg16[%dma_wait3A_576] : memref<1048704xf32, #tpu.memory_space<vmem_shared>> -> memref<1048704xf32, #tpu.memory_space<vmem_shared>>
        tpu.wait_indirect_dma semaphore(%arg15 : memref<!tpu.dma_semaphore, #tpu.memory_space<semaphore_mem>>) src(%dma_wait3A_572 : memref<128xf32, #tpu.memory_space<vmem>>) dst(%dma_wait3A_577 : memref<1048704xf32, #tpu.memory_space<vmem_shared>>)
        %dma_start3A_578 = arith.constant 14 : i32
        %dma_start3A_579 = arith.constant 14 : i32
        %dma_start3A_580 = arith.constant 0 : i32
        %dma_start3A_581 = tpu.memref_slice %arg13[%dma_start3A_578, %dma_start3A_580] : memref<16x128xf32, #tpu.memory_space<vmem>> -> memref<1x128xf32, #tpu.memory_space<vmem>>
        %dma_start3A_582 = tpu.memref_squeeze %dma_start3A_581 : memref<1x128xf32, #tpu.memory_space<vmem>> -> memref<128xf32, #tpu.memory_space<vmem>>
        %dma_start3A_583 = arith.constant 0 : i32
        %dma_start3A_584 = tpu.memref_slice %arg12[%dma_start3A_579, %dma_start3A_583] : memref<16x128xi32, #tpu.memory_space<vmem>> -> memref<1x128xi32, #tpu.memory_space<vmem>>
        %dma_start3A_585 = tpu.memref_squeeze %dma_start3A_584 : memref<1x128xi32, #tpu.memory_space<vmem>> -> memref<128xi32, #tpu.memory_space<vmem>>
        %dma_start3A_586 = arith.constant 0 : i32
        %dma_start3A_587 = tpu.memref_slice %arg16[%dma_start3A_586] : memref<1048704xf32, #tpu.memory_space<vmem_shared>> -> memref<1048704xf32, #tpu.memory_space<vmem_shared>>
        tpu.enqueue_indirect_dma source(%dma_start3A_582 : memref<128xf32, #tpu.memory_space<vmem>>) target(%dma_start3A_587 : memref<1048704xf32, #tpu.memory_space<vmem_shared>>) offsets(%dma_start3A_585 : memref<128xi32, #tpu.memory_space<vmem>>) semaphore(%arg15 : memref<!tpu.dma_semaphore, #tpu.memory_space<semaphore_mem>>) {add = true}
        %dma_wait3A_588 = arith.constant 6 : i32
        %dma_wait3A_589 = arith.constant 6 : i32
        %dma_wait3A_590 = arith.constant 0 : i32
        %dma_wait3A_591 = tpu.memref_slice %arg13[%dma_wait3A_588, %dma_wait3A_590] : memref<16x128xf32, #tpu.memory_space<vmem>> -> memref<1x128xf32, #tpu.memory_space<vmem>>
        %dma_wait3A_592 = tpu.memref_squeeze %dma_wait3A_591 : memref<1x128xf32, #tpu.memory_space<vmem>> -> memref<128xf32, #tpu.memory_space<vmem>>
        %dma_wait3A_593 = arith.constant 0 : i32
        %dma_wait3A_594 = tpu.memref_slice %arg12[%dma_wait3A_589, %dma_wait3A_593] : memref<16x128xi32, #tpu.memory_space<vmem>> -> memref<1x128xi32, #tpu.memory_space<vmem>>
        %dma_wait3A_595 = tpu.memref_squeeze %dma_wait3A_594 : memref<1x128xi32, #tpu.memory_space<vmem>> -> memref<128xi32, #tpu.memory_space<vmem>>
        %dma_wait3A_596 = arith.constant 0 : i32
        %dma_wait3A_597 = tpu.memref_slice %arg16[%dma_wait3A_596] : memref<1048704xf32, #tpu.memory_space<vmem_shared>> -> memref<1048704xf32, #tpu.memory_space<vmem_shared>>
        tpu.wait_indirect_dma semaphore(%arg15 : memref<!tpu.dma_semaphore, #tpu.memory_space<semaphore_mem>>) src(%dma_wait3A_592 : memref<128xf32, #tpu.memory_space<vmem>>) dst(%dma_wait3A_597 : memref<1048704xf32, #tpu.memory_space<vmem_shared>>)
        %dma_start3A_598 = arith.constant 15 : i32
        %dma_start3A_599 = arith.constant 15 : i32
        %dma_start3A_600 = arith.constant 0 : i32
        %dma_start3A_601 = tpu.memref_slice %arg13[%dma_start3A_598, %dma_start3A_600] : memref<16x128xf32, #tpu.memory_space<vmem>> -> memref<1x128xf32, #tpu.memory_space<vmem>>
        %dma_start3A_602 = tpu.memref_squeeze %dma_start3A_601 : memref<1x128xf32, #tpu.memory_space<vmem>> -> memref<128xf32, #tpu.memory_space<vmem>>
        %dma_start3A_603 = arith.constant 0 : i32
        %dma_start3A_604 = tpu.memref_slice %arg12[%dma_start3A_599, %dma_start3A_603] : memref<16x128xi32, #tpu.memory_space<vmem>> -> memref<1x128xi32, #tpu.memory_space<vmem>>
        %dma_start3A_605 = tpu.memref_squeeze %dma_start3A_604 : memref<1x128xi32, #tpu.memory_space<vmem>> -> memref<128xi32, #tpu.memory_space<vmem>>
        %dma_start3A_606 = arith.constant 0 : i32
        %dma_start3A_607 = tpu.memref_slice %arg16[%dma_start3A_606] : memref<1048704xf32, #tpu.memory_space<vmem_shared>> -> memref<1048704xf32, #tpu.memory_space<vmem_shared>>
        tpu.enqueue_indirect_dma source(%dma_start3A_602 : memref<128xf32, #tpu.memory_space<vmem>>) target(%dma_start3A_607 : memref<1048704xf32, #tpu.memory_space<vmem_shared>>) offsets(%dma_start3A_605 : memref<128xi32, #tpu.memory_space<vmem>>) semaphore(%arg15 : memref<!tpu.dma_semaphore, #tpu.memory_space<semaphore_mem>>) {add = true}
        %dma_wait3A_608 = arith.constant 7 : i32
        %dma_wait3A_609 = arith.constant 7 : i32
        %dma_wait3A_610 = arith.constant 0 : i32
        %dma_wait3A_611 = tpu.memref_slice %arg13[%dma_wait3A_608, %dma_wait3A_610] : memref<16x128xf32, #tpu.memory_space<vmem>> -> memref<1x128xf32, #tpu.memory_space<vmem>>
        %dma_wait3A_612 = tpu.memref_squeeze %dma_wait3A_611 : memref<1x128xf32, #tpu.memory_space<vmem>> -> memref<128xf32, #tpu.memory_space<vmem>>
        %dma_wait3A_613 = arith.constant 0 : i32
        %dma_wait3A_614 = tpu.memref_slice %arg12[%dma_wait3A_609, %dma_wait3A_613] : memref<16x128xi32, #tpu.memory_space<vmem>> -> memref<1x128xi32, #tpu.memory_space<vmem>>
        %dma_wait3A_615 = tpu.memref_squeeze %dma_wait3A_614 : memref<1x128xi32, #tpu.memory_space<vmem>> -> memref<128xi32, #tpu.memory_space<vmem>>
        %dma_wait3A_616 = arith.constant 0 : i32
        %dma_wait3A_617 = tpu.memref_slice %arg16[%dma_wait3A_616] : memref<1048704xf32, #tpu.memory_space<vmem_shared>> -> memref<1048704xf32, #tpu.memory_space<vmem_shared>>
        tpu.wait_indirect_dma semaphore(%arg15 : memref<!tpu.dma_semaphore, #tpu.memory_space<semaphore_mem>>) src(%dma_wait3A_612 : memref<128xf32, #tpu.memory_space<vmem>>) dst(%dma_wait3A_617 : memref<1048704xf32, #tpu.memory_space<vmem_shared>>)
        %dma_wait3A_618 = arith.constant 8 : i32
        %dma_wait3A_619 = arith.constant 8 : i32
        %dma_wait3A_620 = arith.constant 0 : i32
        %dma_wait3A_621 = tpu.memref_slice %arg13[%dma_wait3A_618, %dma_wait3A_620] : memref<16x128xf32, #tpu.memory_space<vmem>> -> memref<1x128xf32, #tpu.memory_space<vmem>>
        %dma_wait3A_622 = tpu.memref_squeeze %dma_wait3A_621 : memref<1x128xf32, #tpu.memory_space<vmem>> -> memref<128xf32, #tpu.memory_space<vmem>>
        %dma_wait3A_623 = arith.constant 0 : i32
        %dma_wait3A_624 = tpu.memref_slice %arg12[%dma_wait3A_619, %dma_wait3A_623] : memref<16x128xi32, #tpu.memory_space<vmem>> -> memref<1x128xi32, #tpu.memory_space<vmem>>
        %dma_wait3A_625 = tpu.memref_squeeze %dma_wait3A_624 : memref<1x128xi32, #tpu.memory_space<vmem>> -> memref<128xi32, #tpu.memory_space<vmem>>
        %dma_wait3A_626 = arith.constant 0 : i32
        %dma_wait3A_627 = tpu.memref_slice %arg16[%dma_wait3A_626] : memref<1048704xf32, #tpu.memory_space<vmem_shared>> -> memref<1048704xf32, #tpu.memory_space<vmem_shared>>
        tpu.wait_indirect_dma semaphore(%arg15 : memref<!tpu.dma_semaphore, #tpu.memory_space<semaphore_mem>>) src(%dma_wait3A_622 : memref<128xf32, #tpu.memory_space<vmem>>) dst(%dma_wait3A_627 : memref<1048704xf32, #tpu.memory_space<vmem_shared>>)
        %dma_wait3A_628 = arith.constant 9 : i32
        %dma_wait3A_629 = arith.constant 9 : i32
        %dma_wait3A_630 = arith.constant 0 : i32
        %dma_wait3A_631 = tpu.memref_slice %arg13[%dma_wait3A_628, %dma_wait3A_630] : memref<16x128xf32, #tpu.memory_space<vmem>> -> memref<1x128xf32, #tpu.memory_space<vmem>>
        %dma_wait3A_632 = tpu.memref_squeeze %dma_wait3A_631 : memref<1x128xf32, #tpu.memory_space<vmem>> -> memref<128xf32, #tpu.memory_space<vmem>>
        %dma_wait3A_633 = arith.constant 0 : i32
        %dma_wait3A_634 = tpu.memref_slice %arg12[%dma_wait3A_629, %dma_wait3A_633] : memref<16x128xi32, #tpu.memory_space<vmem>> -> memref<1x128xi32, #tpu.memory_space<vmem>>
        %dma_wait3A_635 = tpu.memref_squeeze %dma_wait3A_634 : memref<1x128xi32, #tpu.memory_space<vmem>> -> memref<128xi32, #tpu.memory_space<vmem>>
        %dma_wait3A_636 = arith.constant 0 : i32
        %dma_wait3A_637 = tpu.memref_slice %arg16[%dma_wait3A_636] : memref<1048704xf32, #tpu.memory_space<vmem_shared>> -> memref<1048704xf32, #tpu.memory_space<vmem_shared>>
        tpu.wait_indirect_dma semaphore(%arg15 : memref<!tpu.dma_semaphore, #tpu.memory_space<semaphore_mem>>) src(%dma_wait3A_632 : memref<128xf32, #tpu.memory_space<vmem>>) dst(%dma_wait3A_637 : memref<1048704xf32, #tpu.memory_space<vmem_shared>>)
        %dma_wait3A_638 = arith.constant 10 : i32
        %dma_wait3A_639 = arith.constant 10 : i32
        %dma_wait3A_640 = arith.constant 0 : i32
        %dma_wait3A_641 = tpu.memref_slice %arg13[%dma_wait3A_638, %dma_wait3A_640] : memref<16x128xf32, #tpu.memory_space<vmem>> -> memref<1x128xf32, #tpu.memory_space<vmem>>
        %dma_wait3A_642 = tpu.memref_squeeze %dma_wait3A_641 : memref<1x128xf32, #tpu.memory_space<vmem>> -> memref<128xf32, #tpu.memory_space<vmem>>
        %dma_wait3A_643 = arith.constant 0 : i32
        %dma_wait3A_644 = tpu.memref_slice %arg12[%dma_wait3A_639, %dma_wait3A_643] : memref<16x128xi32, #tpu.memory_space<vmem>> -> memref<1x128xi32, #tpu.memory_space<vmem>>
        %dma_wait3A_645 = tpu.memref_squeeze %dma_wait3A_644 : memref<1x128xi32, #tpu.memory_space<vmem>> -> memref<128xi32, #tpu.memory_space<vmem>>
        %dma_wait3A_646 = arith.constant 0 : i32
        %dma_wait3A_647 = tpu.memref_slice %arg16[%dma_wait3A_646] : memref<1048704xf32, #tpu.memory_space<vmem_shared>> -> memref<1048704xf32, #tpu.memory_space<vmem_shared>>
        tpu.wait_indirect_dma semaphore(%arg15 : memref<!tpu.dma_semaphore, #tpu.memory_space<semaphore_mem>>) src(%dma_wait3A_642 : memref<128xf32, #tpu.memory_space<vmem>>) dst(%dma_wait3A_647 : memref<1048704xf32, #tpu.memory_space<vmem_shared>>)
        %dma_wait3A_648 = arith.constant 11 : i32
        %dma_wait3A_649 = arith.constant 11 : i32
        %dma_wait3A_650 = arith.constant 0 : i32
        %dma_wait3A_651 = tpu.memref_slice %arg13[%dma_wait3A_648, %dma_wait3A_650] : memref<16x128xf32, #tpu.memory_space<vmem>> -> memref<1x128xf32, #tpu.memory_space<vmem>>
        %dma_wait3A_652 = tpu.memref_squeeze %dma_wait3A_651 : memref<1x128xf32, #tpu.memory_space<vmem>> -> memref<128xf32, #tpu.memory_space<vmem>>
        %dma_wait3A_653 = arith.constant 0 : i32
        %dma_wait3A_654 = tpu.memref_slice %arg12[%dma_wait3A_649, %dma_wait3A_653] : memref<16x128xi32, #tpu.memory_space<vmem>> -> memref<1x128xi32, #tpu.memory_space<vmem>>
        %dma_wait3A_655 = tpu.memref_squeeze %dma_wait3A_654 : memref<1x128xi32, #tpu.memory_space<vmem>> -> memref<128xi32, #tpu.memory_space<vmem>>
        %dma_wait3A_656 = arith.constant 0 : i32
        %dma_wait3A_657 = tpu.memref_slice %arg16[%dma_wait3A_656] : memref<1048704xf32, #tpu.memory_space<vmem_shared>> -> memref<1048704xf32, #tpu.memory_space<vmem_shared>>
        tpu.wait_indirect_dma semaphore(%arg15 : memref<!tpu.dma_semaphore, #tpu.memory_space<semaphore_mem>>) src(%dma_wait3A_652 : memref<128xf32, #tpu.memory_space<vmem>>) dst(%dma_wait3A_657 : memref<1048704xf32, #tpu.memory_space<vmem_shared>>)
        %dma_wait3A_658 = arith.constant 12 : i32
        %dma_wait3A_659 = arith.constant 12 : i32
        %dma_wait3A_660 = arith.constant 0 : i32
        %dma_wait3A_661 = tpu.memref_slice %arg13[%dma_wait3A_658, %dma_wait3A_660] : memref<16x128xf32, #tpu.memory_space<vmem>> -> memref<1x128xf32, #tpu.memory_space<vmem>>
        %dma_wait3A_662 = tpu.memref_squeeze %dma_wait3A_661 : memref<1x128xf32, #tpu.memory_space<vmem>> -> memref<128xf32, #tpu.memory_space<vmem>>
        %dma_wait3A_663 = arith.constant 0 : i32
        %dma_wait3A_664 = tpu.memref_slice %arg12[%dma_wait3A_659, %dma_wait3A_663] : memref<16x128xi32, #tpu.memory_space<vmem>> -> memref<1x128xi32, #tpu.memory_space<vmem>>
        %dma_wait3A_665 = tpu.memref_squeeze %dma_wait3A_664 : memref<1x128xi32, #tpu.memory_space<vmem>> -> memref<128xi32, #tpu.memory_space<vmem>>
        %dma_wait3A_666 = arith.constant 0 : i32
        %dma_wait3A_667 = tpu.memref_slice %arg16[%dma_wait3A_666] : memref<1048704xf32, #tpu.memory_space<vmem_shared>> -> memref<1048704xf32, #tpu.memory_space<vmem_shared>>
        tpu.wait_indirect_dma semaphore(%arg15 : memref<!tpu.dma_semaphore, #tpu.memory_space<semaphore_mem>>) src(%dma_wait3A_662 : memref<128xf32, #tpu.memory_space<vmem>>) dst(%dma_wait3A_667 : memref<1048704xf32, #tpu.memory_space<vmem_shared>>)
        %dma_wait3A_668 = arith.constant 13 : i32
        %dma_wait3A_669 = arith.constant 13 : i32
        %dma_wait3A_670 = arith.constant 0 : i32
        %dma_wait3A_671 = tpu.memref_slice %arg13[%dma_wait3A_668, %dma_wait3A_670] : memref<16x128xf32, #tpu.memory_space<vmem>> -> memref<1x128xf32, #tpu.memory_space<vmem>>
        %dma_wait3A_672 = tpu.memref_squeeze %dma_wait3A_671 : memref<1x128xf32, #tpu.memory_space<vmem>> -> memref<128xf32, #tpu.memory_space<vmem>>
        %dma_wait3A_673 = arith.constant 0 : i32
        %dma_wait3A_674 = tpu.memref_slice %arg12[%dma_wait3A_669, %dma_wait3A_673] : memref<16x128xi32, #tpu.memory_space<vmem>> -> memref<1x128xi32, #tpu.memory_space<vmem>>
        %dma_wait3A_675 = tpu.memref_squeeze %dma_wait3A_674 : memref<1x128xi32, #tpu.memory_space<vmem>> -> memref<128xi32, #tpu.memory_space<vmem>>
        %dma_wait3A_676 = arith.constant 0 : i32
        %dma_wait3A_677 = tpu.memref_slice %arg16[%dma_wait3A_676] : memref<1048704xf32, #tpu.memory_space<vmem_shared>> -> memref<1048704xf32, #tpu.memory_space<vmem_shared>>
        tpu.wait_indirect_dma semaphore(%arg15 : memref<!tpu.dma_semaphore, #tpu.memory_space<semaphore_mem>>) src(%dma_wait3A_672 : memref<128xf32, #tpu.memory_space<vmem>>) dst(%dma_wait3A_677 : memref<1048704xf32, #tpu.memory_space<vmem_shared>>)
        %dma_wait3A_678 = arith.constant 14 : i32
        %dma_wait3A_679 = arith.constant 14 : i32
        %dma_wait3A_680 = arith.constant 0 : i32
        %dma_wait3A_681 = tpu.memref_slice %arg13[%dma_wait3A_678, %dma_wait3A_680] : memref<16x128xf32, #tpu.memory_space<vmem>> -> memref<1x128xf32, #tpu.memory_space<vmem>>
        %dma_wait3A_682 = tpu.memref_squeeze %dma_wait3A_681 : memref<1x128xf32, #tpu.memory_space<vmem>> -> memref<128xf32, #tpu.memory_space<vmem>>
        %dma_wait3A_683 = arith.constant 0 : i32
        %dma_wait3A_684 = tpu.memref_slice %arg12[%dma_wait3A_679, %dma_wait3A_683] : memref<16x128xi32, #tpu.memory_space<vmem>> -> memref<1x128xi32, #tpu.memory_space<vmem>>
        %dma_wait3A_685 = tpu.memref_squeeze %dma_wait3A_684 : memref<1x128xi32, #tpu.memory_space<vmem>> -> memref<128xi32, #tpu.memory_space<vmem>>
        %dma_wait3A_686 = arith.constant 0 : i32
        %dma_wait3A_687 = tpu.memref_slice %arg16[%dma_wait3A_686] : memref<1048704xf32, #tpu.memory_space<vmem_shared>> -> memref<1048704xf32, #tpu.memory_space<vmem_shared>>
        tpu.wait_indirect_dma semaphore(%arg15 : memref<!tpu.dma_semaphore, #tpu.memory_space<semaphore_mem>>) src(%dma_wait3A_682 : memref<128xf32, #tpu.memory_space<vmem>>) dst(%dma_wait3A_687 : memref<1048704xf32, #tpu.memory_space<vmem_shared>>)
        %dma_wait3A_688 = arith.constant 15 : i32
        %dma_wait3A_689 = arith.constant 15 : i32
        %dma_wait3A_690 = arith.constant 0 : i32
        %dma_wait3A_691 = tpu.memref_slice %arg13[%dma_wait3A_688, %dma_wait3A_690] : memref<16x128xf32, #tpu.memory_space<vmem>> -> memref<1x128xf32, #tpu.memory_space<vmem>>
        %dma_wait3A_692 = tpu.memref_squeeze %dma_wait3A_691 : memref<1x128xf32, #tpu.memory_space<vmem>> -> memref<128xf32, #tpu.memory_space<vmem>>
        %dma_wait3A_693 = arith.constant 0 : i32
        %dma_wait3A_694 = tpu.memref_slice %arg12[%dma_wait3A_689, %dma_wait3A_693] : memref<16x128xi32, #tpu.memory_space<vmem>> -> memref<1x128xi32, #tpu.memory_space<vmem>>
        %dma_wait3A_695 = tpu.memref_squeeze %dma_wait3A_694 : memref<1x128xi32, #tpu.memory_space<vmem>> -> memref<128xi32, #tpu.memory_space<vmem>>
        %dma_wait3A_696 = arith.constant 0 : i32
        %dma_wait3A_697 = tpu.memref_slice %arg16[%dma_wait3A_696] : memref<1048704xf32, #tpu.memory_space<vmem_shared>> -> memref<1048704xf32, #tpu.memory_space<vmem_shared>>
        tpu.wait_indirect_dma semaphore(%arg15 : memref<!tpu.dma_semaphore, #tpu.memory_space<semaphore_mem>>) src(%dma_wait3A_692 : memref<128xf32, #tpu.memory_space<vmem>>) dst(%dma_wait3A_697 : memref<1048704xf32, #tpu.memory_space<vmem_shared>>)
      } else {
      }
      %barrier3A_376 = arith.constant 0 : index
      tpu.barrier barrier_id(%barrier3A_376)
      %scan3A_377 = arith.constant 0 : i32
      scf.yield %scan3A_377 : i32
    }
    %scan3A_182 = arith.constant 16 : i32
    %mul3A_183 = arith.constant 65536 : i32
    %mul3A_184 = arith.muli %arg1, %mul3A_183 : i32
    %mul3A_185 = arith.constant 1048576 : i32
    %mul3A_186 = arith.muli %add3A_103, %mul3A_185 : i32
    %mul3A_187 = arith.constant 65536 : i32
    %mul3A_188 = arith.muli %arg1, %mul3A_187 : i32
    %add3A_189 = arith.addi %mul3A_186, %mul3A_188 : i32
    "tpu.region"() ({
      %run_scoped3A = tpu.sem_alloc : memref<!tpu.dma_semaphore, #tpu.memory_space<semaphore_mem>>
      %dma_start3A_373 = tpu.memref_slice %arg6[%add3A_189] : memref<4194304xf32, #tpu.memory_space<hbm>> -> memref<65536xf32, #tpu.memory_space<hbm>>
      %dma_start3A_374 = tpu.memref_slice %arg16[%mul3A_184] : memref<1048704xf32, #tpu.memory_space<vmem_shared>> -> memref<65536xf32, #tpu.memory_space<vmem_shared>>
      tpu.enqueue_dma source(%dma_start3A_374 : memref<65536xf32, #tpu.memory_space<vmem_shared>>) target(%dma_start3A_373 : memref<65536xf32, #tpu.memory_space<hbm>>) target_semaphore(%run_scoped3A : memref<!tpu.dma_semaphore, #tpu.memory_space<semaphore_mem>>)
      %dma_wait3A_375 = tpu.memref_slice %arg6[%add3A_189] : memref<4194304xf32, #tpu.memory_space<hbm>> -> memref<65536xf32, #tpu.memory_space<hbm>>
      %dma_wait3A_376 = tpu.memref_slice %arg16[%mul3A_184] : memref<1048704xf32, #tpu.memory_space<vmem_shared>> -> memref<65536xf32, #tpu.memory_space<vmem_shared>>
      tpu.wait_dma2 semaphore(%run_scoped3A : memref<!tpu.dma_semaphore, #tpu.memory_space<semaphore_mem>>) src(%dma_wait3A_376 : memref<65536xf32, #tpu.memory_space<vmem_shared>>) dst(%dma_wait3A_375 : memref<65536xf32, #tpu.memory_space<hbm>>)
      tpu.yield
    }) : () -> ()
    %barrier3A_190 = arith.constant 0 : index
    tpu.barrier barrier_id(%barrier3A_190)
    %mul3A_191 = arith.constant 2 : i32
    %mul3A_192 = arith.muli %arg0, %mul3A_191 : i32
    %add3A_193 = arith.constant 0 : i32
    %add3A_194 = arith.addi %mul3A_192, %add3A_193 : i32
    %mul3A_195 = arith.constant 65536 : i32
    %mul3A_196 = arith.muli %arg1, %mul3A_195 : i32
    %add3A_197 = arith.constant 0 : i32
    %add3A_198 = arith.addi %mul3A_196, %add3A_197 : i32
    %dma_start3A_199 = tpu.memref_slice %arg16[%add3A_198] : memref<1048704xf32, #tpu.memory_space<vmem_shared>> -> memref<8192xf32, #tpu.memory_space<vmem_shared>>
    %dma_start3A_200 = tpu.memref_slice %arg16[%add3A_198] : memref<1048704xf32, #tpu.memory_space<vmem_shared>> -> memref<8192xf32, #tpu.memory_space<vmem_shared>>
    tpu.enqueue_dma source(%arg14 : memref<8192xf32, #tpu.memory_space<vmem>>) target(%dma_start3A_200 : memref<8192xf32, #tpu.memory_space<vmem_shared>>) target_semaphore(%arg15 : memref<!tpu.dma_semaphore, #tpu.memory_space<semaphore_mem>>)
    %mul3A_201 = arith.constant 65536 : i32
    %mul3A_202 = arith.muli %arg1, %mul3A_201 : i32
    %add3A_203 = arith.constant 8192 : i32
    %add3A_204 = arith.addi %mul3A_202, %add3A_203 : i32
    %dma_start3A_205 = tpu.memref_slice %arg16[%add3A_204] : memref<1048704xf32, #tpu.memory_space<vmem_shared>> -> memref<8192xf32, #tpu.memory_space<vmem_shared>>
    %dma_start3A_206 = tpu.memref_slice %arg16[%add3A_204] : memref<1048704xf32, #tpu.memory_space<vmem_shared>> -> memref<8192xf32, #tpu.memory_space<vmem_shared>>
    tpu.enqueue_dma source(%arg14 : memref<8192xf32, #tpu.memory_space<vmem>>) target(%dma_start3A_206 : memref<8192xf32, #tpu.memory_space<vmem_shared>>) target_semaphore(%arg15 : memref<!tpu.dma_semaphore, #tpu.memory_space<semaphore_mem>>)
    %mul3A_207 = arith.constant 65536 : i32
    %mul3A_208 = arith.muli %arg1, %mul3A_207 : i32
    %add3A_209 = arith.constant 16384 : i32
    %add3A_210 = arith.addi %mul3A_208, %add3A_209 : i32
    %dma_start3A_211 = tpu.memref_slice %arg16[%add3A_210] : memref<1048704xf32, #tpu.memory_space<vmem_shared>> -> memref<8192xf32, #tpu.memory_space<vmem_shared>>
    %dma_start3A_212 = tpu.memref_slice %arg16[%add3A_210] : memref<1048704xf32, #tpu.memory_space<vmem_shared>> -> memref<8192xf32, #tpu.memory_space<vmem_shared>>
    tpu.enqueue_dma source(%arg14 : memref<8192xf32, #tpu.memory_space<vmem>>) target(%dma_start3A_212 : memref<8192xf32, #tpu.memory_space<vmem_shared>>) target_semaphore(%arg15 : memref<!tpu.dma_semaphore, #tpu.memory_space<semaphore_mem>>)
    %mul3A_213 = arith.constant 65536 : i32
    %mul3A_214 = arith.muli %arg1, %mul3A_213 : i32
    %add3A_215 = arith.constant 24576 : i32
    %add3A_216 = arith.addi %mul3A_214, %add3A_215 : i32
    %dma_start3A_217 = tpu.memref_slice %arg16[%add3A_216] : memref<1048704xf32, #tpu.memory_space<vmem_shared>> -> memref<8192xf32, #tpu.memory_space<vmem_shared>>
    %dma_start3A_218 = tpu.memref_slice %arg16[%add3A_216] : memref<1048704xf32, #tpu.memory_space<vmem_shared>> -> memref<8192xf32, #tpu.memory_space<vmem_shared>>
    tpu.enqueue_dma source(%arg14 : memref<8192xf32, #tpu.memory_space<vmem>>) target(%dma_start3A_218 : memref<8192xf32, #tpu.memory_space<vmem_shared>>) target_semaphore(%arg15 : memref<!tpu.dma_semaphore, #tpu.memory_space<semaphore_mem>>)
    %mul3A_219 = arith.constant 65536 : i32
    %mul3A_220 = arith.muli %arg1, %mul3A_219 : i32
    %add3A_221 = arith.constant 32768 : i32
    %add3A_222 = arith.addi %mul3A_220, %add3A_221 : i32
    %dma_start3A_223 = tpu.memref_slice %arg16[%add3A_222] : memref<1048704xf32, #tpu.memory_space<vmem_shared>> -> memref<8192xf32, #tpu.memory_space<vmem_shared>>
    %dma_start3A_224 = tpu.memref_slice %arg16[%add3A_222] : memref<1048704xf32, #tpu.memory_space<vmem_shared>> -> memref<8192xf32, #tpu.memory_space<vmem_shared>>
    tpu.enqueue_dma source(%arg14 : memref<8192xf32, #tpu.memory_space<vmem>>) target(%dma_start3A_224 : memref<8192xf32, #tpu.memory_space<vmem_shared>>) target_semaphore(%arg15 : memref<!tpu.dma_semaphore, #tpu.memory_space<semaphore_mem>>)
    %mul3A_225 = arith.constant 65536 : i32
    %mul3A_226 = arith.muli %arg1, %mul3A_225 : i32
    %add3A_227 = arith.constant 40960 : i32
    %add3A_228 = arith.addi %mul3A_226, %add3A_227 : i32
    %dma_start3A_229 = tpu.memref_slice %arg16[%add3A_228] : memref<1048704xf32, #tpu.memory_space<vmem_shared>> -> memref<8192xf32, #tpu.memory_space<vmem_shared>>
    %dma_start3A_230 = tpu.memref_slice %arg16[%add3A_228] : memref<1048704xf32, #tpu.memory_space<vmem_shared>> -> memref<8192xf32, #tpu.memory_space<vmem_shared>>
    tpu.enqueue_dma source(%arg14 : memref<8192xf32, #tpu.memory_space<vmem>>) target(%dma_start3A_230 : memref<8192xf32, #tpu.memory_space<vmem_shared>>) target_semaphore(%arg15 : memref<!tpu.dma_semaphore, #tpu.memory_space<semaphore_mem>>)
    %mul3A_231 = arith.constant 65536 : i32
    %mul3A_232 = arith.muli %arg1, %mul3A_231 : i32
    %add3A_233 = arith.constant 49152 : i32
    %add3A_234 = arith.addi %mul3A_232, %add3A_233 : i32
    %dma_start3A_235 = tpu.memref_slice %arg16[%add3A_234] : memref<1048704xf32, #tpu.memory_space<vmem_shared>> -> memref<8192xf32, #tpu.memory_space<vmem_shared>>
    %dma_start3A_236 = tpu.memref_slice %arg16[%add3A_234] : memref<1048704xf32, #tpu.memory_space<vmem_shared>> -> memref<8192xf32, #tpu.memory_space<vmem_shared>>
    tpu.enqueue_dma source(%arg14 : memref<8192xf32, #tpu.memory_space<vmem>>) target(%dma_start3A_236 : memref<8192xf32, #tpu.memory_space<vmem_shared>>) target_semaphore(%arg15 : memref<!tpu.dma_semaphore, #tpu.memory_space<semaphore_mem>>)
    %mul3A_237 = arith.constant 65536 : i32
    %mul3A_238 = arith.muli %arg1, %mul3A_237 : i32
    %add3A_239 = arith.constant 57344 : i32
    %add3A_240 = arith.addi %mul3A_238, %add3A_239 : i32
    %dma_start3A_241 = tpu.memref_slice %arg16[%add3A_240] : memref<1048704xf32, #tpu.memory_space<vmem_shared>> -> memref<8192xf32, #tpu.memory_space<vmem_shared>>
    %dma_start3A_242 = tpu.memref_slice %arg16[%add3A_240] : memref<1048704xf32, #tpu.memory_space<vmem_shared>> -> memref<8192xf32, #tpu.memory_space<vmem_shared>>
    tpu.enqueue_dma source(%arg14 : memref<8192xf32, #tpu.memory_space<vmem>>) target(%dma_start3A_242 : memref<8192xf32, #tpu.memory_space<vmem_shared>>) target_semaphore(%arg15 : memref<!tpu.dma_semaphore, #tpu.memory_space<semaphore_mem>>)
    %dma_wait3A_243 = tpu.memref_slice %arg16[%add3A_198] : memref<1048704xf32, #tpu.memory_space<vmem_shared>> -> memref<8192xf32, #tpu.memory_space<vmem_shared>>
    %dma_wait3A_244 = tpu.memref_slice %arg16[%add3A_198] : memref<1048704xf32, #tpu.memory_space<vmem_shared>> -> memref<8192xf32, #tpu.memory_space<vmem_shared>>
    tpu.wait_dma2 semaphore(%arg15 : memref<!tpu.dma_semaphore, #tpu.memory_space<semaphore_mem>>) src(%arg14 : memref<8192xf32, #tpu.memory_space<vmem>>) dst(%dma_wait3A_244 : memref<8192xf32, #tpu.memory_space<vmem_shared>>)
    %dma_wait3A_245 = tpu.memref_slice %arg16[%add3A_204] : memref<1048704xf32, #tpu.memory_space<vmem_shared>> -> memref<8192xf32, #tpu.memory_space<vmem_shared>>
    %dma_wait3A_246 = tpu.memref_slice %arg16[%add3A_204] : memref<1048704xf32, #tpu.memory_space<vmem_shared>> -> memref<8192xf32, #tpu.memory_space<vmem_shared>>
    tpu.wait_dma2 semaphore(%arg15 : memref<!tpu.dma_semaphore, #tpu.memory_space<semaphore_mem>>) src(%arg14 : memref<8192xf32, #tpu.memory_space<vmem>>) dst(%dma_wait3A_246 : memref<8192xf32, #tpu.memory_space<vmem_shared>>)
    %dma_wait3A_247 = tpu.memref_slice %arg16[%add3A_210] : memref<1048704xf32, #tpu.memory_space<vmem_shared>> -> memref<8192xf32, #tpu.memory_space<vmem_shared>>
    %dma_wait3A_248 = tpu.memref_slice %arg16[%add3A_210] : memref<1048704xf32, #tpu.memory_space<vmem_shared>> -> memref<8192xf32, #tpu.memory_space<vmem_shared>>
    tpu.wait_dma2 semaphore(%arg15 : memref<!tpu.dma_semaphore, #tpu.memory_space<semaphore_mem>>) src(%arg14 : memref<8192xf32, #tpu.memory_space<vmem>>) dst(%dma_wait3A_248 : memref<8192xf32, #tpu.memory_space<vmem_shared>>)
    %dma_wait3A_249 = tpu.memref_slice %arg16[%add3A_216] : memref<1048704xf32, #tpu.memory_space<vmem_shared>> -> memref<8192xf32, #tpu.memory_space<vmem_shared>>
    %dma_wait3A_250 = tpu.memref_slice %arg16[%add3A_216] : memref<1048704xf32, #tpu.memory_space<vmem_shared>> -> memref<8192xf32, #tpu.memory_space<vmem_shared>>
    tpu.wait_dma2 semaphore(%arg15 : memref<!tpu.dma_semaphore, #tpu.memory_space<semaphore_mem>>) src(%arg14 : memref<8192xf32, #tpu.memory_space<vmem>>) dst(%dma_wait3A_250 : memref<8192xf32, #tpu.memory_space<vmem_shared>>)
    %dma_wait3A_251 = tpu.memref_slice %arg16[%add3A_222] : memref<1048704xf32, #tpu.memory_space<vmem_shared>> -> memref<8192xf32, #tpu.memory_space<vmem_shared>>
    %dma_wait3A_252 = tpu.memref_slice %arg16[%add3A_222] : memref<1048704xf32, #tpu.memory_space<vmem_shared>> -> memref<8192xf32, #tpu.memory_space<vmem_shared>>
    tpu.wait_dma2 semaphore(%arg15 : memref<!tpu.dma_semaphore, #tpu.memory_space<semaphore_mem>>) src(%arg14 : memref<8192xf32, #tpu.memory_space<vmem>>) dst(%dma_wait3A_252 : memref<8192xf32, #tpu.memory_space<vmem_shared>>)
    %dma_wait3A_253 = tpu.memref_slice %arg16[%add3A_228] : memref<1048704xf32, #tpu.memory_space<vmem_shared>> -> memref<8192xf32, #tpu.memory_space<vmem_shared>>
    %dma_wait3A_254 = tpu.memref_slice %arg16[%add3A_228] : memref<1048704xf32, #tpu.memory_space<vmem_shared>> -> memref<8192xf32, #tpu.memory_space<vmem_shared>>
    tpu.wait_dma2 semaphore(%arg15 : memref<!tpu.dma_semaphore, #tpu.memory_space<semaphore_mem>>) src(%arg14 : memref<8192xf32, #tpu.memory_space<vmem>>) dst(%dma_wait3A_254 : memref<8192xf32, #tpu.memory_space<vmem_shared>>)
    %dma_wait3A_255 = tpu.memref_slice %arg16[%add3A_234] : memref<1048704xf32, #tpu.memory_space<vmem_shared>> -> memref<8192xf32, #tpu.memory_space<vmem_shared>>
    %dma_wait3A_256 = tpu.memref_slice %arg16[%add3A_234] : memref<1048704xf32, #tpu.memory_space<vmem_shared>> -> memref<8192xf32, #tpu.memory_space<vmem_shared>>
    tpu.wait_dma2 semaphore(%arg15 : memref<!tpu.dma_semaphore, #tpu.memory_space<semaphore_mem>>) src(%arg14 : memref<8192xf32, #tpu.memory_space<vmem>>) dst(%dma_wait3A_256 : memref<8192xf32, #tpu.memory_space<vmem_shared>>)
    %dma_wait3A_257 = tpu.memref_slice %arg16[%add3A_240] : memref<1048704xf32, #tpu.memory_space<vmem_shared>> -> memref<8192xf32, #tpu.memory_space<vmem_shared>>
    %dma_wait3A_258 = tpu.memref_slice %arg16[%add3A_240] : memref<1048704xf32, #tpu.memory_space<vmem_shared>> -> memref<8192xf32, #tpu.memory_space<vmem_shared>>
    tpu.wait_dma2 semaphore(%arg15 : memref<!tpu.dma_semaphore, #tpu.memory_space<semaphore_mem>>) src(%arg14 : memref<8192xf32, #tpu.memory_space<vmem>>) dst(%dma_wait3A_258 : memref<8192xf32, #tpu.memory_space<vmem_shared>>)
    %scan3A_259 = arith.constant 0 : i32
    %scan3A_260 = arith.constant 0 : i32
    %scan3A_261 = arith.constant 128 : i32
    %scan3A_262 = arith.addi %scan3A_260, %scan3A_261 : i32
    %scan3A_263 = arith.constant 1 : i32
    %scan3A_264 = scf.for %scan3A_373 = %scan3A_260 to %scan3A_262 step %scan3A_263 iter_args(%scan3A_374 = %scan3A_259) -> (i32)  : i32 {
      %mul3A_375 = arith.constant 16 : i32
      %mul3A_376 = arith.muli %scan3A_373, %mul3A_375 : i32
      %get3A = arith.index_cast %mul3A_376 : i32 to index
      %get3A_377 = tpu.vector_load %arg8[%get3A] {strides = array<i32>} : memref<2048xi32, #tpu.memory_space<vmem>>, vector<16xi32>,
      %get3A_378 = vector.shape_cast %get3A_377 : vector<16xi32> to vector<16xi32>
      %get3A_379 = arith.index_cast %mul3A_376 : i32 to index
      %get3A_380 = tpu.vector_load %arg9[%get3A_379] {strides = array<i32>} : memref<2048xi32, #tpu.memory_space<vmem>>, vector<16xi32>,
      %get3A_381 = vector.shape_cast %get3A_380 : vector<16xi32> to vector<16xi32>
      %get3A_382 = arith.index_cast %mul3A_376 : i32 to index
      %get3A_383 = tpu.vector_load %arg11[%get3A_382] {strides = array<i32>} : memref<2048xf32, #tpu.memory_space<vmem>>, vector<16xf32>,
      %get3A_384 = vector.shape_cast %get3A_383 : vector<16xf32> to vector<16xf32>
      %shift_right_logical3A = arith.constant 9 : i32
      %shift_right_logical3A_385 = vector.broadcast %shift_right_logical3A : i32 to vector<16xi32>
      %shift_right_logical3A_386 = arith.shrui %get3A_378, %shift_right_logical3A_385 : vector<16xi32>
      %eq3A = vector.broadcast %add3A_194 : i32 to vector<16xi32>
      %eq3A_387 = arith.cmpi eq, %shift_right_logical3A_386, %eq3A : vector<16xi32>
      %and3A = arith.constant 511 : i32
      %and3A_388 = vector.broadcast %and3A : i32 to vector<16xi32>
      %and3A_389 = arith.andi %get3A_378, %and3A_388 : vector<16xi32>
      %shift_left3A = arith.constant 11 : i32
      %shift_left3A_390 = vector.broadcast %shift_left3A : i32 to vector<16xi32>
      %shift_left3A_391 = arith.shli %and3A_389, %shift_left3A_390 : vector<16xi32>
      %add3A_392 = arith.addi %shift_left3A_391, %get3A_381 : vector<16xi32>
      %select_n3A = arith.select %eq3A_387, %add3A_392, %add3A_3 : vector<16xi1>, vector<16xi32>
      %jit3A = arith.constant 0.000000e+00 : f32
      %broadcast_in_dim3A = vector.broadcast %jit3A : f32 to vector<16xf32>
      %select_n3A_393 = arith.select %eq3A_387, %get3A_384, %broadcast_in_dim3A : vector<16xi1>, vector<16xf32>
      %shift_right_logical3A_394 = arith.constant 3 : i32
      %shift_right_logical3A_395 = arith.shrui %scan3A_373, %shift_right_logical3A_394 : i32
      %and3A_396 = arith.constant 7 : i32
      %and3A_397 = arith.andi %scan3A_373, %and3A_396 : i32
      %mul3A_398 = arith.constant 16 : i32
      %mul3A_399 = arith.muli %and3A_397, %mul3A_398 : i32
      %swap3A = arith.index_cast %shift_right_logical3A_395 : i32 to index
      %swap3A_400 = arith.index_cast %mul3A_399 : i32 to index
      %swap3A_401 = tpu.vector_load %arg12[%swap3A, %swap3A_400] {strides = array<i32>} : memref<16x128xi32, #tpu.memory_space<vmem>>, vector<1x16xi32>,
      %swap3A_402 = vector.shape_cast %swap3A_401 : vector<1x16xi32> to vector<16xi32>
      %swap3A_403 = vector.shape_cast %select_n3A : vector<16xi32> to vector<1x16xi32>
      tpu.vector_store %arg12[%swap3A, %swap3A_400], %swap3A_403 {strides = array<i32>} : memref<16x128xi32, #tpu.memory_space<vmem>>, vector<1x16xi32>,
      %swap3A_404 = arith.index_cast %shift_right_logical3A_395 : i32 to index
      %swap3A_405 = arith.index_cast %mul3A_399 : i32 to index
      %swap3A_406 = tpu.vector_load %arg13[%swap3A_404, %swap3A_405] {strides = array<i32>} : memref<16x128xf32, #tpu.memory_space<vmem>>, vector<1x16xf32>,
      %swap3A_407 = vector.shape_cast %swap3A_406 : vector<1x16xf32> to vector<16xf32>
      %swap3A_408 = vector.shape_cast %select_n3A_393 : vector<16xf32> to vector<1x16xf32>
      tpu.vector_store %arg13[%swap3A_404, %swap3A_405], %swap3A_408 {strides = array<i32>} : memref<16x128xf32, #tpu.memory_space<vmem>>, vector<1x16xf32>,
      %scan3A_409 = arith.constant 0 : i32
      scf.yield %scan3A_409 : i32
    }
    %scan3A_265 = arith.constant 128 : i32
    %barrier3A_266 = arith.constant 0 : index
    tpu.barrier barrier_id(%barrier3A_266)
    %scan3A_267 = arith.constant 0 : i32
    %scan3A_268 = arith.constant 0 : i32
    %scan3A_269 = arith.constant 16 : i32
    %scan3A_270 = arith.addi %scan3A_268, %scan3A_269 : i32
    %scan3A_271 = arith.constant 1 : i32
    %scan3A_272 = scf.for %scan3A_373 = %scan3A_268 to %scan3A_270 step %scan3A_271 iter_args(%scan3A_374 = %scan3A_267) -> (i32)  : i32 {
      %eq3A = arith.cmpi eq, %arg1, %scan3A_373 : i32
      %convert_element_type3A = arith.extui %eq3A : i1 to i32
      %cond3A = arith.constant 0 : i32
      %cond3A_375 = arith.cmpi ne, %convert_element_type3A, %cond3A : i32
      scf.if %cond3A_375 {
        %dma_start3A_378 = arith.constant 0 : i32
        %dma_start3A_379 = arith.constant 0 : i32
        %dma_start3A_380 = arith.constant 0 : i32
        %dma_start3A_381 = tpu.memref_slice %arg13[%dma_start3A_378, %dma_start3A_380] : memref<16x128xf32, #tpu.memory_space<vmem>> -> memref<1x128xf32, #tpu.memory_space<vmem>>
        %dma_start3A_382 = tpu.memref_squeeze %dma_start3A_381 : memref<1x128xf32, #tpu.memory_space<vmem>> -> memref<128xf32, #tpu.memory_space<vmem>>
        %dma_start3A_383 = arith.constant 0 : i32
        %dma_start3A_384 = tpu.memref_slice %arg12[%dma_start3A_379, %dma_start3A_383] : memref<16x128xi32, #tpu.memory_space<vmem>> -> memref<1x128xi32, #tpu.memory_space<vmem>>
        %dma_start3A_385 = tpu.memref_squeeze %dma_start3A_384 : memref<1x128xi32, #tpu.memory_space<vmem>> -> memref<128xi32, #tpu.memory_space<vmem>>
        %dma_start3A_386 = arith.constant 0 : i32
        %dma_start3A_387 = tpu.memref_slice %arg16[%dma_start3A_386] : memref<1048704xf32, #tpu.memory_space<vmem_shared>> -> memref<1048704xf32, #tpu.memory_space<vmem_shared>>
        tpu.enqueue_indirect_dma source(%dma_start3A_382 : memref<128xf32, #tpu.memory_space<vmem>>) target(%dma_start3A_387 : memref<1048704xf32, #tpu.memory_space<vmem_shared>>) offsets(%dma_start3A_385 : memref<128xi32, #tpu.memory_space<vmem>>) semaphore(%arg15 : memref<!tpu.dma_semaphore, #tpu.memory_space<semaphore_mem>>) {add = true}
        %dma_start3A_388 = arith.constant 1 : i32
        %dma_start3A_389 = arith.constant 1 : i32
        %dma_start3A_390 = arith.constant 0 : i32
        %dma_start3A_391 = tpu.memref_slice %arg13[%dma_start3A_388, %dma_start3A_390] : memref<16x128xf32, #tpu.memory_space<vmem>> -> memref<1x128xf32, #tpu.memory_space<vmem>>
        %dma_start3A_392 = tpu.memref_squeeze %dma_start3A_391 : memref<1x128xf32, #tpu.memory_space<vmem>> -> memref<128xf32, #tpu.memory_space<vmem>>
        %dma_start3A_393 = arith.constant 0 : i32
        %dma_start3A_394 = tpu.memref_slice %arg12[%dma_start3A_389, %dma_start3A_393] : memref<16x128xi32, #tpu.memory_space<vmem>> -> memref<1x128xi32, #tpu.memory_space<vmem>>
        %dma_start3A_395 = tpu.memref_squeeze %dma_start3A_394 : memref<1x128xi32, #tpu.memory_space<vmem>> -> memref<128xi32, #tpu.memory_space<vmem>>
        %dma_start3A_396 = arith.constant 0 : i32
        %dma_start3A_397 = tpu.memref_slice %arg16[%dma_start3A_396] : memref<1048704xf32, #tpu.memory_space<vmem_shared>> -> memref<1048704xf32, #tpu.memory_space<vmem_shared>>
        tpu.enqueue_indirect_dma source(%dma_start3A_392 : memref<128xf32, #tpu.memory_space<vmem>>) target(%dma_start3A_397 : memref<1048704xf32, #tpu.memory_space<vmem_shared>>) offsets(%dma_start3A_395 : memref<128xi32, #tpu.memory_space<vmem>>) semaphore(%arg15 : memref<!tpu.dma_semaphore, #tpu.memory_space<semaphore_mem>>) {add = true}
        %dma_start3A_398 = arith.constant 2 : i32
        %dma_start3A_399 = arith.constant 2 : i32
        %dma_start3A_400 = arith.constant 0 : i32
        %dma_start3A_401 = tpu.memref_slice %arg13[%dma_start3A_398, %dma_start3A_400] : memref<16x128xf32, #tpu.memory_space<vmem>> -> memref<1x128xf32, #tpu.memory_space<vmem>>
        %dma_start3A_402 = tpu.memref_squeeze %dma_start3A_401 : memref<1x128xf32, #tpu.memory_space<vmem>> -> memref<128xf32, #tpu.memory_space<vmem>>
        %dma_start3A_403 = arith.constant 0 : i32
        %dma_start3A_404 = tpu.memref_slice %arg12[%dma_start3A_399, %dma_start3A_403] : memref<16x128xi32, #tpu.memory_space<vmem>> -> memref<1x128xi32, #tpu.memory_space<vmem>>
        %dma_start3A_405 = tpu.memref_squeeze %dma_start3A_404 : memref<1x128xi32, #tpu.memory_space<vmem>> -> memref<128xi32, #tpu.memory_space<vmem>>
        %dma_start3A_406 = arith.constant 0 : i32
        %dma_start3A_407 = tpu.memref_slice %arg16[%dma_start3A_406] : memref<1048704xf32, #tpu.memory_space<vmem_shared>> -> memref<1048704xf32, #tpu.memory_space<vmem_shared>>
        tpu.enqueue_indirect_dma source(%dma_start3A_402 : memref<128xf32, #tpu.memory_space<vmem>>) target(%dma_start3A_407 : memref<1048704xf32, #tpu.memory_space<vmem_shared>>) offsets(%dma_start3A_405 : memref<128xi32, #tpu.memory_space<vmem>>) semaphore(%arg15 : memref<!tpu.dma_semaphore, #tpu.memory_space<semaphore_mem>>) {add = true}
        %dma_start3A_408 = arith.constant 3 : i32
        %dma_start3A_409 = arith.constant 3 : i32
        %dma_start3A_410 = arith.constant 0 : i32
        %dma_start3A_411 = tpu.memref_slice %arg13[%dma_start3A_408, %dma_start3A_410] : memref<16x128xf32, #tpu.memory_space<vmem>> -> memref<1x128xf32, #tpu.memory_space<vmem>>
        %dma_start3A_412 = tpu.memref_squeeze %dma_start3A_411 : memref<1x128xf32, #tpu.memory_space<vmem>> -> memref<128xf32, #tpu.memory_space<vmem>>
        %dma_start3A_413 = arith.constant 0 : i32
        %dma_start3A_414 = tpu.memref_slice %arg12[%dma_start3A_409, %dma_start3A_413] : memref<16x128xi32, #tpu.memory_space<vmem>> -> memref<1x128xi32, #tpu.memory_space<vmem>>
        %dma_start3A_415 = tpu.memref_squeeze %dma_start3A_414 : memref<1x128xi32, #tpu.memory_space<vmem>> -> memref<128xi32, #tpu.memory_space<vmem>>
        %dma_start3A_416 = arith.constant 0 : i32
        %dma_start3A_417 = tpu.memref_slice %arg16[%dma_start3A_416] : memref<1048704xf32, #tpu.memory_space<vmem_shared>> -> memref<1048704xf32, #tpu.memory_space<vmem_shared>>
        tpu.enqueue_indirect_dma source(%dma_start3A_412 : memref<128xf32, #tpu.memory_space<vmem>>) target(%dma_start3A_417 : memref<1048704xf32, #tpu.memory_space<vmem_shared>>) offsets(%dma_start3A_415 : memref<128xi32, #tpu.memory_space<vmem>>) semaphore(%arg15 : memref<!tpu.dma_semaphore, #tpu.memory_space<semaphore_mem>>) {add = true}
        %dma_start3A_418 = arith.constant 4 : i32
        %dma_start3A_419 = arith.constant 4 : i32
        %dma_start3A_420 = arith.constant 0 : i32
        %dma_start3A_421 = tpu.memref_slice %arg13[%dma_start3A_418, %dma_start3A_420] : memref<16x128xf32, #tpu.memory_space<vmem>> -> memref<1x128xf32, #tpu.memory_space<vmem>>
        %dma_start3A_422 = tpu.memref_squeeze %dma_start3A_421 : memref<1x128xf32, #tpu.memory_space<vmem>> -> memref<128xf32, #tpu.memory_space<vmem>>
        %dma_start3A_423 = arith.constant 0 : i32
        %dma_start3A_424 = tpu.memref_slice %arg12[%dma_start3A_419, %dma_start3A_423] : memref<16x128xi32, #tpu.memory_space<vmem>> -> memref<1x128xi32, #tpu.memory_space<vmem>>
        %dma_start3A_425 = tpu.memref_squeeze %dma_start3A_424 : memref<1x128xi32, #tpu.memory_space<vmem>> -> memref<128xi32, #tpu.memory_space<vmem>>
        %dma_start3A_426 = arith.constant 0 : i32
        %dma_start3A_427 = tpu.memref_slice %arg16[%dma_start3A_426] : memref<1048704xf32, #tpu.memory_space<vmem_shared>> -> memref<1048704xf32, #tpu.memory_space<vmem_shared>>
        tpu.enqueue_indirect_dma source(%dma_start3A_422 : memref<128xf32, #tpu.memory_space<vmem>>) target(%dma_start3A_427 : memref<1048704xf32, #tpu.memory_space<vmem_shared>>) offsets(%dma_start3A_425 : memref<128xi32, #tpu.memory_space<vmem>>) semaphore(%arg15 : memref<!tpu.dma_semaphore, #tpu.memory_space<semaphore_mem>>) {add = true}
        %dma_start3A_428 = arith.constant 5 : i32
        %dma_start3A_429 = arith.constant 5 : i32
        %dma_start3A_430 = arith.constant 0 : i32
        %dma_start3A_431 = tpu.memref_slice %arg13[%dma_start3A_428, %dma_start3A_430] : memref<16x128xf32, #tpu.memory_space<vmem>> -> memref<1x128xf32, #tpu.memory_space<vmem>>
        %dma_start3A_432 = tpu.memref_squeeze %dma_start3A_431 : memref<1x128xf32, #tpu.memory_space<vmem>> -> memref<128xf32, #tpu.memory_space<vmem>>
        %dma_start3A_433 = arith.constant 0 : i32
        %dma_start3A_434 = tpu.memref_slice %arg12[%dma_start3A_429, %dma_start3A_433] : memref<16x128xi32, #tpu.memory_space<vmem>> -> memref<1x128xi32, #tpu.memory_space<vmem>>
        %dma_start3A_435 = tpu.memref_squeeze %dma_start3A_434 : memref<1x128xi32, #tpu.memory_space<vmem>> -> memref<128xi32, #tpu.memory_space<vmem>>
        %dma_start3A_436 = arith.constant 0 : i32
        %dma_start3A_437 = tpu.memref_slice %arg16[%dma_start3A_436] : memref<1048704xf32, #tpu.memory_space<vmem_shared>> -> memref<1048704xf32, #tpu.memory_space<vmem_shared>>
        tpu.enqueue_indirect_dma source(%dma_start3A_432 : memref<128xf32, #tpu.memory_space<vmem>>) target(%dma_start3A_437 : memref<1048704xf32, #tpu.memory_space<vmem_shared>>) offsets(%dma_start3A_435 : memref<128xi32, #tpu.memory_space<vmem>>) semaphore(%arg15 : memref<!tpu.dma_semaphore, #tpu.memory_space<semaphore_mem>>) {add = true}
        %dma_start3A_438 = arith.constant 6 : i32
        %dma_start3A_439 = arith.constant 6 : i32
        %dma_start3A_440 = arith.constant 0 : i32
        %dma_start3A_441 = tpu.memref_slice %arg13[%dma_start3A_438, %dma_start3A_440] : memref<16x128xf32, #tpu.memory_space<vmem>> -> memref<1x128xf32, #tpu.memory_space<vmem>>
        %dma_start3A_442 = tpu.memref_squeeze %dma_start3A_441 : memref<1x128xf32, #tpu.memory_space<vmem>> -> memref<128xf32, #tpu.memory_space<vmem>>
        %dma_start3A_443 = arith.constant 0 : i32
        %dma_start3A_444 = tpu.memref_slice %arg12[%dma_start3A_439, %dma_start3A_443] : memref<16x128xi32, #tpu.memory_space<vmem>> -> memref<1x128xi32, #tpu.memory_space<vmem>>
        %dma_start3A_445 = tpu.memref_squeeze %dma_start3A_444 : memref<1x128xi32, #tpu.memory_space<vmem>> -> memref<128xi32, #tpu.memory_space<vmem>>
        %dma_start3A_446 = arith.constant 0 : i32
        %dma_start3A_447 = tpu.memref_slice %arg16[%dma_start3A_446] : memref<1048704xf32, #tpu.memory_space<vmem_shared>> -> memref<1048704xf32, #tpu.memory_space<vmem_shared>>
        tpu.enqueue_indirect_dma source(%dma_start3A_442 : memref<128xf32, #tpu.memory_space<vmem>>) target(%dma_start3A_447 : memref<1048704xf32, #tpu.memory_space<vmem_shared>>) offsets(%dma_start3A_445 : memref<128xi32, #tpu.memory_space<vmem>>) semaphore(%arg15 : memref<!tpu.dma_semaphore, #tpu.memory_space<semaphore_mem>>) {add = true}
        %dma_start3A_448 = arith.constant 7 : i32
        %dma_start3A_449 = arith.constant 7 : i32
        %dma_start3A_450 = arith.constant 0 : i32
        %dma_start3A_451 = tpu.memref_slice %arg13[%dma_start3A_448, %dma_start3A_450] : memref<16x128xf32, #tpu.memory_space<vmem>> -> memref<1x128xf32, #tpu.memory_space<vmem>>
        %dma_start3A_452 = tpu.memref_squeeze %dma_start3A_451 : memref<1x128xf32, #tpu.memory_space<vmem>> -> memref<128xf32, #tpu.memory_space<vmem>>
        %dma_start3A_453 = arith.constant 0 : i32
        %dma_start3A_454 = tpu.memref_slice %arg12[%dma_start3A_449, %dma_start3A_453] : memref<16x128xi32, #tpu.memory_space<vmem>> -> memref<1x128xi32, #tpu.memory_space<vmem>>
        %dma_start3A_455 = tpu.memref_squeeze %dma_start3A_454 : memref<1x128xi32, #tpu.memory_space<vmem>> -> memref<128xi32, #tpu.memory_space<vmem>>
        %dma_start3A_456 = arith.constant 0 : i32
        %dma_start3A_457 = tpu.memref_slice %arg16[%dma_start3A_456] : memref<1048704xf32, #tpu.memory_space<vmem_shared>> -> memref<1048704xf32, #tpu.memory_space<vmem_shared>>
        tpu.enqueue_indirect_dma source(%dma_start3A_452 : memref<128xf32, #tpu.memory_space<vmem>>) target(%dma_start3A_457 : memref<1048704xf32, #tpu.memory_space<vmem_shared>>) offsets(%dma_start3A_455 : memref<128xi32, #tpu.memory_space<vmem>>) semaphore(%arg15 : memref<!tpu.dma_semaphore, #tpu.memory_space<semaphore_mem>>) {add = true}
        %dma_start3A_458 = arith.constant 8 : i32
        %dma_start3A_459 = arith.constant 8 : i32
        %dma_start3A_460 = arith.constant 0 : i32
        %dma_start3A_461 = tpu.memref_slice %arg13[%dma_start3A_458, %dma_start3A_460] : memref<16x128xf32, #tpu.memory_space<vmem>> -> memref<1x128xf32, #tpu.memory_space<vmem>>
        %dma_start3A_462 = tpu.memref_squeeze %dma_start3A_461 : memref<1x128xf32, #tpu.memory_space<vmem>> -> memref<128xf32, #tpu.memory_space<vmem>>
        %dma_start3A_463 = arith.constant 0 : i32
        %dma_start3A_464 = tpu.memref_slice %arg12[%dma_start3A_459, %dma_start3A_463] : memref<16x128xi32, #tpu.memory_space<vmem>> -> memref<1x128xi32, #tpu.memory_space<vmem>>
        %dma_start3A_465 = tpu.memref_squeeze %dma_start3A_464 : memref<1x128xi32, #tpu.memory_space<vmem>> -> memref<128xi32, #tpu.memory_space<vmem>>
        %dma_start3A_466 = arith.constant 0 : i32
        %dma_start3A_467 = tpu.memref_slice %arg16[%dma_start3A_466] : memref<1048704xf32, #tpu.memory_space<vmem_shared>> -> memref<1048704xf32, #tpu.memory_space<vmem_shared>>
        tpu.enqueue_indirect_dma source(%dma_start3A_462 : memref<128xf32, #tpu.memory_space<vmem>>) target(%dma_start3A_467 : memref<1048704xf32, #tpu.memory_space<vmem_shared>>) offsets(%dma_start3A_465 : memref<128xi32, #tpu.memory_space<vmem>>) semaphore(%arg15 : memref<!tpu.dma_semaphore, #tpu.memory_space<semaphore_mem>>) {add = true}
        %dma_wait3A_468 = arith.constant 0 : i32
        %dma_wait3A_469 = arith.constant 0 : i32
        %dma_wait3A_470 = arith.constant 0 : i32
        %dma_wait3A_471 = tpu.memref_slice %arg13[%dma_wait3A_468, %dma_wait3A_470] : memref<16x128xf32, #tpu.memory_space<vmem>> -> memref<1x128xf32, #tpu.memory_space<vmem>>
        %dma_wait3A_472 = tpu.memref_squeeze %dma_wait3A_471 : memref<1x128xf32, #tpu.memory_space<vmem>> -> memref<128xf32, #tpu.memory_space<vmem>>
        %dma_wait3A_473 = arith.constant 0 : i32
        %dma_wait3A_474 = tpu.memref_slice %arg12[%dma_wait3A_469, %dma_wait3A_473] : memref<16x128xi32, #tpu.memory_space<vmem>> -> memref<1x128xi32, #tpu.memory_space<vmem>>
        %dma_wait3A_475 = tpu.memref_squeeze %dma_wait3A_474 : memref<1x128xi32, #tpu.memory_space<vmem>> -> memref<128xi32, #tpu.memory_space<vmem>>
        %dma_wait3A_476 = arith.constant 0 : i32
        %dma_wait3A_477 = tpu.memref_slice %arg16[%dma_wait3A_476] : memref<1048704xf32, #tpu.memory_space<vmem_shared>> -> memref<1048704xf32, #tpu.memory_space<vmem_shared>>
        tpu.wait_indirect_dma semaphore(%arg15 : memref<!tpu.dma_semaphore, #tpu.memory_space<semaphore_mem>>) src(%dma_wait3A_472 : memref<128xf32, #tpu.memory_space<vmem>>) dst(%dma_wait3A_477 : memref<1048704xf32, #tpu.memory_space<vmem_shared>>)
        %dma_start3A_478 = arith.constant 9 : i32
        %dma_start3A_479 = arith.constant 9 : i32
        %dma_start3A_480 = arith.constant 0 : i32
        %dma_start3A_481 = tpu.memref_slice %arg13[%dma_start3A_478, %dma_start3A_480] : memref<16x128xf32, #tpu.memory_space<vmem>> -> memref<1x128xf32, #tpu.memory_space<vmem>>
        %dma_start3A_482 = tpu.memref_squeeze %dma_start3A_481 : memref<1x128xf32, #tpu.memory_space<vmem>> -> memref<128xf32, #tpu.memory_space<vmem>>
        %dma_start3A_483 = arith.constant 0 : i32
        %dma_start3A_484 = tpu.memref_slice %arg12[%dma_start3A_479, %dma_start3A_483] : memref<16x128xi32, #tpu.memory_space<vmem>> -> memref<1x128xi32, #tpu.memory_space<vmem>>
        %dma_start3A_485 = tpu.memref_squeeze %dma_start3A_484 : memref<1x128xi32, #tpu.memory_space<vmem>> -> memref<128xi32, #tpu.memory_space<vmem>>
        %dma_start3A_486 = arith.constant 0 : i32
        %dma_start3A_487 = tpu.memref_slice %arg16[%dma_start3A_486] : memref<1048704xf32, #tpu.memory_space<vmem_shared>> -> memref<1048704xf32, #tpu.memory_space<vmem_shared>>
        tpu.enqueue_indirect_dma source(%dma_start3A_482 : memref<128xf32, #tpu.memory_space<vmem>>) target(%dma_start3A_487 : memref<1048704xf32, #tpu.memory_space<vmem_shared>>) offsets(%dma_start3A_485 : memref<128xi32, #tpu.memory_space<vmem>>) semaphore(%arg15 : memref<!tpu.dma_semaphore, #tpu.memory_space<semaphore_mem>>) {add = true}
        %dma_wait3A_488 = arith.constant 1 : i32
        %dma_wait3A_489 = arith.constant 1 : i32
        %dma_wait3A_490 = arith.constant 0 : i32
        %dma_wait3A_491 = tpu.memref_slice %arg13[%dma_wait3A_488, %dma_wait3A_490] : memref<16x128xf32, #tpu.memory_space<vmem>> -> memref<1x128xf32, #tpu.memory_space<vmem>>
        %dma_wait3A_492 = tpu.memref_squeeze %dma_wait3A_491 : memref<1x128xf32, #tpu.memory_space<vmem>> -> memref<128xf32, #tpu.memory_space<vmem>>
        %dma_wait3A_493 = arith.constant 0 : i32
        %dma_wait3A_494 = tpu.memref_slice %arg12[%dma_wait3A_489, %dma_wait3A_493] : memref<16x128xi32, #tpu.memory_space<vmem>> -> memref<1x128xi32, #tpu.memory_space<vmem>>
        %dma_wait3A_495 = tpu.memref_squeeze %dma_wait3A_494 : memref<1x128xi32, #tpu.memory_space<vmem>> -> memref<128xi32, #tpu.memory_space<vmem>>
        %dma_wait3A_496 = arith.constant 0 : i32
        %dma_wait3A_497 = tpu.memref_slice %arg16[%dma_wait3A_496] : memref<1048704xf32, #tpu.memory_space<vmem_shared>> -> memref<1048704xf32, #tpu.memory_space<vmem_shared>>
        tpu.wait_indirect_dma semaphore(%arg15 : memref<!tpu.dma_semaphore, #tpu.memory_space<semaphore_mem>>) src(%dma_wait3A_492 : memref<128xf32, #tpu.memory_space<vmem>>) dst(%dma_wait3A_497 : memref<1048704xf32, #tpu.memory_space<vmem_shared>>)
        %dma_start3A_498 = arith.constant 10 : i32
        %dma_start3A_499 = arith.constant 10 : i32
        %dma_start3A_500 = arith.constant 0 : i32
        %dma_start3A_501 = tpu.memref_slice %arg13[%dma_start3A_498, %dma_start3A_500] : memref<16x128xf32, #tpu.memory_space<vmem>> -> memref<1x128xf32, #tpu.memory_space<vmem>>
        %dma_start3A_502 = tpu.memref_squeeze %dma_start3A_501 : memref<1x128xf32, #tpu.memory_space<vmem>> -> memref<128xf32, #tpu.memory_space<vmem>>
        %dma_start3A_503 = arith.constant 0 : i32
        %dma_start3A_504 = tpu.memref_slice %arg12[%dma_start3A_499, %dma_start3A_503] : memref<16x128xi32, #tpu.memory_space<vmem>> -> memref<1x128xi32, #tpu.memory_space<vmem>>
        %dma_start3A_505 = tpu.memref_squeeze %dma_start3A_504 : memref<1x128xi32, #tpu.memory_space<vmem>> -> memref<128xi32, #tpu.memory_space<vmem>>
        %dma_start3A_506 = arith.constant 0 : i32
        %dma_start3A_507 = tpu.memref_slice %arg16[%dma_start3A_506] : memref<1048704xf32, #tpu.memory_space<vmem_shared>> -> memref<1048704xf32, #tpu.memory_space<vmem_shared>>
        tpu.enqueue_indirect_dma source(%dma_start3A_502 : memref<128xf32, #tpu.memory_space<vmem>>) target(%dma_start3A_507 : memref<1048704xf32, #tpu.memory_space<vmem_shared>>) offsets(%dma_start3A_505 : memref<128xi32, #tpu.memory_space<vmem>>) semaphore(%arg15 : memref<!tpu.dma_semaphore, #tpu.memory_space<semaphore_mem>>) {add = true}
        %dma_wait3A_508 = arith.constant 2 : i32
        %dma_wait3A_509 = arith.constant 2 : i32
        %dma_wait3A_510 = arith.constant 0 : i32
        %dma_wait3A_511 = tpu.memref_slice %arg13[%dma_wait3A_508, %dma_wait3A_510] : memref<16x128xf32, #tpu.memory_space<vmem>> -> memref<1x128xf32, #tpu.memory_space<vmem>>
        %dma_wait3A_512 = tpu.memref_squeeze %dma_wait3A_511 : memref<1x128xf32, #tpu.memory_space<vmem>> -> memref<128xf32, #tpu.memory_space<vmem>>
        %dma_wait3A_513 = arith.constant 0 : i32
        %dma_wait3A_514 = tpu.memref_slice %arg12[%dma_wait3A_509, %dma_wait3A_513] : memref<16x128xi32, #tpu.memory_space<vmem>> -> memref<1x128xi32, #tpu.memory_space<vmem>>
        %dma_wait3A_515 = tpu.memref_squeeze %dma_wait3A_514 : memref<1x128xi32, #tpu.memory_space<vmem>> -> memref<128xi32, #tpu.memory_space<vmem>>
        %dma_wait3A_516 = arith.constant 0 : i32
        %dma_wait3A_517 = tpu.memref_slice %arg16[%dma_wait3A_516] : memref<1048704xf32, #tpu.memory_space<vmem_shared>> -> memref<1048704xf32, #tpu.memory_space<vmem_shared>>
        tpu.wait_indirect_dma semaphore(%arg15 : memref<!tpu.dma_semaphore, #tpu.memory_space<semaphore_mem>>) src(%dma_wait3A_512 : memref<128xf32, #tpu.memory_space<vmem>>) dst(%dma_wait3A_517 : memref<1048704xf32, #tpu.memory_space<vmem_shared>>)
        %dma_start3A_518 = arith.constant 11 : i32
        %dma_start3A_519 = arith.constant 11 : i32
        %dma_start3A_520 = arith.constant 0 : i32
        %dma_start3A_521 = tpu.memref_slice %arg13[%dma_start3A_518, %dma_start3A_520] : memref<16x128xf32, #tpu.memory_space<vmem>> -> memref<1x128xf32, #tpu.memory_space<vmem>>
        %dma_start3A_522 = tpu.memref_squeeze %dma_start3A_521 : memref<1x128xf32, #tpu.memory_space<vmem>> -> memref<128xf32, #tpu.memory_space<vmem>>
        %dma_start3A_523 = arith.constant 0 : i32
        %dma_start3A_524 = tpu.memref_slice %arg12[%dma_start3A_519, %dma_start3A_523] : memref<16x128xi32, #tpu.memory_space<vmem>> -> memref<1x128xi32, #tpu.memory_space<vmem>>
        %dma_start3A_525 = tpu.memref_squeeze %dma_start3A_524 : memref<1x128xi32, #tpu.memory_space<vmem>> -> memref<128xi32, #tpu.memory_space<vmem>>
        %dma_start3A_526 = arith.constant 0 : i32
        %dma_start3A_527 = tpu.memref_slice %arg16[%dma_start3A_526] : memref<1048704xf32, #tpu.memory_space<vmem_shared>> -> memref<1048704xf32, #tpu.memory_space<vmem_shared>>
        tpu.enqueue_indirect_dma source(%dma_start3A_522 : memref<128xf32, #tpu.memory_space<vmem>>) target(%dma_start3A_527 : memref<1048704xf32, #tpu.memory_space<vmem_shared>>) offsets(%dma_start3A_525 : memref<128xi32, #tpu.memory_space<vmem>>) semaphore(%arg15 : memref<!tpu.dma_semaphore, #tpu.memory_space<semaphore_mem>>) {add = true}
        %dma_wait3A_528 = arith.constant 3 : i32
        %dma_wait3A_529 = arith.constant 3 : i32
        %dma_wait3A_530 = arith.constant 0 : i32
        %dma_wait3A_531 = tpu.memref_slice %arg13[%dma_wait3A_528, %dma_wait3A_530] : memref<16x128xf32, #tpu.memory_space<vmem>> -> memref<1x128xf32, #tpu.memory_space<vmem>>
        %dma_wait3A_532 = tpu.memref_squeeze %dma_wait3A_531 : memref<1x128xf32, #tpu.memory_space<vmem>> -> memref<128xf32, #tpu.memory_space<vmem>>
        %dma_wait3A_533 = arith.constant 0 : i32
        %dma_wait3A_534 = tpu.memref_slice %arg12[%dma_wait3A_529, %dma_wait3A_533] : memref<16x128xi32, #tpu.memory_space<vmem>> -> memref<1x128xi32, #tpu.memory_space<vmem>>
        %dma_wait3A_535 = tpu.memref_squeeze %dma_wait3A_534 : memref<1x128xi32, #tpu.memory_space<vmem>> -> memref<128xi32, #tpu.memory_space<vmem>>
        %dma_wait3A_536 = arith.constant 0 : i32
        %dma_wait3A_537 = tpu.memref_slice %arg16[%dma_wait3A_536] : memref<1048704xf32, #tpu.memory_space<vmem_shared>> -> memref<1048704xf32, #tpu.memory_space<vmem_shared>>
        tpu.wait_indirect_dma semaphore(%arg15 : memref<!tpu.dma_semaphore, #tpu.memory_space<semaphore_mem>>) src(%dma_wait3A_532 : memref<128xf32, #tpu.memory_space<vmem>>) dst(%dma_wait3A_537 : memref<1048704xf32, #tpu.memory_space<vmem_shared>>)
        %dma_start3A_538 = arith.constant 12 : i32
        %dma_start3A_539 = arith.constant 12 : i32
        %dma_start3A_540 = arith.constant 0 : i32
        %dma_start3A_541 = tpu.memref_slice %arg13[%dma_start3A_538, %dma_start3A_540] : memref<16x128xf32, #tpu.memory_space<vmem>> -> memref<1x128xf32, #tpu.memory_space<vmem>>
        %dma_start3A_542 = tpu.memref_squeeze %dma_start3A_541 : memref<1x128xf32, #tpu.memory_space<vmem>> -> memref<128xf32, #tpu.memory_space<vmem>>
        %dma_start3A_543 = arith.constant 0 : i32
        %dma_start3A_544 = tpu.memref_slice %arg12[%dma_start3A_539, %dma_start3A_543] : memref<16x128xi32, #tpu.memory_space<vmem>> -> memref<1x128xi32, #tpu.memory_space<vmem>>
        %dma_start3A_545 = tpu.memref_squeeze %dma_start3A_544 : memref<1x128xi32, #tpu.memory_space<vmem>> -> memref<128xi32, #tpu.memory_space<vmem>>
        %dma_start3A_546 = arith.constant 0 : i32
        %dma_start3A_547 = tpu.memref_slice %arg16[%dma_start3A_546] : memref<1048704xf32, #tpu.memory_space<vmem_shared>> -> memref<1048704xf32, #tpu.memory_space<vmem_shared>>
        tpu.enqueue_indirect_dma source(%dma_start3A_542 : memref<128xf32, #tpu.memory_space<vmem>>) target(%dma_start3A_547 : memref<1048704xf32, #tpu.memory_space<vmem_shared>>) offsets(%dma_start3A_545 : memref<128xi32, #tpu.memory_space<vmem>>) semaphore(%arg15 : memref<!tpu.dma_semaphore, #tpu.memory_space<semaphore_mem>>) {add = true}
        %dma_wait3A_548 = arith.constant 4 : i32
        %dma_wait3A_549 = arith.constant 4 : i32
        %dma_wait3A_550 = arith.constant 0 : i32
        %dma_wait3A_551 = tpu.memref_slice %arg13[%dma_wait3A_548, %dma_wait3A_550] : memref<16x128xf32, #tpu.memory_space<vmem>> -> memref<1x128xf32, #tpu.memory_space<vmem>>
        %dma_wait3A_552 = tpu.memref_squeeze %dma_wait3A_551 : memref<1x128xf32, #tpu.memory_space<vmem>> -> memref<128xf32, #tpu.memory_space<vmem>>
        %dma_wait3A_553 = arith.constant 0 : i32
        %dma_wait3A_554 = tpu.memref_slice %arg12[%dma_wait3A_549, %dma_wait3A_553] : memref<16x128xi32, #tpu.memory_space<vmem>> -> memref<1x128xi32, #tpu.memory_space<vmem>>
        %dma_wait3A_555 = tpu.memref_squeeze %dma_wait3A_554 : memref<1x128xi32, #tpu.memory_space<vmem>> -> memref<128xi32, #tpu.memory_space<vmem>>
        %dma_wait3A_556 = arith.constant 0 : i32
        %dma_wait3A_557 = tpu.memref_slice %arg16[%dma_wait3A_556] : memref<1048704xf32, #tpu.memory_space<vmem_shared>> -> memref<1048704xf32, #tpu.memory_space<vmem_shared>>
        tpu.wait_indirect_dma semaphore(%arg15 : memref<!tpu.dma_semaphore, #tpu.memory_space<semaphore_mem>>) src(%dma_wait3A_552 : memref<128xf32, #tpu.memory_space<vmem>>) dst(%dma_wait3A_557 : memref<1048704xf32, #tpu.memory_space<vmem_shared>>)
        %dma_start3A_558 = arith.constant 13 : i32
        %dma_start3A_559 = arith.constant 13 : i32
        %dma_start3A_560 = arith.constant 0 : i32
        %dma_start3A_561 = tpu.memref_slice %arg13[%dma_start3A_558, %dma_start3A_560] : memref<16x128xf32, #tpu.memory_space<vmem>> -> memref<1x128xf32, #tpu.memory_space<vmem>>
        %dma_start3A_562 = tpu.memref_squeeze %dma_start3A_561 : memref<1x128xf32, #tpu.memory_space<vmem>> -> memref<128xf32, #tpu.memory_space<vmem>>
        %dma_start3A_563 = arith.constant 0 : i32
        %dma_start3A_564 = tpu.memref_slice %arg12[%dma_start3A_559, %dma_start3A_563] : memref<16x128xi32, #tpu.memory_space<vmem>> -> memref<1x128xi32, #tpu.memory_space<vmem>>
        %dma_start3A_565 = tpu.memref_squeeze %dma_start3A_564 : memref<1x128xi32, #tpu.memory_space<vmem>> -> memref<128xi32, #tpu.memory_space<vmem>>
        %dma_start3A_566 = arith.constant 0 : i32
        %dma_start3A_567 = tpu.memref_slice %arg16[%dma_start3A_566] : memref<1048704xf32, #tpu.memory_space<vmem_shared>> -> memref<1048704xf32, #tpu.memory_space<vmem_shared>>
        tpu.enqueue_indirect_dma source(%dma_start3A_562 : memref<128xf32, #tpu.memory_space<vmem>>) target(%dma_start3A_567 : memref<1048704xf32, #tpu.memory_space<vmem_shared>>) offsets(%dma_start3A_565 : memref<128xi32, #tpu.memory_space<vmem>>) semaphore(%arg15 : memref<!tpu.dma_semaphore, #tpu.memory_space<semaphore_mem>>) {add = true}
        %dma_wait3A_568 = arith.constant 5 : i32
        %dma_wait3A_569 = arith.constant 5 : i32
        %dma_wait3A_570 = arith.constant 0 : i32
        %dma_wait3A_571 = tpu.memref_slice %arg13[%dma_wait3A_568, %dma_wait3A_570] : memref<16x128xf32, #tpu.memory_space<vmem>> -> memref<1x128xf32, #tpu.memory_space<vmem>>
        %dma_wait3A_572 = tpu.memref_squeeze %dma_wait3A_571 : memref<1x128xf32, #tpu.memory_space<vmem>> -> memref<128xf32, #tpu.memory_space<vmem>>
        %dma_wait3A_573 = arith.constant 0 : i32
        %dma_wait3A_574 = tpu.memref_slice %arg12[%dma_wait3A_569, %dma_wait3A_573] : memref<16x128xi32, #tpu.memory_space<vmem>> -> memref<1x128xi32, #tpu.memory_space<vmem>>
        %dma_wait3A_575 = tpu.memref_squeeze %dma_wait3A_574 : memref<1x128xi32, #tpu.memory_space<vmem>> -> memref<128xi32, #tpu.memory_space<vmem>>
        %dma_wait3A_576 = arith.constant 0 : i32
        %dma_wait3A_577 = tpu.memref_slice %arg16[%dma_wait3A_576] : memref<1048704xf32, #tpu.memory_space<vmem_shared>> -> memref<1048704xf32, #tpu.memory_space<vmem_shared>>
        tpu.wait_indirect_dma semaphore(%arg15 : memref<!tpu.dma_semaphore, #tpu.memory_space<semaphore_mem>>) src(%dma_wait3A_572 : memref<128xf32, #tpu.memory_space<vmem>>) dst(%dma_wait3A_577 : memref<1048704xf32, #tpu.memory_space<vmem_shared>>)
        %dma_start3A_578 = arith.constant 14 : i32
        %dma_start3A_579 = arith.constant 14 : i32
        %dma_start3A_580 = arith.constant 0 : i32
        %dma_start3A_581 = tpu.memref_slice %arg13[%dma_start3A_578, %dma_start3A_580] : memref<16x128xf32, #tpu.memory_space<vmem>> -> memref<1x128xf32, #tpu.memory_space<vmem>>
        %dma_start3A_582 = tpu.memref_squeeze %dma_start3A_581 : memref<1x128xf32, #tpu.memory_space<vmem>> -> memref<128xf32, #tpu.memory_space<vmem>>
        %dma_start3A_583 = arith.constant 0 : i32
        %dma_start3A_584 = tpu.memref_slice %arg12[%dma_start3A_579, %dma_start3A_583] : memref<16x128xi32, #tpu.memory_space<vmem>> -> memref<1x128xi32, #tpu.memory_space<vmem>>
        %dma_start3A_585 = tpu.memref_squeeze %dma_start3A_584 : memref<1x128xi32, #tpu.memory_space<vmem>> -> memref<128xi32, #tpu.memory_space<vmem>>
        %dma_start3A_586 = arith.constant 0 : i32
        %dma_start3A_587 = tpu.memref_slice %arg16[%dma_start3A_586] : memref<1048704xf32, #tpu.memory_space<vmem_shared>> -> memref<1048704xf32, #tpu.memory_space<vmem_shared>>
        tpu.enqueue_indirect_dma source(%dma_start3A_582 : memref<128xf32, #tpu.memory_space<vmem>>) target(%dma_start3A_587 : memref<1048704xf32, #tpu.memory_space<vmem_shared>>) offsets(%dma_start3A_585 : memref<128xi32, #tpu.memory_space<vmem>>) semaphore(%arg15 : memref<!tpu.dma_semaphore, #tpu.memory_space<semaphore_mem>>) {add = true}
        %dma_wait3A_588 = arith.constant 6 : i32
        %dma_wait3A_589 = arith.constant 6 : i32
        %dma_wait3A_590 = arith.constant 0 : i32
        %dma_wait3A_591 = tpu.memref_slice %arg13[%dma_wait3A_588, %dma_wait3A_590] : memref<16x128xf32, #tpu.memory_space<vmem>> -> memref<1x128xf32, #tpu.memory_space<vmem>>
        %dma_wait3A_592 = tpu.memref_squeeze %dma_wait3A_591 : memref<1x128xf32, #tpu.memory_space<vmem>> -> memref<128xf32, #tpu.memory_space<vmem>>
        %dma_wait3A_593 = arith.constant 0 : i32
        %dma_wait3A_594 = tpu.memref_slice %arg12[%dma_wait3A_589, %dma_wait3A_593] : memref<16x128xi32, #tpu.memory_space<vmem>> -> memref<1x128xi32, #tpu.memory_space<vmem>>
        %dma_wait3A_595 = tpu.memref_squeeze %dma_wait3A_594 : memref<1x128xi32, #tpu.memory_space<vmem>> -> memref<128xi32, #tpu.memory_space<vmem>>
        %dma_wait3A_596 = arith.constant 0 : i32
        %dma_wait3A_597 = tpu.memref_slice %arg16[%dma_wait3A_596] : memref<1048704xf32, #tpu.memory_space<vmem_shared>> -> memref<1048704xf32, #tpu.memory_space<vmem_shared>>
        tpu.wait_indirect_dma semaphore(%arg15 : memref<!tpu.dma_semaphore, #tpu.memory_space<semaphore_mem>>) src(%dma_wait3A_592 : memref<128xf32, #tpu.memory_space<vmem>>) dst(%dma_wait3A_597 : memref<1048704xf32, #tpu.memory_space<vmem_shared>>)
        %dma_start3A_598 = arith.constant 15 : i32
        %dma_start3A_599 = arith.constant 15 : i32
        %dma_start3A_600 = arith.constant 0 : i32
        %dma_start3A_601 = tpu.memref_slice %arg13[%dma_start3A_598, %dma_start3A_600] : memref<16x128xf32, #tpu.memory_space<vmem>> -> memref<1x128xf32, #tpu.memory_space<vmem>>
        %dma_start3A_602 = tpu.memref_squeeze %dma_start3A_601 : memref<1x128xf32, #tpu.memory_space<vmem>> -> memref<128xf32, #tpu.memory_space<vmem>>
        %dma_start3A_603 = arith.constant 0 : i32
        %dma_start3A_604 = tpu.memref_slice %arg12[%dma_start3A_599, %dma_start3A_603] : memref<16x128xi32, #tpu.memory_space<vmem>> -> memref<1x128xi32, #tpu.memory_space<vmem>>
        %dma_start3A_605 = tpu.memref_squeeze %dma_start3A_604 : memref<1x128xi32, #tpu.memory_space<vmem>> -> memref<128xi32, #tpu.memory_space<vmem>>
        %dma_start3A_606 = arith.constant 0 : i32
        %dma_start3A_607 = tpu.memref_slice %arg16[%dma_start3A_606] : memref<1048704xf32, #tpu.memory_space<vmem_shared>> -> memref<1048704xf32, #tpu.memory_space<vmem_shared>>
        tpu.enqueue_indirect_dma source(%dma_start3A_602 : memref<128xf32, #tpu.memory_space<vmem>>) target(%dma_start3A_607 : memref<1048704xf32, #tpu.memory_space<vmem_shared>>) offsets(%dma_start3A_605 : memref<128xi32, #tpu.memory_space<vmem>>) semaphore(%arg15 : memref<!tpu.dma_semaphore, #tpu.memory_space<semaphore_mem>>) {add = true}
        %dma_wait3A_608 = arith.constant 7 : i32
        %dma_wait3A_609 = arith.constant 7 : i32
        %dma_wait3A_610 = arith.constant 0 : i32
        %dma_wait3A_611 = tpu.memref_slice %arg13[%dma_wait3A_608, %dma_wait3A_610] : memref<16x128xf32, #tpu.memory_space<vmem>> -> memref<1x128xf32, #tpu.memory_space<vmem>>
        %dma_wait3A_612 = tpu.memref_squeeze %dma_wait3A_611 : memref<1x128xf32, #tpu.memory_space<vmem>> -> memref<128xf32, #tpu.memory_space<vmem>>
        %dma_wait3A_613 = arith.constant 0 : i32
        %dma_wait3A_614 = tpu.memref_slice %arg12[%dma_wait3A_609, %dma_wait3A_613] : memref<16x128xi32, #tpu.memory_space<vmem>> -> memref<1x128xi32, #tpu.memory_space<vmem>>
        %dma_wait3A_615 = tpu.memref_squeeze %dma_wait3A_614 : memref<1x128xi32, #tpu.memory_space<vmem>> -> memref<128xi32, #tpu.memory_space<vmem>>
        %dma_wait3A_616 = arith.constant 0 : i32
        %dma_wait3A_617 = tpu.memref_slice %arg16[%dma_wait3A_616] : memref<1048704xf32, #tpu.memory_space<vmem_shared>> -> memref<1048704xf32, #tpu.memory_space<vmem_shared>>
        tpu.wait_indirect_dma semaphore(%arg15 : memref<!tpu.dma_semaphore, #tpu.memory_space<semaphore_mem>>) src(%dma_wait3A_612 : memref<128xf32, #tpu.memory_space<vmem>>) dst(%dma_wait3A_617 : memref<1048704xf32, #tpu.memory_space<vmem_shared>>)
        %dma_wait3A_618 = arith.constant 8 : i32
        %dma_wait3A_619 = arith.constant 8 : i32
        %dma_wait3A_620 = arith.constant 0 : i32
        %dma_wait3A_621 = tpu.memref_slice %arg13[%dma_wait3A_618, %dma_wait3A_620] : memref<16x128xf32, #tpu.memory_space<vmem>> -> memref<1x128xf32, #tpu.memory_space<vmem>>
        %dma_wait3A_622 = tpu.memref_squeeze %dma_wait3A_621 : memref<1x128xf32, #tpu.memory_space<vmem>> -> memref<128xf32, #tpu.memory_space<vmem>>
        %dma_wait3A_623 = arith.constant 0 : i32
        %dma_wait3A_624 = tpu.memref_slice %arg12[%dma_wait3A_619, %dma_wait3A_623] : memref<16x128xi32, #tpu.memory_space<vmem>> -> memref<1x128xi32, #tpu.memory_space<vmem>>
        %dma_wait3A_625 = tpu.memref_squeeze %dma_wait3A_624 : memref<1x128xi32, #tpu.memory_space<vmem>> -> memref<128xi32, #tpu.memory_space<vmem>>
        %dma_wait3A_626 = arith.constant 0 : i32
        %dma_wait3A_627 = tpu.memref_slice %arg16[%dma_wait3A_626] : memref<1048704xf32, #tpu.memory_space<vmem_shared>> -> memref<1048704xf32, #tpu.memory_space<vmem_shared>>
        tpu.wait_indirect_dma semaphore(%arg15 : memref<!tpu.dma_semaphore, #tpu.memory_space<semaphore_mem>>) src(%dma_wait3A_622 : memref<128xf32, #tpu.memory_space<vmem>>) dst(%dma_wait3A_627 : memref<1048704xf32, #tpu.memory_space<vmem_shared>>)
        %dma_wait3A_628 = arith.constant 9 : i32
        %dma_wait3A_629 = arith.constant 9 : i32
        %dma_wait3A_630 = arith.constant 0 : i32
        %dma_wait3A_631 = tpu.memref_slice %arg13[%dma_wait3A_628, %dma_wait3A_630] : memref<16x128xf32, #tpu.memory_space<vmem>> -> memref<1x128xf32, #tpu.memory_space<vmem>>
        %dma_wait3A_632 = tpu.memref_squeeze %dma_wait3A_631 : memref<1x128xf32, #tpu.memory_space<vmem>> -> memref<128xf32, #tpu.memory_space<vmem>>
        %dma_wait3A_633 = arith.constant 0 : i32
        %dma_wait3A_634 = tpu.memref_slice %arg12[%dma_wait3A_629, %dma_wait3A_633] : memref<16x128xi32, #tpu.memory_space<vmem>> -> memref<1x128xi32, #tpu.memory_space<vmem>>
        %dma_wait3A_635 = tpu.memref_squeeze %dma_wait3A_634 : memref<1x128xi32, #tpu.memory_space<vmem>> -> memref<128xi32, #tpu.memory_space<vmem>>
        %dma_wait3A_636 = arith.constant 0 : i32
        %dma_wait3A_637 = tpu.memref_slice %arg16[%dma_wait3A_636] : memref<1048704xf32, #tpu.memory_space<vmem_shared>> -> memref<1048704xf32, #tpu.memory_space<vmem_shared>>
        tpu.wait_indirect_dma semaphore(%arg15 : memref<!tpu.dma_semaphore, #tpu.memory_space<semaphore_mem>>) src(%dma_wait3A_632 : memref<128xf32, #tpu.memory_space<vmem>>) dst(%dma_wait3A_637 : memref<1048704xf32, #tpu.memory_space<vmem_shared>>)
        %dma_wait3A_638 = arith.constant 10 : i32
        %dma_wait3A_639 = arith.constant 10 : i32
        %dma_wait3A_640 = arith.constant 0 : i32
        %dma_wait3A_641 = tpu.memref_slice %arg13[%dma_wait3A_638, %dma_wait3A_640] : memref<16x128xf32, #tpu.memory_space<vmem>> -> memref<1x128xf32, #tpu.memory_space<vmem>>
        %dma_wait3A_642 = tpu.memref_squeeze %dma_wait3A_641 : memref<1x128xf32, #tpu.memory_space<vmem>> -> memref<128xf32, #tpu.memory_space<vmem>>
        %dma_wait3A_643 = arith.constant 0 : i32
        %dma_wait3A_644 = tpu.memref_slice %arg12[%dma_wait3A_639, %dma_wait3A_643] : memref<16x128xi32, #tpu.memory_space<vmem>> -> memref<1x128xi32, #tpu.memory_space<vmem>>
        %dma_wait3A_645 = tpu.memref_squeeze %dma_wait3A_644 : memref<1x128xi32, #tpu.memory_space<vmem>> -> memref<128xi32, #tpu.memory_space<vmem>>
        %dma_wait3A_646 = arith.constant 0 : i32
        %dma_wait3A_647 = tpu.memref_slice %arg16[%dma_wait3A_646] : memref<1048704xf32, #tpu.memory_space<vmem_shared>> -> memref<1048704xf32, #tpu.memory_space<vmem_shared>>
        tpu.wait_indirect_dma semaphore(%arg15 : memref<!tpu.dma_semaphore, #tpu.memory_space<semaphore_mem>>) src(%dma_wait3A_642 : memref<128xf32, #tpu.memory_space<vmem>>) dst(%dma_wait3A_647 : memref<1048704xf32, #tpu.memory_space<vmem_shared>>)
        %dma_wait3A_648 = arith.constant 11 : i32
        %dma_wait3A_649 = arith.constant 11 : i32
        %dma_wait3A_650 = arith.constant 0 : i32
        %dma_wait3A_651 = tpu.memref_slice %arg13[%dma_wait3A_648, %dma_wait3A_650] : memref<16x128xf32, #tpu.memory_space<vmem>> -> memref<1x128xf32, #tpu.memory_space<vmem>>
        %dma_wait3A_652 = tpu.memref_squeeze %dma_wait3A_651 : memref<1x128xf32, #tpu.memory_space<vmem>> -> memref<128xf32, #tpu.memory_space<vmem>>
        %dma_wait3A_653 = arith.constant 0 : i32
        %dma_wait3A_654 = tpu.memref_slice %arg12[%dma_wait3A_649, %dma_wait3A_653] : memref<16x128xi32, #tpu.memory_space<vmem>> -> memref<1x128xi32, #tpu.memory_space<vmem>>
        %dma_wait3A_655 = tpu.memref_squeeze %dma_wait3A_654 : memref<1x128xi32, #tpu.memory_space<vmem>> -> memref<128xi32, #tpu.memory_space<vmem>>
        %dma_wait3A_656 = arith.constant 0 : i32
        %dma_wait3A_657 = tpu.memref_slice %arg16[%dma_wait3A_656] : memref<1048704xf32, #tpu.memory_space<vmem_shared>> -> memref<1048704xf32, #tpu.memory_space<vmem_shared>>
        tpu.wait_indirect_dma semaphore(%arg15 : memref<!tpu.dma_semaphore, #tpu.memory_space<semaphore_mem>>) src(%dma_wait3A_652 : memref<128xf32, #tpu.memory_space<vmem>>) dst(%dma_wait3A_657 : memref<1048704xf32, #tpu.memory_space<vmem_shared>>)
        %dma_wait3A_658 = arith.constant 12 : i32
        %dma_wait3A_659 = arith.constant 12 : i32
        %dma_wait3A_660 = arith.constant 0 : i32
        %dma_wait3A_661 = tpu.memref_slice %arg13[%dma_wait3A_658, %dma_wait3A_660] : memref<16x128xf32, #tpu.memory_space<vmem>> -> memref<1x128xf32, #tpu.memory_space<vmem>>
        %dma_wait3A_662 = tpu.memref_squeeze %dma_wait3A_661 : memref<1x128xf32, #tpu.memory_space<vmem>> -> memref<128xf32, #tpu.memory_space<vmem>>
        %dma_wait3A_663 = arith.constant 0 : i32
        %dma_wait3A_664 = tpu.memref_slice %arg12[%dma_wait3A_659, %dma_wait3A_663] : memref<16x128xi32, #tpu.memory_space<vmem>> -> memref<1x128xi32, #tpu.memory_space<vmem>>
        %dma_wait3A_665 = tpu.memref_squeeze %dma_wait3A_664 : memref<1x128xi32, #tpu.memory_space<vmem>> -> memref<128xi32, #tpu.memory_space<vmem>>
        %dma_wait3A_666 = arith.constant 0 : i32
        %dma_wait3A_667 = tpu.memref_slice %arg16[%dma_wait3A_666] : memref<1048704xf32, #tpu.memory_space<vmem_shared>> -> memref<1048704xf32, #tpu.memory_space<vmem_shared>>
        tpu.wait_indirect_dma semaphore(%arg15 : memref<!tpu.dma_semaphore, #tpu.memory_space<semaphore_mem>>) src(%dma_wait3A_662 : memref<128xf32, #tpu.memory_space<vmem>>) dst(%dma_wait3A_667 : memref<1048704xf32, #tpu.memory_space<vmem_shared>>)
        %dma_wait3A_668 = arith.constant 13 : i32
        %dma_wait3A_669 = arith.constant 13 : i32
        %dma_wait3A_670 = arith.constant 0 : i32
        %dma_wait3A_671 = tpu.memref_slice %arg13[%dma_wait3A_668, %dma_wait3A_670] : memref<16x128xf32, #tpu.memory_space<vmem>> -> memref<1x128xf32, #tpu.memory_space<vmem>>
        %dma_wait3A_672 = tpu.memref_squeeze %dma_wait3A_671 : memref<1x128xf32, #tpu.memory_space<vmem>> -> memref<128xf32, #tpu.memory_space<vmem>>
        %dma_wait3A_673 = arith.constant 0 : i32
        %dma_wait3A_674 = tpu.memref_slice %arg12[%dma_wait3A_669, %dma_wait3A_673] : memref<16x128xi32, #tpu.memory_space<vmem>> -> memref<1x128xi32, #tpu.memory_space<vmem>>
        %dma_wait3A_675 = tpu.memref_squeeze %dma_wait3A_674 : memref<1x128xi32, #tpu.memory_space<vmem>> -> memref<128xi32, #tpu.memory_space<vmem>>
        %dma_wait3A_676 = arith.constant 0 : i32
        %dma_wait3A_677 = tpu.memref_slice %arg16[%dma_wait3A_676] : memref<1048704xf32, #tpu.memory_space<vmem_shared>> -> memref<1048704xf32, #tpu.memory_space<vmem_shared>>
        tpu.wait_indirect_dma semaphore(%arg15 : memref<!tpu.dma_semaphore, #tpu.memory_space<semaphore_mem>>) src(%dma_wait3A_672 : memref<128xf32, #tpu.memory_space<vmem>>) dst(%dma_wait3A_677 : memref<1048704xf32, #tpu.memory_space<vmem_shared>>)
        %dma_wait3A_678 = arith.constant 14 : i32
        %dma_wait3A_679 = arith.constant 14 : i32
        %dma_wait3A_680 = arith.constant 0 : i32
        %dma_wait3A_681 = tpu.memref_slice %arg13[%dma_wait3A_678, %dma_wait3A_680] : memref<16x128xf32, #tpu.memory_space<vmem>> -> memref<1x128xf32, #tpu.memory_space<vmem>>
        %dma_wait3A_682 = tpu.memref_squeeze %dma_wait3A_681 : memref<1x128xf32, #tpu.memory_space<vmem>> -> memref<128xf32, #tpu.memory_space<vmem>>
        %dma_wait3A_683 = arith.constant 0 : i32
        %dma_wait3A_684 = tpu.memref_slice %arg12[%dma_wait3A_679, %dma_wait3A_683] : memref<16x128xi32, #tpu.memory_space<vmem>> -> memref<1x128xi32, #tpu.memory_space<vmem>>
        %dma_wait3A_685 = tpu.memref_squeeze %dma_wait3A_684 : memref<1x128xi32, #tpu.memory_space<vmem>> -> memref<128xi32, #tpu.memory_space<vmem>>
        %dma_wait3A_686 = arith.constant 0 : i32
        %dma_wait3A_687 = tpu.memref_slice %arg16[%dma_wait3A_686] : memref<1048704xf32, #tpu.memory_space<vmem_shared>> -> memref<1048704xf32, #tpu.memory_space<vmem_shared>>
        tpu.wait_indirect_dma semaphore(%arg15 : memref<!tpu.dma_semaphore, #tpu.memory_space<semaphore_mem>>) src(%dma_wait3A_682 : memref<128xf32, #tpu.memory_space<vmem>>) dst(%dma_wait3A_687 : memref<1048704xf32, #tpu.memory_space<vmem_shared>>)
        %dma_wait3A_688 = arith.constant 15 : i32
        %dma_wait3A_689 = arith.constant 15 : i32
        %dma_wait3A_690 = arith.constant 0 : i32
        %dma_wait3A_691 = tpu.memref_slice %arg13[%dma_wait3A_688, %dma_wait3A_690] : memref<16x128xf32, #tpu.memory_space<vmem>> -> memref<1x128xf32, #tpu.memory_space<vmem>>
        %dma_wait3A_692 = tpu.memref_squeeze %dma_wait3A_691 : memref<1x128xf32, #tpu.memory_space<vmem>> -> memref<128xf32, #tpu.memory_space<vmem>>
        %dma_wait3A_693 = arith.constant 0 : i32
        %dma_wait3A_694 = tpu.memref_slice %arg12[%dma_wait3A_689, %dma_wait3A_693] : memref<16x128xi32, #tpu.memory_space<vmem>> -> memref<1x128xi32, #tpu.memory_space<vmem>>
        %dma_wait3A_695 = tpu.memref_squeeze %dma_wait3A_694 : memref<1x128xi32, #tpu.memory_space<vmem>> -> memref<128xi32, #tpu.memory_space<vmem>>
        %dma_wait3A_696 = arith.constant 0 : i32
        %dma_wait3A_697 = tpu.memref_slice %arg16[%dma_wait3A_696] : memref<1048704xf32, #tpu.memory_space<vmem_shared>> -> memref<1048704xf32, #tpu.memory_space<vmem_shared>>
        tpu.wait_indirect_dma semaphore(%arg15 : memref<!tpu.dma_semaphore, #tpu.memory_space<semaphore_mem>>) src(%dma_wait3A_692 : memref<128xf32, #tpu.memory_space<vmem>>) dst(%dma_wait3A_697 : memref<1048704xf32, #tpu.memory_space<vmem_shared>>)
      } else {
      }
      %barrier3A_376 = arith.constant 0 : index
      tpu.barrier barrier_id(%barrier3A_376)
      %scan3A_377 = arith.constant 0 : i32
      scf.yield %scan3A_377 : i32
    }
    %scan3A_273 = arith.constant 16 : i32
    %mul3A_274 = arith.constant 65536 : i32
    %mul3A_275 = arith.muli %arg1, %mul3A_274 : i32
    %mul3A_276 = arith.constant 1048576 : i32
    %mul3A_277 = arith.muli %add3A_194, %mul3A_276 : i32
    %mul3A_278 = arith.constant 65536 : i32
    %mul3A_279 = arith.muli %arg1, %mul3A_278 : i32
    %add3A_280 = arith.addi %mul3A_277, %mul3A_279 : i32
    "tpu.region"() ({
      %run_scoped3A = tpu.sem_alloc : memref<!tpu.dma_semaphore, #tpu.memory_space<semaphore_mem>>
      %dma_start3A_373 = tpu.memref_slice %arg7[%add3A_280] : memref<4194304xf32, #tpu.memory_space<hbm>> -> memref<65536xf32, #tpu.memory_space<hbm>>
      %dma_start3A_374 = tpu.memref_slice %arg16[%mul3A_275] : memref<1048704xf32, #tpu.memory_space<vmem_shared>> -> memref<65536xf32, #tpu.memory_space<vmem_shared>>
      tpu.enqueue_dma source(%dma_start3A_374 : memref<65536xf32, #tpu.memory_space<vmem_shared>>) target(%dma_start3A_373 : memref<65536xf32, #tpu.memory_space<hbm>>) target_semaphore(%run_scoped3A : memref<!tpu.dma_semaphore, #tpu.memory_space<semaphore_mem>>)
      %dma_wait3A_375 = tpu.memref_slice %arg7[%add3A_280] : memref<4194304xf32, #tpu.memory_space<hbm>> -> memref<65536xf32, #tpu.memory_space<hbm>>
      %dma_wait3A_376 = tpu.memref_slice %arg16[%mul3A_275] : memref<1048704xf32, #tpu.memory_space<vmem_shared>> -> memref<65536xf32, #tpu.memory_space<vmem_shared>>
      tpu.wait_dma2 semaphore(%run_scoped3A : memref<!tpu.dma_semaphore, #tpu.memory_space<semaphore_mem>>) src(%dma_wait3A_376 : memref<65536xf32, #tpu.memory_space<vmem_shared>>) dst(%dma_wait3A_375 : memref<65536xf32, #tpu.memory_space<hbm>>)
      tpu.yield
    }) : () -> ()
    %barrier3A_281 = arith.constant 0 : index
    tpu.barrier barrier_id(%barrier3A_281)
    %mul3A_282 = arith.constant 2 : i32
    %mul3A_283 = arith.muli %arg0, %mul3A_282 : i32
    %add3A_284 = arith.constant 1 : i32
    %add3A_285 = arith.addi %mul3A_283, %add3A_284 : i32
    %mul3A_286 = arith.constant 65536 : i32
    %mul3A_287 = arith.muli %arg1, %mul3A_286 : i32
    %add3A_288 = arith.constant 0 : i32
    %add3A_289 = arith.addi %mul3A_287, %add3A_288 : i32
    %dma_start3A_290 = tpu.memref_slice %arg16[%add3A_289] : memref<1048704xf32, #tpu.memory_space<vmem_shared>> -> memref<8192xf32, #tpu.memory_space<vmem_shared>>
    %dma_start3A_291 = tpu.memref_slice %arg16[%add3A_289] : memref<1048704xf32, #tpu.memory_space<vmem_shared>> -> memref<8192xf32, #tpu.memory_space<vmem_shared>>
    tpu.enqueue_dma source(%arg14 : memref<8192xf32, #tpu.memory_space<vmem>>) target(%dma_start3A_291 : memref<8192xf32, #tpu.memory_space<vmem_shared>>) target_semaphore(%arg15 : memref<!tpu.dma_semaphore, #tpu.memory_space<semaphore_mem>>)
    %mul3A_292 = arith.constant 65536 : i32
    %mul3A_293 = arith.muli %arg1, %mul3A_292 : i32
    %add3A_294 = arith.constant 8192 : i32
    %add3A_295 = arith.addi %mul3A_293, %add3A_294 : i32
    %dma_start3A_296 = tpu.memref_slice %arg16[%add3A_295] : memref<1048704xf32, #tpu.memory_space<vmem_shared>> -> memref<8192xf32, #tpu.memory_space<vmem_shared>>
    %dma_start3A_297 = tpu.memref_slice %arg16[%add3A_295] : memref<1048704xf32, #tpu.memory_space<vmem_shared>> -> memref<8192xf32, #tpu.memory_space<vmem_shared>>
    tpu.enqueue_dma source(%arg14 : memref<8192xf32, #tpu.memory_space<vmem>>) target(%dma_start3A_297 : memref<8192xf32, #tpu.memory_space<vmem_shared>>) target_semaphore(%arg15 : memref<!tpu.dma_semaphore, #tpu.memory_space<semaphore_mem>>)
    %mul3A_298 = arith.constant 65536 : i32
    %mul3A_299 = arith.muli %arg1, %mul3A_298 : i32
    %add3A_300 = arith.constant 16384 : i32
    %add3A_301 = arith.addi %mul3A_299, %add3A_300 : i32
    %dma_start3A_302 = tpu.memref_slice %arg16[%add3A_301] : memref<1048704xf32, #tpu.memory_space<vmem_shared>> -> memref<8192xf32, #tpu.memory_space<vmem_shared>>
    %dma_start3A_303 = tpu.memref_slice %arg16[%add3A_301] : memref<1048704xf32, #tpu.memory_space<vmem_shared>> -> memref<8192xf32, #tpu.memory_space<vmem_shared>>
    tpu.enqueue_dma source(%arg14 : memref<8192xf32, #tpu.memory_space<vmem>>) target(%dma_start3A_303 : memref<8192xf32, #tpu.memory_space<vmem_shared>>) target_semaphore(%arg15 : memref<!tpu.dma_semaphore, #tpu.memory_space<semaphore_mem>>)
    %mul3A_304 = arith.constant 65536 : i32
    %mul3A_305 = arith.muli %arg1, %mul3A_304 : i32
    %add3A_306 = arith.constant 24576 : i32
    %add3A_307 = arith.addi %mul3A_305, %add3A_306 : i32
    %dma_start3A_308 = tpu.memref_slice %arg16[%add3A_307] : memref<1048704xf32, #tpu.memory_space<vmem_shared>> -> memref<8192xf32, #tpu.memory_space<vmem_shared>>
    %dma_start3A_309 = tpu.memref_slice %arg16[%add3A_307] : memref<1048704xf32, #tpu.memory_space<vmem_shared>> -> memref<8192xf32, #tpu.memory_space<vmem_shared>>
    tpu.enqueue_dma source(%arg14 : memref<8192xf32, #tpu.memory_space<vmem>>) target(%dma_start3A_309 : memref<8192xf32, #tpu.memory_space<vmem_shared>>) target_semaphore(%arg15 : memref<!tpu.dma_semaphore, #tpu.memory_space<semaphore_mem>>)
    %mul3A_310 = arith.constant 65536 : i32
    %mul3A_311 = arith.muli %arg1, %mul3A_310 : i32
    %add3A_312 = arith.constant 32768 : i32
    %add3A_313 = arith.addi %mul3A_311, %add3A_312 : i32
    %dma_start3A_314 = tpu.memref_slice %arg16[%add3A_313] : memref<1048704xf32, #tpu.memory_space<vmem_shared>> -> memref<8192xf32, #tpu.memory_space<vmem_shared>>
    %dma_start3A_315 = tpu.memref_slice %arg16[%add3A_313] : memref<1048704xf32, #tpu.memory_space<vmem_shared>> -> memref<8192xf32, #tpu.memory_space<vmem_shared>>
    tpu.enqueue_dma source(%arg14 : memref<8192xf32, #tpu.memory_space<vmem>>) target(%dma_start3A_315 : memref<8192xf32, #tpu.memory_space<vmem_shared>>) target_semaphore(%arg15 : memref<!tpu.dma_semaphore, #tpu.memory_space<semaphore_mem>>)
    %mul3A_316 = arith.constant 65536 : i32
    %mul3A_317 = arith.muli %arg1, %mul3A_316 : i32
    %add3A_318 = arith.constant 40960 : i32
    %add3A_319 = arith.addi %mul3A_317, %add3A_318 : i32
    %dma_start3A_320 = tpu.memref_slice %arg16[%add3A_319] : memref<1048704xf32, #tpu.memory_space<vmem_shared>> -> memref<8192xf32, #tpu.memory_space<vmem_shared>>
    %dma_start3A_321 = tpu.memref_slice %arg16[%add3A_319] : memref<1048704xf32, #tpu.memory_space<vmem_shared>> -> memref<8192xf32, #tpu.memory_space<vmem_shared>>
    tpu.enqueue_dma source(%arg14 : memref<8192xf32, #tpu.memory_space<vmem>>) target(%dma_start3A_321 : memref<8192xf32, #tpu.memory_space<vmem_shared>>) target_semaphore(%arg15 : memref<!tpu.dma_semaphore, #tpu.memory_space<semaphore_mem>>)
    %mul3A_322 = arith.constant 65536 : i32
    %mul3A_323 = arith.muli %arg1, %mul3A_322 : i32
    %add3A_324 = arith.constant 49152 : i32
    %add3A_325 = arith.addi %mul3A_323, %add3A_324 : i32
    %dma_start3A_326 = tpu.memref_slice %arg16[%add3A_325] : memref<1048704xf32, #tpu.memory_space<vmem_shared>> -> memref<8192xf32, #tpu.memory_space<vmem_shared>>
    %dma_start3A_327 = tpu.memref_slice %arg16[%add3A_325] : memref<1048704xf32, #tpu.memory_space<vmem_shared>> -> memref<8192xf32, #tpu.memory_space<vmem_shared>>
    tpu.enqueue_dma source(%arg14 : memref<8192xf32, #tpu.memory_space<vmem>>) target(%dma_start3A_327 : memref<8192xf32, #tpu.memory_space<vmem_shared>>) target_semaphore(%arg15 : memref<!tpu.dma_semaphore, #tpu.memory_space<semaphore_mem>>)
    %mul3A_328 = arith.constant 65536 : i32
    %mul3A_329 = arith.muli %arg1, %mul3A_328 : i32
    %add3A_330 = arith.constant 57344 : i32
    %add3A_331 = arith.addi %mul3A_329, %add3A_330 : i32
    %dma_start3A_332 = tpu.memref_slice %arg16[%add3A_331] : memref<1048704xf32, #tpu.memory_space<vmem_shared>> -> memref<8192xf32, #tpu.memory_space<vmem_shared>>
    %dma_start3A_333 = tpu.memref_slice %arg16[%add3A_331] : memref<1048704xf32, #tpu.memory_space<vmem_shared>> -> memref<8192xf32, #tpu.memory_space<vmem_shared>>
    tpu.enqueue_dma source(%arg14 : memref<8192xf32, #tpu.memory_space<vmem>>) target(%dma_start3A_333 : memref<8192xf32, #tpu.memory_space<vmem_shared>>) target_semaphore(%arg15 : memref<!tpu.dma_semaphore, #tpu.memory_space<semaphore_mem>>)
    %dma_wait3A_334 = tpu.memref_slice %arg16[%add3A_289] : memref<1048704xf32, #tpu.memory_space<vmem_shared>> -> memref<8192xf32, #tpu.memory_space<vmem_shared>>
    %dma_wait3A_335 = tpu.memref_slice %arg16[%add3A_289] : memref<1048704xf32, #tpu.memory_space<vmem_shared>> -> memref<8192xf32, #tpu.memory_space<vmem_shared>>
    tpu.wait_dma2 semaphore(%arg15 : memref<!tpu.dma_semaphore, #tpu.memory_space<semaphore_mem>>) src(%arg14 : memref<8192xf32, #tpu.memory_space<vmem>>) dst(%dma_wait3A_335 : memref<8192xf32, #tpu.memory_space<vmem_shared>>)
    %dma_wait3A_336 = tpu.memref_slice %arg16[%add3A_295] : memref<1048704xf32, #tpu.memory_space<vmem_shared>> -> memref<8192xf32, #tpu.memory_space<vmem_shared>>
    %dma_wait3A_337 = tpu.memref_slice %arg16[%add3A_295] : memref<1048704xf32, #tpu.memory_space<vmem_shared>> -> memref<8192xf32, #tpu.memory_space<vmem_shared>>
    tpu.wait_dma2 semaphore(%arg15 : memref<!tpu.dma_semaphore, #tpu.memory_space<semaphore_mem>>) src(%arg14 : memref<8192xf32, #tpu.memory_space<vmem>>) dst(%dma_wait3A_337 : memref<8192xf32, #tpu.memory_space<vmem_shared>>)
    %dma_wait3A_338 = tpu.memref_slice %arg16[%add3A_301] : memref<1048704xf32, #tpu.memory_space<vmem_shared>> -> memref<8192xf32, #tpu.memory_space<vmem_shared>>
    %dma_wait3A_339 = tpu.memref_slice %arg16[%add3A_301] : memref<1048704xf32, #tpu.memory_space<vmem_shared>> -> memref<8192xf32, #tpu.memory_space<vmem_shared>>
    tpu.wait_dma2 semaphore(%arg15 : memref<!tpu.dma_semaphore, #tpu.memory_space<semaphore_mem>>) src(%arg14 : memref<8192xf32, #tpu.memory_space<vmem>>) dst(%dma_wait3A_339 : memref<8192xf32, #tpu.memory_space<vmem_shared>>)
    %dma_wait3A_340 = tpu.memref_slice %arg16[%add3A_307] : memref<1048704xf32, #tpu.memory_space<vmem_shared>> -> memref<8192xf32, #tpu.memory_space<vmem_shared>>
    %dma_wait3A_341 = tpu.memref_slice %arg16[%add3A_307] : memref<1048704xf32, #tpu.memory_space<vmem_shared>> -> memref<8192xf32, #tpu.memory_space<vmem_shared>>
    tpu.wait_dma2 semaphore(%arg15 : memref<!tpu.dma_semaphore, #tpu.memory_space<semaphore_mem>>) src(%arg14 : memref<8192xf32, #tpu.memory_space<vmem>>) dst(%dma_wait3A_341 : memref<8192xf32, #tpu.memory_space<vmem_shared>>)
    %dma_wait3A_342 = tpu.memref_slice %arg16[%add3A_313] : memref<1048704xf32, #tpu.memory_space<vmem_shared>> -> memref<8192xf32, #tpu.memory_space<vmem_shared>>
    %dma_wait3A_343 = tpu.memref_slice %arg16[%add3A_313] : memref<1048704xf32, #tpu.memory_space<vmem_shared>> -> memref<8192xf32, #tpu.memory_space<vmem_shared>>
    tpu.wait_dma2 semaphore(%arg15 : memref<!tpu.dma_semaphore, #tpu.memory_space<semaphore_mem>>) src(%arg14 : memref<8192xf32, #tpu.memory_space<vmem>>) dst(%dma_wait3A_343 : memref<8192xf32, #tpu.memory_space<vmem_shared>>)
    %dma_wait3A_344 = tpu.memref_slice %arg16[%add3A_319] : memref<1048704xf32, #tpu.memory_space<vmem_shared>> -> memref<8192xf32, #tpu.memory_space<vmem_shared>>
    %dma_wait3A_345 = tpu.memref_slice %arg16[%add3A_319] : memref<1048704xf32, #tpu.memory_space<vmem_shared>> -> memref<8192xf32, #tpu.memory_space<vmem_shared>>
    tpu.wait_dma2 semaphore(%arg15 : memref<!tpu.dma_semaphore, #tpu.memory_space<semaphore_mem>>) src(%arg14 : memref<8192xf32, #tpu.memory_space<vmem>>) dst(%dma_wait3A_345 : memref<8192xf32, #tpu.memory_space<vmem_shared>>)
    %dma_wait3A_346 = tpu.memref_slice %arg16[%add3A_325] : memref<1048704xf32, #tpu.memory_space<vmem_shared>> -> memref<8192xf32, #tpu.memory_space<vmem_shared>>
    %dma_wait3A_347 = tpu.memref_slice %arg16[%add3A_325] : memref<1048704xf32, #tpu.memory_space<vmem_shared>> -> memref<8192xf32, #tpu.memory_space<vmem_shared>>
    tpu.wait_dma2 semaphore(%arg15 : memref<!tpu.dma_semaphore, #tpu.memory_space<semaphore_mem>>) src(%arg14 : memref<8192xf32, #tpu.memory_space<vmem>>) dst(%dma_wait3A_347 : memref<8192xf32, #tpu.memory_space<vmem_shared>>)
    %dma_wait3A_348 = tpu.memref_slice %arg16[%add3A_331] : memref<1048704xf32, #tpu.memory_space<vmem_shared>> -> memref<8192xf32, #tpu.memory_space<vmem_shared>>
    %dma_wait3A_349 = tpu.memref_slice %arg16[%add3A_331] : memref<1048704xf32, #tpu.memory_space<vmem_shared>> -> memref<8192xf32, #tpu.memory_space<vmem_shared>>
    tpu.wait_dma2 semaphore(%arg15 : memref<!tpu.dma_semaphore, #tpu.memory_space<semaphore_mem>>) src(%arg14 : memref<8192xf32, #tpu.memory_space<vmem>>) dst(%dma_wait3A_349 : memref<8192xf32, #tpu.memory_space<vmem_shared>>)
    %scan3A_350 = arith.constant 0 : i32
    %scan3A_351 = arith.constant 0 : i32
    %scan3A_352 = arith.constant 128 : i32
    %scan3A_353 = arith.addi %scan3A_351, %scan3A_352 : i32
    %scan3A_354 = arith.constant 1 : i32
    %scan3A_355 = scf.for %scan3A_373 = %scan3A_351 to %scan3A_353 step %scan3A_354 iter_args(%scan3A_374 = %scan3A_350) -> (i32)  : i32 {
      %mul3A_375 = arith.constant 16 : i32
      %mul3A_376 = arith.muli %scan3A_373, %mul3A_375 : i32
      %get3A = arith.index_cast %mul3A_376 : i32 to index
      %get3A_377 = tpu.vector_load %arg8[%get3A] {strides = array<i32>} : memref<2048xi32, #tpu.memory_space<vmem>>, vector<16xi32>,
      %get3A_378 = vector.shape_cast %get3A_377 : vector<16xi32> to vector<16xi32>
      %get3A_379 = arith.index_cast %mul3A_376 : i32 to index
      %get3A_380 = tpu.vector_load %arg9[%get3A_379] {strides = array<i32>} : memref<2048xi32, #tpu.memory_space<vmem>>, vector<16xi32>,
      %get3A_381 = vector.shape_cast %get3A_380 : vector<16xi32> to vector<16xi32>
      %get3A_382 = arith.index_cast %mul3A_376 : i32 to index
      %get3A_383 = tpu.vector_load %arg11[%get3A_382] {strides = array<i32>} : memref<2048xf32, #tpu.memory_space<vmem>>, vector<16xf32>,
      %get3A_384 = vector.shape_cast %get3A_383 : vector<16xf32> to vector<16xf32>
      %shift_right_logical3A = arith.constant 9 : i32
      %shift_right_logical3A_385 = vector.broadcast %shift_right_logical3A : i32 to vector<16xi32>
      %shift_right_logical3A_386 = arith.shrui %get3A_378, %shift_right_logical3A_385 : vector<16xi32>
      %eq3A = vector.broadcast %add3A_285 : i32 to vector<16xi32>
      %eq3A_387 = arith.cmpi eq, %shift_right_logical3A_386, %eq3A : vector<16xi32>
      %and3A = arith.constant 511 : i32
      %and3A_388 = vector.broadcast %and3A : i32 to vector<16xi32>
      %and3A_389 = arith.andi %get3A_378, %and3A_388 : vector<16xi32>
      %shift_left3A = arith.constant 11 : i32
      %shift_left3A_390 = vector.broadcast %shift_left3A : i32 to vector<16xi32>
      %shift_left3A_391 = arith.shli %and3A_389, %shift_left3A_390 : vector<16xi32>
      %add3A_392 = arith.addi %shift_left3A_391, %get3A_381 : vector<16xi32>
      %select_n3A = arith.select %eq3A_387, %add3A_392, %add3A_3 : vector<16xi1>, vector<16xi32>
      %jit3A = arith.constant 0.000000e+00 : f32
      %broadcast_in_dim3A = vector.broadcast %jit3A : f32 to vector<16xf32>
      %select_n3A_393 = arith.select %eq3A_387, %get3A_384, %broadcast_in_dim3A : vector<16xi1>, vector<16xf32>
      %shift_right_logical3A_394 = arith.constant 3 : i32
      %shift_right_logical3A_395 = arith.shrui %scan3A_373, %shift_right_logical3A_394 : i32
      %and3A_396 = arith.constant 7 : i32
      %and3A_397 = arith.andi %scan3A_373, %and3A_396 : i32
      %mul3A_398 = arith.constant 16 : i32
      %mul3A_399 = arith.muli %and3A_397, %mul3A_398 : i32
      %swap3A = arith.index_cast %shift_right_logical3A_395 : i32 to index
      %swap3A_400 = arith.index_cast %mul3A_399 : i32 to index
      %swap3A_401 = tpu.vector_load %arg12[%swap3A, %swap3A_400] {strides = array<i32>} : memref<16x128xi32, #tpu.memory_space<vmem>>, vector<1x16xi32>,
      %swap3A_402 = vector.shape_cast %swap3A_401 : vector<1x16xi32> to vector<16xi32>
      %swap3A_403 = vector.shape_cast %select_n3A : vector<16xi32> to vector<1x16xi32>
      tpu.vector_store %arg12[%swap3A, %swap3A_400], %swap3A_403 {strides = array<i32>} : memref<16x128xi32, #tpu.memory_space<vmem>>, vector<1x16xi32>,
      %swap3A_404 = arith.index_cast %shift_right_logical3A_395 : i32 to index
      %swap3A_405 = arith.index_cast %mul3A_399 : i32 to index
      %swap3A_406 = tpu.vector_load %arg13[%swap3A_404, %swap3A_405] {strides = array<i32>} : memref<16x128xf32, #tpu.memory_space<vmem>>, vector<1x16xf32>,
      %swap3A_407 = vector.shape_cast %swap3A_406 : vector<1x16xf32> to vector<16xf32>
      %swap3A_408 = vector.shape_cast %select_n3A_393 : vector<16xf32> to vector<1x16xf32>
      tpu.vector_store %arg13[%swap3A_404, %swap3A_405], %swap3A_408 {strides = array<i32>} : memref<16x128xf32, #tpu.memory_space<vmem>>, vector<1x16xf32>,
      %scan3A_409 = arith.constant 0 : i32
      scf.yield %scan3A_409 : i32
    }
    %scan3A_356 = arith.constant 128 : i32
    %barrier3A_357 = arith.constant 0 : index
    tpu.barrier barrier_id(%barrier3A_357)
    %scan3A_358 = arith.constant 0 : i32
    %scan3A_359 = arith.constant 0 : i32
    %scan3A_360 = arith.constant 16 : i32
    %scan3A_361 = arith.addi %scan3A_359, %scan3A_360 : i32
    %scan3A_362 = arith.constant 1 : i32
    %scan3A_363 = scf.for %scan3A_373 = %scan3A_359 to %scan3A_361 step %scan3A_362 iter_args(%scan3A_374 = %scan3A_358) -> (i32)  : i32 {
      %eq3A = arith.cmpi eq, %arg1, %scan3A_373 : i32
      %convert_element_type3A = arith.extui %eq3A : i1 to i32
      %cond3A = arith.constant 0 : i32
      %cond3A_375 = arith.cmpi ne, %convert_element_type3A, %cond3A : i32
      scf.if %cond3A_375 {
        %dma_start3A_378 = arith.constant 0 : i32
        %dma_start3A_379 = arith.constant 0 : i32
        %dma_start3A_380 = arith.constant 0 : i32
        %dma_start3A_381 = tpu.memref_slice %arg13[%dma_start3A_378, %dma_start3A_380] : memref<16x128xf32, #tpu.memory_space<vmem>> -> memref<1x128xf32, #tpu.memory_space<vmem>>
        %dma_start3A_382 = tpu.memref_squeeze %dma_start3A_381 : memref<1x128xf32, #tpu.memory_space<vmem>> -> memref<128xf32, #tpu.memory_space<vmem>>
        %dma_start3A_383 = arith.constant 0 : i32
        %dma_start3A_384 = tpu.memref_slice %arg12[%dma_start3A_379, %dma_start3A_383] : memref<16x128xi32, #tpu.memory_space<vmem>> -> memref<1x128xi32, #tpu.memory_space<vmem>>
        %dma_start3A_385 = tpu.memref_squeeze %dma_start3A_384 : memref<1x128xi32, #tpu.memory_space<vmem>> -> memref<128xi32, #tpu.memory_space<vmem>>
        %dma_start3A_386 = arith.constant 0 : i32
        %dma_start3A_387 = tpu.memref_slice %arg16[%dma_start3A_386] : memref<1048704xf32, #tpu.memory_space<vmem_shared>> -> memref<1048704xf32, #tpu.memory_space<vmem_shared>>
        tpu.enqueue_indirect_dma source(%dma_start3A_382 : memref<128xf32, #tpu.memory_space<vmem>>) target(%dma_start3A_387 : memref<1048704xf32, #tpu.memory_space<vmem_shared>>) offsets(%dma_start3A_385 : memref<128xi32, #tpu.memory_space<vmem>>) semaphore(%arg15 : memref<!tpu.dma_semaphore, #tpu.memory_space<semaphore_mem>>) {add = true}
        %dma_start3A_388 = arith.constant 1 : i32
        %dma_start3A_389 = arith.constant 1 : i32
        %dma_start3A_390 = arith.constant 0 : i32
        %dma_start3A_391 = tpu.memref_slice %arg13[%dma_start3A_388, %dma_start3A_390] : memref<16x128xf32, #tpu.memory_space<vmem>> -> memref<1x128xf32, #tpu.memory_space<vmem>>
        %dma_start3A_392 = tpu.memref_squeeze %dma_start3A_391 : memref<1x128xf32, #tpu.memory_space<vmem>> -> memref<128xf32, #tpu.memory_space<vmem>>
        %dma_start3A_393 = arith.constant 0 : i32
        %dma_start3A_394 = tpu.memref_slice %arg12[%dma_start3A_389, %dma_start3A_393] : memref<16x128xi32, #tpu.memory_space<vmem>> -> memref<1x128xi32, #tpu.memory_space<vmem>>
        %dma_start3A_395 = tpu.memref_squeeze %dma_start3A_394 : memref<1x128xi32, #tpu.memory_space<vmem>> -> memref<128xi32, #tpu.memory_space<vmem>>
        %dma_start3A_396 = arith.constant 0 : i32
        %dma_start3A_397 = tpu.memref_slice %arg16[%dma_start3A_396] : memref<1048704xf32, #tpu.memory_space<vmem_shared>> -> memref<1048704xf32, #tpu.memory_space<vmem_shared>>
        tpu.enqueue_indirect_dma source(%dma_start3A_392 : memref<128xf32, #tpu.memory_space<vmem>>) target(%dma_start3A_397 : memref<1048704xf32, #tpu.memory_space<vmem_shared>>) offsets(%dma_start3A_395 : memref<128xi32, #tpu.memory_space<vmem>>) semaphore(%arg15 : memref<!tpu.dma_semaphore, #tpu.memory_space<semaphore_mem>>) {add = true}
        %dma_start3A_398 = arith.constant 2 : i32
        %dma_start3A_399 = arith.constant 2 : i32
        %dma_start3A_400 = arith.constant 0 : i32
        %dma_start3A_401 = tpu.memref_slice %arg13[%dma_start3A_398, %dma_start3A_400] : memref<16x128xf32, #tpu.memory_space<vmem>> -> memref<1x128xf32, #tpu.memory_space<vmem>>
        %dma_start3A_402 = tpu.memref_squeeze %dma_start3A_401 : memref<1x128xf32, #tpu.memory_space<vmem>> -> memref<128xf32, #tpu.memory_space<vmem>>
        %dma_start3A_403 = arith.constant 0 : i32
        %dma_start3A_404 = tpu.memref_slice %arg12[%dma_start3A_399, %dma_start3A_403] : memref<16x128xi32, #tpu.memory_space<vmem>> -> memref<1x128xi32, #tpu.memory_space<vmem>>
        %dma_start3A_405 = tpu.memref_squeeze %dma_start3A_404 : memref<1x128xi32, #tpu.memory_space<vmem>> -> memref<128xi32, #tpu.memory_space<vmem>>
        %dma_start3A_406 = arith.constant 0 : i32
        %dma_start3A_407 = tpu.memref_slice %arg16[%dma_start3A_406] : memref<1048704xf32, #tpu.memory_space<vmem_shared>> -> memref<1048704xf32, #tpu.memory_space<vmem_shared>>
        tpu.enqueue_indirect_dma source(%dma_start3A_402 : memref<128xf32, #tpu.memory_space<vmem>>) target(%dma_start3A_407 : memref<1048704xf32, #tpu.memory_space<vmem_shared>>) offsets(%dma_start3A_405 : memref<128xi32, #tpu.memory_space<vmem>>) semaphore(%arg15 : memref<!tpu.dma_semaphore, #tpu.memory_space<semaphore_mem>>) {add = true}
        %dma_start3A_408 = arith.constant 3 : i32
        %dma_start3A_409 = arith.constant 3 : i32
        %dma_start3A_410 = arith.constant 0 : i32
        %dma_start3A_411 = tpu.memref_slice %arg13[%dma_start3A_408, %dma_start3A_410] : memref<16x128xf32, #tpu.memory_space<vmem>> -> memref<1x128xf32, #tpu.memory_space<vmem>>
        %dma_start3A_412 = tpu.memref_squeeze %dma_start3A_411 : memref<1x128xf32, #tpu.memory_space<vmem>> -> memref<128xf32, #tpu.memory_space<vmem>>
        %dma_start3A_413 = arith.constant 0 : i32
        %dma_start3A_414 = tpu.memref_slice %arg12[%dma_start3A_409, %dma_start3A_413] : memref<16x128xi32, #tpu.memory_space<vmem>> -> memref<1x128xi32, #tpu.memory_space<vmem>>
        %dma_start3A_415 = tpu.memref_squeeze %dma_start3A_414 : memref<1x128xi32, #tpu.memory_space<vmem>> -> memref<128xi32, #tpu.memory_space<vmem>>
        %dma_start3A_416 = arith.constant 0 : i32
        %dma_start3A_417 = tpu.memref_slice %arg16[%dma_start3A_416] : memref<1048704xf32, #tpu.memory_space<vmem_shared>> -> memref<1048704xf32, #tpu.memory_space<vmem_shared>>
        tpu.enqueue_indirect_dma source(%dma_start3A_412 : memref<128xf32, #tpu.memory_space<vmem>>) target(%dma_start3A_417 : memref<1048704xf32, #tpu.memory_space<vmem_shared>>) offsets(%dma_start3A_415 : memref<128xi32, #tpu.memory_space<vmem>>) semaphore(%arg15 : memref<!tpu.dma_semaphore, #tpu.memory_space<semaphore_mem>>) {add = true}
        %dma_start3A_418 = arith.constant 4 : i32
        %dma_start3A_419 = arith.constant 4 : i32
        %dma_start3A_420 = arith.constant 0 : i32
        %dma_start3A_421 = tpu.memref_slice %arg13[%dma_start3A_418, %dma_start3A_420] : memref<16x128xf32, #tpu.memory_space<vmem>> -> memref<1x128xf32, #tpu.memory_space<vmem>>
        %dma_start3A_422 = tpu.memref_squeeze %dma_start3A_421 : memref<1x128xf32, #tpu.memory_space<vmem>> -> memref<128xf32, #tpu.memory_space<vmem>>
        %dma_start3A_423 = arith.constant 0 : i32
        %dma_start3A_424 = tpu.memref_slice %arg12[%dma_start3A_419, %dma_start3A_423] : memref<16x128xi32, #tpu.memory_space<vmem>> -> memref<1x128xi32, #tpu.memory_space<vmem>>
        %dma_start3A_425 = tpu.memref_squeeze %dma_start3A_424 : memref<1x128xi32, #tpu.memory_space<vmem>> -> memref<128xi32, #tpu.memory_space<vmem>>
        %dma_start3A_426 = arith.constant 0 : i32
        %dma_start3A_427 = tpu.memref_slice %arg16[%dma_start3A_426] : memref<1048704xf32, #tpu.memory_space<vmem_shared>> -> memref<1048704xf32, #tpu.memory_space<vmem_shared>>
        tpu.enqueue_indirect_dma source(%dma_start3A_422 : memref<128xf32, #tpu.memory_space<vmem>>) target(%dma_start3A_427 : memref<1048704xf32, #tpu.memory_space<vmem_shared>>) offsets(%dma_start3A_425 : memref<128xi32, #tpu.memory_space<vmem>>) semaphore(%arg15 : memref<!tpu.dma_semaphore, #tpu.memory_space<semaphore_mem>>) {add = true}
        %dma_start3A_428 = arith.constant 5 : i32
        %dma_start3A_429 = arith.constant 5 : i32
        %dma_start3A_430 = arith.constant 0 : i32
        %dma_start3A_431 = tpu.memref_slice %arg13[%dma_start3A_428, %dma_start3A_430] : memref<16x128xf32, #tpu.memory_space<vmem>> -> memref<1x128xf32, #tpu.memory_space<vmem>>
        %dma_start3A_432 = tpu.memref_squeeze %dma_start3A_431 : memref<1x128xf32, #tpu.memory_space<vmem>> -> memref<128xf32, #tpu.memory_space<vmem>>
        %dma_start3A_433 = arith.constant 0 : i32
        %dma_start3A_434 = tpu.memref_slice %arg12[%dma_start3A_429, %dma_start3A_433] : memref<16x128xi32, #tpu.memory_space<vmem>> -> memref<1x128xi32, #tpu.memory_space<vmem>>
        %dma_start3A_435 = tpu.memref_squeeze %dma_start3A_434 : memref<1x128xi32, #tpu.memory_space<vmem>> -> memref<128xi32, #tpu.memory_space<vmem>>
        %dma_start3A_436 = arith.constant 0 : i32
        %dma_start3A_437 = tpu.memref_slice %arg16[%dma_start3A_436] : memref<1048704xf32, #tpu.memory_space<vmem_shared>> -> memref<1048704xf32, #tpu.memory_space<vmem_shared>>
        tpu.enqueue_indirect_dma source(%dma_start3A_432 : memref<128xf32, #tpu.memory_space<vmem>>) target(%dma_start3A_437 : memref<1048704xf32, #tpu.memory_space<vmem_shared>>) offsets(%dma_start3A_435 : memref<128xi32, #tpu.memory_space<vmem>>) semaphore(%arg15 : memref<!tpu.dma_semaphore, #tpu.memory_space<semaphore_mem>>) {add = true}
        %dma_start3A_438 = arith.constant 6 : i32
        %dma_start3A_439 = arith.constant 6 : i32
        %dma_start3A_440 = arith.constant 0 : i32
        %dma_start3A_441 = tpu.memref_slice %arg13[%dma_start3A_438, %dma_start3A_440] : memref<16x128xf32, #tpu.memory_space<vmem>> -> memref<1x128xf32, #tpu.memory_space<vmem>>
        %dma_start3A_442 = tpu.memref_squeeze %dma_start3A_441 : memref<1x128xf32, #tpu.memory_space<vmem>> -> memref<128xf32, #tpu.memory_space<vmem>>
        %dma_start3A_443 = arith.constant 0 : i32
        %dma_start3A_444 = tpu.memref_slice %arg12[%dma_start3A_439, %dma_start3A_443] : memref<16x128xi32, #tpu.memory_space<vmem>> -> memref<1x128xi32, #tpu.memory_space<vmem>>
        %dma_start3A_445 = tpu.memref_squeeze %dma_start3A_444 : memref<1x128xi32, #tpu.memory_space<vmem>> -> memref<128xi32, #tpu.memory_space<vmem>>
        %dma_start3A_446 = arith.constant 0 : i32
        %dma_start3A_447 = tpu.memref_slice %arg16[%dma_start3A_446] : memref<1048704xf32, #tpu.memory_space<vmem_shared>> -> memref<1048704xf32, #tpu.memory_space<vmem_shared>>
        tpu.enqueue_indirect_dma source(%dma_start3A_442 : memref<128xf32, #tpu.memory_space<vmem>>) target(%dma_start3A_447 : memref<1048704xf32, #tpu.memory_space<vmem_shared>>) offsets(%dma_start3A_445 : memref<128xi32, #tpu.memory_space<vmem>>) semaphore(%arg15 : memref<!tpu.dma_semaphore, #tpu.memory_space<semaphore_mem>>) {add = true}
        %dma_start3A_448 = arith.constant 7 : i32
        %dma_start3A_449 = arith.constant 7 : i32
        %dma_start3A_450 = arith.constant 0 : i32
        %dma_start3A_451 = tpu.memref_slice %arg13[%dma_start3A_448, %dma_start3A_450] : memref<16x128xf32, #tpu.memory_space<vmem>> -> memref<1x128xf32, #tpu.memory_space<vmem>>
        %dma_start3A_452 = tpu.memref_squeeze %dma_start3A_451 : memref<1x128xf32, #tpu.memory_space<vmem>> -> memref<128xf32, #tpu.memory_space<vmem>>
        %dma_start3A_453 = arith.constant 0 : i32
        %dma_start3A_454 = tpu.memref_slice %arg12[%dma_start3A_449, %dma_start3A_453] : memref<16x128xi32, #tpu.memory_space<vmem>> -> memref<1x128xi32, #tpu.memory_space<vmem>>
        %dma_start3A_455 = tpu.memref_squeeze %dma_start3A_454 : memref<1x128xi32, #tpu.memory_space<vmem>> -> memref<128xi32, #tpu.memory_space<vmem>>
        %dma_start3A_456 = arith.constant 0 : i32
        %dma_start3A_457 = tpu.memref_slice %arg16[%dma_start3A_456] : memref<1048704xf32, #tpu.memory_space<vmem_shared>> -> memref<1048704xf32, #tpu.memory_space<vmem_shared>>
        tpu.enqueue_indirect_dma source(%dma_start3A_452 : memref<128xf32, #tpu.memory_space<vmem>>) target(%dma_start3A_457 : memref<1048704xf32, #tpu.memory_space<vmem_shared>>) offsets(%dma_start3A_455 : memref<128xi32, #tpu.memory_space<vmem>>) semaphore(%arg15 : memref<!tpu.dma_semaphore, #tpu.memory_space<semaphore_mem>>) {add = true}
        %dma_start3A_458 = arith.constant 8 : i32
        %dma_start3A_459 = arith.constant 8 : i32
        %dma_start3A_460 = arith.constant 0 : i32
        %dma_start3A_461 = tpu.memref_slice %arg13[%dma_start3A_458, %dma_start3A_460] : memref<16x128xf32, #tpu.memory_space<vmem>> -> memref<1x128xf32, #tpu.memory_space<vmem>>
        %dma_start3A_462 = tpu.memref_squeeze %dma_start3A_461 : memref<1x128xf32, #tpu.memory_space<vmem>> -> memref<128xf32, #tpu.memory_space<vmem>>
        %dma_start3A_463 = arith.constant 0 : i32
        %dma_start3A_464 = tpu.memref_slice %arg12[%dma_start3A_459, %dma_start3A_463] : memref<16x128xi32, #tpu.memory_space<vmem>> -> memref<1x128xi32, #tpu.memory_space<vmem>>
        %dma_start3A_465 = tpu.memref_squeeze %dma_start3A_464 : memref<1x128xi32, #tpu.memory_space<vmem>> -> memref<128xi32, #tpu.memory_space<vmem>>
        %dma_start3A_466 = arith.constant 0 : i32
        %dma_start3A_467 = tpu.memref_slice %arg16[%dma_start3A_466] : memref<1048704xf32, #tpu.memory_space<vmem_shared>> -> memref<1048704xf32, #tpu.memory_space<vmem_shared>>
        tpu.enqueue_indirect_dma source(%dma_start3A_462 : memref<128xf32, #tpu.memory_space<vmem>>) target(%dma_start3A_467 : memref<1048704xf32, #tpu.memory_space<vmem_shared>>) offsets(%dma_start3A_465 : memref<128xi32, #tpu.memory_space<vmem>>) semaphore(%arg15 : memref<!tpu.dma_semaphore, #tpu.memory_space<semaphore_mem>>) {add = true}
        %dma_wait3A_468 = arith.constant 0 : i32
        %dma_wait3A_469 = arith.constant 0 : i32
        %dma_wait3A_470 = arith.constant 0 : i32
        %dma_wait3A_471 = tpu.memref_slice %arg13[%dma_wait3A_468, %dma_wait3A_470] : memref<16x128xf32, #tpu.memory_space<vmem>> -> memref<1x128xf32, #tpu.memory_space<vmem>>
        %dma_wait3A_472 = tpu.memref_squeeze %dma_wait3A_471 : memref<1x128xf32, #tpu.memory_space<vmem>> -> memref<128xf32, #tpu.memory_space<vmem>>
        %dma_wait3A_473 = arith.constant 0 : i32
        %dma_wait3A_474 = tpu.memref_slice %arg12[%dma_wait3A_469, %dma_wait3A_473] : memref<16x128xi32, #tpu.memory_space<vmem>> -> memref<1x128xi32, #tpu.memory_space<vmem>>
        %dma_wait3A_475 = tpu.memref_squeeze %dma_wait3A_474 : memref<1x128xi32, #tpu.memory_space<vmem>> -> memref<128xi32, #tpu.memory_space<vmem>>
        %dma_wait3A_476 = arith.constant 0 : i32
        %dma_wait3A_477 = tpu.memref_slice %arg16[%dma_wait3A_476] : memref<1048704xf32, #tpu.memory_space<vmem_shared>> -> memref<1048704xf32, #tpu.memory_space<vmem_shared>>
        tpu.wait_indirect_dma semaphore(%arg15 : memref<!tpu.dma_semaphore, #tpu.memory_space<semaphore_mem>>) src(%dma_wait3A_472 : memref<128xf32, #tpu.memory_space<vmem>>) dst(%dma_wait3A_477 : memref<1048704xf32, #tpu.memory_space<vmem_shared>>)
        %dma_start3A_478 = arith.constant 9 : i32
        %dma_start3A_479 = arith.constant 9 : i32
        %dma_start3A_480 = arith.constant 0 : i32
        %dma_start3A_481 = tpu.memref_slice %arg13[%dma_start3A_478, %dma_start3A_480] : memref<16x128xf32, #tpu.memory_space<vmem>> -> memref<1x128xf32, #tpu.memory_space<vmem>>
        %dma_start3A_482 = tpu.memref_squeeze %dma_start3A_481 : memref<1x128xf32, #tpu.memory_space<vmem>> -> memref<128xf32, #tpu.memory_space<vmem>>
        %dma_start3A_483 = arith.constant 0 : i32
        %dma_start3A_484 = tpu.memref_slice %arg12[%dma_start3A_479, %dma_start3A_483] : memref<16x128xi32, #tpu.memory_space<vmem>> -> memref<1x128xi32, #tpu.memory_space<vmem>>
        %dma_start3A_485 = tpu.memref_squeeze %dma_start3A_484 : memref<1x128xi32, #tpu.memory_space<vmem>> -> memref<128xi32, #tpu.memory_space<vmem>>
        %dma_start3A_486 = arith.constant 0 : i32
        %dma_start3A_487 = tpu.memref_slice %arg16[%dma_start3A_486] : memref<1048704xf32, #tpu.memory_space<vmem_shared>> -> memref<1048704xf32, #tpu.memory_space<vmem_shared>>
        tpu.enqueue_indirect_dma source(%dma_start3A_482 : memref<128xf32, #tpu.memory_space<vmem>>) target(%dma_start3A_487 : memref<1048704xf32, #tpu.memory_space<vmem_shared>>) offsets(%dma_start3A_485 : memref<128xi32, #tpu.memory_space<vmem>>) semaphore(%arg15 : memref<!tpu.dma_semaphore, #tpu.memory_space<semaphore_mem>>) {add = true}
        %dma_wait3A_488 = arith.constant 1 : i32
        %dma_wait3A_489 = arith.constant 1 : i32
        %dma_wait3A_490 = arith.constant 0 : i32
        %dma_wait3A_491 = tpu.memref_slice %arg13[%dma_wait3A_488, %dma_wait3A_490] : memref<16x128xf32, #tpu.memory_space<vmem>> -> memref<1x128xf32, #tpu.memory_space<vmem>>
        %dma_wait3A_492 = tpu.memref_squeeze %dma_wait3A_491 : memref<1x128xf32, #tpu.memory_space<vmem>> -> memref<128xf32, #tpu.memory_space<vmem>>
        %dma_wait3A_493 = arith.constant 0 : i32
        %dma_wait3A_494 = tpu.memref_slice %arg12[%dma_wait3A_489, %dma_wait3A_493] : memref<16x128xi32, #tpu.memory_space<vmem>> -> memref<1x128xi32, #tpu.memory_space<vmem>>
        %dma_wait3A_495 = tpu.memref_squeeze %dma_wait3A_494 : memref<1x128xi32, #tpu.memory_space<vmem>> -> memref<128xi32, #tpu.memory_space<vmem>>
        %dma_wait3A_496 = arith.constant 0 : i32
        %dma_wait3A_497 = tpu.memref_slice %arg16[%dma_wait3A_496] : memref<1048704xf32, #tpu.memory_space<vmem_shared>> -> memref<1048704xf32, #tpu.memory_space<vmem_shared>>
        tpu.wait_indirect_dma semaphore(%arg15 : memref<!tpu.dma_semaphore, #tpu.memory_space<semaphore_mem>>) src(%dma_wait3A_492 : memref<128xf32, #tpu.memory_space<vmem>>) dst(%dma_wait3A_497 : memref<1048704xf32, #tpu.memory_space<vmem_shared>>)
        %dma_start3A_498 = arith.constant 10 : i32
        %dma_start3A_499 = arith.constant 10 : i32
        %dma_start3A_500 = arith.constant 0 : i32
        %dma_start3A_501 = tpu.memref_slice %arg13[%dma_start3A_498, %dma_start3A_500] : memref<16x128xf32, #tpu.memory_space<vmem>> -> memref<1x128xf32, #tpu.memory_space<vmem>>
        %dma_start3A_502 = tpu.memref_squeeze %dma_start3A_501 : memref<1x128xf32, #tpu.memory_space<vmem>> -> memref<128xf32, #tpu.memory_space<vmem>>
        %dma_start3A_503 = arith.constant 0 : i32
        %dma_start3A_504 = tpu.memref_slice %arg12[%dma_start3A_499, %dma_start3A_503] : memref<16x128xi32, #tpu.memory_space<vmem>> -> memref<1x128xi32, #tpu.memory_space<vmem>>
        %dma_start3A_505 = tpu.memref_squeeze %dma_start3A_504 : memref<1x128xi32, #tpu.memory_space<vmem>> -> memref<128xi32, #tpu.memory_space<vmem>>
        %dma_start3A_506 = arith.constant 0 : i32
        %dma_start3A_507 = tpu.memref_slice %arg16[%dma_start3A_506] : memref<1048704xf32, #tpu.memory_space<vmem_shared>> -> memref<1048704xf32, #tpu.memory_space<vmem_shared>>
        tpu.enqueue_indirect_dma source(%dma_start3A_502 : memref<128xf32, #tpu.memory_space<vmem>>) target(%dma_start3A_507 : memref<1048704xf32, #tpu.memory_space<vmem_shared>>) offsets(%dma_start3A_505 : memref<128xi32, #tpu.memory_space<vmem>>) semaphore(%arg15 : memref<!tpu.dma_semaphore, #tpu.memory_space<semaphore_mem>>) {add = true}
        %dma_wait3A_508 = arith.constant 2 : i32
        %dma_wait3A_509 = arith.constant 2 : i32
        %dma_wait3A_510 = arith.constant 0 : i32
        %dma_wait3A_511 = tpu.memref_slice %arg13[%dma_wait3A_508, %dma_wait3A_510] : memref<16x128xf32, #tpu.memory_space<vmem>> -> memref<1x128xf32, #tpu.memory_space<vmem>>
        %dma_wait3A_512 = tpu.memref_squeeze %dma_wait3A_511 : memref<1x128xf32, #tpu.memory_space<vmem>> -> memref<128xf32, #tpu.memory_space<vmem>>
        %dma_wait3A_513 = arith.constant 0 : i32
        %dma_wait3A_514 = tpu.memref_slice %arg12[%dma_wait3A_509, %dma_wait3A_513] : memref<16x128xi32, #tpu.memory_space<vmem>> -> memref<1x128xi32, #tpu.memory_space<vmem>>
        %dma_wait3A_515 = tpu.memref_squeeze %dma_wait3A_514 : memref<1x128xi32, #tpu.memory_space<vmem>> -> memref<128xi32, #tpu.memory_space<vmem>>
        %dma_wait3A_516 = arith.constant 0 : i32
        %dma_wait3A_517 = tpu.memref_slice %arg16[%dma_wait3A_516] : memref<1048704xf32, #tpu.memory_space<vmem_shared>> -> memref<1048704xf32, #tpu.memory_space<vmem_shared>>
        tpu.wait_indirect_dma semaphore(%arg15 : memref<!tpu.dma_semaphore, #tpu.memory_space<semaphore_mem>>) src(%dma_wait3A_512 : memref<128xf32, #tpu.memory_space<vmem>>) dst(%dma_wait3A_517 : memref<1048704xf32, #tpu.memory_space<vmem_shared>>)
        %dma_start3A_518 = arith.constant 11 : i32
        %dma_start3A_519 = arith.constant 11 : i32
        %dma_start3A_520 = arith.constant 0 : i32
        %dma_start3A_521 = tpu.memref_slice %arg13[%dma_start3A_518, %dma_start3A_520] : memref<16x128xf32, #tpu.memory_space<vmem>> -> memref<1x128xf32, #tpu.memory_space<vmem>>
        %dma_start3A_522 = tpu.memref_squeeze %dma_start3A_521 : memref<1x128xf32, #tpu.memory_space<vmem>> -> memref<128xf32, #tpu.memory_space<vmem>>
        %dma_start3A_523 = arith.constant 0 : i32
        %dma_start3A_524 = tpu.memref_slice %arg12[%dma_start3A_519, %dma_start3A_523] : memref<16x128xi32, #tpu.memory_space<vmem>> -> memref<1x128xi32, #tpu.memory_space<vmem>>
        %dma_start3A_525 = tpu.memref_squeeze %dma_start3A_524 : memref<1x128xi32, #tpu.memory_space<vmem>> -> memref<128xi32, #tpu.memory_space<vmem>>
        %dma_start3A_526 = arith.constant 0 : i32
        %dma_start3A_527 = tpu.memref_slice %arg16[%dma_start3A_526] : memref<1048704xf32, #tpu.memory_space<vmem_shared>> -> memref<1048704xf32, #tpu.memory_space<vmem_shared>>
        tpu.enqueue_indirect_dma source(%dma_start3A_522 : memref<128xf32, #tpu.memory_space<vmem>>) target(%dma_start3A_527 : memref<1048704xf32, #tpu.memory_space<vmem_shared>>) offsets(%dma_start3A_525 : memref<128xi32, #tpu.memory_space<vmem>>) semaphore(%arg15 : memref<!tpu.dma_semaphore, #tpu.memory_space<semaphore_mem>>) {add = true}
        %dma_wait3A_528 = arith.constant 3 : i32
        %dma_wait3A_529 = arith.constant 3 : i32
        %dma_wait3A_530 = arith.constant 0 : i32
        %dma_wait3A_531 = tpu.memref_slice %arg13[%dma_wait3A_528, %dma_wait3A_530] : memref<16x128xf32, #tpu.memory_space<vmem>> -> memref<1x128xf32, #tpu.memory_space<vmem>>
        %dma_wait3A_532 = tpu.memref_squeeze %dma_wait3A_531 : memref<1x128xf32, #tpu.memory_space<vmem>> -> memref<128xf32, #tpu.memory_space<vmem>>
        %dma_wait3A_533 = arith.constant 0 : i32
        %dma_wait3A_534 = tpu.memref_slice %arg12[%dma_wait3A_529, %dma_wait3A_533] : memref<16x128xi32, #tpu.memory_space<vmem>> -> memref<1x128xi32, #tpu.memory_space<vmem>>
        %dma_wait3A_535 = tpu.memref_squeeze %dma_wait3A_534 : memref<1x128xi32, #tpu.memory_space<vmem>> -> memref<128xi32, #tpu.memory_space<vmem>>
        %dma_wait3A_536 = arith.constant 0 : i32
        %dma_wait3A_537 = tpu.memref_slice %arg16[%dma_wait3A_536] : memref<1048704xf32, #tpu.memory_space<vmem_shared>> -> memref<1048704xf32, #tpu.memory_space<vmem_shared>>
        tpu.wait_indirect_dma semaphore(%arg15 : memref<!tpu.dma_semaphore, #tpu.memory_space<semaphore_mem>>) src(%dma_wait3A_532 : memref<128xf32, #tpu.memory_space<vmem>>) dst(%dma_wait3A_537 : memref<1048704xf32, #tpu.memory_space<vmem_shared>>)
        %dma_start3A_538 = arith.constant 12 : i32
        %dma_start3A_539 = arith.constant 12 : i32
        %dma_start3A_540 = arith.constant 0 : i32
        %dma_start3A_541 = tpu.memref_slice %arg13[%dma_start3A_538, %dma_start3A_540] : memref<16x128xf32, #tpu.memory_space<vmem>> -> memref<1x128xf32, #tpu.memory_space<vmem>>
        %dma_start3A_542 = tpu.memref_squeeze %dma_start3A_541 : memref<1x128xf32, #tpu.memory_space<vmem>> -> memref<128xf32, #tpu.memory_space<vmem>>
        %dma_start3A_543 = arith.constant 0 : i32
        %dma_start3A_544 = tpu.memref_slice %arg12[%dma_start3A_539, %dma_start3A_543] : memref<16x128xi32, #tpu.memory_space<vmem>> -> memref<1x128xi32, #tpu.memory_space<vmem>>
        %dma_start3A_545 = tpu.memref_squeeze %dma_start3A_544 : memref<1x128xi32, #tpu.memory_space<vmem>> -> memref<128xi32, #tpu.memory_space<vmem>>
        %dma_start3A_546 = arith.constant 0 : i32
        %dma_start3A_547 = tpu.memref_slice %arg16[%dma_start3A_546] : memref<1048704xf32, #tpu.memory_space<vmem_shared>> -> memref<1048704xf32, #tpu.memory_space<vmem_shared>>
        tpu.enqueue_indirect_dma source(%dma_start3A_542 : memref<128xf32, #tpu.memory_space<vmem>>) target(%dma_start3A_547 : memref<1048704xf32, #tpu.memory_space<vmem_shared>>) offsets(%dma_start3A_545 : memref<128xi32, #tpu.memory_space<vmem>>) semaphore(%arg15 : memref<!tpu.dma_semaphore, #tpu.memory_space<semaphore_mem>>) {add = true}
        %dma_wait3A_548 = arith.constant 4 : i32
        %dma_wait3A_549 = arith.constant 4 : i32
        %dma_wait3A_550 = arith.constant 0 : i32
        %dma_wait3A_551 = tpu.memref_slice %arg13[%dma_wait3A_548, %dma_wait3A_550] : memref<16x128xf32, #tpu.memory_space<vmem>> -> memref<1x128xf32, #tpu.memory_space<vmem>>
        %dma_wait3A_552 = tpu.memref_squeeze %dma_wait3A_551 : memref<1x128xf32, #tpu.memory_space<vmem>> -> memref<128xf32, #tpu.memory_space<vmem>>
        %dma_wait3A_553 = arith.constant 0 : i32
        %dma_wait3A_554 = tpu.memref_slice %arg12[%dma_wait3A_549, %dma_wait3A_553] : memref<16x128xi32, #tpu.memory_space<vmem>> -> memref<1x128xi32, #tpu.memory_space<vmem>>
        %dma_wait3A_555 = tpu.memref_squeeze %dma_wait3A_554 : memref<1x128xi32, #tpu.memory_space<vmem>> -> memref<128xi32, #tpu.memory_space<vmem>>
        %dma_wait3A_556 = arith.constant 0 : i32
        %dma_wait3A_557 = tpu.memref_slice %arg16[%dma_wait3A_556] : memref<1048704xf32, #tpu.memory_space<vmem_shared>> -> memref<1048704xf32, #tpu.memory_space<vmem_shared>>
        tpu.wait_indirect_dma semaphore(%arg15 : memref<!tpu.dma_semaphore, #tpu.memory_space<semaphore_mem>>) src(%dma_wait3A_552 : memref<128xf32, #tpu.memory_space<vmem>>) dst(%dma_wait3A_557 : memref<1048704xf32, #tpu.memory_space<vmem_shared>>)
        %dma_start3A_558 = arith.constant 13 : i32
        %dma_start3A_559 = arith.constant 13 : i32
        %dma_start3A_560 = arith.constant 0 : i32
        %dma_start3A_561 = tpu.memref_slice %arg13[%dma_start3A_558, %dma_start3A_560] : memref<16x128xf32, #tpu.memory_space<vmem>> -> memref<1x128xf32, #tpu.memory_space<vmem>>
        %dma_start3A_562 = tpu.memref_squeeze %dma_start3A_561 : memref<1x128xf32, #tpu.memory_space<vmem>> -> memref<128xf32, #tpu.memory_space<vmem>>
        %dma_start3A_563 = arith.constant 0 : i32
        %dma_start3A_564 = tpu.memref_slice %arg12[%dma_start3A_559, %dma_start3A_563] : memref<16x128xi32, #tpu.memory_space<vmem>> -> memref<1x128xi32, #tpu.memory_space<vmem>>
        %dma_start3A_565 = tpu.memref_squeeze %dma_start3A_564 : memref<1x128xi32, #tpu.memory_space<vmem>> -> memref<128xi32, #tpu.memory_space<vmem>>
        %dma_start3A_566 = arith.constant 0 : i32
        %dma_start3A_567 = tpu.memref_slice %arg16[%dma_start3A_566] : memref<1048704xf32, #tpu.memory_space<vmem_shared>> -> memref<1048704xf32, #tpu.memory_space<vmem_shared>>
        tpu.enqueue_indirect_dma source(%dma_start3A_562 : memref<128xf32, #tpu.memory_space<vmem>>) target(%dma_start3A_567 : memref<1048704xf32, #tpu.memory_space<vmem_shared>>) offsets(%dma_start3A_565 : memref<128xi32, #tpu.memory_space<vmem>>) semaphore(%arg15 : memref<!tpu.dma_semaphore, #tpu.memory_space<semaphore_mem>>) {add = true}
        %dma_wait3A_568 = arith.constant 5 : i32
        %dma_wait3A_569 = arith.constant 5 : i32
        %dma_wait3A_570 = arith.constant 0 : i32
        %dma_wait3A_571 = tpu.memref_slice %arg13[%dma_wait3A_568, %dma_wait3A_570] : memref<16x128xf32, #tpu.memory_space<vmem>> -> memref<1x128xf32, #tpu.memory_space<vmem>>
        %dma_wait3A_572 = tpu.memref_squeeze %dma_wait3A_571 : memref<1x128xf32, #tpu.memory_space<vmem>> -> memref<128xf32, #tpu.memory_space<vmem>>
        %dma_wait3A_573 = arith.constant 0 : i32
        %dma_wait3A_574 = tpu.memref_slice %arg12[%dma_wait3A_569, %dma_wait3A_573] : memref<16x128xi32, #tpu.memory_space<vmem>> -> memref<1x128xi32, #tpu.memory_space<vmem>>
        %dma_wait3A_575 = tpu.memref_squeeze %dma_wait3A_574 : memref<1x128xi32, #tpu.memory_space<vmem>> -> memref<128xi32, #tpu.memory_space<vmem>>
        %dma_wait3A_576 = arith.constant 0 : i32
        %dma_wait3A_577 = tpu.memref_slice %arg16[%dma_wait3A_576] : memref<1048704xf32, #tpu.memory_space<vmem_shared>> -> memref<1048704xf32, #tpu.memory_space<vmem_shared>>
        tpu.wait_indirect_dma semaphore(%arg15 : memref<!tpu.dma_semaphore, #tpu.memory_space<semaphore_mem>>) src(%dma_wait3A_572 : memref<128xf32, #tpu.memory_space<vmem>>) dst(%dma_wait3A_577 : memref<1048704xf32, #tpu.memory_space<vmem_shared>>)
        %dma_start3A_578 = arith.constant 14 : i32
        %dma_start3A_579 = arith.constant 14 : i32
        %dma_start3A_580 = arith.constant 0 : i32
        %dma_start3A_581 = tpu.memref_slice %arg13[%dma_start3A_578, %dma_start3A_580] : memref<16x128xf32, #tpu.memory_space<vmem>> -> memref<1x128xf32, #tpu.memory_space<vmem>>
        %dma_start3A_582 = tpu.memref_squeeze %dma_start3A_581 : memref<1x128xf32, #tpu.memory_space<vmem>> -> memref<128xf32, #tpu.memory_space<vmem>>
        %dma_start3A_583 = arith.constant 0 : i32
        %dma_start3A_584 = tpu.memref_slice %arg12[%dma_start3A_579, %dma_start3A_583] : memref<16x128xi32, #tpu.memory_space<vmem>> -> memref<1x128xi32, #tpu.memory_space<vmem>>
        %dma_start3A_585 = tpu.memref_squeeze %dma_start3A_584 : memref<1x128xi32, #tpu.memory_space<vmem>> -> memref<128xi32, #tpu.memory_space<vmem>>
        %dma_start3A_586 = arith.constant 0 : i32
        %dma_start3A_587 = tpu.memref_slice %arg16[%dma_start3A_586] : memref<1048704xf32, #tpu.memory_space<vmem_shared>> -> memref<1048704xf32, #tpu.memory_space<vmem_shared>>
        tpu.enqueue_indirect_dma source(%dma_start3A_582 : memref<128xf32, #tpu.memory_space<vmem>>) target(%dma_start3A_587 : memref<1048704xf32, #tpu.memory_space<vmem_shared>>) offsets(%dma_start3A_585 : memref<128xi32, #tpu.memory_space<vmem>>) semaphore(%arg15 : memref<!tpu.dma_semaphore, #tpu.memory_space<semaphore_mem>>) {add = true}
        %dma_wait3A_588 = arith.constant 6 : i32
        %dma_wait3A_589 = arith.constant 6 : i32
        %dma_wait3A_590 = arith.constant 0 : i32
        %dma_wait3A_591 = tpu.memref_slice %arg13[%dma_wait3A_588, %dma_wait3A_590] : memref<16x128xf32, #tpu.memory_space<vmem>> -> memref<1x128xf32, #tpu.memory_space<vmem>>
        %dma_wait3A_592 = tpu.memref_squeeze %dma_wait3A_591 : memref<1x128xf32, #tpu.memory_space<vmem>> -> memref<128xf32, #tpu.memory_space<vmem>>
        %dma_wait3A_593 = arith.constant 0 : i32
        %dma_wait3A_594 = tpu.memref_slice %arg12[%dma_wait3A_589, %dma_wait3A_593] : memref<16x128xi32, #tpu.memory_space<vmem>> -> memref<1x128xi32, #tpu.memory_space<vmem>>
        %dma_wait3A_595 = tpu.memref_squeeze %dma_wait3A_594 : memref<1x128xi32, #tpu.memory_space<vmem>> -> memref<128xi32, #tpu.memory_space<vmem>>
        %dma_wait3A_596 = arith.constant 0 : i32
        %dma_wait3A_597 = tpu.memref_slice %arg16[%dma_wait3A_596] : memref<1048704xf32, #tpu.memory_space<vmem_shared>> -> memref<1048704xf32, #tpu.memory_space<vmem_shared>>
        tpu.wait_indirect_dma semaphore(%arg15 : memref<!tpu.dma_semaphore, #tpu.memory_space<semaphore_mem>>) src(%dma_wait3A_592 : memref<128xf32, #tpu.memory_space<vmem>>) dst(%dma_wait3A_597 : memref<1048704xf32, #tpu.memory_space<vmem_shared>>)
        %dma_start3A_598 = arith.constant 15 : i32
        %dma_start3A_599 = arith.constant 15 : i32
        %dma_start3A_600 = arith.constant 0 : i32
        %dma_start3A_601 = tpu.memref_slice %arg13[%dma_start3A_598, %dma_start3A_600] : memref<16x128xf32, #tpu.memory_space<vmem>> -> memref<1x128xf32, #tpu.memory_space<vmem>>
        %dma_start3A_602 = tpu.memref_squeeze %dma_start3A_601 : memref<1x128xf32, #tpu.memory_space<vmem>> -> memref<128xf32, #tpu.memory_space<vmem>>
        %dma_start3A_603 = arith.constant 0 : i32
        %dma_start3A_604 = tpu.memref_slice %arg12[%dma_start3A_599, %dma_start3A_603] : memref<16x128xi32, #tpu.memory_space<vmem>> -> memref<1x128xi32, #tpu.memory_space<vmem>>
        %dma_start3A_605 = tpu.memref_squeeze %dma_start3A_604 : memref<1x128xi32, #tpu.memory_space<vmem>> -> memref<128xi32, #tpu.memory_space<vmem>>
        %dma_start3A_606 = arith.constant 0 : i32
        %dma_start3A_607 = tpu.memref_slice %arg16[%dma_start3A_606] : memref<1048704xf32, #tpu.memory_space<vmem_shared>> -> memref<1048704xf32, #tpu.memory_space<vmem_shared>>
        tpu.enqueue_indirect_dma source(%dma_start3A_602 : memref<128xf32, #tpu.memory_space<vmem>>) target(%dma_start3A_607 : memref<1048704xf32, #tpu.memory_space<vmem_shared>>) offsets(%dma_start3A_605 : memref<128xi32, #tpu.memory_space<vmem>>) semaphore(%arg15 : memref<!tpu.dma_semaphore, #tpu.memory_space<semaphore_mem>>) {add = true}
        %dma_wait3A_608 = arith.constant 7 : i32
        %dma_wait3A_609 = arith.constant 7 : i32
        %dma_wait3A_610 = arith.constant 0 : i32
        %dma_wait3A_611 = tpu.memref_slice %arg13[%dma_wait3A_608, %dma_wait3A_610] : memref<16x128xf32, #tpu.memory_space<vmem>> -> memref<1x128xf32, #tpu.memory_space<vmem>>
        %dma_wait3A_612 = tpu.memref_squeeze %dma_wait3A_611 : memref<1x128xf32, #tpu.memory_space<vmem>> -> memref<128xf32, #tpu.memory_space<vmem>>
        %dma_wait3A_613 = arith.constant 0 : i32
        %dma_wait3A_614 = tpu.memref_slice %arg12[%dma_wait3A_609, %dma_wait3A_613] : memref<16x128xi32, #tpu.memory_space<vmem>> -> memref<1x128xi32, #tpu.memory_space<vmem>>
        %dma_wait3A_615 = tpu.memref_squeeze %dma_wait3A_614 : memref<1x128xi32, #tpu.memory_space<vmem>> -> memref<128xi32, #tpu.memory_space<vmem>>
        %dma_wait3A_616 = arith.constant 0 : i32
        %dma_wait3A_617 = tpu.memref_slice %arg16[%dma_wait3A_616] : memref<1048704xf32, #tpu.memory_space<vmem_shared>> -> memref<1048704xf32, #tpu.memory_space<vmem_shared>>
        tpu.wait_indirect_dma semaphore(%arg15 : memref<!tpu.dma_semaphore, #tpu.memory_space<semaphore_mem>>) src(%dma_wait3A_612 : memref<128xf32, #tpu.memory_space<vmem>>) dst(%dma_wait3A_617 : memref<1048704xf32, #tpu.memory_space<vmem_shared>>)
        %dma_wait3A_618 = arith.constant 8 : i32
        %dma_wait3A_619 = arith.constant 8 : i32
        %dma_wait3A_620 = arith.constant 0 : i32
        %dma_wait3A_621 = tpu.memref_slice %arg13[%dma_wait3A_618, %dma_wait3A_620] : memref<16x128xf32, #tpu.memory_space<vmem>> -> memref<1x128xf32, #tpu.memory_space<vmem>>
        %dma_wait3A_622 = tpu.memref_squeeze %dma_wait3A_621 : memref<1x128xf32, #tpu.memory_space<vmem>> -> memref<128xf32, #tpu.memory_space<vmem>>
        %dma_wait3A_623 = arith.constant 0 : i32
        %dma_wait3A_624 = tpu.memref_slice %arg12[%dma_wait3A_619, %dma_wait3A_623] : memref<16x128xi32, #tpu.memory_space<vmem>> -> memref<1x128xi32, #tpu.memory_space<vmem>>
        %dma_wait3A_625 = tpu.memref_squeeze %dma_wait3A_624 : memref<1x128xi32, #tpu.memory_space<vmem>> -> memref<128xi32, #tpu.memory_space<vmem>>
        %dma_wait3A_626 = arith.constant 0 : i32
        %dma_wait3A_627 = tpu.memref_slice %arg16[%dma_wait3A_626] : memref<1048704xf32, #tpu.memory_space<vmem_shared>> -> memref<1048704xf32, #tpu.memory_space<vmem_shared>>
        tpu.wait_indirect_dma semaphore(%arg15 : memref<!tpu.dma_semaphore, #tpu.memory_space<semaphore_mem>>) src(%dma_wait3A_622 : memref<128xf32, #tpu.memory_space<vmem>>) dst(%dma_wait3A_627 : memref<1048704xf32, #tpu.memory_space<vmem_shared>>)
        %dma_wait3A_628 = arith.constant 9 : i32
        %dma_wait3A_629 = arith.constant 9 : i32
        %dma_wait3A_630 = arith.constant 0 : i32
        %dma_wait3A_631 = tpu.memref_slice %arg13[%dma_wait3A_628, %dma_wait3A_630] : memref<16x128xf32, #tpu.memory_space<vmem>> -> memref<1x128xf32, #tpu.memory_space<vmem>>
        %dma_wait3A_632 = tpu.memref_squeeze %dma_wait3A_631 : memref<1x128xf32, #tpu.memory_space<vmem>> -> memref<128xf32, #tpu.memory_space<vmem>>
        %dma_wait3A_633 = arith.constant 0 : i32
        %dma_wait3A_634 = tpu.memref_slice %arg12[%dma_wait3A_629, %dma_wait3A_633] : memref<16x128xi32, #tpu.memory_space<vmem>> -> memref<1x128xi32, #tpu.memory_space<vmem>>
        %dma_wait3A_635 = tpu.memref_squeeze %dma_wait3A_634 : memref<1x128xi32, #tpu.memory_space<vmem>> -> memref<128xi32, #tpu.memory_space<vmem>>
        %dma_wait3A_636 = arith.constant 0 : i32
        %dma_wait3A_637 = tpu.memref_slice %arg16[%dma_wait3A_636] : memref<1048704xf32, #tpu.memory_space<vmem_shared>> -> memref<1048704xf32, #tpu.memory_space<vmem_shared>>
        tpu.wait_indirect_dma semaphore(%arg15 : memref<!tpu.dma_semaphore, #tpu.memory_space<semaphore_mem>>) src(%dma_wait3A_632 : memref<128xf32, #tpu.memory_space<vmem>>) dst(%dma_wait3A_637 : memref<1048704xf32, #tpu.memory_space<vmem_shared>>)
        %dma_wait3A_638 = arith.constant 10 : i32
        %dma_wait3A_639 = arith.constant 10 : i32
        %dma_wait3A_640 = arith.constant 0 : i32
        %dma_wait3A_641 = tpu.memref_slice %arg13[%dma_wait3A_638, %dma_wait3A_640] : memref<16x128xf32, #tpu.memory_space<vmem>> -> memref<1x128xf32, #tpu.memory_space<vmem>>
        %dma_wait3A_642 = tpu.memref_squeeze %dma_wait3A_641 : memref<1x128xf32, #tpu.memory_space<vmem>> -> memref<128xf32, #tpu.memory_space<vmem>>
        %dma_wait3A_643 = arith.constant 0 : i32
        %dma_wait3A_644 = tpu.memref_slice %arg12[%dma_wait3A_639, %dma_wait3A_643] : memref<16x128xi32, #tpu.memory_space<vmem>> -> memref<1x128xi32, #tpu.memory_space<vmem>>
        %dma_wait3A_645 = tpu.memref_squeeze %dma_wait3A_644 : memref<1x128xi32, #tpu.memory_space<vmem>> -> memref<128xi32, #tpu.memory_space<vmem>>
        %dma_wait3A_646 = arith.constant 0 : i32
        %dma_wait3A_647 = tpu.memref_slice %arg16[%dma_wait3A_646] : memref<1048704xf32, #tpu.memory_space<vmem_shared>> -> memref<1048704xf32, #tpu.memory_space<vmem_shared>>
        tpu.wait_indirect_dma semaphore(%arg15 : memref<!tpu.dma_semaphore, #tpu.memory_space<semaphore_mem>>) src(%dma_wait3A_642 : memref<128xf32, #tpu.memory_space<vmem>>) dst(%dma_wait3A_647 : memref<1048704xf32, #tpu.memory_space<vmem_shared>>)
        %dma_wait3A_648 = arith.constant 11 : i32
        %dma_wait3A_649 = arith.constant 11 : i32
        %dma_wait3A_650 = arith.constant 0 : i32
        %dma_wait3A_651 = tpu.memref_slice %arg13[%dma_wait3A_648, %dma_wait3A_650] : memref<16x128xf32, #tpu.memory_space<vmem>> -> memref<1x128xf32, #tpu.memory_space<vmem>>
        %dma_wait3A_652 = tpu.memref_squeeze %dma_wait3A_651 : memref<1x128xf32, #tpu.memory_space<vmem>> -> memref<128xf32, #tpu.memory_space<vmem>>
        %dma_wait3A_653 = arith.constant 0 : i32
        %dma_wait3A_654 = tpu.memref_slice %arg12[%dma_wait3A_649, %dma_wait3A_653] : memref<16x128xi32, #tpu.memory_space<vmem>> -> memref<1x128xi32, #tpu.memory_space<vmem>>
        %dma_wait3A_655 = tpu.memref_squeeze %dma_wait3A_654 : memref<1x128xi32, #tpu.memory_space<vmem>> -> memref<128xi32, #tpu.memory_space<vmem>>
        %dma_wait3A_656 = arith.constant 0 : i32
        %dma_wait3A_657 = tpu.memref_slice %arg16[%dma_wait3A_656] : memref<1048704xf32, #tpu.memory_space<vmem_shared>> -> memref<1048704xf32, #tpu.memory_space<vmem_shared>>
        tpu.wait_indirect_dma semaphore(%arg15 : memref<!tpu.dma_semaphore, #tpu.memory_space<semaphore_mem>>) src(%dma_wait3A_652 : memref<128xf32, #tpu.memory_space<vmem>>) dst(%dma_wait3A_657 : memref<1048704xf32, #tpu.memory_space<vmem_shared>>)
        %dma_wait3A_658 = arith.constant 12 : i32
        %dma_wait3A_659 = arith.constant 12 : i32
        %dma_wait3A_660 = arith.constant 0 : i32
        %dma_wait3A_661 = tpu.memref_slice %arg13[%dma_wait3A_658, %dma_wait3A_660] : memref<16x128xf32, #tpu.memory_space<vmem>> -> memref<1x128xf32, #tpu.memory_space<vmem>>
        %dma_wait3A_662 = tpu.memref_squeeze %dma_wait3A_661 : memref<1x128xf32, #tpu.memory_space<vmem>> -> memref<128xf32, #tpu.memory_space<vmem>>
        %dma_wait3A_663 = arith.constant 0 : i32
        %dma_wait3A_664 = tpu.memref_slice %arg12[%dma_wait3A_659, %dma_wait3A_663] : memref<16x128xi32, #tpu.memory_space<vmem>> -> memref<1x128xi32, #tpu.memory_space<vmem>>
        %dma_wait3A_665 = tpu.memref_squeeze %dma_wait3A_664 : memref<1x128xi32, #tpu.memory_space<vmem>> -> memref<128xi32, #tpu.memory_space<vmem>>
        %dma_wait3A_666 = arith.constant 0 : i32
        %dma_wait3A_667 = tpu.memref_slice %arg16[%dma_wait3A_666] : memref<1048704xf32, #tpu.memory_space<vmem_shared>> -> memref<1048704xf32, #tpu.memory_space<vmem_shared>>
        tpu.wait_indirect_dma semaphore(%arg15 : memref<!tpu.dma_semaphore, #tpu.memory_space<semaphore_mem>>) src(%dma_wait3A_662 : memref<128xf32, #tpu.memory_space<vmem>>) dst(%dma_wait3A_667 : memref<1048704xf32, #tpu.memory_space<vmem_shared>>)
        %dma_wait3A_668 = arith.constant 13 : i32
        %dma_wait3A_669 = arith.constant 13 : i32
        %dma_wait3A_670 = arith.constant 0 : i32
        %dma_wait3A_671 = tpu.memref_slice %arg13[%dma_wait3A_668, %dma_wait3A_670] : memref<16x128xf32, #tpu.memory_space<vmem>> -> memref<1x128xf32, #tpu.memory_space<vmem>>
        %dma_wait3A_672 = tpu.memref_squeeze %dma_wait3A_671 : memref<1x128xf32, #tpu.memory_space<vmem>> -> memref<128xf32, #tpu.memory_space<vmem>>
        %dma_wait3A_673 = arith.constant 0 : i32
        %dma_wait3A_674 = tpu.memref_slice %arg12[%dma_wait3A_669, %dma_wait3A_673] : memref<16x128xi32, #tpu.memory_space<vmem>> -> memref<1x128xi32, #tpu.memory_space<vmem>>
        %dma_wait3A_675 = tpu.memref_squeeze %dma_wait3A_674 : memref<1x128xi32, #tpu.memory_space<vmem>> -> memref<128xi32, #tpu.memory_space<vmem>>
        %dma_wait3A_676 = arith.constant 0 : i32
        %dma_wait3A_677 = tpu.memref_slice %arg16[%dma_wait3A_676] : memref<1048704xf32, #tpu.memory_space<vmem_shared>> -> memref<1048704xf32, #tpu.memory_space<vmem_shared>>
        tpu.wait_indirect_dma semaphore(%arg15 : memref<!tpu.dma_semaphore, #tpu.memory_space<semaphore_mem>>) src(%dma_wait3A_672 : memref<128xf32, #tpu.memory_space<vmem>>) dst(%dma_wait3A_677 : memref<1048704xf32, #tpu.memory_space<vmem_shared>>)
        %dma_wait3A_678 = arith.constant 14 : i32
        %dma_wait3A_679 = arith.constant 14 : i32
        %dma_wait3A_680 = arith.constant 0 : i32
        %dma_wait3A_681 = tpu.memref_slice %arg13[%dma_wait3A_678, %dma_wait3A_680] : memref<16x128xf32, #tpu.memory_space<vmem>> -> memref<1x128xf32, #tpu.memory_space<vmem>>
        %dma_wait3A_682 = tpu.memref_squeeze %dma_wait3A_681 : memref<1x128xf32, #tpu.memory_space<vmem>> -> memref<128xf32, #tpu.memory_space<vmem>>
        %dma_wait3A_683 = arith.constant 0 : i32
        %dma_wait3A_684 = tpu.memref_slice %arg12[%dma_wait3A_679, %dma_wait3A_683] : memref<16x128xi32, #tpu.memory_space<vmem>> -> memref<1x128xi32, #tpu.memory_space<vmem>>
        %dma_wait3A_685 = tpu.memref_squeeze %dma_wait3A_684 : memref<1x128xi32, #tpu.memory_space<vmem>> -> memref<128xi32, #tpu.memory_space<vmem>>
        %dma_wait3A_686 = arith.constant 0 : i32
        %dma_wait3A_687 = tpu.memref_slice %arg16[%dma_wait3A_686] : memref<1048704xf32, #tpu.memory_space<vmem_shared>> -> memref<1048704xf32, #tpu.memory_space<vmem_shared>>
        tpu.wait_indirect_dma semaphore(%arg15 : memref<!tpu.dma_semaphore, #tpu.memory_space<semaphore_mem>>) src(%dma_wait3A_682 : memref<128xf32, #tpu.memory_space<vmem>>) dst(%dma_wait3A_687 : memref<1048704xf32, #tpu.memory_space<vmem_shared>>)
        %dma_wait3A_688 = arith.constant 15 : i32
        %dma_wait3A_689 = arith.constant 15 : i32
        %dma_wait3A_690 = arith.constant 0 : i32
        %dma_wait3A_691 = tpu.memref_slice %arg13[%dma_wait3A_688, %dma_wait3A_690] : memref<16x128xf32, #tpu.memory_space<vmem>> -> memref<1x128xf32, #tpu.memory_space<vmem>>
        %dma_wait3A_692 = tpu.memref_squeeze %dma_wait3A_691 : memref<1x128xf32, #tpu.memory_space<vmem>> -> memref<128xf32, #tpu.memory_space<vmem>>
        %dma_wait3A_693 = arith.constant 0 : i32
        %dma_wait3A_694 = tpu.memref_slice %arg12[%dma_wait3A_689, %dma_wait3A_693] : memref<16x128xi32, #tpu.memory_space<vmem>> -> memref<1x128xi32, #tpu.memory_space<vmem>>
        %dma_wait3A_695 = tpu.memref_squeeze %dma_wait3A_694 : memref<1x128xi32, #tpu.memory_space<vmem>> -> memref<128xi32, #tpu.memory_space<vmem>>
        %dma_wait3A_696 = arith.constant 0 : i32
        %dma_wait3A_697 = tpu.memref_slice %arg16[%dma_wait3A_696] : memref<1048704xf32, #tpu.memory_space<vmem_shared>> -> memref<1048704xf32, #tpu.memory_space<vmem_shared>>
        tpu.wait_indirect_dma semaphore(%arg15 : memref<!tpu.dma_semaphore, #tpu.memory_space<semaphore_mem>>) src(%dma_wait3A_692 : memref<128xf32, #tpu.memory_space<vmem>>) dst(%dma_wait3A_697 : memref<1048704xf32, #tpu.memory_space<vmem_shared>>)
      } else {
      }
      %barrier3A_376 = arith.constant 0 : index
      tpu.barrier barrier_id(%barrier3A_376)
      %scan3A_377 = arith.constant 0 : i32
      scf.yield %scan3A_377 : i32
    }
    %scan3A_364 = arith.constant 16 : i32
    %mul3A_365 = arith.constant 65536 : i32
    %mul3A_366 = arith.muli %arg1, %mul3A_365 : i32
    %mul3A_367 = arith.constant 1048576 : i32
    %mul3A_368 = arith.muli %add3A_285, %mul3A_367 : i32
    %mul3A_369 = arith.constant 65536 : i32
    %mul3A_370 = arith.muli %arg1, %mul3A_369 : i32
    %add3A_371 = arith.addi %mul3A_368, %mul3A_370 : i32
    "tpu.region"() ({
      %run_scoped3A = tpu.sem_alloc : memref<!tpu.dma_semaphore, #tpu.memory_space<semaphore_mem>>
      %dma_start3A_373 = tpu.memref_slice %arg7[%add3A_371] : memref<4194304xf32, #tpu.memory_space<hbm>> -> memref<65536xf32, #tpu.memory_space<hbm>>
      %dma_start3A_374 = tpu.memref_slice %arg16[%mul3A_366] : memref<1048704xf32, #tpu.memory_space<vmem_shared>> -> memref<65536xf32, #tpu.memory_space<vmem_shared>>
      tpu.enqueue_dma source(%dma_start3A_374 : memref<65536xf32, #tpu.memory_space<vmem_shared>>) target(%dma_start3A_373 : memref<65536xf32, #tpu.memory_space<hbm>>) target_semaphore(%run_scoped3A : memref<!tpu.dma_semaphore, #tpu.memory_space<semaphore_mem>>)
      %dma_wait3A_375 = tpu.memref_slice %arg7[%add3A_371] : memref<4194304xf32, #tpu.memory_space<hbm>> -> memref<65536xf32, #tpu.memory_space<hbm>>
      %dma_wait3A_376 = tpu.memref_slice %arg16[%mul3A_366] : memref<1048704xf32, #tpu.memory_space<vmem_shared>> -> memref<65536xf32, #tpu.memory_space<vmem_shared>>
      tpu.wait_dma2 semaphore(%run_scoped3A : memref<!tpu.dma_semaphore, #tpu.memory_space<semaphore_mem>>) src(%dma_wait3A_376 : memref<65536xf32, #tpu.memory_space<vmem_shared>>) dst(%dma_wait3A_375 : memref<65536xf32, #tpu.memory_space<hbm>>)
      tpu.yield
    }) : () -> ()
    %barrier3A_372 = arith.constant 0 : index
    tpu.barrier barrier_id(%barrier3A_372)
    return
  }
}

module attributes {stable_mosaic.version = 14 : i64} {
  func.func @_mm_body(%arg0: i32, %arg1: i32, %arg2: memref<256x2048xf32, #tpu.memory_space<vmem>>, %arg3: memref<2048x2048xf32, #tpu.memory_space<vmem>>, %arg4: memref<1x2048xf32, #tpu.memory_space<vmem>>, %arg5: memref<256x2048xf32, #tpu.memory_space<vmem>>) attributes {dimension_semantics = [#tpu.dimension_semantics<arbitrary>, #tpu.dimension_semantics<arbitrary>], iteration_bounds = array<i64: 8, 1>, scalar_prefetch = 0 : i64, scratch_operands = 0 : i64, tpu.core_type = #tpu.core_type<tc>, window_params = [{transform_indices = @transform_0, window_bounds = array<i64: 256, 2048>}, {transform_indices = @transform_1, window_bounds = array<i64: 2048, 2048>}, {transform_indices = @transform_2, window_bounds = array<i64: 1, 2048>}, {transform_indices = @transform_3, window_bounds = array<i64: 256, 2048>}]} {
    %get3A = arith.constant 0 : index
    %get3A_0 = arith.constant 0 : index
    %get3A_1 = vector.load %arg2[%get3A, %get3A_0] : memref<256x2048xf32, #tpu.memory_space<vmem>>, vector<256x2048xf32>
    %get3A_2 = arith.constant 0 : index
    %get3A_3 = arith.constant 0 : index
    %get3A_4 = vector.load %arg3[%get3A_2, %get3A_3] : memref<2048x2048xf32, #tpu.memory_space<vmem>>, vector<2048x2048xf32>
    %dot_general3A = arith.constant dense<0.000000e+00> : vector<256x2048xf32>
    %dot_general3A_5 = tpu.matmul %get3A_1, %get3A_4, %dot_general3A {dimension_numbers = #tpu.dot_dimension_numbers<[1], [0], [0], [1], [0, 0, 1, 1], [], []>, transpose_lhs_hint = false} : vector<256x2048xf32>, vector<2048x2048xf32>, vector<256x2048xf32> -> vector<256x2048xf32>
    %get3A_6 = arith.constant 0 : index
    %get3A_7 = arith.constant 0 : index
    %get3A_8 = vector.load %arg4[%get3A_6, %get3A_7] : memref<1x2048xf32, #tpu.memory_space<vmem>>, vector<1x2048xf32>
    %add3A = vector.broadcast %get3A_8 : vector<1x2048xf32> to vector<256x2048xf32>
    %add3A_9 = arith.addf %dot_general3A_5, %add3A : vector<256x2048xf32>
    %swap3A = arith.constant 0 : index
    %swap3A_10 = arith.constant 0 : index
    %swap3A_11 = vector.load %arg5[%swap3A, %swap3A_10] : memref<256x2048xf32, #tpu.memory_space<vmem>>, vector<256x2048xf32>
    tpu.vector_store %arg5[%swap3A, %swap3A_10], %add3A_9 {strides = array<i32>} : memref<256x2048xf32, #tpu.memory_space<vmem>>, vector<256x2048xf32>,
    return
  }
  func.func @transform_0(%arg0: i32, %arg1: i32) -> (i32, i32) {
    %c0_i32 = arith.constant 0 : i32
    %c0_i32_0 = arith.constant 0 : i32
    return %arg0, %c0_i32 : i32, i32
  }
  func.func @transform_1(%arg0: i32, %arg1: i32) -> (i32, i32) {
    %c0_i32 = arith.constant 0 : i32
    %c0_i32_0 = arith.constant 0 : i32
    return %c0_i32, %arg1 : i32, i32
  }
  func.func @transform_2(%arg0: i32, %arg1: i32) -> (i32, i32) {
    %c0_i32 = arith.constant 0 : i32
    %c0_i32_0 = arith.constant 0 : i32
    return %c0_i32, %arg1 : i32, i32
  }
  func.func @transform_3(%arg0: i32, %arg1: i32) -> (i32, i32) {
    %c0_i32 = arith.constant 0 : i32
    return %arg0, %arg1 : i32, i32
  }
}

module attributes {stable_mosaic.version = 14 : i64} {
  func.func @_mm_body(%arg0: i32, %arg1: i32, %arg2: memref<256x2048xf32, #tpu.memory_space<vmem>>, %arg3: memref<2048x2048xf32, #tpu.memory_space<vmem>>, %arg4: memref<1x2048xf32, #tpu.memory_space<vmem>>, %arg5: memref<256x2048xf32, #tpu.memory_space<vmem>>) attributes {dimension_semantics = [#tpu.dimension_semantics<arbitrary>, #tpu.dimension_semantics<arbitrary>], iteration_bounds = array<i64: 8, 1>, scalar_prefetch = 0 : i64, scratch_operands = 0 : i64, tpu.core_type = #tpu.core_type<tc>, window_params = [{transform_indices = @transform_0, window_bounds = array<i64: 256, 2048>}, {transform_indices = @transform_1, window_bounds = array<i64: 2048, 2048>}, {transform_indices = @transform_2, window_bounds = array<i64: 1, 2048>}, {transform_indices = @transform_3, window_bounds = array<i64: 256, 2048>}]} {
    %get3A = arith.constant 0 : index
    %get3A_0 = arith.constant 0 : index
    %get3A_1 = vector.load %arg2[%get3A, %get3A_0] : memref<256x2048xf32, #tpu.memory_space<vmem>>, vector<256x2048xf32>
    %get3A_2 = arith.constant 0 : index
    %get3A_3 = arith.constant 0 : index
    %get3A_4 = vector.load %arg3[%get3A_2, %get3A_3] : memref<2048x2048xf32, #tpu.memory_space<vmem>>, vector<2048x2048xf32>
    %dot_general3A = arith.constant dense<0.000000e+00> : vector<256x2048xf32>
    %dot_general3A_5 = tpu.matmul %get3A_1, %get3A_4, %dot_general3A {dimension_numbers = #tpu.dot_dimension_numbers<[1], [0], [0], [1], [0, 0, 1, 1], [], []>, transpose_lhs_hint = false} : vector<256x2048xf32>, vector<2048x2048xf32>, vector<256x2048xf32> -> vector<256x2048xf32>
    %get3A_6 = arith.constant 0 : index
    %get3A_7 = arith.constant 0 : index
    %get3A_8 = vector.load %arg4[%get3A_6, %get3A_7] : memref<1x2048xf32, #tpu.memory_space<vmem>>, vector<1x2048xf32>
    %add3A = vector.broadcast %get3A_8 : vector<1x2048xf32> to vector<256x2048xf32>
    %add3A_9 = arith.addf %dot_general3A_5, %add3A : vector<256x2048xf32>
    %swap3A = arith.constant 0 : index
    %swap3A_10 = arith.constant 0 : index
    %swap3A_11 = vector.load %arg5[%swap3A, %swap3A_10] : memref<256x2048xf32, #tpu.memory_space<vmem>>, vector<256x2048xf32>
    tpu.vector_store %arg5[%swap3A, %swap3A_10], %add3A_9 {strides = array<i32>} : memref<256x2048xf32, #tpu.memory_space<vmem>>, vector<256x2048xf32>,
    return
  }
  func.func @transform_0(%arg0: i32, %arg1: i32) -> (i32, i32) {
    %c0_i32 = arith.constant 0 : i32
    %c0_i32_0 = arith.constant 0 : i32
    return %arg0, %c0_i32 : i32, i32
  }
  func.func @transform_1(%arg0: i32, %arg1: i32) -> (i32, i32) {
    %c0_i32 = arith.constant 0 : i32
    %c0_i32_0 = arith.constant 0 : i32
    return %c0_i32, %arg1 : i32, i32
  }
  func.func @transform_2(%arg0: i32, %arg1: i32) -> (i32, i32) {
    %c0_i32 = arith.constant 0 : i32
    %c0_i32_0 = arith.constant 0 : i32
    return %c0_i32, %arg1 : i32, i32
  }
  func.func @transform_3(%arg0: i32, %arg1: i32) -> (i32, i32) {
    %c0_i32 = arith.constant 0 : i32
    return %arg0, %arg1 : i32, i32
  }
}

</mosaic_0001>

<sc_bundles>
// kernel: kernel.6.cloned.1.call-start
scs
__scs_entry_jumppad:
0x0: {  	(pc) =	sbr.rel $0x88, $3  }
0x1: {  	(tag) =	ssettag $0x0;
	lr =	simm.s32 $0x1  }
0x2: {  	[smem:$0x3F9B] =	sst lr;
	_ =	strace $0xD0000000  }
0x3: {  	_ = 	snop  }
0x4: {  	_ = 	snop  }
0x5: {  	_ = 	snop  }
0x6: {  	_ = 	snop  }
0x7: {  	_ = 	snop  }
__scs_overlays_trampoline_lowered:
0x8: {  	[smem:$0x3FAA] =	sst s0  }
0x9: {  	[smem:$0x3FAB] =	sst s1  }
0xa: {  	[smem:$0x3FAC] =	sst s2  }
0xb: {  	[smem:$0x3FAD] =	sst s3  }
0xc: {  	[smem:$0x3FAE] =	sst s4  }
0xd: {  	[smem:$0x3FAF] =	sst s5  }
0xe: {  	[smem:$0x3FB0] =	sst s6  }
0xf: {  	[smem:$0x3FB1] =	sst s7  }
0x10: {  	[smem:$0x3FB2] =	sst s8  }
0x11: {  	[smem:$0x3FB3] =	sst s9;
	s0 =	simm.s32 @!p0 $0x0  }
0x12: {  	s1 =	sld [smem:$0x3F99];
	s0 =	simm.s32 @p0 $0x1  }
0x13: {  	[smem:$0x3FB4] =	sst s0;
	s0 =	simm.s32 @!p1 $0x0  }
0x14: {  	s2 =	sld [smem:$0x3F98];
	s0 =	simm.s32 @p1 $0x1  }
0x15: {  	[smem:$0x3FB5] =	sst s0;
	s0 =	simm.s32 @!p2 $0x0  }
0x16: {  	s3 =	sld [smem:$0x3FDB];
	s0 =	simm.s32 @p2 $0x1  }
0x17: {  	s4 =	simm.s32 $0x1BF5;
	[smem:$0x3FB7] =	sst s0  }
0x18: {  	s0 =	sld [smem:$0x3F9A];
	_ =	swait.ge [sflag:s4], $0x0  }
0x19: {  	s7 =	sld [smem:$0x3F9B]  }
0x1a: {  	s8 =	sadd.s32 $0xFFFFE003, lr  }
0x1b: {  	s9 =	sadd.s32 $0xFFFFFEF7, lr;
	s5 =	simm.s32 $0xFFFFFFFF;
	p2 =	slt.u32 s8, $0xFFFFF086  }
0x1c: {  	p1 =	slt.u32 s9, $0xF7A;
	s5 =	simm.s32 @!p2 $0x0  }
0x1d: {  	s5 =	simm.s32 @p1 $0x1;
	p0 =	seq.s32 s7, s2  }
0x1e: {  	s7 =	smul.u32 @!p0 $0xF7A, s2;
	p2 =	seq.s32 @!p0 s5, $0x0  }
0x1f: {  	s9 =	smul.u32 $0xF7A, s1;
	s8 =	simm.s32 @!p0 $0x1BF5;
	p2 =	por !p2, p0  }
0x20: {  	[sflag:s8] =	ssyncset.s32 @!p0 $0xFFFFF086;
	s6 =	sadd.s32 @!p0 s3, s7;
	s7 =	simm.s32 @!p0 $0x108  }
0x21: {  	s3 =	sadd.s32 s3, s9;
	s6 =	sadd.s32 @!p0 $0x88, s6;
	s7 =	simm.s32 @p2 $0x1082  }
0x22: {  	[simem:s7], [sflag:s8] =	dma.local @!p0 [hbm:s6], $0xF7A  }
0x23: {  	s9 =	sor.u32 $0xD0000000, s2;
	s6 =	simm.s32 $0x108;
	_ =	swait.ge @!p0 [sflag:s8], $0x0  }
0x24: {  	s3 =	sadd.s32 $0x88, s3;
	s6 =	simm.s32 @!p1 $0x1082;
	[sflag:s4] =	ssyncset.s32 $0xFFFFF086  }
0x25: {  	[simem:s6], [sflag:s4] =	dma.local [hbm:s3], $0xF7A  }
0x26: {  	[smem:$0x3F9B] =	sst s1;
	(tag) =	ssettag s2;
	_ =	strace s9  }
0x27: {  	s1 =	sld [smem:$0x3FAB]  }
0x28: {  	s2 =	sld [smem:$0x3FAC]  }
0x29: {  	s4 =	sld [smem:$0x3FAE]  }
0x2a: {  	p0 =	seq.s32 s5, $0x0;
	s5 =	sld [smem:$0x3FAF]  }
0x2b: {  	s6 =	sld [smem:$0x3FB0]  }
0x2c: {  	s7 =	sld [smem:$0x3FB1]  }
0x2d: {  	s3 =	simm.s32 $0x108;
	s8 =	sld [smem:$0x3FB2]  }
0x2e: {  	s3 =	simm.s32 @!p0 $0x1082;
	s9 =	sld [smem:$0x3FB3]  }
0x2f: {  	lr =	sadd.s32 s0, s3;
	s0 =	sld [smem:$0x3FAA]  }
0x30: {  	s3 =	sld [smem:$0x3FAD]  }
0x31: {  	[smem:$0x3FB6] =	sst s10  }
0x32: {  	s10 =	sld [smem:$0x3FB4];
	_ =	sdelay $0x3  }
0x33: {  	p0 =	seq.s32 s10, $0x1;
	s10 =	sld [smem:$0x3FB6];
	_ =	sdelay $0x3  }
0x34: {  	[smem:$0x3FB6] =	sst s10  }
0x35: {  	s10 =	sld [smem:$0x3FB5];
	_ =	sdelay $0x3  }
0x36: {  	p1 =	seq.s32 s10, $0x1;
	s10 =	sld [smem:$0x3FB6];
	_ =	sdelay $0x3  }
0x37: {  	[smem:$0x3FB6] =	sst s10  }
0x38: {  	s10 =	sld [smem:$0x3FB7]  }
0x39: {  	_ = 	snop;
	(pc) =	sbr.ind lr, $3  }
0x3a: {  	_ = 	snop  }
0x3b: {  	_ = 	snop  }
0x3c: {  	p2 =	seq.s32 s10, $0x1;
	s10 =	sld [smem:$0x3FB6]  }
0x3d: {  	_ =	shalt  }
0x3e: {  	_ =	shalt  }
0x3f: {  	_ =	shalt  }
0x40: {  	_ =	shalt  }
0x41: {  	_ =	shalt  }
0x42: {  	_ =	shalt  }
0x43: {  	_ =	shalt  }
0x44: {  	_ =	shalt  }
0x45: {  	_ =	shalt  }
0x46: {  	_ =	shalt  }
0x47: {  	_ =	shalt  }
0x48: {  	_ =	shalt  }
0x49: {  	_ =	shalt  }
0x4a: {  	_ =	shalt  }
0x4b: {  	_ =	shalt  }
0x4c: {  	_ =	shalt  }
0x4d: {  	_ =	shalt  }
0x4e: {  	_ =	shalt  }
0x4f: {  	_ =	shalt  }
0x50: {  	_ =	shalt  }
0x51: {  	_ =	shalt  }
0x52: {  	_ =	shalt  }
0x53: {  	_ =	shalt  }
0x54: {  	_ =	shalt  }
0x55: {  	_ =	shalt  }
0x56: {  	_ =	shalt  }
0x57: {  	_ =	shalt  }
0x58: {  	_ =	shalt  }
0x59: {  	_ =	shalt  }
0x5a: {  	_ =	shalt  }
0x5b: {  	_ =	shalt  }
0x5c: {  	_ =	shalt  }
0x5d: {  	_ =	shalt  }
0x5e: {  	_ =	shalt  }
0x5f: {  	_ =	shalt  }
0x60: {  	_ =	shalt  }
0x61: {  	_ =	shalt  }
0x62: {  	_ =	shalt  }
0x63: {  	_ =	shalt  }
0x64: {  	_ =	shalt  }
0x65: {  	_ =	shalt  }
0x66: {  	_ =	shalt  }
0x67: {  	_ =	shalt  }
0x68: {  	_ =	shalt  }
0x69: {  	_ =	shalt  }
0x6a: {  	_ =	shalt  }
0x6b: {  	_ =	shalt  }
0x6c: {  	_ =	shalt  }
0x6d: {  	_ =	shalt  }
0x6e: {  	_ =	shalt  }
0x6f: {  	_ =	shalt  }
0x70: {  	_ =	shalt  }
0x71: {  	_ =	shalt  }
0x72: {  	_ =	shalt  }
0x73: {  	_ =	shalt  }
0x74: {  	_ =	shalt  }
0x75: {  	_ =	shalt  }
0x76: {  	_ =	shalt  }
0x77: {  	_ =	shalt  }
0x78: {  	_ =	shalt  }
0x79: {  	_ =	shalt  }
0x7a: {  	_ =	shalt  }
0x7b: {  	_ =	shalt  }
0x7c: {  	_ =	shalt  }
0x7d: {  	_ =	shalt  }
0x7e: {  	_ =	shalt  }
0x7f: {  	_ =	shalt  }
0x80: {  	_ =	shalt  }
0x81: {  	_ =	shalt  }
0x82: {  	_ =	shalt  }
0x83: {  	_ =	shalt  }
0x84: {  	_ =	shalt  }
0x85: {  	_ =	shalt  }
0x86: {  	_ =	shalt  }
0x87: {  	_ =	shalt  }
.Lfunc_end0:
.L_simem_size_0:
called_computation_lowered:
.L_overlay_start_0:
0x88: {  	s2 =	sld [smem:$0x3FD9]  }
0x89: {  	s3 =	sld [smem:$0x3FFE];
	_ =	sdelay $0x1  }
0x8a: {  	s1 =	srdreg.scid  }
0x8b: {  	s0 =	sand.u32 $0x1, s1  }
0x8c: {  	s17 =	sshll.u32 s0, $0xA;
	s2 =	sadd.s32 s3, s2  }
0x8d: {  	s2 =	sadd.s32 s2, s17  }
0x8e: {  	[smem:$0x3FC2] =	sst s2  }
0x8f: {  	_ = 	snop  }
0x90: {  	s2 =	sld [smem:$0x3FC8]  }
0x91: {  	s18 =	sld [smem:$0x3FC7]  }
0x92: {  	s4 =	sld [smem:$0x3FC6]  }
0x93: {  	s5 =	sld [smem:$0x3FC5];
	(tm) =	ssettm $0x1  }
0x94: {  	s6 =	sld [smem:$0x3FFB];
	_ =	sdelay $0x3  }
0x95: {  	_ =	strace s6  }
0x96: {  	s6 =	sld [smem:$0x3FFC];
	_ =	sdelay $0x3  }
0x97: {  	_ =	strace s6  }
0x98: {  	s6 =	sld [smem:$0x3FFD];
	_ =	sdelay $0x3  }
0x99: {  	_ =	strace s6  }
0x9a: {  	_ =	strace $0x8FFFFFFF  }
0x9b: {  	s19 =	sld [smem:$0x3FDB];
	_ =	sdelay $0x1  }
0x9c: {  	s7 =	simm.s32 $_scs_section_size  }
0x9d: {  	s8 =	simm.s32 $_size__tile_overlayer_lowered;
	s9 =	simm.s32 $_tile_overlayer_lowered  }
0x9e: {  	s22 =	simm.s32 $0x1BFF;
	s21 =	sshll.u32 s9, $0x1;
	s6 =	sadd.s32 s7, s19  }
0x9f: {  	s10 =	simm.s32 $0x0;
	s20 =	sshll.u32 s8, $0x1;
	s8 =	sadd.s32 s21, s6  }
0xa0: {  	[timem:s10], [sflag:s22] =	dma.local [hbm:s8], s20  }
0xa1: {  	_ =	swait.ge [sflag:s22], s20  }
0xa2: {  	s7 =	ssub.s32 $0x0, s20;
	[sflag:s22] =	ssyncset.done $0x0  }
0xa3: {  	[sflag:s22] =	ssyncadd.s32 s7;
	_ =	sdelay $0x1  }
0xa4: {  	s23 =	simm.s32 $0x1B8B  }
0xa5: {  	_ =	swait.ge [sflag:s23], $0x1  }
0xa6: {  	[sflag:s23] =	ssyncset.done $0x0  }
0xa7: {  	s25 =	simm.s32 $0x1B8E;
	s24 =	sld [smem:$0x3FFE];
	[sflag:s23] =	ssyncadd.s32 $0xFFFFFFFF  }
0xa8: {  	s26 =	simm.s32 $execute0_lowered;
	[smem:$0x3FD2] =	sst s25  }
0xa9: {  	s8 =	sshll.u32 s26, $0x1;
	_ =	strace $0x80000046;
	[dreg:$0x1] =	wrdreg $0xFFFFFFFF  }
0xaa: {  	s28 =	simm.s32 $_size_execute0_lowered;
	s6 =	sadd.s32 s6, s8;
	[dreg:$0x0] =	wrdreg $0x0  }
0xab: {  	s8 =	sshll.u32 s28, $0x1;
	[dreg:$0x2] =	wrdreg s6  }
0xac: {  	[dreg:$0x3] =	wrdreg s8  }
0xad: {  	[dreg:$0x4] =	wrdreg $0xC0  }
0xae: {  	_ =	task [dreg:s10], $0x5FFFF  }
0xaf: {  	[dreg:$0x1] =	wrdreg $0xFFFFFFFF  }
0xb0: {  	[dreg:$0x0] =	wrdreg $0x60  }
0xb1: {  	[dreg:$0x2] =	wrdreg s2  }
0xb2: {  	[dreg:$0x3] =	wrdreg s18  }
0xb3: {  	[dreg:$0x4] =	wrdreg s4  }
0xb4: {  	[dreg:$0x5] =	wrdreg s5  }
0xb5: {  	[dreg:$0x6] =	wrdreg s24  }
0xb6: {  	[dreg:$0x7] =	wrdreg $0x50000  }
0xb7: {  	[dreg:$0x8] =	wrdreg $0x9  }
0xb8: {  	_ =	task.clear_ibuf [dreg:s10], $0x9FFFF;
	_ =	strace $0x90000046  }
0xb9: {  	s29 =	simm.s32 $0x9;
	_ =	strace $0x80000048  }
0xba: {  	_ =	swait.ge [sflag:s29], $0x1  }
0xbb: {  	[sflag:s29] =	ssyncadd.s32 $0xFFFFFFFF  }
0xbc: {  	_ =	strace $0x90000048  }
0xbd: {  	_ =	sfence  }
0xbe: {  	s30 =	sld [smem:$0x0];
	_ =	sdelay $0x2  }
0xbf: {  	s31 =	sshll.u32 s1, $0xD;
	s1 =	sshrl.u32 s1, $0x2  }
0xc0: {  	s3 =	sand.u32 $0x4000, s31;
	s1 =	sadd.s32 s1, s30  }
0xc1: {  	s0 =	sor.u32 s3, s0;
	s1 =	sshll.u32 s1, $0x11  }
0xc2: {  	s0 =	sor.u32 s1, s0  }
0xc3: {  	s0 =	sadd.s32 $0x8F2B, s0  }
0xc4: {  	[sflag:s0] =	ssyncadd.remote.s32 $0x1  }
0xc5: {  	_ =	sfence.sel $0xFFFF  }
0xc6: {  	[dreg:$0x0] =	wrdreg $0xFFFFFFFF;
	(pc) =	sbr.abs _section_cstart, $3  }
0xc7: {  	[dreg:$0x1] =	wrdreg $0xFFFFFFFF  }
0xc8: {  	_ =	task.clear_ibuf [dreg:s10], $0x2FFFF;
	_ =	strace $0x9FFFFFFF  }
0xc9: {  	(tm) =	ssettm $0x7FFFFFFF  }
tec
execute0_lowered:
.L_overlay_start_1:
0x0: {  	(tag) =	ssettag $0x1  }
0x1: {  	s2 =	rddreg [dreg:$0x0]  }
0x2: {  	s4 =	rddreg [dreg:$0x1]  }
0x3: {  	s5 =	rddreg [dreg:$0x2]  }
0x4: {  	s6 =	rddreg [dreg:$0x3]  }
0x5: {  	s0 =	rddreg [dreg:$0x4]  }
0x6: {  	s1 =	rddreg [dreg:$0x5]  }
0x7: {  	s3 =	simm.s32 $0x0;
	s22 =	srdreg.scid;
	s28 =	simm.s32 $0x80  }
0x8: {  	s29 =	simm.s32 $0x2E80;
	s30 =	simm.s32 $0x2700;
	s31 =	simm.s32 $0x2F00  }
0x9: {  	[smem:$0x7FF] =	sst s3;
	s7 =	sand.u32 $0x1, s22;
	s8 =	sadd.s32 $0x1200, s0  }
0xa: {  	s3 =	stileid.u32;
	s10 =	sadd.s32 $0x81200, s0;
	_ =	strace $0x80000047  }
0xb: {  	s9 =	ssub.s32 $0x2, s7;
	s11 =	sshll.u32 s3, $0x3;
	s24 =	sshll.u32 s3, $0x8  }
0xc: {  	s26 =	sshll.u32 s3, $0x10;
	s22 =	sshll.u32 s7, $0x1;
	s18 =	sshll.u32 s7, $0x15  }
0xd: {  	s23 =	sshrl.u32 s9, $0x1;
	s0 =	sor.u32 $0x100000, s11;
	s2 =	sadd.s32 s2, s24  }
0xe: {  	s25 =	sadd.s32 s4, s24;
	s5 =	sadd.s32 s5, s24;
	[dreg:$0x7] =	wrdreg s2  }
0xf: {  	s11 =	sadd.s32 s6, s24;
	s12 =	sadd.s32 s26, s1;
	[dreg:$0x8] =	wrdreg s25  }
0x10: {  	s4 =	sor.u32 s26, s18;
	s6 =	simm.s32 $0x2100;
	[dreg:$0x9] =	wrdreg s5  }
0x11: {  	s18 =	simm.s32 $0x2B00;
	v1 =	vmov s22;
	s22 =	simm.s32 $0x2F80;
	[dreg:$0xa] =	wrdreg s11  }
0x12: {  	s9 =	ssub.s32 s9, s23;
	s13 =	sadd.s32 $0x2000, s12;
	[dreg:$0xb] =	wrdreg s12  }
0x13: {  	s14 =	sadd.s32 $0x4000, s12;
	s15 =	sadd.s32 $0x6000, s12;
	[dreg:$0xc] =	wrdreg s13  }
0x14: {  	s16 =	sadd.s32 $0x8000, s12;
	s23 =	sshllo.u32 s7, $0x1;
	[dreg:$0xd] =	wrdreg s14  }
0x15: {  	s17 =	sadd.s32 $0xA000, s12;
	s20 =	sadd.s32 $0xC000, s12;
	[dreg:$0xe] =	wrdreg s15  }
0x16: {  	s21 =	sadd.s32 $0xE000, s12;
	s4 =	sshrl.u32 s4, $0x3;
	[dreg:$0xf] =	wrdreg s16  }
0x17: {  	v0 =	vlaneseq.u32;
	s11 =	simm.s32 $0x2C80;
	s12 =	simm.s32 $0x2500;
	[dreg:$0x10] =	wrdreg s17  }
0x18: {  	v0 =	vadd.s32 s0, v0;
	s0 =	simm.s32 $0x2780;
	s5 =	simm.s32 $0x0;
	[dreg:$0x11] =	wrdreg s20  }
0x19: {  	s19 =	sshll.u32 s23, $0x14;
	[dreg:$0x12] =	wrdreg s21;
	s24 =	sadd.s32 s8, s4  }
0x1a: {  	s4 =	sadd.s32 s10, s4;
	s16 =	simm.s32 $0x2A80;
	s17 =	simm.s32 $0x2300  }
0x1b: {  	s20 =	simm.s32 $0x2B80;
	s13 =	simm.s32 $0x2D00;
	s14 =	simm.s32 $0x2580  }
0x1c: {  	s15 =	simm.s32 $0x2D80;
	s21 =	simm.s32 $0x2E00;
	[dreg:$0x13] =	wrdreg s24  }
0x1d: {  	s2 =	sor.u32 s26, s19;
	[dreg:$0x15] =	wrdreg s4;
	s26 =	smax.u32 s9, $0x1  }
.Ltmp0:
0x1e: {  	s24 =	simm.s32 $0x2;
	s19 =	simm.s32 $0x2380;
	(pc) =	sbr.rel .LBB2_1-.Ltmp0, $4  }
0x1f: {  	s9 =	simm.s32 $0x2C00;
	s2 =	sshrl.u32 s2, $0x3;
	[dreg:$0x17] =	wrdreg s26  }
0x20: {  	s26 =	simm.s32 $0x1;
	s25 =	sadd.s32 s8, s2;
	s2 =	sadd.s32 s10, s2  }
0x21: {  	s10 =	simm.s32 $0x2480;
	s8 =	simm.s32 $0x2600;
	[dreg:$0x14] =	wrdreg s25  }
0x22: {  	v3 =	vimm.f32 $0.0e+00;
	v2 =	vmov s23;
	[dreg:$0x16] =	wrdreg s2;
	s2 =	simm.s32 $0x2400;
	s25 =	simm.s32 $0x2680  }
.LBB2_27:
0x23: {  	s4 =	rddreg [dreg:$0x16]  }
0x24: {  	s5 =	rddreg [dreg:$0x19]  }
0x25: {  	s7 =	rddreg [dreg:$0x1a]  }
0x26: {  	[hbm:s4], [sflag:s5] =	dma.local [spmem:s7], $0x2000  }
0x27: {  	_ =	swait.ge [sflag:s24], $0x2000  }
0x28: {  	s7 =	rddreg [dreg:$0x18]  }
0x29: {  	s23 =	rddreg [dreg:$0x17];
	s5 =	sadd.s32 $0x1, s7  }
0x2a: {  	p0 =	sne.s32 s5, s23  }
.Ltmp1:
0x2b: {  	_ = 	snop;
	(pc) =	sbr.rel @!p0 .LBB2_28-.Ltmp1, $3  }
0x2c: {  	[sflag:s24] =	ssyncset.done $0x0  }
0x2d: {  	[sflag:s24] =	ssyncadd.s32 $0xFFFFE000  }
0x2e: {  	[bflag:$0x0] =	sbarrier.arrive $0xFFFF;
	_ =	sdelay $0x1  }
.LBB2_1:
0x2f: {  	[dreg:$0x18] =	wrdreg s5  }
0x30: {  	s4 =	simm.s32 $0x0;
	s23 =	rddreg [dreg:$0x7]  }
0x31: {  	[tilespmem:s4], [sflag:$0x2] =	stream.linear.gather [hbm4b:s23+s4], $0x800, $0x38;
	[tilespmem:$0x15008] =	vst v63  }
0x32: {  	_ =	swait.ge [sflag:s24], $0x800  }
0x33: {  	[sflag:s24] =	ssyncset.done $0x0  }
0x34: {  	s7 =	simm.s32 $0x800;
	s5 =	rddreg [dreg:$0x8];
	[sflag:s24] =	ssyncadd.s32 $0xFFFFF800  }
0x35: {  	[tilespmem:s7], [sflag:$0x2] =	stream.linear.gather [hbm4b:s5+s4], $0x800, $0x38;
	[tilespmem:$0x15008] =	vst v63  }
0x36: {  	_ =	swait.ge [sflag:s24], $0x800  }
0x37: {  	[sflag:s24] =	ssyncset.done $0x0  }
0x38: {  	s7 =	simm.s32 $0x1000;
	s5 =	rddreg [dreg:$0x9];
	[sflag:s24] =	ssyncadd.s32 $0xFFFFF800  }
0x39: {  	[tilespmem:s7], [sflag:$0x2] =	stream.linear.gather [hbm4b:s5+s4], $0x800, $0x38;
	[tilespmem:$0x15008] =	vst v63  }
0x3a: {  	_ =	swait.ge [sflag:s24], $0x800  }
0x3b: {  	[sflag:s24] =	ssyncset.done $0x0  }
0x3c: {  	s7 =	simm.s32 $0x1800;
	s5 =	rddreg [dreg:$0xa];
	[sflag:s24] =	ssyncadd.s32 $0xFFFFF800  }
0x3d: {  	[tilespmem:s7], [sflag:$0x2] =	stream.linear.gather [hbm4b:s5+s4], $0x800, $0x38;
	[tilespmem:$0x15008] =	vst v63  }
0x3e: {  	_ =	swait.ge [sflag:s24], $0x800  }
0x3f: {  	[sflag:s24] =	ssyncset.done $0x0  }
0x40: {  	s23 =	simm.s32 $0x40;
	[sflag:s24] =	ssyncadd.s32 $0xFFFFF800;
	s24 =	simm.s32 $0x0  }
.LBB2_2:
0x41: {  	p0 =	sne.s32 s23, $0x7FC0;
	[tilespmem:s24+$0x3000] =	vst v3;
	s24 =	smov.u32 s23;
	s23 =	sadd.s32 $0x40, s23  }
.Ltmp2:
0x42: {  	(pc) =	sbr.rel @p0 .LBB2_2-.Ltmp2, $2  }
0x43: {  	_ =	sdelay $0x2  }
0x44: {  	s24 =	sshra.s32 s24, $0x2  }
0x45: {  	[tilespmem:s24+$0x3000] =	vst v3;
	s4 =	rddreg [dreg:$0xb];
	s5 =	simm.s32 $0x3000  }
0x46: {  	[spmem:s4] =	stream.linear.scatter [tilespmem:s5], [sflag:$0x1], $0x2000, $0x38;
	[tilespmem:$0x15008] =	vst v63  }
0x47: {  	s24 =	rddreg [dreg:$0xc]  }
0x48: {  	[spmem:s24] =	stream.linear.scatter [tilespmem:s5], [sflag:$0x1], $0x2000, $0x38;
	[tilespmem:$0x15008] =	vst v63  }
0x49: {  	s7 =	rddreg [dreg:$0xd]  }
0x4a: {  	[spmem:s7] =	stream.linear.scatter [tilespmem:s5], [sflag:$0x1], $0x2000, $0x38;
	[tilespmem:$0x15008] =	vst v63  }
0x4b: {  	s23 =	rddreg [dreg:$0xe]  }
0x4c: {  	[spmem:s23] =	stream.linear.scatter [tilespmem:s5], [sflag:$0x1], $0x2000, $0x38;
	[tilespmem:$0x15008] =	vst v63  }
0x4d: {  	s24 =	rddreg [dreg:$0xf]  }
0x4e: {  	[spmem:s24] =	stream.linear.scatter [tilespmem:s5], [sflag:$0x1], $0x2000, $0x38;
	[tilespmem:$0x15008] =	vst v63  }
0x4f: {  	s7 =	rddreg [dreg:$0x10]  }
0x50: {  	[spmem:s7] =	stream.linear.scatter [tilespmem:s5], [sflag:$0x1], $0x2000, $0x38;
	[tilespmem:$0x15008] =	vst v63  }
0x51: {  	s23 =	rddreg [dreg:$0x11]  }
0x52: {  	[spmem:s23] =	stream.linear.scatter [tilespmem:s5], [sflag:$0x1], $0x2000, $0x38;
	[tilespmem:$0x15008] =	vst v63  }
0x53: {  	s24 =	rddreg [dreg:$0x12]  }
0x54: {  	[spmem:s24] =	stream.linear.scatter [tilespmem:s5], [sflag:$0x1], $0x2000, $0x38;
	[tilespmem:$0x15008] =	vst v63  }
0x55: {  	_ =	swait.ge [sflag:s26], $0x2000  }
0x56: {  	[sflag:s26] =	ssyncset.done $0x0  }
0x57: {  	[sflag:s26] =	ssyncadd.s32 $0xFFFFE000  }
0x58: {  	_ =	swait.ge [sflag:s26], $0x2000  }
0x59: {  	[sflag:s26] =	ssyncset.done $0x0  }
0x5a: {  	[sflag:s26] =	ssyncadd.s32 $0xFFFFE000  }
0x5b: {  	_ =	swait.ge [sflag:s26], $0x2000  }
0x5c: {  	[sflag:s26] =	ssyncset.done $0x0  }
0x5d: {  	[sflag:s26] =	ssyncadd.s32 $0xFFFFE000  }
0x5e: {  	_ =	swait.ge [sflag:s26], $0x2000  }
0x5f: {  	[sflag:s26] =	ssyncset.done $0x0  }
0x60: {  	[sflag:s26] =	ssyncadd.s32 $0xFFFFE000  }
0x61: {  	_ =	swait.ge [sflag:s26], $0x2000  }
0x62: {  	[sflag:s26] =	ssyncset.done $0x0  }
0x63: {  	[sflag:s26] =	ssyncadd.s32 $0xFFFFE000  }
0x64: {  	_ =	swait.ge [sflag:s26], $0x2000  }
0x65: {  	[sflag:s26] =	ssyncset.done $0x0  }
0x66: {  	[sflag:s26] =	ssyncadd.s32 $0xFFFFE000  }
0x67: {  	_ =	swait.ge [sflag:s26], $0x2000  }
0x68: {  	[sflag:s26] =	ssyncset.done $0x0  }
0x69: {  	[sflag:s26] =	ssyncadd.s32 $0xFFFFE000  }
0x6a: {  	_ =	swait.ge [sflag:s26], $0x2000  }
0x6b: {  	[sflag:s26] =	ssyncset.done $0x0  }
0x6c: {  	s23 =	simm.s32 $0x0;
	[sflag:s26] =	ssyncadd.s32 $0xFFFFE000  }
0x6d: {  	v5 =	vld [tilespmem:s23+$0x0]  }
0x6e: {  	v4 =	vld [tilespmem:s23+$0x1000]  }
0x6f: {  	v6 =	vld [tilespmem:s23+$0x800];
	_ =	sdelay $0x1  }
0x70: {  	s24 =	simm.s32 $0x40  }
.LBB2_4:
0x71: {  	s4 =	sshra.s32 s24, $0x2;
	p0 =	sne.s32 s24, $0x1FC0;
	s24 =	sadd.s32 $0x40, s24;
	v7 =	vshll.u32 v5, $0xB  }
.Ltmp3:
0x72: {  	v8 =	vshrl.u32 v5, $0x9;
	v5 =	vld [tilespmem:s4+$0x0];
	v7 =	vand.u32 $0xFF800, v7;
	v9 =	vmov v4;
	(pc) =	sbr.rel @p0 .LBB2_4-.Ltmp3, $4  }
0x73: {  	vm0 =	veq.s32 v8, v1;
	v4 =	vld [tilespmem:s4+$0x1000];
	v7 =	vadd.s32 v6, v7  }
0x74: {  	v8 =	vnsel vm0, $0x0, v9;
	v6 =	vld [tilespmem:s4+$0x800];
	v7 =	vsel vm0, v7, v0  }
0x75: {  	[tilespmem:s23+$0x2000] =	vst v7  }
0x76: {  	[tilespmem:s23+$0x2800] =	vst v8;
	s23 =	smov.u32 s4  }
0x77: {  	v7 =	vshll.u32 v5, $0xB;
	v5 =	vshrl.u32 v5, $0x9  }
0x78: {  	v7 =	vand.u32 $0xFF800, v7;
	vm0 =	veq.s32 v5, v1  }
.Ltmp4:
0x79: {  	v5 =	vadd.s32 v6, v7;
	v4 =	vnsel vm0, $0x0, v4;
	(pc) =	sbr.rel .LBB2_6-.Ltmp4, $4  }
0x7a: {  	v5 =	vsel vm0, v5, v0;
	[tilespmem:s23+$0x2800] =	vst v4  }
0x7b: {  	[tilespmem:s23+$0x2000] =	vst v5  }
0x7c: {  	[bflag:$0x0] =	sbarrier.arrive $0xFFFF  }
0x7d: {  	s4 =	simm.s32 $0x2000;
	s23 =	simm.s32 $0x0  }
.LBB2_8:
0x7e: {  	s23 =	sadd.s32 $0x1, s23  }
0x7f: {  	p0 =	sne.s32 s23, $0x10  }
.Ltmp5:
0x80: {  	_ = 	snop;
	(pc) =	sbr.rel @!p0 .LBB2_9-.Ltmp5, $2  }
0x81: {  	_ =	sdelay $0x1  }
0x82: {  	[bflag:$0x0] =	sbarrier.arrive $0xFFFF;
	_ =	sdelay $0x1  }
.LBB2_6:
0x83: {  	p0 =	sne.s32 s3, s23  }
.Ltmp6:
0x84: {  	_ = 	snop;
	(pc) =	sbr.rel @p0 .LBB2_8-.Ltmp6, $1  }
0x85: {  	_ =	sdelay $0x3  }
0x86: {  	s24 =	simm.s32 $0x2800  }
0x87: {  	[spmem:s1] =	stream.indirect.scatter.add.f32 [tilespmem:s24], [sflag:$0x1], $0x1, s4, s28, $0xb8;
	[tilespmem:$0x15008] =	vst v63  }
0x88: {  	s7 =	simm.s32 $0x2080;
	s5 =	simm.s32 $0x2880  }
0x89: {  	[spmem:s1] =	stream.indirect.scatter.add.f32 [tilespmem:s5], [sflag:$0x1], $0x1, s7, s28, $0xb8;
	[tilespmem:$0x15008] =	vst v63  }
0x8a: {  	s7 =	simm.s32 $0x2900  }
0x8b: {  	[spmem:s1] =	stream.indirect.scatter.add.f32 [tilespmem:s7], [sflag:$0x1], $0x1, s6, s28, $0xb8;
	[tilespmem:$0x15008] =	vst v63  }
0x8c: {  	s24 =	simm.s32 $0x2180;
	s7 =	simm.s32 $0x2980  }
0x8d: {  	[spmem:s1] =	stream.indirect.scatter.add.f32 [tilespmem:s7], [sflag:$0x1], $0x1, s24, s28, $0xb8;
	[tilespmem:$0x15008] =	vst v63  }
0x8e: {  	s7 =	simm.s32 $0x2200;
	s24 =	simm.s32 $0x2A00  }
0x8f: {  	[spmem:s1] =	stream.indirect.scatter.add.f32 [tilespmem:s24], [sflag:$0x1], $0x1, s7, s28, $0xb8;
	[tilespmem:$0x15008] =	vst v63  }
0x90: {  	s24 =	simm.s32 $0x2280  }
0x91: {  	[spmem:s1] =	stream.indirect.scatter.add.f32 [tilespmem:s16], [sflag:$0x1], $0x1, s24, s28, $0xb8;
	[tilespmem:$0x15008] =	vst v63  }
0x92: {  	_ = 	snop  }
0x93: {  	[spmem:s1] =	stream.indirect.scatter.add.f32 [tilespmem:s18], [sflag:$0x1], $0x1, s17, s28, $0xb8;
	[tilespmem:$0x15008] =	vst v63  }
0x94: {  	_ = 	snop  }
0x95: {  	[spmem:s1] =	stream.indirect.scatter.add.f32 [tilespmem:s20], [sflag:$0x1], $0x1, s19, s28, $0xb8;
	[tilespmem:$0x15008] =	vst v63  }
0x96: {  	_ = 	snop  }
0x97: {  	[spmem:s1] =	stream.indirect.scatter.add.f32 [tilespmem:s9], [sflag:$0x1], $0x1, s2, s28, $0xb8;
	[tilespmem:$0x15008] =	vst v63  }
0x98: {  	_ =	swait.ge [sflag:s26], $0x80  }
0x99: {  	[sflag:s26] =	ssyncset.done $0x0  }
0x9a: {  	[sflag:s26] =	ssyncadd.s32 $0xFFFFFF80  }
0x9b: {  	[spmem:s1] =	stream.indirect.scatter.add.f32 [tilespmem:s11], [sflag:$0x1], $0x1, s10, s28, $0xb8;
	[tilespmem:$0x15008] =	vst v63  }
0x9c: {  	_ =	swait.ge [sflag:s26], $0x80  }
0x9d: {  	[sflag:s26] =	ssyncset.done $0x0  }
0x9e: {  	[sflag:s26] =	ssyncadd.s32 $0xFFFFFF80  }
0x9f: {  	[spmem:s1] =	stream.indirect.scatter.add.f32 [tilespmem:s13], [sflag:$0x1], $0x1, s12, s28, $0xb8;
	[tilespmem:$0x15008] =	vst v63  }
0xa0: {  	_ =	swait.ge [sflag:s26], $0x80  }
0xa1: {  	[sflag:s26] =	ssyncset.done $0x0  }
0xa2: {  	[sflag:s26] =	ssyncadd.s32 $0xFFFFFF80  }
0xa3: {  	[spmem:s1] =	stream.indirect.scatter.add.f32 [tilespmem:s15], [sflag:$0x1], $0x1, s14, s28, $0xb8;
	[tilespmem:$0x15008] =	vst v63  }
0xa4: {  	_ =	swait.ge [sflag:s26], $0x80  }
0xa5: {  	[sflag:s26] =	ssyncset.done $0x0  }
0xa6: {  	[sflag:s26] =	ssyncadd.s32 $0xFFFFFF80  }
0xa7: {  	[spmem:s1] =	stream.indirect.scatter.add.f32 [tilespmem:s21], [sflag:$0x1], $0x1, s8, s28, $0xb8;
	[tilespmem:$0x15008] =	vst v63  }
0xa8: {  	_ =	swait.ge [sflag:s26], $0x80  }
0xa9: {  	[sflag:s26] =	ssyncset.done $0x0  }
0xaa: {  	[sflag:s26] =	ssyncadd.s32 $0xFFFFFF80  }
0xab: {  	[spmem:s1] =	stream.indirect.scatter.add.f32 [tilespmem:s29], [sflag:$0x1], $0x1, s25, s28, $0xb8;
	[tilespmem:$0x15008] =	vst v63  }
0xac: {  	_ =	swait.ge [sflag:s26], $0x80  }
0xad: {  	[sflag:s26] =	ssyncset.done $0x0  }
0xae: {  	[sflag:s26] =	ssyncadd.s32 $0xFFFFFF80  }
0xaf: {  	[spmem:s1] =	stream.indirect.scatter.add.f32 [tilespmem:s31], [sflag:$0x1], $0x1, s30, s28, $0xb8;
	[tilespmem:$0x15008] =	vst v63  }
0xb0: {  	_ =	swait.ge [sflag:s26], $0x80  }
0xb1: {  	[sflag:s26] =	ssyncset.done $0x0  }
0xb2: {  	[sflag:s26] =	ssyncadd.s32 $0xFFFFFF80  }
0xb3: {  	[spmem:s1] =	stream.indirect.scatter.add.f32 [tilespmem:s22], [sflag:$0x1], $0x1, s0, s28, $0xb8;
	[tilespmem:$0x15008] =	vst v63  }
0xb4: {  	_ =	swait.ge [sflag:s26], $0x80  }
0xb5: {  	[sflag:s26] =	ssyncset.done $0x0  }
0xb6: {  	[sflag:s26] =	ssyncadd.s32 $0xFFFFFF80  }
0xb7: {  	_ =	swait.ge [sflag:s26], $0x80  }
0xb8: {  	[sflag:s26] =	ssyncset.done $0x0  }
0xb9: {  	[sflag:s26] =	ssyncadd.s32 $0xFFFFFF80  }
0xba: {  	_ =	swait.ge [sflag:s26], $0x80  }
0xbb: {  	[sflag:s26] =	ssyncset.done $0x0  }
0xbc: {  	[sflag:s26] =	ssyncadd.s32 $0xFFFFFF80  }
0xbd: {  	_ =	swait.ge [sflag:s26], $0x80  }
0xbe: {  	[sflag:s26] =	ssyncset.done $0x0  }
0xbf: {  	[sflag:s26] =	ssyncadd.s32 $0xFFFFFF80  }
0xc0: {  	_ =	swait.ge [sflag:s26], $0x80  }
0xc1: {  	[sflag:s26] =	ssyncset.done $0x0  }
0xc2: {  	[sflag:s26] =	ssyncadd.s32 $0xFFFFFF80  }
0xc3: {  	_ =	swait.ge [sflag:s26], $0x80  }
0xc4: {  	[sflag:s26] =	ssyncset.done $0x0  }
0xc5: {  	[sflag:s26] =	ssyncadd.s32 $0xFFFFFF80  }
0xc6: {  	_ =	swait.ge [sflag:s26], $0x80  }
0xc7: {  	[sflag:s26] =	ssyncset.done $0x0  }
0xc8: {  	[sflag:s26] =	ssyncadd.s32 $0xFFFFFF80  }
0xc9: {  	_ =	swait.ge [sflag:s26], $0x80  }
.Ltmp7:
0xca: {  	[sflag:s26] =	ssyncset.done $0x0;
	(pc) =	sbr.rel .LBB2_8-.Ltmp7, $4  }
0xcb: {  	[sflag:s26] =	ssyncadd.s32 $0xFFFFFF80  }
0xcc: {  	_ =	swait.ge [sflag:s26], $0x80  }
0xcd: {  	[sflag:s26] =	ssyncset.done $0x0  }
0xce: {  	[sflag:s26] =	ssyncadd.s32 $0xFFFFFF80  }
.LBB2_9:
0xcf: {  	s4 =	sshll.u32 s3, $0x6;
	s24 =	rddreg [dreg:$0xb]  }
0xd0: {  	s23 =	rddreg [dreg:$0x13];
	s5 =	sor.u32 $0x1C02, s4  }
0xd1: {  	s7 =	sshrl.u32 s24, $0x3;
	[dreg:$0x19] =	wrdreg s5  }
0xd2: {  	[dreg:$0x1a] =	wrdreg s7  }
0xd3: {  	[hbm:s23], [sflag:s5] =	dma.local [spmem:s7], $0x2000  }
0xd4: {  	s23 =	simm.s32 $0x2  }
0xd5: {  	_ =	swait.ge [sflag:s23], $0x2000  }
0xd6: {  	[sflag:s23] =	ssyncset.done $0x0  }
0xd7: {  	[sflag:s23] =	ssyncadd.s32 $0xFFFFE000  }
0xd8: {  	s5 =	simm.s32 $0x3000;
	[bflag:$0x0] =	sbarrier.arrive $0xFFFF  }
0xd9: {  	[spmem:s24] =	stream.linear.scatter [tilespmem:s5], [sflag:$0x1], $0x2000, $0x38;
	[tilespmem:$0x15008] =	vst v63  }
0xda: {  	s24 =	rddreg [dreg:$0xc]  }
0xdb: {  	[spmem:s24] =	stream.linear.scatter [tilespmem:s5], [sflag:$0x1], $0x2000, $0x38;
	[tilespmem:$0x15008] =	vst v63  }
0xdc: {  	s7 =	rddreg [dreg:$0xd]  }
0xdd: {  	[spmem:s7] =	stream.linear.scatter [tilespmem:s5], [sflag:$0x1], $0x2000, $0x38;
	[tilespmem:$0x15008] =	vst v63  }
0xde: {  	s23 =	rddreg [dreg:$0xe]  }
0xdf: {  	[spmem:s23] =	stream.linear.scatter [tilespmem:s5], [sflag:$0x1], $0x2000, $0x38;
	[tilespmem:$0x15008] =	vst v63  }
0xe0: {  	s24 =	rddreg [dreg:$0xf]  }
0xe1: {  	[spmem:s24] =	stream.linear.scatter [tilespmem:s5], [sflag:$0x1], $0x2000, $0x38;
	[tilespmem:$0x15008] =	vst v63  }
0xe2: {  	s7 =	rddreg [dreg:$0x10]  }
0xe3: {  	[spmem:s7] =	stream.linear.scatter [tilespmem:s5], [sflag:$0x1], $0x2000, $0x38;
	[tilespmem:$0x15008] =	vst v63  }
0xe4: {  	s23 =	rddreg [dreg:$0x11]  }
0xe5: {  	[spmem:s23] =	stream.linear.scatter [tilespmem:s5], [sflag:$0x1], $0x2000, $0x38;
	[tilespmem:$0x15008] =	vst v63  }
0xe6: {  	s24 =	rddreg [dreg:$0x12]  }
0xe7: {  	[spmem:s24] =	stream.linear.scatter [tilespmem:s5], [sflag:$0x1], $0x2000, $0x38;
	[tilespmem:$0x15008] =	vst v63  }
0xe8: {  	_ =	swait.ge [sflag:s26], $0x2000  }
0xe9: {  	[sflag:s26] =	ssyncset.done $0x0  }
0xea: {  	[sflag:s26] =	ssyncadd.s32 $0xFFFFE000  }
0xeb: {  	_ =	swait.ge [sflag:s26], $0x2000  }
0xec: {  	[sflag:s26] =	ssyncset.done $0x0  }
0xed: {  	[sflag:s26] =	ssyncadd.s32 $0xFFFFE000  }
0xee: {  	_ =	swait.ge [sflag:s26], $0x2000  }
0xef: {  	[sflag:s26] =	ssyncset.done $0x0  }
0xf0: {  	[sflag:s26] =	ssyncadd.s32 $0xFFFFE000  }
0xf1: {  	_ =	swait.ge [sflag:s26], $0x2000  }
0xf2: {  	[sflag:s26] =	ssyncset.done $0x0  }
0xf3: {  	[sflag:s26] =	ssyncadd.s32 $0xFFFFE000  }
0xf4: {  	_ =	swait.ge [sflag:s26], $0x2000  }
0xf5: {  	[sflag:s26] =	ssyncset.done $0x0  }
0xf6: {  	[sflag:s26] =	ssyncadd.s32 $0xFFFFE000  }
0xf7: {  	_ =	swait.ge [sflag:s26], $0x2000  }
0xf8: {  	[sflag:s26] =	ssyncset.done $0x0  }
0xf9: {  	[sflag:s26] =	ssyncadd.s32 $0xFFFFE000  }
0xfa: {  	_ =	swait.ge [sflag:s26], $0x2000  }
0xfb: {  	[sflag:s26] =	ssyncset.done $0x0  }
0xfc: {  	[sflag:s26] =	ssyncadd.s32 $0xFFFFE000  }
0xfd: {  	_ =	swait.ge [sflag:s26], $0x2000  }
0xfe: {  	[sflag:s26] =	ssyncset.done $0x0  }
0xff: {  	s23 =	simm.s32 $0x0;
	[sflag:s26] =	ssyncadd.s32 $0xFFFFE000  }
0x100: {  	v5 =	vld [tilespmem:s23+$0x0]  }
0x101: {  	v4 =	vld [tilespmem:s23+$0x1000]  }
0x102: {  	v6 =	vld [tilespmem:s23+$0x800];
	_ =	sdelay $0x1  }
0x103: {  	s24 =	simm.s32 $0x40  }
.LBB2_10:
0x104: {  	s4 =	sshra.s32 s24, $0x2;
	p0 =	sne.s32 s24, $0x1FC0;
	s24 =	sadd.s32 $0x40, s24;
	v7 =	vshll.u32 v5, $0xB  }
.Ltmp8:
0x105: {  	v8 =	vshrl.u32 v5, $0x9;
	v5 =	vld [tilespmem:s4+$0x0];
	v7 =	vand.u32 $0xFF800, v7;
	v9 =	vmov v4;
	(pc) =	sbr.rel @p0 .LBB2_10-.Ltmp8, $4  }
0x106: {  	vm0 =	veq.s32 v8, v2;
	v4 =	vld [tilespmem:s4+$0x1000];
	v7 =	vadd.s32 v6, v7  }
0x107: {  	v8 =	vnsel vm0, $0x0, v9;
	v6 =	vld [tilespmem:s4+$0x800];
	v7 =	vsel vm0, v7, v0  }
0x108: {  	[tilespmem:s23+$0x2000] =	vst v7  }
0x109: {  	[tilespmem:s23+$0x2800] =	vst v8;
	s23 =	smov.u32 s4  }
0x10a: {  	v7 =	vshll.u32 v5, $0xB;
	v5 =	vshrl.u32 v5, $0x9  }
0x10b: {  	v7 =	vand.u32 $0xFF800, v7;
	vm0 =	veq.s32 v5, v2  }
.Ltmp9:
0x10c: {  	v5 =	vadd.s32 v6, v7;
	v4 =	vnsel vm0, $0x0, v4;
	(pc) =	sbr.rel .LBB2_12-.Ltmp9, $4  }
0x10d: {  	v5 =	vsel vm0, v5, v0;
	[tilespmem:s23+$0x2800] =	vst v4  }
0x10e: {  	[tilespmem:s23+$0x2000] =	vst v5  }
0x10f: {  	[bflag:$0x0] =	sbarrier.arrive $0xFFFF  }
0x110: {  	s4 =	simm.s32 $0x2000;
	s23 =	simm.s32 $0x0  }
.LBB2_14:
0x111: {  	s23 =	sadd.s32 $0x1, s23  }
0x112: {  	p0 =	sne.s32 s23, $0x10  }
.Ltmp10:
0x113: {  	_ = 	snop;
	(pc) =	sbr.rel @!p0 .LBB2_15-.Ltmp10, $2  }
0x114: {  	_ =	sdelay $0x1  }
0x115: {  	[bflag:$0x0] =	sbarrier.arrive $0xFFFF;
	_ =	sdelay $0x1  }
.LBB2_12:
0x116: {  	p0 =	sne.s32 s3, s23  }
.Ltmp11:
0x117: {  	_ = 	snop;
	(pc) =	sbr.rel @p0 .LBB2_14-.Ltmp11, $1  }
0x118: {  	_ =	sdelay $0x3  }
0x119: {  	s24 =	simm.s32 $0x2800  }
0x11a: {  	[spmem:s1] =	stream.indirect.scatter.add.f32 [tilespmem:s24], [sflag:$0x1], $0x1, s4, s28, $0xb8;
	[tilespmem:$0x15008] =	vst v63  }
0x11b: {  	s7 =	simm.s32 $0x2080;
	s5 =	simm.s32 $0x2880  }
0x11c: {  	[spmem:s1] =	stream.indirect.scatter.add.f32 [tilespmem:s5], [sflag:$0x1], $0x1, s7, s28, $0xb8;
	[tilespmem:$0x15008] =	vst v63  }
0x11d: {  	s7 =	simm.s32 $0x2900  }
0x11e: {  	[spmem:s1] =	stream.indirect.scatter.add.f32 [tilespmem:s7], [sflag:$0x1], $0x1, s6, s28, $0xb8;
	[tilespmem:$0x15008] =	vst v63  }
0x11f: {  	s24 =	simm.s32 $0x2180;
	s7 =	simm.s32 $0x2980  }
0x120: {  	[spmem:s1] =	stream.indirect.scatter.add.f32 [tilespmem:s7], [sflag:$0x1], $0x1, s24, s28, $0xb8;
	[tilespmem:$0x15008] =	vst v63  }
0x121: {  	s7 =	simm.s32 $0x2200;
	s24 =	simm.s32 $0x2A00  }
0x122: {  	[spmem:s1] =	stream.indirect.scatter.add.f32 [tilespmem:s24], [sflag:$0x1], $0x1, s7, s28, $0xb8;
	[tilespmem:$0x15008] =	vst v63  }
0x123: {  	s24 =	simm.s32 $0x2280  }
0x124: {  	[spmem:s1] =	stream.indirect.scatter.add.f32 [tilespmem:s16], [sflag:$0x1], $0x1, s24, s28, $0xb8;
	[tilespmem:$0x15008] =	vst v63  }
0x125: {  	_ = 	snop  }
0x126: {  	[spmem:s1] =	stream.indirect.scatter.add.f32 [tilespmem:s18], [sflag:$0x1], $0x1, s17, s28, $0xb8;
	[tilespmem:$0x15008] =	vst v63  }
0x127: {  	_ = 	snop  }
0x128: {  	[spmem:s1] =	stream.indirect.scatter.add.f32 [tilespmem:s20], [sflag:$0x1], $0x1, s19, s28, $0xb8;
	[tilespmem:$0x15008] =	vst v63  }
0x129: {  	_ = 	snop  }
0x12a: {  	[spmem:s1] =	stream.indirect.scatter.add.f32 [tilespmem:s9], [sflag:$0x1], $0x1, s2, s28, $0xb8;
	[tilespmem:$0x15008] =	vst v63  }
0x12b: {  	_ =	swait.ge [sflag:s26], $0x80  }
0x12c: {  	[sflag:s26] =	ssyncset.done $0x0  }
0x12d: {  	[sflag:s26] =	ssyncadd.s32 $0xFFFFFF80  }
0x12e: {  	[spmem:s1] =	stream.indirect.scatter.add.f32 [tilespmem:s11], [sflag:$0x1], $0x1, s10, s28, $0xb8;
	[tilespmem:$0x15008] =	vst v63  }
0x12f: {  	_ =	swait.ge [sflag:s26], $0x80  }
0x130: {  	[sflag:s26] =	ssyncset.done $0x0  }
0x131: {  	[sflag:s26] =	ssyncadd.s32 $0xFFFFFF80  }
0x132: {  	[spmem:s1] =	stream.indirect.scatter.add.f32 [tilespmem:s13], [sflag:$0x1], $0x1, s12, s28, $0xb8;
	[tilespmem:$0x15008] =	vst v63  }
0x133: {  	_ =	swait.ge [sflag:s26], $0x80  }
0x134: {  	[sflag:s26] =	ssyncset.done $0x0  }
0x135: {  	[sflag:s26] =	ssyncadd.s32 $0xFFFFFF80  }
0x136: {  	[spmem:s1] =	stream.indirect.scatter.add.f32 [tilespmem:s15], [sflag:$0x1], $0x1, s14, s28, $0xb8;
	[tilespmem:$0x15008] =	vst v63  }
0x137: {  	_ =	swait.ge [sflag:s26], $0x80  }
0x138: {  	[sflag:s26] =	ssyncset.done $0x0  }
0x139: {  	[sflag:s26] =	ssyncadd.s32 $0xFFFFFF80  }
0x13a: {  	[spmem:s1] =	stream.indirect.scatter.add.f32 [tilespmem:s21], [sflag:$0x1], $0x1, s8, s28, $0xb8;
	[tilespmem:$0x15008] =	vst v63  }
0x13b: {  	_ =	swait.ge [sflag:s26], $0x80  }
0x13c: {  	[sflag:s26] =	ssyncset.done $0x0  }
0x13d: {  	[sflag:s26] =	ssyncadd.s32 $0xFFFFFF80  }
0x13e: {  	[spmem:s1] =	stream.indirect.scatter.add.f32 [tilespmem:s29], [sflag:$0x1], $0x1, s25, s28, $0xb8;
	[tilespmem:$0x15008] =	vst v63  }
0x13f: {  	_ =	swait.ge [sflag:s26], $0x80  }
0x140: {  	[sflag:s26] =	ssyncset.done $0x0  }
0x141: {  	[sflag:s26] =	ssyncadd.s32 $0xFFFFFF80  }
0x142: {  	[spmem:s1] =	stream.indirect.scatter.add.f32 [tilespmem:s31], [sflag:$0x1], $0x1, s30, s28, $0xb8;
	[tilespmem:$0x15008] =	vst v63  }
0x143: {  	_ =	swait.ge [sflag:s26], $0x80  }
0x144: {  	[sflag:s26] =	ssyncset.done $0x0  }
0x145: {  	[sflag:s26] =	ssyncadd.s32 $0xFFFFFF80  }
0x146: {  	[spmem:s1] =	stream.indirect.scatter.add.f32 [tilespmem:s22], [sflag:$0x1], $0x1, s0, s28, $0xb8;
	[tilespmem:$0x15008] =	vst v63  }
0x147: {  	_ =	swait.ge [sflag:s26], $0x80  }
0x148: {  	[sflag:s26] =	ssyncset.done $0x0  }
0x149: {  	[sflag:s26] =	ssyncadd.s32 $0xFFFFFF80  }
0x14a: {  	_ =	swait.ge [sflag:s26], $0x80  }
0x14b: {  	[sflag:s26] =	ssyncset.done $0x0  }
0x14c: {  	[sflag:s26] =	ssyncadd.s32 $0xFFFFFF80  }
0x14d: {  	_ =	swait.ge [sflag:s26], $0x80  }
0x14e: {  	[sflag:s26] =	ssyncset.done $0x0  }
0x14f: {  	[sflag:s26] =	ssyncadd.s32 $0xFFFFFF80  }
0x150: {  	_ =	swait.ge [sflag:s26], $0x80  }
0x151: {  	[sflag:s26] =	ssyncset.done $0x0  }
0x152: {  	[sflag:s26] =	ssyncadd.s32 $0xFFFFFF80  }
0x153: {  	_ =	swait.ge [sflag:s26], $0x80  }
0x154: {  	[sflag:s26] =	ssyncset.done $0x0  }
0x155: {  	[sflag:s26] =	ssyncadd.s32 $0xFFFFFF80  }
0x156: {  	_ =	swait.ge [sflag:s26], $0x80  }
0x157: {  	[sflag:s26] =	ssyncset.done $0x0  }
0x158: {  	[sflag:s26] =	ssyncadd.s32 $0xFFFFFF80  }
0x159: {  	_ =	swait.ge [sflag:s26], $0x80  }
0x15a: {  	[sflag:s26] =	ssyncset.done $0x0  }
0x15b: {  	[sflag:s26] =	ssyncadd.s32 $0xFFFFFF80  }
0x15c: {  	_ =	swait.ge [sflag:s26], $0x80  }
.Ltmp12:
0x15d: {  	[sflag:s26] =	ssyncset.done $0x0;
	(pc) =	sbr.rel .LBB2_14-.Ltmp12, $4  }
0x15e: {  	[sflag:s26] =	ssyncadd.s32 $0xFFFFFF80  }
0x15f: {  	_ =	swait.ge [sflag:s26], $0x80  }
0x160: {  	[sflag:s26] =	ssyncset.done $0x0  }
0x161: {  	[sflag:s26] =	ssyncadd.s32 $0xFFFFFF80  }
.LBB2_15:
0x162: {  	s4 =	rddreg [dreg:$0x14]  }
0x163: {  	s5 =	rddreg [dreg:$0x19]  }
0x164: {  	s7 =	rddreg [dreg:$0x1a]  }
0x165: {  	[hbm:s4], [sflag:s5] =	dma.local [spmem:s7], $0x2000  }
0x166: {  	s7 =	simm.s32 $0x2  }
0x167: {  	_ =	swait.ge [sflag:s7], $0x2000  }
0x168: {  	[sflag:s7] =	ssyncset.done $0x0  }
0x169: {  	[sflag:s7] =	ssyncadd.s32 $0xFFFFE000  }
0x16a: {  	[bflag:$0x0] =	sbarrier.arrive $0xFFFF  }
0x16b: {  	s5 =	simm.s32 $0x3000;
	s23 =	rddreg [dreg:$0xb]  }
0x16c: {  	[spmem:s23] =	stream.linear.scatter [tilespmem:s5], [sflag:$0x1], $0x2000, $0x38;
	[tilespmem:$0x15008] =	vst v63  }
0x16d: {  	s24 =	rddreg [dreg:$0xc]  }
0x16e: {  	[spmem:s24] =	stream.linear.scatter [tilespmem:s5], [sflag:$0x1], $0x2000, $0x38;
	[tilespmem:$0x15008] =	vst v63  }
0x16f: {  	s7 =	rddreg [dreg:$0xd]  }
0x170: {  	[spmem:s7] =	stream.linear.scatter [tilespmem:s5], [sflag:$0x1], $0x2000, $0x38;
	[tilespmem:$0x15008] =	vst v63  }
0x171: {  	s23 =	rddreg [dreg:$0xe]  }
0x172: {  	[spmem:s23] =	stream.linear.scatter [tilespmem:s5], [sflag:$0x1], $0x2000, $0x38;
	[tilespmem:$0x15008] =	vst v63  }
0x173: {  	s24 =	rddreg [dreg:$0xf]  }
0x174: {  	[spmem:s24] =	stream.linear.scatter [tilespmem:s5], [sflag:$0x1], $0x2000, $0x38;
	[tilespmem:$0x15008] =	vst v63  }
0x175: {  	s7 =	rddreg [dreg:$0x10]  }
0x176: {  	[spmem:s7] =	stream.linear.scatter [tilespmem:s5], [sflag:$0x1], $0x2000, $0x38;
	[tilespmem:$0x15008] =	vst v63  }
0x177: {  	s23 =	rddreg [dreg:$0x11]  }
0x178: {  	[spmem:s23] =	stream.linear.scatter [tilespmem:s5], [sflag:$0x1], $0x2000, $0x38;
	[tilespmem:$0x15008] =	vst v63  }
0x179: {  	s24 =	rddreg [dreg:$0x12]  }
0x17a: {  	[spmem:s24] =	stream.linear.scatter [tilespmem:s5], [sflag:$0x1], $0x2000, $0x38;
	[tilespmem:$0x15008] =	vst v63  }
0x17b: {  	_ =	swait.ge [sflag:s26], $0x2000  }
0x17c: {  	[sflag:s26] =	ssyncset.done $0x0  }
0x17d: {  	[sflag:s26] =	ssyncadd.s32 $0xFFFFE000  }
0x17e: {  	_ =	swait.ge [sflag:s26], $0x2000  }
0x17f: {  	[sflag:s26] =	ssyncset.done $0x0  }
0x180: {  	[sflag:s26] =	ssyncadd.s32 $0xFFFFE000  }
0x181: {  	_ =	swait.ge [sflag:s26], $0x2000  }
0x182: {  	[sflag:s26] =	ssyncset.done $0x0  }
0x183: {  	[sflag:s26] =	ssyncadd.s32 $0xFFFFE000  }
0x184: {  	_ =	swait.ge [sflag:s26], $0x2000  }
0x185: {  	[sflag:s26] =	ssyncset.done $0x0  }
0x186: {  	[sflag:s26] =	ssyncadd.s32 $0xFFFFE000  }
0x187: {  	_ =	swait.ge [sflag:s26], $0x2000  }
0x188: {  	[sflag:s26] =	ssyncset.done $0x0  }
0x189: {  	[sflag:s26] =	ssyncadd.s32 $0xFFFFE000  }
0x18a: {  	_ =	swait.ge [sflag:s26], $0x2000  }
0x18b: {  	[sflag:s26] =	ssyncset.done $0x0  }
0x18c: {  	[sflag:s26] =	ssyncadd.s32 $0xFFFFE000  }
0x18d: {  	_ =	swait.ge [sflag:s26], $0x2000  }
0x18e: {  	[sflag:s26] =	ssyncset.done $0x0  }
0x18f: {  	[sflag:s26] =	ssyncadd.s32 $0xFFFFE000  }
0x190: {  	_ =	swait.ge [sflag:s26], $0x2000  }
0x191: {  	[sflag:s26] =	ssyncset.done $0x0  }
0x192: {  	s23 =	simm.s32 $0x0;
	[sflag:s26] =	ssyncadd.s32 $0xFFFFE000  }
0x193: {  	v5 =	vld [tilespmem:s23+$0x0]  }
0x194: {  	v4 =	vld [tilespmem:s23+$0x1800]  }
0x195: {  	v6 =	vld [tilespmem:s23+$0x800];
	_ =	sdelay $0x1  }
0x196: {  	s24 =	simm.s32 $0x40  }
.LBB2_16:
0x197: {  	s4 =	sshra.s32 s24, $0x2;
	p0 =	sne.s32 s24, $0x1FC0;
	s24 =	sadd.s32 $0x40, s24;
	v7 =	vshll.u32 v5, $0xB  }
.Ltmp13:
0x198: {  	v8 =	vshrl.u32 v5, $0x9;
	v5 =	vld [tilespmem:s4+$0x0];
	v7 =	vand.u32 $0xFF800, v7;
	v9 =	vmov v4;
	(pc) =	sbr.rel @p0 .LBB2_16-.Ltmp13, $4  }
0x199: {  	vm0 =	veq.s32 v8, v1;
	v4 =	vld [tilespmem:s4+$0x1800];
	v7 =	vadd.s32 v6, v7  }
0x19a: {  	v8 =	vnsel vm0, $0x0, v9;
	v6 =	vld [tilespmem:s4+$0x800];
	v7 =	vsel vm0, v7, v0  }
0x19b: {  	[tilespmem:s23+$0x2000] =	vst v7  }
0x19c: {  	[tilespmem:s23+$0x2800] =	vst v8;
	s23 =	smov.u32 s4  }
0x19d: {  	v7 =	vshll.u32 v5, $0xB;
	v5 =	vshrl.u32 v5, $0x9  }
0x19e: {  	v7 =	vand.u32 $0xFF800, v7;
	vm0 =	veq.s32 v5, v1  }
.Ltmp14:
0x19f: {  	v5 =	vadd.s32 v6, v7;
	v4 =	vnsel vm0, $0x0, v4;
	(pc) =	sbr.rel .LBB2_18-.Ltmp14, $4  }
0x1a0: {  	v5 =	vsel vm0, v5, v0;
	[tilespmem:s23+$0x2800] =	vst v4  }
0x1a1: {  	[tilespmem:s23+$0x2000] =	vst v5  }
0x1a2: {  	[bflag:$0x0] =	sbarrier.arrive $0xFFFF  }
0x1a3: {  	s4 =	simm.s32 $0x2000;
	s23 =	simm.s32 $0x0  }
.LBB2_20:
0x1a4: {  	s23 =	sadd.s32 $0x1, s23  }
0x1a5: {  	p0 =	sne.s32 s23, $0x10  }
.Ltmp15:
0x1a6: {  	_ = 	snop;
	(pc) =	sbr.rel @!p0 .LBB2_21-.Ltmp15, $2  }
0x1a7: {  	_ =	sdelay $0x1  }
0x1a8: {  	[bflag:$0x0] =	sbarrier.arrive $0xFFFF;
	_ =	sdelay $0x1  }
.LBB2_18:
0x1a9: {  	p0 =	sne.s32 s3, s23  }
.Ltmp16:
0x1aa: {  	_ = 	snop;
	(pc) =	sbr.rel @p0 .LBB2_20-.Ltmp16, $1  }
0x1ab: {  	_ =	sdelay $0x3  }
0x1ac: {  	s24 =	simm.s32 $0x2800  }
0x1ad: {  	[spmem:s1] =	stream.indirect.scatter.add.f32 [tilespmem:s24], [sflag:$0x1], $0x1, s4, s28, $0xb8;
	[tilespmem:$0x15008] =	vst v63  }
0x1ae: {  	s7 =	simm.s32 $0x2080;
	s5 =	simm.s32 $0x2880  }
0x1af: {  	[spmem:s1] =	stream.indirect.scatter.add.f32 [tilespmem:s5], [sflag:$0x1], $0x1, s7, s28, $0xb8;
	[tilespmem:$0x15008] =	vst v63  }
0x1b0: {  	s7 =	simm.s32 $0x2900  }
0x1b1: {  	[spmem:s1] =	stream.indirect.scatter.add.f32 [tilespmem:s7], [sflag:$0x1], $0x1, s6, s28, $0xb8;
	[tilespmem:$0x15008] =	vst v63  }
0x1b2: {  	s24 =	simm.s32 $0x2180;
	s7 =	simm.s32 $0x2980  }
0x1b3: {  	[spmem:s1] =	stream.indirect.scatter.add.f32 [tilespmem:s7], [sflag:$0x1], $0x1, s24, s28, $0xb8;
	[tilespmem:$0x15008] =	vst v63  }
0x1b4: {  	s7 =	simm.s32 $0x2200;
	s24 =	simm.s32 $0x2A00  }
0x1b5: {  	[spmem:s1] =	stream.indirect.scatter.add.f32 [tilespmem:s24], [sflag:$0x1], $0x1, s7, s28, $0xb8;
	[tilespmem:$0x15008] =	vst v63  }
0x1b6: {  	s24 =	simm.s32 $0x2280  }
0x1b7: {  	[spmem:s1] =	stream.indirect.scatter.add.f32 [tilespmem:s16], [sflag:$0x1], $0x1, s24, s28, $0xb8;
	[tilespmem:$0x15008] =	vst v63  }
0x1b8: {  	_ = 	snop  }
0x1b9: {  	[spmem:s1] =	stream.indirect.scatter.add.f32 [tilespmem:s18], [sflag:$0x1], $0x1, s17, s28, $0xb8;
	[tilespmem:$0x15008] =	vst v63  }
0x1ba: {  	_ = 	snop  }
0x1bb: {  	[spmem:s1] =	stream.indirect.scatter.add.f32 [tilespmem:s20], [sflag:$0x1], $0x1, s19, s28, $0xb8;
	[tilespmem:$0x15008] =	vst v63  }
0x1bc: {  	_ = 	snop  }
0x1bd: {  	[spmem:s1] =	stream.indirect.scatter.add.f32 [tilespmem:s9], [sflag:$0x1], $0x1, s2, s28, $0xb8;
	[tilespmem:$0x15008] =	vst v63  }
0x1be: {  	_ =	swait.ge [sflag:s26], $0x80  }
0x1bf: {  	[sflag:s26] =	ssyncset.done $0x0  }
0x1c0: {  	[sflag:s26] =	ssyncadd.s32 $0xFFFFFF80  }
0x1c1: {  	[spmem:s1] =	stream.indirect.scatter.add.f32 [tilespmem:s11], [sflag:$0x1], $0x1, s10, s28, $0xb8;
	[tilespmem:$0x15008] =	vst v63  }
0x1c2: {  	_ =	swait.ge [sflag:s26], $0x80  }
0x1c3: {  	[sflag:s26] =	ssyncset.done $0x0  }
0x1c4: {  	[sflag:s26] =	ssyncadd.s32 $0xFFFFFF80  }
0x1c5: {  	[spmem:s1] =	stream.indirect.scatter.add.f32 [tilespmem:s13], [sflag:$0x1], $0x1, s12, s28, $0xb8;
	[tilespmem:$0x15008] =	vst v63  }
0x1c6: {  	_ =	swait.ge [sflag:s26], $0x80  }
0x1c7: {  	[sflag:s26] =	ssyncset.done $0x0  }
0x1c8: {  	[sflag:s26] =	ssyncadd.s32 $0xFFFFFF80  }
0x1c9: {  	[spmem:s1] =	stream.indirect.scatter.add.f32 [tilespmem:s15], [sflag:$0x1], $0x1, s14, s28, $0xb8;
	[tilespmem:$0x15008] =	vst v63  }
0x1ca: {  	_ =	swait.ge [sflag:s26], $0x80  }
0x1cb: {  	[sflag:s26] =	ssyncset.done $0x0  }
0x1cc: {  	[sflag:s26] =	ssyncadd.s32 $0xFFFFFF80  }
0x1cd: {  	[spmem:s1] =	stream.indirect.scatter.add.f32 [tilespmem:s21], [sflag:$0x1], $0x1, s8, s28, $0xb8;
	[tilespmem:$0x15008] =	vst v63  }
0x1ce: {  	_ =	swait.ge [sflag:s26], $0x80  }
0x1cf: {  	[sflag:s26] =	ssyncset.done $0x0  }
0x1d0: {  	[sflag:s26] =	ssyncadd.s32 $0xFFFFFF80  }
0x1d1: {  	[spmem:s1] =	stream.indirect.scatter.add.f32 [tilespmem:s29], [sflag:$0x1], $0x1, s25, s28, $0xb8;
	[tilespmem:$0x15008] =	vst v63  }
0x1d2: {  	_ =	swait.ge [sflag:s26], $0x80  }
0x1d3: {  	[sflag:s26] =	ssyncset.done $0x0  }
0x1d4: {  	[sflag:s26] =	ssyncadd.s32 $0xFFFFFF80  }
0x1d5: {  	[spmem:s1] =	stream.indirect.scatter.add.f32 [tilespmem:s31], [sflag:$0x1], $0x1, s30, s28, $0xb8;
	[tilespmem:$0x15008] =	vst v63  }
0x1d6: {  	_ =	swait.ge [sflag:s26], $0x80  }
0x1d7: {  	[sflag:s26] =	ssyncset.done $0x0  }
0x1d8: {  	[sflag:s26] =	ssyncadd.s32 $0xFFFFFF80  }
0x1d9: {  	[spmem:s1] =	stream.indirect.scatter.add.f32 [tilespmem:s22], [sflag:$0x1], $0x1, s0, s28, $0xb8;
	[tilespmem:$0x15008] =	vst v63  }
0x1da: {  	_ =	swait.ge [sflag:s26], $0x80  }
0x1db: {  	[sflag:s26] =	ssyncset.done $0x0  }
0x1dc: {  	[sflag:s26] =	ssyncadd.s32 $0xFFFFFF80  }
0x1dd: {  	_ =	swait.ge [sflag:s26], $0x80  }
0x1de: {  	[sflag:s26] =	ssyncset.done $0x0  }
0x1df: {  	[sflag:s26] =	ssyncadd.s32 $0xFFFFFF80  }
0x1e0: {  	_ =	swait.ge [sflag:s26], $0x80  }
0x1e1: {  	[sflag:s26] =	ssyncset.done $0x0  }
0x1e2: {  	[sflag:s26] =	ssyncadd.s32 $0xFFFFFF80  }
0x1e3: {  	_ =	swait.ge [sflag:s26], $0x80  }
0x1e4: {  	[sflag:s26] =	ssyncset.done $0x0  }
0x1e5: {  	[sflag:s26] =	ssyncadd.s32 $0xFFFFFF80  }
0x1e6: {  	_ =	swait.ge [sflag:s26], $0x80  }
0x1e7: {  	[sflag:s26] =	ssyncset.done $0x0  }
0x1e8: {  	[sflag:s26] =	ssyncadd.s32 $0xFFFFFF80  }
0x1e9: {  	_ =	swait.ge [sflag:s26], $0x80  }
0x1ea: {  	[sflag:s26] =	ssyncset.done $0x0  }
0x1eb: {  	[sflag:s26] =	ssyncadd.s32 $0xFFFFFF80  }
0x1ec: {  	_ =	swait.ge [sflag:s26], $0x80  }
0x1ed: {  	[sflag:s26] =	ssyncset.done $0x0  }
0x1ee: {  	[sflag:s26] =	ssyncadd.s32 $0xFFFFFF80  }
0x1ef: {  	_ =	swait.ge [sflag:s26], $0x80  }
.Ltmp17:
0x1f0: {  	[sflag:s26] =	ssyncset.done $0x0;
	(pc) =	sbr.rel .LBB2_20-.Ltmp17, $4  }
0x1f1: {  	[sflag:s26] =	ssyncadd.s32 $0xFFFFFF80  }
0x1f2: {  	_ =	swait.ge [sflag:s26], $0x80  }
0x1f3: {  	[sflag:s26] =	ssyncset.done $0x0  }
0x1f4: {  	[sflag:s26] =	ssyncadd.s32 $0xFFFFFF80  }
.LBB2_21:
0x1f5: {  	s4 =	rddreg [dreg:$0x15]  }
0x1f6: {  	s5 =	rddreg [dreg:$0x19]  }
0x1f7: {  	s7 =	rddreg [dreg:$0x1a]  }
0x1f8: {  	[hbm:s4], [sflag:s5] =	dma.local [spmem:s7], $0x2000  }
0x1f9: {  	s7 =	simm.s32 $0x2  }
0x1fa: {  	_ =	swait.ge [sflag:s7], $0x2000  }
0x1fb: {  	[sflag:s7] =	ssyncset.done $0x0  }
0x1fc: {  	[sflag:s7] =	ssyncadd.s32 $0xFFFFE000  }
0x1fd: {  	[bflag:$0x0] =	sbarrier.arrive $0xFFFF  }
0x1fe: {  	s5 =	simm.s32 $0x3000;
	s23 =	rddreg [dreg:$0xb]  }
0x1ff: {  	[spmem:s23] =	stream.linear.scatter [tilespmem:s5], [sflag:$0x1], $0x2000, $0x38;
	[tilespmem:$0x15008] =	vst v63  }
0x200: {  	s24 =	rddreg [dreg:$0xc]  }
0x201: {  	[spmem:s24] =	stream.linear.scatter [tilespmem:s5], [sflag:$0x1], $0x2000, $0x38;
	[tilespmem:$0x15008] =	vst v63  }
0x202: {  	s7 =	rddreg [dreg:$0xd]  }
0x203: {  	[spmem:s7] =	stream.linear.scatter [tilespmem:s5], [sflag:$0x1], $0x2000, $0x38;
	[tilespmem:$0x15008] =	vst v63  }
0x204: {  	s23 =	rddreg [dreg:$0xe]  }
0x205: {  	[spmem:s23] =	stream.linear.scatter [tilespmem:s5], [sflag:$0x1], $0x2000, $0x38;
	[tilespmem:$0x15008] =	vst v63  }
0x206: {  	s24 =	rddreg [dreg:$0xf]  }
0x207: {  	[spmem:s24] =	stream.linear.scatter [tilespmem:s5], [sflag:$0x1], $0x2000, $0x38;
	[tilespmem:$0x15008] =	vst v63  }
0x208: {  	s7 =	rddreg [dreg:$0x10]  }
0x209: {  	[spmem:s7] =	stream.linear.scatter [tilespmem:s5], [sflag:$0x1], $0x2000, $0x38;
	[tilespmem:$0x15008] =	vst v63  }
0x20a: {  	s23 =	rddreg [dreg:$0x11]  }
0x20b: {  	[spmem:s23] =	stream.linear.scatter [tilespmem:s5], [sflag:$0x1], $0x2000, $0x38;
	[tilespmem:$0x15008] =	vst v63  }
0x20c: {  	s24 =	rddreg [dreg:$0x12]  }
0x20d: {  	[spmem:s24] =	stream.linear.scatter [tilespmem:s5], [sflag:$0x1], $0x2000, $0x38;
	[tilespmem:$0x15008] =	vst v63  }
0x20e: {  	_ =	swait.ge [sflag:s26], $0x2000  }
0x20f: {  	[sflag:s26] =	ssyncset.done $0x0  }
0x210: {  	[sflag:s26] =	ssyncadd.s32 $0xFFFFE000  }
0x211: {  	_ =	swait.ge [sflag:s26], $0x2000  }
0x212: {  	[sflag:s26] =	ssyncset.done $0x0  }
0x213: {  	[sflag:s26] =	ssyncadd.s32 $0xFFFFE000  }
0x214: {  	_ =	swait.ge [sflag:s26], $0x2000  }
0x215: {  	[sflag:s26] =	ssyncset.done $0x0  }
0x216: {  	[sflag:s26] =	ssyncadd.s32 $0xFFFFE000  }
0x217: {  	_ =	swait.ge [sflag:s26], $0x2000  }
0x218: {  	[sflag:s26] =	ssyncset.done $0x0  }
0x219: {  	[sflag:s26] =	ssyncadd.s32 $0xFFFFE000  }
0x21a: {  	_ =	swait.ge [sflag:s26], $0x2000  }
0x21b: {  	[sflag:s26] =	ssyncset.done $0x0  }
0x21c: {  	[sflag:s26] =	ssyncadd.s32 $0xFFFFE000  }
0x21d: {  	_ =	swait.ge [sflag:s26], $0x2000  }
0x21e: {  	[sflag:s26] =	ssyncset.done $0x0  }
0x21f: {  	[sflag:s26] =	ssyncadd.s32 $0xFFFFE000  }
0x220: {  	_ =	swait.ge [sflag:s26], $0x2000  }
0x221: {  	[sflag:s26] =	ssyncset.done $0x0  }
0x222: {  	[sflag:s26] =	ssyncadd.s32 $0xFFFFE000  }
0x223: {  	_ =	swait.ge [sflag:s26], $0x2000  }
0x224: {  	[sflag:s26] =	ssyncset.done $0x0  }
0x225: {  	s23 =	simm.s32 $0x0;
	[sflag:s26] =	ssyncadd.s32 $0xFFFFE000  }
0x226: {  	v5 =	vld [tilespmem:s23+$0x0]  }
0x227: {  	v4 =	vld [tilespmem:s23+$0x1800]  }
0x228: {  	v6 =	vld [tilespmem:s23+$0x800];
	_ =	sdelay $0x1  }
0x229: {  	s24 =	simm.s32 $0x40  }
.LBB2_22:
0x22a: {  	s4 =	sshra.s32 s24, $0x2;
	p0 =	sne.s32 s24, $0x1FC0;
	s24 =	sadd.s32 $0x40, s24;
	v7 =	vshll.u32 v5, $0xB  }
.Ltmp18:
0x22b: {  	v8 =	vshrl.u32 v5, $0x9;
	v5 =	vld [tilespmem:s4+$0x0];
	v7 =	vand.u32 $0xFF800, v7;
	v9 =	vmov v4;
	(pc) =	sbr.rel @p0 .LBB2_22-.Ltmp18, $4  }
0x22c: {  	vm0 =	veq.s32 v8, v2;
	v4 =	vld [tilespmem:s4+$0x1800];
	v7 =	vadd.s32 v6, v7  }
0x22d: {  	v8 =	vnsel vm0, $0x0, v9;
	v6 =	vld [tilespmem:s4+$0x800];
	v7 =	vsel vm0, v7, v0  }
0x22e: {  	[tilespmem:s23+$0x2000] =	vst v7  }
0x22f: {  	[tilespmem:s23+$0x2800] =	vst v8;
	s23 =	smov.u32 s4  }
0x230: {  	v7 =	vshll.u32 v5, $0xB;
	v5 =	vshrl.u32 v5, $0x9  }
0x231: {  	v7 =	vand.u32 $0xFF800, v7;
	vm0 =	veq.s32 v5, v2  }
.Ltmp19:
0x232: {  	v5 =	vadd.s32 v6, v7;
	v4 =	vnsel vm0, $0x0, v4;
	(pc) =	sbr.rel .LBB2_24-.Ltmp19, $4  }
0x233: {  	v5 =	vsel vm0, v5, v0;
	[tilespmem:s23+$0x2800] =	vst v4  }
0x234: {  	[tilespmem:s23+$0x2000] =	vst v5  }
0x235: {  	[bflag:$0x0] =	sbarrier.arrive $0xFFFF  }
0x236: {  	s24 =	simm.s32 $0x2;
	s4 =	simm.s32 $0x2000;
	s23 =	simm.s32 $0x0  }
.LBB2_26:
0x237: {  	s23 =	sadd.s32 $0x1, s23  }
0x238: {  	p0 =	sne.s32 s23, $0x10  }
.Ltmp20:
0x239: {  	_ = 	snop;
	(pc) =	sbr.rel @!p0 .LBB2_27-.Ltmp20, $2  }
0x23a: {  	_ =	sdelay $0x1  }
0x23b: {  	[bflag:$0x0] =	sbarrier.arrive $0xFFFF;
	_ =	sdelay $0x1  }
.LBB2_24:
0x23c: {  	p0 =	sne.s32 s3, s23  }
.Ltmp21:
0x23d: {  	_ = 	snop;
	(pc) =	sbr.rel @p0 .LBB2_26-.Ltmp21, $1  }
0x23e: {  	_ =	sdelay $0x3  }
0x23f: {  	s5 =	simm.s32 $0x2800  }
0x240: {  	[spmem:s1] =	stream.indirect.scatter.add.f32 [tilespmem:s5], [sflag:$0x1], $0x1, s4, s28, $0xb8;
	[tilespmem:$0x15008] =	vst v63  }
0x241: {  	s7 =	simm.s32 $0x2080;
	s6 =	simm.s32 $0x2880  }
0x242: {  	[spmem:s1] =	stream.indirect.scatter.add.f32 [tilespmem:s6], [sflag:$0x1], $0x1, s7, s28, $0xb8;
	[tilespmem:$0x15008] =	vst v63  }
0x243: {  	s6 =	simm.s32 $0x2100;
	s7 =	simm.s32 $0x2900  }
0x244: {  	[spmem:s1] =	stream.indirect.scatter.add.f32 [tilespmem:s7], [sflag:$0x1], $0x1, s6, s28, $0xb8;
	[tilespmem:$0x15008] =	vst v63  }
0x245: {  	s5 =	simm.s32 $0x2180;
	s7 =	simm.s32 $0x2980  }
0x246: {  	[spmem:s1] =	stream.indirect.scatter.add.f32 [tilespmem:s7], [sflag:$0x1], $0x1, s5, s28, $0xb8;
	[tilespmem:$0x15008] =	vst v63  }
0x247: {  	s5 =	simm.s32 $0x2200;
	s7 =	simm.s32 $0x2A00  }
0x248: {  	[spmem:s1] =	stream.indirect.scatter.add.f32 [tilespmem:s7], [sflag:$0x1], $0x1, s5, s28, $0xb8;
	[tilespmem:$0x15008] =	vst v63  }
0x249: {  	s7 =	simm.s32 $0x2280  }
0x24a: {  	[spmem:s1] =	stream.indirect.scatter.add.f32 [tilespmem:s16], [sflag:$0x1], $0x1, s7, s28, $0xb8;
	[tilespmem:$0x15008] =	vst v63  }
0x24b: {  	_ = 	snop  }
0x24c: {  	[spmem:s1] =	stream.indirect.scatter.add.f32 [tilespmem:s18], [sflag:$0x1], $0x1, s17, s28, $0xb8;
	[tilespmem:$0x15008] =	vst v63  }
0x24d: {  	_ = 	snop  }
0x24e: {  	[spmem:s1] =	stream.indirect.scatter.add.f32 [tilespmem:s20], [sflag:$0x1], $0x1, s19, s28, $0xb8;
	[tilespmem:$0x15008] =	vst v63  }
0x24f: {  	_ = 	snop  }
0x250: {  	[spmem:s1] =	stream.indirect.scatter.add.f32 [tilespmem:s9], [sflag:$0x1], $0x1, s2, s28, $0xb8;
	[tilespmem:$0x15008] =	vst v63  }
0x251: {  	_ =	swait.ge [sflag:s26], $0x80  }
0x252: {  	[sflag:s26] =	ssyncset.done $0x0  }
0x253: {  	[sflag:s26] =	ssyncadd.s32 $0xFFFFFF80  }
0x254: {  	[spmem:s1] =	stream.indirect.scatter.add.f32 [tilespmem:s11], [sflag:$0x1], $0x1, s10, s28, $0xb8;
	[tilespmem:$0x15008] =	vst v63  }
0x255: {  	_ =	swait.ge [sflag:s26], $0x80  }
0x256: {  	[sflag:s26] =	ssyncset.done $0x0  }
0x257: {  	[sflag:s26] =	ssyncadd.s32 $0xFFFFFF80  }
0x258: {  	[spmem:s1] =	stream.indirect.scatter.add.f32 [tilespmem:s13], [sflag:$0x1], $0x1, s12, s28, $0xb8;
	[tilespmem:$0x15008] =	vst v63  }
0x259: {  	_ =	swait.ge [sflag:s26], $0x80  }
0x25a: {  	[sflag:s26] =	ssyncset.done $0x0  }
0x25b: {  	[sflag:s26] =	ssyncadd.s32 $0xFFFFFF80  }
0x25c: {  	[spmem:s1] =	stream.indirect.scatter.add.f32 [tilespmem:s15], [sflag:$0x1], $0x1, s14, s28, $0xb8;
	[tilespmem:$0x15008] =	vst v63  }
0x25d: {  	_ =	swait.ge [sflag:s26], $0x80  }
0x25e: {  	[sflag:s26] =	ssyncset.done $0x0  }
0x25f: {  	[sflag:s26] =	ssyncadd.s32 $0xFFFFFF80  }
0x260: {  	[spmem:s1] =	stream.indirect.scatter.add.f32 [tilespmem:s21], [sflag:$0x1], $0x1, s8, s28, $0xb8;
	[tilespmem:$0x15008] =	vst v63  }
0x261: {  	_ =	swait.ge [sflag:s26], $0x80  }
0x262: {  	[sflag:s26] =	ssyncset.done $0x0  }
0x263: {  	[sflag:s26] =	ssyncadd.s32 $0xFFFFFF80  }
0x264: {  	[spmem:s1] =	stream.indirect.scatter.add.f32 [tilespmem:s29], [sflag:$0x1], $0x1, s25, s28, $0xb8;
	[tilespmem:$0x15008] =	vst v63  }
0x265: {  	_ =	swait.ge [sflag:s26], $0x80  }
0x266: {  	[sflag:s26] =	ssyncset.done $0x0  }
0x267: {  	[sflag:s26] =	ssyncadd.s32 $0xFFFFFF80  }
0x268: {  	[spmem:s1] =	stream.indirect.scatter.add.f32 [tilespmem:s31], [sflag:$0x1], $0x1, s30, s28, $0xb8;
	[tilespmem:$0x15008] =	vst v63  }
0x269: {  	_ =	swait.ge [sflag:s26], $0x80  }
0x26a: {  	[sflag:s26] =	ssyncset.done $0x0  }
0x26b: {  	[sflag:s26] =	ssyncadd.s32 $0xFFFFFF80  }
0x26c: {  	[spmem:s1] =	stream.indirect.scatter.add.f32 [tilespmem:s22], [sflag:$0x1], $0x1, s0, s28, $0xb8;
	[tilespmem:$0x15008] =	vst v63  }
0x26d: {  	_ =	swait.ge [sflag:s26], $0x80  }
0x26e: {  	[sflag:s26] =	ssyncset.done $0x0  }
0x26f: {  	[sflag:s26] =	ssyncadd.s32 $0xFFFFFF80  }
0x270: {  	_ =	swait.ge [sflag:s26], $0x80  }
0x271: {  	[sflag:s26] =	ssyncset.done $0x0  }
0x272: {  	[sflag:s26] =	ssyncadd.s32 $0xFFFFFF80  }
0x273: {  	_ =	swait.ge [sflag:s26], $0x80  }
0x274: {  	[sflag:s26] =	ssyncset.done $0x0  }
0x275: {  	[sflag:s26] =	ssyncadd.s32 $0xFFFFFF80  }
0x276: {  	_ =	swait.ge [sflag:s26], $0x80  }
0x277: {  	[sflag:s26] =	ssyncset.done $0x0  }
0x278: {  	[sflag:s26] =	ssyncadd.s32 $0xFFFFFF80  }
0x279: {  	_ =	swait.ge [sflag:s26], $0x80  }
0x27a: {  	[sflag:s26] =	ssyncset.done $0x0  }
0x27b: {  	[sflag:s26] =	ssyncadd.s32 $0xFFFFFF80  }
0x27c: {  	_ =	swait.ge [sflag:s26], $0x80  }
0x27d: {  	[sflag:s26] =	ssyncset.done $0x0  }
0x27e: {  	[sflag:s26] =	ssyncadd.s32 $0xFFFFFF80  }
0x27f: {  	_ =	swait.ge [sflag:s26], $0x80  }
0x280: {  	[sflag:s26] =	ssyncset.done $0x0  }
0x281: {  	[sflag:s26] =	ssyncadd.s32 $0xFFFFFF80  }
0x282: {  	_ =	swait.ge [sflag:s26], $0x80  }
.Ltmp22:
0x283: {  	[sflag:s26] =	ssyncset.done $0x0;
	(pc) =	sbr.rel .LBB2_26-.Ltmp22, $4  }
0x284: {  	[sflag:s26] =	ssyncadd.s32 $0xFFFFFF80  }
0x285: {  	_ =	swait.ge [sflag:s26], $0x80  }
0x286: {  	[sflag:s26] =	ssyncset.done $0x0  }
0x287: {  	[sflag:s26] =	ssyncadd.s32 $0xFFFFFF80  }
.LBB2_28:
0x288: {  	_ =	sfence.sel $0x180000  }
0x289: {  	[bflag:$0x0] =	sbarrier.arrive $0xFFFF  }
0x28a: {  	_ =	strace $0x90000047  }
0x28b: {  	[bflag:$0x2] =	sbarrier.arrive $0xFFFF  }
0x28c: {  	p0 =	sne.s32 s3, $0x0;
	s0 =	rddreg [dreg:$0x6]  }
0x28d: {  	s0 =	sadd.s32 @!p0 $0x100000, s0  }
0x28e: {  	[sflag:s0] =	ssyncadd.tile.s32 @!p0 $0x1;
	_ =	shalt  }
.Lfunc_end2:
_tile_overlayer_lowered:
.L_overlay_start_2:
0x28f: {  	(tag) =	ssettag $0x2  }
0x290: {  	s0 =	rddreg [dreg:$0x0];
	s2 =	stileid.u32  }
0x291: {  	s1 =	rddreg [dreg:$0x1];
	p0 =	sne.s32 s2, $0x0  }
0x292: {  	s3 =	rddreg [dreg:$0x2];
	[bflag:$0x3] =	sbarrier.arrive $0xFFFF;
	s2 =	simm.s32 @!p0 $0x1C02  }
0x293: {  	[timem:s3], [sflag:s2] =	dma.local @!p0 [hbm:s0], s1  }
0x294: {  	s0 =	simm.s32 @!p0 $0x2  }
0x295: {  	_ =	swait.ge @!p0 [sflag:s0], s1  }
0x296: {  	s1 =	ssub.s32 @!p0 $0x0, s1;
	[sflag:s0] =	ssyncset.done @!p0 $0x0  }
0x297: {  	[sflag:s0] =	ssyncadd.s32 @!p0 s1  }
0x298: {  	[bflag:$0x3] =	sbarrier.arrive $0xFFFF  }
0x299: {  	_ =	shalt  }

</sc_bundles>
